<compile_context>
chip_gen: v7x
topology: tpu7x:2x2x1
jax: 0.10.2.dev20260603
libtpu: 0.0.44.dev20260713+nightly
codegen_flags: <defaults>
</compile_context>

<pallas_src>
import functools

import jax
import jax.numpy as jnp
from jax import lax
from jax.experimental import pallas as pl
from jax.experimental.pallas import tpu as pltpu
from jax.experimental.pallas import tpu_sc as plsc

N = 10000
D = 128
E = 320000
NT = 2
NC, NS = 2, 16
NW = NC * NS
CH = 128
K = 80
E_PAD = NW * K * CH
N_ACC = 10112
RPT = N_ACC // NS

_MESH = dict(core_axis_name="c", subcore_axis_name="s",
             num_cores=NC, num_subcores=NS)



def _sc_deg_body(sidx_hbm, didx_hbm, ones_hbm, zero_hbm, out_hbm,
                 idx_v, ones_v, sem, acc):
    c = lax.axis_index("c")
    s = lax.axis_index("s")
    wid = c * NS + s
    pltpu.sync_copy(ones_hbm, ones_v)

    for phase, idx_hbm in ((0, sidx_hbm), (1, didx_hbm)):
        pltpu.sync_copy(idx_hbm.at[pl.ds(wid * K, K)], idx_v)
        pltpu.sync_copy(zero_hbm.at[pl.ds(s * RPT, RPT)],
                        acc.at[pl.ds(s * RPT, RPT)])
        plsc.subcore_barrier()

        @pl.loop(0, K)
        def _(j):
            pltpu.async_copy(ones_v, acc.at[idx_v.at[j]], sem, add=True)

            @pl.when(j >= 4)
            def _(j=j):
                pltpu.make_async_copy(ones_v, acc.at[idx_v.at[j - 4]],
                                      sem).wait()

        @pl.loop(K - 4, K)
        def _(j):
            pltpu.make_async_copy(ones_v, acc.at[idx_v.at[j]], sem).wait()

        plsc.subcore_barrier()
        pltpu.sync_copy(acc.at[pl.ds(s * RPT, RPT)],
                        out_hbm.at[phase, c, pl.ds(s * RPT, RPT)])
        plsc.subcore_barrier()


@functools.cache
def _deg_call():
    return pl.kernel(
        _sc_deg_body,
        out_type=jax.ShapeDtypeStruct((2, NC, N_ACC, D), jnp.float32),
        mesh=plsc.VectorSubcoreMesh(**_MESH),
        scratch_types=[
            pltpu.VMEM((K, CH), jnp.int32),
            pltpu.VMEM((CH, D), jnp.float32),
            pltpu.SemaphoreType.DMA,
            pltpu.VMEM_SHARED((N_ACC, D), jnp.float32),
        ],
    )


BLK = 8
NBLK = K // BLK


def _sc_gs_body(table_hbm, gidx_hbm, sidx_hbm, zero_hbm, out_hbm,
                gidx_b, sidx_b, rows_a, rows_b, ga, gb, sa, sb, gisem, sisem,
                acc):
    c = lax.axis_index("c")
    s = lax.axis_index("s")
    wid = c * NS + s
    base = wid * K
    pltpu.sync_copy(gidx_hbm.at[pl.ds(base, BLK)], gidx_b.at[0])
    pltpu.sync_copy(sidx_hbm.at[pl.ds(base, BLK)], sidx_b.at[0])
    pltpu.sync_copy(zero_hbm.at[pl.ds(s * RPT, RPT)], acc.at[pl.ds(s * RPT, RPT)])
    plsc.subcore_barrier()

    def start_g(islot, jj, buf, sem):
        pltpu.async_copy(table_hbm.at[gidx_b.at[islot, jj]], buf, sem)

    def wait_g(buf, sem):
        pltpu.make_async_copy(table_hbm.at[gidx_b.at[0, 0]], buf, sem).wait()

    def start_s(islot, jj, buf, sem):
        pltpu.async_copy(buf, acc.at[sidx_b.at[islot, jj]], sem, add=True)

    def wait_s(buf, sem):
        pltpu.make_async_copy(buf, acc.at[sidx_b.at[0, 0]], sem).wait()

    start_g(0, 0, rows_a, ga)
    start_g(0, 1, rows_b, gb)

    @pl.loop(0, NBLK)
    def _(bi):
        islot = bi % 2
        nslot = (bi + 1) % 2
        not_last = bi + 1 < NBLK

        @pl.when(not_last)
        def _():
            pltpu.async_copy(gidx_hbm.at[pl.ds(base + (bi + 1) * BLK, BLK)],
                             gidx_b.at[nslot], gisem)
            pltpu.async_copy(sidx_hbm.at[pl.ds(base + (bi + 1) * BLK, BLK)],
                             sidx_b.at[nslot], sisem)

        for jj in range(BLK):
            buf, gsem, ssem = ((rows_a, ga, sa) if jj % 2 == 0
                               else (rows_b, gb, sb))
            wait_g(buf, gsem)
            start_s(islot, jj, buf, ssem)
            if jj < BLK - 2:
                wait_s(buf, ssem)
                start_g(islot, jj + 2, buf, gsem)
            else:
                @pl.when(not_last)
                def _():
                    if jj == BLK - 2:
                        pltpu.make_async_copy(
                            gidx_hbm.at[pl.ds(base, BLK)], gidx_b.at[nslot],
                            gisem).wait()
                        pltpu.make_async_copy(
                            sidx_hbm.at[pl.ds(base, BLK)], sidx_b.at[nslot],
                            sisem).wait()
                    wait_s(buf, ssem)
                    start_g(nslot, jj - (BLK - 2), buf, gsem)

    wait_s(rows_a, sa)
    wait_s(rows_b, sb)

    plsc.subcore_barrier()
    pltpu.sync_copy(acc.at[pl.ds(s * RPT, RPT)],
                    out_hbm.at[c, pl.ds(s * RPT, RPT)])


@functools.cache
def _gs_call():
    return pl.kernel(
        _sc_gs_body,
        out_type=jax.ShapeDtypeStruct((NC, N_ACC, D), jnp.float32),
        mesh=plsc.VectorSubcoreMesh(**_MESH),
        scratch_types=[
            pltpu.VMEM((2, BLK, CH), jnp.int32),
            pltpu.VMEM((2, BLK, CH), jnp.int32),
            pltpu.VMEM((CH, D), jnp.float32),
            pltpu.VMEM((CH, D), jnp.float32),
            pltpu.SemaphoreType.DMA,
            pltpu.SemaphoreType.DMA,
            pltpu.SemaphoreType.DMA,
            pltpu.SemaphoreType.DMA,
            pltpu.SemaphoreType.DMA,
            pltpu.SemaphoreType.DMA,
            pltpu.VMEM_SHARED((N_ACC, D), jnp.float32),
        ],
    )



R = 2000
_GRID = (N // R,)


def _bs_rows(w):
    return pl.BlockSpec((R, w), lambda i: (i, 0))


def _bs_full(shape):
    nd = len(shape)
    return pl.BlockSpec(shape, lambda i: (0,) * nd)


def _tc_prep_body(feats, ds0, ds1, o_ref):
    od = ds0[...] + ds1[...]
    ns = lax.rsqrt(jnp.maximum(od[:, 0:1], 1.0))
    o_ref[...] = feats[...] * ns


_prep_call = pl.pallas_call(
    _tc_prep_body,
    grid=_GRID,
    in_specs=[_bs_rows(D), _bs_rows(D), _bs_rows(D)],
    out_specs=_bs_rows(D),
    out_shape=jax.ShapeDtypeStruct((N, D), jnp.float32),
)


def _tc_gc_body(agg0, agg1, dd0, dd1, wgc, lwt, lb, h1_ref, wh_ref):
    ind = dd0[...] + dd1[...]
    nd = lax.rsqrt(jnp.maximum(ind[:, 0:1], 1.0))
    x = (agg0[...] + agg1[...]) * nd
    y = jnp.dot(x, wgc[...], preferred_element_type=jnp.float32)
    h1 = jnp.where(y > 0, y, jnp.exp(jnp.minimum(y, 0.0)) - 1.0)
    h1_ref[...] = h1
    lwt_ = lwt[...]
    lb_ = lb[...]
    wh_ref[0] = jnp.dot(h1, lwt_[0], preferred_element_type=jnp.float32) + lb_[0]
    wh_ref[1] = jnp.dot(h1, lwt_[1], preferred_element_type=jnp.float32) + lb_[1]


_gc_call = pl.pallas_call(
    _tc_gc_body,
    grid=_GRID,
    in_specs=[_bs_rows(D), _bs_rows(D), _bs_rows(D), _bs_rows(D),
              _bs_full((D, D)), _bs_full((NT, D, D)), _bs_full((NT, D))],
    out_specs=[_bs_rows(D),
               pl.BlockSpec((NT, R, D), lambda i: (0, i, 0))],
    out_shape=[jax.ShapeDtypeStruct((N, D), jnp.float32),
               jax.ShapeDtypeStruct((NT, N, D), jnp.float32)],
)


def _gru_math(a0, a1, h, wiht, whht, bih, bhh):
    a = a0[...] + a1[...]
    hh = h[...]
    gi = jnp.dot(a, wiht[...], preferred_element_type=jnp.float32) + bih[...]
    gh = jnp.dot(hh, whht[...], preferred_element_type=jnp.float32) + bhh[...]
    r = jax.nn.sigmoid(gi[:, :D] + gh[:, :D])
    z = jax.nn.sigmoid(gi[:, D:2 * D] + gh[:, D:2 * D])
    n = jnp.tanh(gi[:, 2 * D:] + r * gh[:, 2 * D:])
    return (1.0 - z) * n + z * hh


def _tc_gru_mid_body(a0, a1, h, wiht, whht, bih, bhh, lwt, lb, h_ref, wh_ref):
    hn = _gru_math(a0, a1, h, wiht, whht, bih, bhh)
    h_ref[...] = hn
    lwt_ = lwt[...]
    lb_ = lb[...]
    wh_ref[0] = jnp.dot(hn, lwt_[0], preferred_element_type=jnp.float32) + lb_[0]
    wh_ref[1] = jnp.dot(hn, lwt_[1], preferred_element_type=jnp.float32) + lb_[1]


def _tc_gru_last_body(a0, a1, h, wiht, whht, bih, bhh, h_ref):
    h_ref[...] = _gru_math(a0, a1, h, wiht, whht, bih, bhh)


_gru_base_specs = [_bs_rows(D), _bs_rows(D), _bs_rows(D),
                   _bs_full((D, 3 * D)), _bs_full((D, 3 * D)),
                   _bs_full((1, 3 * D)), _bs_full((1, 3 * D))]

_gru_mid_call = pl.pallas_call(
    _tc_gru_mid_body,
    grid=_GRID,
    in_specs=_gru_base_specs + [_bs_full((NT, D, D)), _bs_full((NT, D))],
    out_specs=[_bs_rows(D),
               pl.BlockSpec((NT, R, D), lambda i: (0, i, 0))],
    out_shape=[jax.ShapeDtypeStruct((N, D), jnp.float32),
               jax.ShapeDtypeStruct((NT, N, D), jnp.float32)],
)

_gru_last_call = pl.pallas_call(
    _tc_gru_last_body,
    grid=_GRID,
    in_specs=_gru_base_specs,
    out_specs=_bs_rows(D),
    out_shape=jax.ShapeDtypeStruct((N, D), jnp.float32),
)



def kernel(feats, edge_index, etypes, W_gc, lin_w, lin_b, w_ih, w_hh, b_ih, b_hh):
    src = edge_index[0]
    dst = edge_index[1]
    pad = E_PAD - E
    srcp = jnp.concatenate(
        [src, jnp.zeros((pad,), jnp.int32)]).reshape(NW * K, CH)
    srcp_deg = jnp.concatenate(
        [src, jnp.full((pad,), N, jnp.int32)]).reshape(NW * K, CH)
    dstp = jnp.concatenate(
        [dst, jnp.full((pad,), N, jnp.int32)]).reshape(NW * K, CH)
    ecomb = jnp.concatenate(
        [src + etypes * N, jnp.zeros((pad,), jnp.int32)]).reshape(NW * K, CH)
    ones128 = jnp.ones((CH, D), jnp.float32)
    zbig = jnp.zeros((N_ACC, D), jnp.float32)

    lin_w_t = lin_w.transpose(0, 2, 1)
    w_ih_t = w_ih.T
    w_hh_t = w_hh.T
    bih2 = b_ih.reshape(1, 3 * D)
    bhh2 = b_hh.reshape(1, 3 * D)

    deg = _deg_call()(srcp_deg, dstp, ones128, zbig)
    hs = _prep_call(feats, deg[0, 0], deg[0, 1])
    agg = _gs_call()(hs, srcp, dstp, zbig)
    h1, wh = _gc_call(agg[0], agg[1], deg[1, 0], deg[1, 1],
                      W_gc, lin_w_t, lin_b)
    a1 = _gs_call()(wh.reshape(NT * N, D), ecomb, dstp, zbig)
    h2, wh2 = _gru_mid_call(a1[0], a1[1], h1, w_ih_t, w_hh_t, bih2, bhh2,
                            lin_w_t, lin_b)
    a2 = _gs_call()(wh2.reshape(NT * N, D), ecomb, dstp, zbig)
    h3 = _gru_last_call(a2[0], a2[1], h2, w_ih_t, w_hh_t, bih2, bhh2)
    return (h1, h3)

# --- scband reference (transcript-rebuilt; emitter-appended) ---
"""Pipeline reference for scband-gcn-4260607557860 (READ-ONLY COPY).

The authoritative reference and input builder live on the scoring server;
editing this copy changes nothing except your own understanding.
"""

import jax, jax.numpy as jnp
import numpy as np

N_NODES = 10000
N_EDGES = 320000
D = 128
N_ETYPES = 2
N_STEPS = 2


def setup_inputs(seed: int = 0) -> dict:
    key = jax.random.key(seed)
    ks = jax.random.split(key, 10)
    feats = jax.random.normal(ks[0], (N_NODES, D), dtype=jnp.float32)
    edge_index = jax.random.randint(ks[1], (2, N_EDGES), 0, N_NODES, dtype=jnp.int32)
    etypes = jax.random.randint(ks[2], (N_EDGES,), 0, N_ETYPES, dtype=jnp.int32)
    s = 1.0 / np.sqrt(D)
    W_gc = jax.random.normal(ks[3], (D, D), dtype=jnp.float32) * s
    lin_w = jax.random.normal(ks[4], (N_ETYPES, D, D), dtype=jnp.float32) * s
    lin_b = jnp.zeros((N_ETYPES, D), dtype=jnp.float32)
    w_ih = jax.random.normal(ks[5], (3 * D, D), dtype=jnp.float32) * s
    w_hh = jax.random.normal(ks[6], (3 * D, D), dtype=jnp.float32) * s
    b_ih = jnp.zeros((3 * D,), dtype=jnp.float32)
    b_hh = jnp.zeros((3 * D,), dtype=jnp.float32)
    return {"feats": feats, "edge_index": edge_index, "etypes": etypes,
            "W_gc": W_gc, "lin_w": lin_w, "lin_b": lin_b,
            "w_ih": w_ih, "w_hh": w_hh, "b_ih": b_ih, "b_hh": b_hh}


def reference(feats, edge_index, etypes, W_gc, lin_w, lin_b, w_ih, w_hh, b_ih, b_hh):
    N, Dm = feats.shape
    src = edge_index[0]
    dst = edge_index[1]
    ones = jnp.ones((src.shape[0],), dtype=feats.dtype)
    # GraphConv, norm='both', weight=True, bias=False, activation=elu
    out_deg = jax.ops.segment_sum(ones, src, num_segments=N)
    in_deg = jax.ops.segment_sum(ones, dst, num_segments=N)
    norm_src = jnp.maximum(out_deg, 1.0) ** -0.5
    norm_dst = jnp.maximum(in_deg, 1.0) ** -0.5
    h = feats * norm_src[:, None]
    agg = jax.ops.segment_sum(h[src], dst, num_segments=N)
    h = (agg * norm_dst[:, None]) @ W_gc
    h1 = jax.nn.elu(h)
    # GatedGraphConv(D, D, n_steps=2, n_etypes=2)
    h = h1
    for _ in range(N_STEPS):
        a = jnp.zeros((N, Dm), dtype=h.dtype)
        for t in range(N_ETYPES):
            Wh = h @ lin_w[t].T + lin_b[t]
            msg = jnp.where((etypes == t)[:, None], Wh[src], 0.0)
            a = a + jax.ops.segment_sum(msg, dst, num_segments=N)
        gi = a @ w_ih.T + b_ih
        gh = h @ w_hh.T + b_hh
        i_r, i_z, i_n = jnp.split(gi, 3, axis=-1)
        h_r, h_z, h_n = jnp.split(gh, 3, axis=-1)
        r = jax.nn.sigmoid(i_r + h_r)
        z = jax.nn.sigmoid(i_z + h_z)
        n = jnp.tanh(i_n + r * h_n)
        h = (1.0 - z) * n + z * h
    return (h1, h)

if __name__ == "__main__":
    import jax
    _d = setup_inputs()
    print(jax.jit(kernel)(*tuple(_d.values())))

</pallas_src>

<mosaic_0001>
#map = affine_map<(d0, d1) -> (0, 0)>
#map1 = affine_map<(d0, d1) -> (0, 0, 0)>
module attributes {stable_mosaic.version = 14 : i64} {
  func.func @_sc_gs_body(%arg0: i32, %arg1: i32, %arg2: memref<10000x128xf32, #tpu.memory_space<hbm>>, %arg3: memref<2560x128xi32, #tpu.memory_space<hbm>>, %arg4: memref<2560x128xi32, #tpu.memory_space<hbm>>, %arg5: memref<10112x128xf32, #tpu.memory_space<hbm>>, %arg6: memref<2x10112x128xf32, #tpu.memory_space<hbm>>, %arg7: memref<2x8x128xi32, #tpu.memory_space<vmem>>, %arg8: memref<2x8x128xi32, #tpu.memory_space<vmem>>, %arg9: memref<128x128xf32, #tpu.memory_space<vmem>>, %arg10: memref<128x128xf32, #tpu.memory_space<vmem>>, %arg11: memref<!tpu.dma_semaphore, #tpu.memory_space<semaphore_mem>>, %arg12: memref<!tpu.dma_semaphore, #tpu.memory_space<semaphore_mem>>, %arg13: memref<!tpu.dma_semaphore, #tpu.memory_space<semaphore_mem>>, %arg14: memref<!tpu.dma_semaphore, #tpu.memory_space<semaphore_mem>>, %arg15: memref<!tpu.dma_semaphore, #tpu.memory_space<semaphore_mem>>, %arg16: memref<!tpu.dma_semaphore, #tpu.memory_space<semaphore_mem>>, %arg17: memref<10112x128xf32, #tpu.memory_space<vmem_shared>>) attributes {dimension_semantics = [#tpu.dimension_semantics<core_parallel>, #tpu.dimension_semantics<subcore_parallel>], iteration_bounds = array<i64: 2, 16>, scalar_prefetch = 0 : i64, scratch_operands = 11 : i64, tpu.core_type = #tpu.core_type<sc_vector_subcore>, window_params = [{transform_indices = #map}, {transform_indices = #map}, {transform_indices = #map}, {transform_indices = #map}, {transform_indices = #map1}]} {
    %mul3A = arith.constant 16 : i32
    %mul3A_0 = arith.muli %arg0, %mul3A : i32
    %add3A = arith.addi %mul3A_0, %arg1 : i32
    %mul3A_1 = arith.constant 80 : i32
    %mul3A_2 = arith.muli %add3A, %mul3A_1 : i32
    %run_scoped3A = arith.constant 0 : i32
    "tpu.region"() ({
      %run_scoped3A_47 = tpu.sem_alloc : memref<!tpu.dma_semaphore, #tpu.memory_space<semaphore_mem>>
      %dma_start3A_48 = arith.constant 0 : i32
      %dma_start3A_49 = arith.constant 0 : i32
      %dma_start3A_50 = tpu.memref_slice %arg7[%run_scoped3A, %dma_start3A_48, %dma_start3A_49] : memref<2x8x128xi32, #tpu.memory_space<vmem>> -> memref<1x8x128xi32, #tpu.memory_space<vmem>>
      %dma_start3A_51 = tpu.memref_squeeze %dma_start3A_50 : memref<1x8x128xi32, #tpu.memory_space<vmem>> -> memref<8x128xi32, #tpu.memory_space<vmem>>
      %dma_start3A_52 = arith.constant 0 : i32
      %dma_start3A_53 = tpu.memref_slice %arg3[%mul3A_2, %dma_start3A_52] : memref<2560x128xi32, #tpu.memory_space<hbm>> -> memref<8x128xi32, #tpu.memory_space<hbm>>
      %dma_start3A_54 = arith.constant 0 : i32
      %dma_start3A_55 = arith.constant 0 : i32
      %dma_start3A_56 = tpu.memref_slice %arg7[%run_scoped3A, %dma_start3A_54, %dma_start3A_55] : memref<2x8x128xi32, #tpu.memory_space<vmem>> -> memref<1x8x128xi32, #tpu.memory_space<vmem>>
      %dma_start3A_57 = tpu.memref_squeeze %dma_start3A_56 : memref<1x8x128xi32, #tpu.memory_space<vmem>> -> memref<8x128xi32, #tpu.memory_space<vmem>>
      %dma_start3A_58 = arith.constant 0 : i32
      %dma_start3A_59 = tpu.memref_slice %arg3[%mul3A_2, %dma_start3A_58] : memref<2560x128xi32, #tpu.memory_space<hbm>> -> memref<8x128xi32, #tpu.memory_space<hbm>>
      tpu.enqueue_dma source(%dma_start3A_59 : memref<8x128xi32, #tpu.memory_space<hbm>>) target(%dma_start3A_57 : memref<8x128xi32, #tpu.memory_space<vmem>>) target_semaphore(%run_scoped3A_47 : memref<!tpu.dma_semaphore, #tpu.memory_space<semaphore_mem>>)
      %dma_wait3A_60 = arith.constant 0 : i32
      %dma_wait3A_61 = arith.constant 0 : i32
      %dma_wait3A_62 = tpu.memref_slice %arg7[%run_scoped3A, %dma_wait3A_60, %dma_wait3A_61] : memref<2x8x128xi32, #tpu.memory_space<vmem>> -> memref<1x8x128xi32, #tpu.memory_space<vmem>>
      %dma_wait3A_63 = tpu.memref_squeeze %dma_wait3A_62 : memref<1x8x128xi32, #tpu.memory_space<vmem>> -> memref<8x128xi32, #tpu.memory_space<vmem>>
      %dma_wait3A_64 = arith.constant 0 : i32
      %dma_wait3A_65 = tpu.memref_slice %arg3[%mul3A_2, %dma_wait3A_64] : memref<2560x128xi32, #tpu.memory_space<hbm>> -> memref<8x128xi32, #tpu.memory_space<hbm>>
      %dma_wait3A_66 = arith.constant 0 : i32
      %dma_wait3A_67 = arith.constant 0 : i32
      %dma_wait3A_68 = tpu.memref_slice %arg7[%run_scoped3A, %dma_wait3A_66, %dma_wait3A_67] : memref<2x8x128xi32, #tpu.memory_space<vmem>> -> memref<1x8x128xi32, #tpu.memory_space<vmem>>
      %dma_wait3A_69 = tpu.memref_squeeze %dma_wait3A_68 : memref<1x8x128xi32, #tpu.memory_space<vmem>> -> memref<8x128xi32, #tpu.memory_space<vmem>>
      %dma_wait3A_70 = arith.constant 0 : i32
      %dma_wait3A_71 = tpu.memref_slice %arg3[%mul3A_2, %dma_wait3A_70] : memref<2560x128xi32, #tpu.memory_space<hbm>> -> memref<8x128xi32, #tpu.memory_space<hbm>>
      tpu.wait_dma2 semaphore(%run_scoped3A_47 : memref<!tpu.dma_semaphore, #tpu.memory_space<semaphore_mem>>) src(%dma_wait3A_71 : memref<8x128xi32, #tpu.memory_space<hbm>>) dst(%dma_wait3A_69 : memref<8x128xi32, #tpu.memory_space<vmem>>)
      tpu.yield
    }) : () -> ()
    %run_scoped3A_3 = arith.constant 0 : i32
    "tpu.region"() ({
      %run_scoped3A_47 = tpu.sem_alloc : memref<!tpu.dma_semaphore, #tpu.memory_space<semaphore_mem>>
      %dma_start3A_48 = arith.constant 0 : i32
      %dma_start3A_49 = arith.constant 0 : i32
      %dma_start3A_50 = tpu.memref_slice %arg8[%run_scoped3A_3, %dma_start3A_48, %dma_start3A_49] : memref<2x8x128xi32, #tpu.memory_space<vmem>> -> memref<1x8x128xi32, #tpu.memory_space<vmem>>
      %dma_start3A_51 = tpu.memref_squeeze %dma_start3A_50 : memref<1x8x128xi32, #tpu.memory_space<vmem>> -> memref<8x128xi32, #tpu.memory_space<vmem>>
      %dma_start3A_52 = arith.constant 0 : i32
      %dma_start3A_53 = tpu.memref_slice %arg4[%mul3A_2, %dma_start3A_52] : memref<2560x128xi32, #tpu.memory_space<hbm>> -> memref<8x128xi32, #tpu.memory_space<hbm>>
      %dma_start3A_54 = arith.constant 0 : i32
      %dma_start3A_55 = arith.constant 0 : i32
      %dma_start3A_56 = tpu.memref_slice %arg8[%run_scoped3A_3, %dma_start3A_54, %dma_start3A_55] : memref<2x8x128xi32, #tpu.memory_space<vmem>> -> memref<1x8x128xi32, #tpu.memory_space<vmem>>
      %dma_start3A_57 = tpu.memref_squeeze %dma_start3A_56 : memref<1x8x128xi32, #tpu.memory_space<vmem>> -> memref<8x128xi32, #tpu.memory_space<vmem>>
      %dma_start3A_58 = arith.constant 0 : i32
      %dma_start3A_59 = tpu.memref_slice %arg4[%mul3A_2, %dma_start3A_58] : memref<2560x128xi32, #tpu.memory_space<hbm>> -> memref<8x128xi32, #tpu.memory_space<hbm>>
      tpu.enqueue_dma source(%dma_start3A_59 : memref<8x128xi32, #tpu.memory_space<hbm>>) target(%dma_start3A_57 : memref<8x128xi32, #tpu.memory_space<vmem>>) target_semaphore(%run_scoped3A_47 : memref<!tpu.dma_semaphore, #tpu.memory_space<semaphore_mem>>)
      %dma_wait3A_60 = arith.constant 0 : i32
      %dma_wait3A_61 = arith.constant 0 : i32
      %dma_wait3A_62 = tpu.memref_slice %arg8[%run_scoped3A_3, %dma_wait3A_60, %dma_wait3A_61] : memref<2x8x128xi32, #tpu.memory_space<vmem>> -> memref<1x8x128xi32, #tpu.memory_space<vmem>>
      %dma_wait3A_63 = tpu.memref_squeeze %dma_wait3A_62 : memref<1x8x128xi32, #tpu.memory_space<vmem>> -> memref<8x128xi32, #tpu.memory_space<vmem>>
      %dma_wait3A_64 = arith.constant 0 : i32
      %dma_wait3A_65 = tpu.memref_slice %arg4[%mul3A_2, %dma_wait3A_64] : memref<2560x128xi32, #tpu.memory_space<hbm>> -> memref<8x128xi32, #tpu.memory_space<hbm>>
      %dma_wait3A_66 = arith.constant 0 : i32
      %dma_wait3A_67 = arith.constant 0 : i32
      %dma_wait3A_68 = tpu.memref_slice %arg8[%run_scoped3A_3, %dma_wait3A_66, %dma_wait3A_67] : memref<2x8x128xi32, #tpu.memory_space<vmem>> -> memref<1x8x128xi32, #tpu.memory_space<vmem>>
      %dma_wait3A_69 = tpu.memref_squeeze %dma_wait3A_68 : memref<1x8x128xi32, #tpu.memory_space<vmem>> -> memref<8x128xi32, #tpu.memory_space<vmem>>
      %dma_wait3A_70 = arith.constant 0 : i32
      %dma_wait3A_71 = tpu.memref_slice %arg4[%mul3A_2, %dma_wait3A_70] : memref<2560x128xi32, #tpu.memory_space<hbm>> -> memref<8x128xi32, #tpu.memory_space<hbm>>
      tpu.wait_dma2 semaphore(%run_scoped3A_47 : memref<!tpu.dma_semaphore, #tpu.memory_space<semaphore_mem>>) src(%dma_wait3A_71 : memref<8x128xi32, #tpu.memory_space<hbm>>) dst(%dma_wait3A_69 : memref<8x128xi32, #tpu.memory_space<vmem>>)
      tpu.yield
    }) : () -> ()
    %mul3A_4 = arith.constant 632 : i32
    %mul3A_5 = arith.muli %arg1, %mul3A_4 : i32
    %mul3A_6 = arith.constant 632 : i32
    %mul3A_7 = arith.muli %arg1, %mul3A_6 : i32
    "tpu.region"() ({
      %run_scoped3A_47 = tpu.sem_alloc : memref<!tpu.dma_semaphore, #tpu.memory_space<semaphore_mem>>
      %dma_start3A_48 = arith.constant 0 : i32
      %dma_start3A_49 = tpu.memref_slice %arg17[%mul3A_7, %dma_start3A_48] : memref<10112x128xf32, #tpu.memory_space<vmem_shared>> -> memref<632x128xf32, #tpu.memory_space<vmem_shared>>
      %dma_start3A_50 = arith.constant 0 : i32
      %dma_start3A_51 = tpu.memref_slice %arg5[%mul3A_5, %dma_start3A_50] : memref<10112x128xf32, #tpu.memory_space<hbm>> -> memref<632x128xf32, #tpu.memory_space<hbm>>
      tpu.enqueue_dma source(%dma_start3A_51 : memref<632x128xf32, #tpu.memory_space<hbm>>) target(%dma_start3A_49 : memref<632x128xf32, #tpu.memory_space<vmem_shared>>) target_semaphore(%run_scoped3A_47 : memref<!tpu.dma_semaphore, #tpu.memory_space<semaphore_mem>>)
      %dma_wait3A_52 = arith.constant 0 : i32
      %dma_wait3A_53 = tpu.memref_slice %arg17[%mul3A_7, %dma_wait3A_52] : memref<10112x128xf32, #tpu.memory_space<vmem_shared>> -> memref<632x128xf32, #tpu.memory_space<vmem_shared>>
      %dma_wait3A_54 = arith.constant 0 : i32
      %dma_wait3A_55 = tpu.memref_slice %arg5[%mul3A_5, %dma_wait3A_54] : memref<10112x128xf32, #tpu.memory_space<hbm>> -> memref<632x128xf32, #tpu.memory_space<hbm>>
      tpu.wait_dma2 semaphore(%run_scoped3A_47 : memref<!tpu.dma_semaphore, #tpu.memory_space<semaphore_mem>>) src(%dma_wait3A_55 : memref<632x128xf32, #tpu.memory_space<hbm>>) dst(%dma_wait3A_53 : memref<632x128xf32, #tpu.memory_space<vmem_shared>>)
      tpu.yield
    }) : () -> ()
    %barrier3A = arith.constant 0 : index
    tpu.barrier barrier_id(%barrier3A)
    %dma_start3A = arith.constant 0 : i32
    %dma_start3A_8 = arith.constant 0 : i32
    %dma_start3A_9 = arith.constant 0 : i32
    %dma_start3A_10 = tpu.memref_slice %arg7[%dma_start3A, %dma_start3A_8, %dma_start3A_9] : memref<2x8x128xi32, #tpu.memory_space<vmem>> -> memref<1x1x128xi32, #tpu.memory_space<vmem>>
    %dma_start3A_11 = tpu.memref_squeeze %dma_start3A_10 : memref<1x1x128xi32, #tpu.memory_space<vmem>> -> memref<128xi32, #tpu.memory_space<vmem>>
    %dma_start3A_12 = arith.constant 0 : i32
    %dma_start3A_13 = arith.constant 0 : i32
    %dma_start3A_14 = tpu.memref_slice %arg2[%dma_start3A_12, %dma_start3A_13] : memref<10000x128xf32, #tpu.memory_space<hbm>> -> memref<10000x128xf32, #tpu.memory_space<hbm>>
    tpu.enqueue_indirect_dma source(%dma_start3A_14 : memref<10000x128xf32, #tpu.memory_space<hbm>>) target(%arg9 : memref<128x128xf32, #tpu.memory_space<vmem>>) offsets(%dma_start3A_11 : memref<128xi32, #tpu.memory_space<vmem>>) semaphore(%arg11 : memref<!tpu.dma_semaphore, #tpu.memory_space<semaphore_mem>>)
    %dma_start3A_15 = arith.constant 0 : i32
    %dma_start3A_16 = arith.constant 1 : i32
    %dma_start3A_17 = arith.constant 0 : i32
    %dma_start3A_18 = tpu.memref_slice %arg7[%dma_start3A_15, %dma_start3A_16, %dma_start3A_17] : memref<2x8x128xi32, #tpu.memory_space<vmem>> -> memref<1x1x128xi32, #tpu.memory_space<vmem>>
    %dma_start3A_19 = tpu.memref_squeeze %dma_start3A_18 : memref<1x1x128xi32, #tpu.memory_space<vmem>> -> memref<128xi32, #tpu.memory_space<vmem>>
    %dma_start3A_20 = arith.constant 0 : i32
    %dma_start3A_21 = arith.constant 0 : i32
    %dma_start3A_22 = tpu.memref_slice %arg2[%dma_start3A_20, %dma_start3A_21] : memref<10000x128xf32, #tpu.memory_space<hbm>> -> memref<10000x128xf32, #tpu.memory_space<hbm>>
    tpu.enqueue_indirect_dma source(%dma_start3A_22 : memref<10000x128xf32, #tpu.memory_space<hbm>>) target(%arg10 : memref<128x128xf32, #tpu.memory_space<vmem>>) offsets(%dma_start3A_19 : memref<128xi32, #tpu.memory_space<vmem>>) semaphore(%arg12 : memref<!tpu.dma_semaphore, #tpu.memory_space<semaphore_mem>>)
    %scan3A = arith.constant 0 : i32
    %scan3A_23 = arith.constant 10 : i32
    %scan3A_24 = arith.addi %scan3A, %scan3A_23 : i32
    %scan3A_25 = arith.constant 1 : i32
    scf.for %scan3A_47 = %scan3A to %scan3A_24 step %scan3A_25  : i32 {
      %mul3A_48 = arith.constant 1 : i32
      %mul3A_49 = arith.muli %scan3A_47, %mul3A_48 : i32
      %add3A_50 = arith.constant 0 : i32
      %add3A_51 = arith.addi %add3A_50, %mul3A_49 : i32
      %jit3A = arith.constant 2 : i32
      %eq3A = arith.constant 0 : i32
      %eq3A_52 = arith.cmpi eq, %jit3A, %eq3A : i32
      %jit3A_53 = arith.constant 1 : i32
      %select_n3A = arith.select %eq3A_52, %jit3A_53, %jit3A : i32
      %rem3A = arith.remsi %add3A_51, %select_n3A : i32
      %ne3A = arith.constant 0 : i32
      %ne3A_54 = arith.cmpi ne, %rem3A, %ne3A : i32
      %lt3A = arith.constant 0 : i32
      %lt3A_55 = arith.cmpi slt, %rem3A, %lt3A : i32
      %lt3A_56 = arith.constant 0 : i32
      %lt3A_57 = arith.cmpi slt, %select_n3A, %lt3A_56 : i32
      %ne3A_58 = arith.xori %lt3A_55, %lt3A_57 : i1
      %and3A = arith.andi %ne3A_58, %ne3A_54 : i1
      %add3A_59 = arith.addi %rem3A, %select_n3A : i32
      %select_n3A_60 = arith.select %and3A, %add3A_59, %rem3A : i32
      %add3A_61 = arith.constant 1 : i32
      %add3A_62 = arith.addi %add3A_51, %add3A_61 : i32
      %jit3A_63 = arith.constant 2 : i32
      %eq3A_64 = arith.constant 0 : i32
      %eq3A_65 = arith.cmpi eq, %jit3A_63, %eq3A_64 : i32
      %jit3A_66 = arith.constant 1 : i32
      %select_n3A_67 = arith.select %eq3A_65, %jit3A_66, %jit3A_63 : i32
      %rem3A_68 = arith.remsi %add3A_62, %select_n3A_67 : i32
      %ne3A_69 = arith.constant 0 : i32
      %ne3A_70 = arith.cmpi ne, %rem3A_68, %ne3A_69 : i32
      %lt3A_71 = arith.constant 0 : i32
      %lt3A_72 = arith.cmpi slt, %rem3A_68, %lt3A_71 : i32
      %lt3A_73 = arith.constant 0 : i32
      %lt3A_74 = arith.cmpi slt, %select_n3A_67, %lt3A_73 : i32
      %ne3A_75 = arith.xori %lt3A_72, %lt3A_74 : i1
      %and3A_76 = arith.andi %ne3A_75, %ne3A_70 : i1
      %add3A_77 = arith.addi %rem3A_68, %select_n3A_67 : i32
      %select_n3A_78 = arith.select %and3A_76, %add3A_77, %rem3A_68 : i32
      %add3A_79 = arith.constant 1 : i32
      %add3A_80 = arith.addi %add3A_51, %add3A_79 : i32
      %lt3A_81 = arith.constant 10 : i32
      %lt3A_82 = arith.cmpi slt, %add3A_80, %lt3A_81 : i32
      %convert_element_type3A = arith.extui %lt3A_82 : i1 to i32
      %cond3A = arith.constant 0 : i32
      %cond3A_83 = arith.cmpi ne, %convert_element_type3A, %cond3A : i32
      scf.if %cond3A_83 {
        %add3A_300 = arith.constant 1 : i32
        %add3A_301 = arith.addi %add3A_51, %add3A_300 : i32
        %mul3A_302 = arith.constant 8 : i32
        %mul3A_303 = arith.muli %add3A_301, %mul3A_302 : i32
        %add3A_304 = arith.addi %mul3A_2, %mul3A_303 : i32
        %dma_start3A_305 = arith.constant 0 : i32
        %dma_start3A_306 = arith.constant 0 : i32
        %dma_start3A_307 = tpu.memref_slice %arg7[%select_n3A_78, %dma_start3A_305, %dma_start3A_306] : memref<2x8x128xi32, #tpu.memory_space<vmem>> -> memref<1x8x128xi32, #tpu.memory_space<vmem>>
        %dma_start3A_308 = tpu.memref_squeeze %dma_start3A_307 : memref<1x8x128xi32, #tpu.memory_space<vmem>> -> memref<8x128xi32, #tpu.memory_space<vmem>>
        %dma_start3A_309 = arith.constant 0 : i32
        %dma_start3A_310 = tpu.memref_slice %arg3[%add3A_304, %dma_start3A_309] : memref<2560x128xi32, #tpu.memory_space<hbm>> -> memref<8x128xi32, #tpu.memory_space<hbm>>
        %dma_start3A_311 = arith.constant 0 : i32
        %dma_start3A_312 = arith.constant 0 : i32
        %dma_start3A_313 = tpu.memref_slice %arg7[%select_n3A_78, %dma_start3A_311, %dma_start3A_312] : memref<2x8x128xi32, #tpu.memory_space<vmem>> -> memref<1x8x128xi32, #tpu.memory_space<vmem>>
        %dma_start3A_314 = tpu.memref_squeeze %dma_start3A_313 : memref<1x8x128xi32, #tpu.memory_space<vmem>> -> memref<8x128xi32, #tpu.memory_space<vmem>>
        %dma_start3A_315 = arith.constant 0 : i32
        %dma_start3A_316 = tpu.memref_slice %arg3[%add3A_304, %dma_start3A_315] : memref<2560x128xi32, #tpu.memory_space<hbm>> -> memref<8x128xi32, #tpu.memory_space<hbm>>
        tpu.enqueue_dma source(%dma_start3A_316 : memref<8x128xi32, #tpu.memory_space<hbm>>) target(%dma_start3A_314 : memref<8x128xi32, #tpu.memory_space<vmem>>) target_semaphore(%arg15 : memref<!tpu.dma_semaphore, #tpu.memory_space<semaphore_mem>>)
        %add3A_317 = arith.constant 1 : i32
        %add3A_318 = arith.addi %add3A_51, %add3A_317 : i32
        %mul3A_319 = arith.constant 8 : i32
        %mul3A_320 = arith.muli %add3A_318, %mul3A_319 : i32
        %add3A_321 = arith.addi %mul3A_2, %mul3A_320 : i32
        %dma_start3A_322 = arith.constant 0 : i32
        %dma_start3A_323 = arith.constant 0 : i32
        %dma_start3A_324 = tpu.memref_slice %arg8[%select_n3A_78, %dma_start3A_322, %dma_start3A_323] : memref<2x8x128xi32, #tpu.memory_space<vmem>> -> memref<1x8x128xi32, #tpu.memory_space<vmem>>
        %dma_start3A_325 = tpu.memref_squeeze %dma_start3A_324 : memref<1x8x128xi32, #tpu.memory_space<vmem>> -> memref<8x128xi32, #tpu.memory_space<vmem>>
        %dma_start3A_326 = arith.constant 0 : i32
        %dma_start3A_327 = tpu.memref_slice %arg4[%add3A_321, %dma_start3A_326] : memref<2560x128xi32, #tpu.memory_space<hbm>> -> memref<8x128xi32, #tpu.memory_space<hbm>>
        %dma_start3A_328 = arith.constant 0 : i32
        %dma_start3A_329 = arith.constant 0 : i32
        %dma_start3A_330 = tpu.memref_slice %arg8[%select_n3A_78, %dma_start3A_328, %dma_start3A_329] : memref<2x8x128xi32, #tpu.memory_space<vmem>> -> memref<1x8x128xi32, #tpu.memory_space<vmem>>
        %dma_start3A_331 = tpu.memref_squeeze %dma_start3A_330 : memref<1x8x128xi32, #tpu.memory_space<vmem>> -> memref<8x128xi32, #tpu.memory_space<vmem>>
        %dma_start3A_332 = arith.constant 0 : i32
        %dma_start3A_333 = tpu.memref_slice %arg4[%add3A_321, %dma_start3A_332] : memref<2560x128xi32, #tpu.memory_space<hbm>> -> memref<8x128xi32, #tpu.memory_space<hbm>>
        tpu.enqueue_dma source(%dma_start3A_333 : memref<8x128xi32, #tpu.memory_space<hbm>>) target(%dma_start3A_331 : memref<8x128xi32, #tpu.memory_space<vmem>>) target_semaphore(%arg16 : memref<!tpu.dma_semaphore, #tpu.memory_space<semaphore_mem>>)
      } else {
      }
      %dma_wait3A_84 = arith.constant 0 : i32
      %dma_wait3A_85 = arith.constant 0 : i32
      %dma_wait3A_86 = arith.constant 0 : i32
      %dma_wait3A_87 = tpu.memref_slice %arg7[%dma_wait3A_84, %dma_wait3A_85, %dma_wait3A_86] : memref<2x8x128xi32, #tpu.memory_space<vmem>> -> memref<1x1x128xi32, #tpu.memory_space<vmem>>
      %dma_wait3A_88 = tpu.memref_squeeze %dma_wait3A_87 : memref<1x1x128xi32, #tpu.memory_space<vmem>> -> memref<128xi32, #tpu.memory_space<vmem>>
      %dma_wait3A_89 = arith.constant 0 : i32
      %dma_wait3A_90 = arith.constant 0 : i32
      %dma_wait3A_91 = tpu.memref_slice %arg2[%dma_wait3A_89, %dma_wait3A_90] : memref<10000x128xf32, #tpu.memory_space<hbm>> -> memref<10000x128xf32, #tpu.memory_space<hbm>>
      tpu.wait_indirect_dma semaphore(%arg11 : memref<!tpu.dma_semaphore, #tpu.memory_space<semaphore_mem>>) src(%dma_wait3A_91 : memref<10000x128xf32, #tpu.memory_space<hbm>>) dst(%arg9 : memref<128x128xf32, #tpu.memory_space<vmem>>)
      %dma_start3A_92 = arith.constant 0 : i32
      %dma_start3A_93 = arith.constant 0 : i32
      %dma_start3A_94 = tpu.memref_slice %arg8[%select_n3A_60, %dma_start3A_92, %dma_start3A_93] : memref<2x8x128xi32, #tpu.memory_space<vmem>> -> memref<1x1x128xi32, #tpu.memory_space<vmem>>
      %dma_start3A_95 = tpu.memref_squeeze %dma_start3A_94 : memref<1x1x128xi32, #tpu.memory_space<vmem>> -> memref<128xi32, #tpu.memory_space<vmem>>
      %dma_start3A_96 = arith.constant 0 : i32
      %dma_start3A_97 = arith.constant 0 : i32
      %dma_start3A_98 = tpu.memref_slice %arg17[%dma_start3A_96, %dma_start3A_97] : memref<10112x128xf32, #tpu.memory_space<vmem_shared>> -> memref<10112x128xf32, #tpu.memory_space<vmem_shared>>
      tpu.enqueue_indirect_dma source(%arg9 : memref<128x128xf32, #tpu.memory_space<vmem>>) target(%dma_start3A_98 : memref<10112x128xf32, #tpu.memory_space<vmem_shared>>) offsets(%dma_start3A_95 : memref<128xi32, #tpu.memory_space<vmem>>) semaphore(%arg13 : memref<!tpu.dma_semaphore, #tpu.memory_space<semaphore_mem>>) {add = true}
      %dma_wait3A_99 = arith.constant 0 : i32
      %dma_wait3A_100 = arith.constant 0 : i32
      %dma_wait3A_101 = arith.constant 0 : i32
      %dma_wait3A_102 = tpu.memref_slice %arg8[%dma_wait3A_99, %dma_wait3A_100, %dma_wait3A_101] : memref<2x8x128xi32, #tpu.memory_space<vmem>> -> memref<1x1x128xi32, #tpu.memory_space<vmem>>
      %dma_wait3A_103 = tpu.memref_squeeze %dma_wait3A_102 : memref<1x1x128xi32, #tpu.memory_space<vmem>> -> memref<128xi32, #tpu.memory_space<vmem>>
      %dma_wait3A_104 = arith.constant 0 : i32
      %dma_wait3A_105 = arith.constant 0 : i32
      %dma_wait3A_106 = tpu.memref_slice %arg17[%dma_wait3A_104, %dma_wait3A_105] : memref<10112x128xf32, #tpu.memory_space<vmem_shared>> -> memref<10112x128xf32, #tpu.memory_space<vmem_shared>>
      tpu.wait_indirect_dma semaphore(%arg13 : memref<!tpu.dma_semaphore, #tpu.memory_space<semaphore_mem>>) src(%arg9 : memref<128x128xf32, #tpu.memory_space<vmem>>) dst(%dma_wait3A_106 : memref<10112x128xf32, #tpu.memory_space<vmem_shared>>)
      %dma_start3A_107 = arith.constant 2 : i32
      %dma_start3A_108 = arith.constant 0 : i32
      %dma_start3A_109 = tpu.memref_slice %arg7[%select_n3A_60, %dma_start3A_107, %dma_start3A_108] : memref<2x8x128xi32, #tpu.memory_space<vmem>> -> memref<1x1x128xi32, #tpu.memory_space<vmem>>
      %dma_start3A_110 = tpu.memref_squeeze %dma_start3A_109 : memref<1x1x128xi32, #tpu.memory_space<vmem>> -> memref<128xi32, #tpu.memory_space<vmem>>
      %dma_start3A_111 = arith.constant 0 : i32
      %dma_start3A_112 = arith.constant 0 : i32
      %dma_start3A_113 = tpu.memref_slice %arg2[%dma_start3A_111, %dma_start3A_112] : memref<10000x128xf32, #tpu.memory_space<hbm>> -> memref<10000x128xf32, #tpu.memory_space<hbm>>
      tpu.enqueue_indirect_dma source(%dma_start3A_113 : memref<10000x128xf32, #tpu.memory_space<hbm>>) target(%arg9 : memref<128x128xf32, #tpu.memory_space<vmem>>) offsets(%dma_start3A_110 : memref<128xi32, #tpu.memory_space<vmem>>) semaphore(%arg11 : memref<!tpu.dma_semaphore, #tpu.memory_space<semaphore_mem>>)
      %dma_wait3A_114 = arith.constant 0 : i32
      %dma_wait3A_115 = arith.constant 0 : i32
      %dma_wait3A_116 = arith.constant 0 : i32
      %dma_wait3A_117 = tpu.memref_slice %arg7[%dma_wait3A_114, %dma_wait3A_115, %dma_wait3A_116] : memref<2x8x128xi32, #tpu.memory_space<vmem>> -> memref<1x1x128xi32, #tpu.memory_space<vmem>>
      %dma_wait3A_118 = tpu.memref_squeeze %dma_wait3A_117 : memref<1x1x128xi32, #tpu.memory_space<vmem>> -> memref<128xi32, #tpu.memory_space<vmem>>
      %dma_wait3A_119 = arith.constant 0 : i32
      %dma_wait3A_120 = arith.constant 0 : i32
      %dma_wait3A_121 = tpu.memref_slice %arg2[%dma_wait3A_119, %dma_wait3A_120] : memref<10000x128xf32, #tpu.memory_space<hbm>> -> memref<10000x128xf32, #tpu.memory_space<hbm>>
      tpu.wait_indirect_dma semaphore(%arg12 : memref<!tpu.dma_semaphore, #tpu.memory_space<semaphore_mem>>) src(%dma_wait3A_121 : memref<10000x128xf32, #tpu.memory_space<hbm>>) dst(%arg10 : memref<128x128xf32, #tpu.memory_space<vmem>>)
      %dma_start3A_122 = arith.constant 1 : i32
      %dma_start3A_123 = arith.constant 0 : i32
      %dma_start3A_124 = tpu.memref_slice %arg8[%select_n3A_60, %dma_start3A_122, %dma_start3A_123] : memref<2x8x128xi32, #tpu.memory_space<vmem>> -> memref<1x1x128xi32, #tpu.memory_space<vmem>>
      %dma_start3A_125 = tpu.memref_squeeze %dma_start3A_124 : memref<1x1x128xi32, #tpu.memory_space<vmem>> -> memref<128xi32, #tpu.memory_space<vmem>>
      %dma_start3A_126 = arith.constant 0 : i32
      %dma_start3A_127 = arith.constant 0 : i32
      %dma_start3A_128 = tpu.memref_slice %arg17[%dma_start3A_126, %dma_start3A_127] : memref<10112x128xf32, #tpu.memory_space<vmem_shared>> -> memref<10112x128xf32, #tpu.memory_space<vmem_shared>>
      tpu.enqueue_indirect_dma source(%arg10 : memref<128x128xf32, #tpu.memory_space<vmem>>) target(%dma_start3A_128 : memref<10112x128xf32, #tpu.memory_space<vmem_shared>>) offsets(%dma_start3A_125 : memref<128xi32, #tpu.memory_space<vmem>>) semaphore(%arg14 : memref<!tpu.dma_semaphore, #tpu.memory_space<semaphore_mem>>) {add = true}
      %dma_wait3A_129 = arith.constant 0 : i32
      %dma_wait3A_130 = arith.constant 0 : i32
      %dma_wait3A_131 = arith.constant 0 : i32
      %dma_wait3A_132 = tpu.memref_slice %arg8[%dma_wait3A_129, %dma_wait3A_130, %dma_wait3A_131] : memref<2x8x128xi32, #tpu.memory_space<vmem>> -> memref<1x1x128xi32, #tpu.memory_space<vmem>>
      %dma_wait3A_133 = tpu.memref_squeeze %dma_wait3A_132 : memref<1x1x128xi32, #tpu.memory_space<vmem>> -> memref<128xi32, #tpu.memory_space<vmem>>
      %dma_wait3A_134 = arith.constant 0 : i32
      %dma_wait3A_135 = arith.constant 0 : i32
      %dma_wait3A_136 = tpu.memref_slice %arg17[%dma_wait3A_134, %dma_wait3A_135] : memref<10112x128xf32, #tpu.memory_space<vmem_shared>> -> memref<10112x128xf32, #tpu.memory_space<vmem_shared>>
      tpu.wait_indirect_dma semaphore(%arg14 : memref<!tpu.dma_semaphore, #tpu.memory_space<semaphore_mem>>) src(%arg10 : memref<128x128xf32, #tpu.memory_space<vmem>>) dst(%dma_wait3A_136 : memref<10112x128xf32, #tpu.memory_space<vmem_shared>>)
      %dma_start3A_137 = arith.constant 3 : i32
      %dma_start3A_138 = arith.constant 0 : i32
      %dma_start3A_139 = tpu.memref_slice %arg7[%select_n3A_60, %dma_start3A_137, %dma_start3A_138] : memref<2x8x128xi32, #tpu.memory_space<vmem>> -> memref<1x1x128xi32, #tpu.memory_space<vmem>>
      %dma_start3A_140 = tpu.memref_squeeze %dma_start3A_139 : memref<1x1x128xi32, #tpu.memory_space<vmem>> -> memref<128xi32, #tpu.memory_space<vmem>>
      %dma_start3A_141 = arith.constant 0 : i32
      %dma_start3A_142 = arith.constant 0 : i32
      %dma_start3A_143 = tpu.memref_slice %arg2[%dma_start3A_141, %dma_start3A_142] : memref<10000x128xf32, #tpu.memory_space<hbm>> -> memref<10000x128xf32, #tpu.memory_space<hbm>>
      tpu.enqueue_indirect_dma source(%dma_start3A_143 : memref<10000x128xf32, #tpu.memory_space<hbm>>) target(%arg10 : memref<128x128xf32, #tpu.memory_space<vmem>>) offsets(%dma_start3A_140 : memref<128xi32, #tpu.memory_space<vmem>>) semaphore(%arg12 : memref<!tpu.dma_semaphore, #tpu.memory_space<semaphore_mem>>)
      %dma_wait3A_144 = arith.constant 0 : i32
      %dma_wait3A_145 = arith.constant 0 : i32
      %dma_wait3A_146 = arith.constant 0 : i32
      %dma_wait3A_147 = tpu.memref_slice %arg7[%dma_wait3A_144, %dma_wait3A_145, %dma_wait3A_146] : memref<2x8x128xi32, #tpu.memory_space<vmem>> -> memref<1x1x128xi32, #tpu.memory_space<vmem>>
      %dma_wait3A_148 = tpu.memref_squeeze %dma_wait3A_147 : memref<1x1x128xi32, #tpu.memory_space<vmem>> -> memref<128xi32, #tpu.memory_space<vmem>>
      %dma_wait3A_149 = arith.constant 0 : i32
      %dma_wait3A_150 = arith.constant 0 : i32
      %dma_wait3A_151 = tpu.memref_slice %arg2[%dma_wait3A_149, %dma_wait3A_150] : memref<10000x128xf32, #tpu.memory_space<hbm>> -> memref<10000x128xf32, #tpu.memory_space<hbm>>
      tpu.wait_indirect_dma semaphore(%arg11 : memref<!tpu.dma_semaphore, #tpu.memory_space<semaphore_mem>>) src(%dma_wait3A_151 : memref<10000x128xf32, #tpu.memory_space<hbm>>) dst(%arg9 : memref<128x128xf32, #tpu.memory_space<vmem>>)
      %dma_start3A_152 = arith.constant 2 : i32
      %dma_start3A_153 = arith.constant 0 : i32
      %dma_start3A_154 = tpu.memref_slice %arg8[%select_n3A_60, %dma_start3A_152, %dma_start3A_153] : memref<2x8x128xi32, #tpu.memory_space<vmem>> -> memref<1x1x128xi32, #tpu.memory_space<vmem>>
      %dma_start3A_155 = tpu.memref_squeeze %dma_start3A_154 : memref<1x1x128xi32, #tpu.memory_space<vmem>> -> memref<128xi32, #tpu.memory_space<vmem>>
      %dma_start3A_156 = arith.constant 0 : i32
      %dma_start3A_157 = arith.constant 0 : i32
      %dma_start3A_158 = tpu.memref_slice %arg17[%dma_start3A_156, %dma_start3A_157] : memref<10112x128xf32, #tpu.memory_space<vmem_shared>> -> memref<10112x128xf32, #tpu.memory_space<vmem_shared>>
      tpu.enqueue_indirect_dma source(%arg9 : memref<128x128xf32, #tpu.memory_space<vmem>>) target(%dma_start3A_158 : memref<10112x128xf32, #tpu.memory_space<vmem_shared>>) offsets(%dma_start3A_155 : memref<128xi32, #tpu.memory_space<vmem>>) semaphore(%arg13 : memref<!tpu.dma_semaphore, #tpu.memory_space<semaphore_mem>>) {add = true}
      %dma_wait3A_159 = arith.constant 0 : i32
      %dma_wait3A_160 = arith.constant 0 : i32
      %dma_wait3A_161 = arith.constant 0 : i32
      %dma_wait3A_162 = tpu.memref_slice %arg8[%dma_wait3A_159, %dma_wait3A_160, %dma_wait3A_161] : memref<2x8x128xi32, #tpu.memory_space<vmem>> -> memref<1x1x128xi32, #tpu.memory_space<vmem>>
      %dma_wait3A_163 = tpu.memref_squeeze %dma_wait3A_162 : memref<1x1x128xi32, #tpu.memory_space<vmem>> -> memref<128xi32, #tpu.memory_space<vmem>>
      %dma_wait3A_164 = arith.constant 0 : i32
      %dma_wait3A_165 = arith.constant 0 : i32
      %dma_wait3A_166 = tpu.memref_slice %arg17[%dma_wait3A_164, %dma_wait3A_165] : memref<10112x128xf32, #tpu.memory_space<vmem_shared>> -> memref<10112x128xf32, #tpu.memory_space<vmem_shared>>
      tpu.wait_indirect_dma semaphore(%arg13 : memref<!tpu.dma_semaphore, #tpu.memory_space<semaphore_mem>>) src(%arg9 : memref<128x128xf32, #tpu.memory_space<vmem>>) dst(%dma_wait3A_166 : memref<10112x128xf32, #tpu.memory_space<vmem_shared>>)
      %dma_start3A_167 = arith.constant 4 : i32
      %dma_start3A_168 = arith.constant 0 : i32
      %dma_start3A_169 = tpu.memref_slice %arg7[%select_n3A_60, %dma_start3A_167, %dma_start3A_168] : memref<2x8x128xi32, #tpu.memory_space<vmem>> -> memref<1x1x128xi32, #tpu.memory_space<vmem>>
      %dma_start3A_170 = tpu.memref_squeeze %dma_start3A_169 : memref<1x1x128xi32, #tpu.memory_space<vmem>> -> memref<128xi32, #tpu.memory_space<vmem>>
      %dma_start3A_171 = arith.constant 0 : i32
      %dma_start3A_172 = arith.constant 0 : i32
      %dma_start3A_173 = tpu.memref_slice %arg2[%dma_start3A_171, %dma_start3A_172] : memref<10000x128xf32, #tpu.memory_space<hbm>> -> memref<10000x128xf32, #tpu.memory_space<hbm>>
      tpu.enqueue_indirect_dma source(%dma_start3A_173 : memref<10000x128xf32, #tpu.memory_space<hbm>>) target(%arg9 : memref<128x128xf32, #tpu.memory_space<vmem>>) offsets(%dma_start3A_170 : memref<128xi32, #tpu.memory_space<vmem>>) semaphore(%arg11 : memref<!tpu.dma_semaphore, #tpu.memory_space<semaphore_mem>>)
      %dma_wait3A_174 = arith.constant 0 : i32
      %dma_wait3A_175 = arith.constant 0 : i32
      %dma_wait3A_176 = arith.constant 0 : i32
      %dma_wait3A_177 = tpu.memref_slice %arg7[%dma_wait3A_174, %dma_wait3A_175, %dma_wait3A_176] : memref<2x8x128xi32, #tpu.memory_space<vmem>> -> memref<1x1x128xi32, #tpu.memory_space<vmem>>
      %dma_wait3A_178 = tpu.memref_squeeze %dma_wait3A_177 : memref<1x1x128xi32, #tpu.memory_space<vmem>> -> memref<128xi32, #tpu.memory_space<vmem>>
      %dma_wait3A_179 = arith.constant 0 : i32
      %dma_wait3A_180 = arith.constant 0 : i32
      %dma_wait3A_181 = tpu.memref_slice %arg2[%dma_wait3A_179, %dma_wait3A_180] : memref<10000x128xf32, #tpu.memory_space<hbm>> -> memref<10000x128xf32, #tpu.memory_space<hbm>>
      tpu.wait_indirect_dma semaphore(%arg12 : memref<!tpu.dma_semaphore, #tpu.memory_space<semaphore_mem>>) src(%dma_wait3A_181 : memref<10000x128xf32, #tpu.memory_space<hbm>>) dst(%arg10 : memref<128x128xf32, #tpu.memory_space<vmem>>)
      %dma_start3A_182 = arith.constant 3 : i32
      %dma_start3A_183 = arith.constant 0 : i32
      %dma_start3A_184 = tpu.memref_slice %arg8[%select_n3A_60, %dma_start3A_182, %dma_start3A_183] : memref<2x8x128xi32, #tpu.memory_space<vmem>> -> memref<1x1x128xi32, #tpu.memory_space<vmem>>
      %dma_start3A_185 = tpu.memref_squeeze %dma_start3A_184 : memref<1x1x128xi32, #tpu.memory_space<vmem>> -> memref<128xi32, #tpu.memory_space<vmem>>
      %dma_start3A_186 = arith.constant 0 : i32
      %dma_start3A_187 = arith.constant 0 : i32
      %dma_start3A_188 = tpu.memref_slice %arg17[%dma_start3A_186, %dma_start3A_187] : memref<10112x128xf32, #tpu.memory_space<vmem_shared>> -> memref<10112x128xf32, #tpu.memory_space<vmem_shared>>
      tpu.enqueue_indirect_dma source(%arg10 : memref<128x128xf32, #tpu.memory_space<vmem>>) target(%dma_start3A_188 : memref<10112x128xf32, #tpu.memory_space<vmem_shared>>) offsets(%dma_start3A_185 : memref<128xi32, #tpu.memory_space<vmem>>) semaphore(%arg14 : memref<!tpu.dma_semaphore, #tpu.memory_space<semaphore_mem>>) {add = true}
      %dma_wait3A_189 = arith.constant 0 : i32
      %dma_wait3A_190 = arith.constant 0 : i32
      %dma_wait3A_191 = arith.constant 0 : i32
      %dma_wait3A_192 = tpu.memref_slice %arg8[%dma_wait3A_189, %dma_wait3A_190, %dma_wait3A_191] : memref<2x8x128xi32, #tpu.memory_space<vmem>> -> memref<1x1x128xi32, #tpu.memory_space<vmem>>
      %dma_wait3A_193 = tpu.memref_squeeze %dma_wait3A_192 : memref<1x1x128xi32, #tpu.memory_space<vmem>> -> memref<128xi32, #tpu.memory_space<vmem>>
      %dma_wait3A_194 = arith.constant 0 : i32
      %dma_wait3A_195 = arith.constant 0 : i32
      %dma_wait3A_196 = tpu.memref_slice %arg17[%dma_wait3A_194, %dma_wait3A_195] : memref<10112x128xf32, #tpu.memory_space<vmem_shared>> -> memref<10112x128xf32, #tpu.memory_space<vmem_shared>>
      tpu.wait_indirect_dma semaphore(%arg14 : memref<!tpu.dma_semaphore, #tpu.memory_space<semaphore_mem>>) src(%arg10 : memref<128x128xf32, #tpu.memory_space<vmem>>) dst(%dma_wait3A_196 : memref<10112x128xf32, #tpu.memory_space<vmem_shared>>)
      %dma_start3A_197 = arith.constant 5 : i32
      %dma_start3A_198 = arith.constant 0 : i32
      %dma_start3A_199 = tpu.memref_slice %arg7[%select_n3A_60, %dma_start3A_197, %dma_start3A_198] : memref<2x8x128xi32, #tpu.memory_space<vmem>> -> memref<1x1x128xi32, #tpu.memory_space<vmem>>
      %dma_start3A_200 = tpu.memref_squeeze %dma_start3A_199 : memref<1x1x128xi32, #tpu.memory_space<vmem>> -> memref<128xi32, #tpu.memory_space<vmem>>
      %dma_start3A_201 = arith.constant 0 : i32
      %dma_start3A_202 = arith.constant 0 : i32
      %dma_start3A_203 = tpu.memref_slice %arg2[%dma_start3A_201, %dma_start3A_202] : memref<10000x128xf32, #tpu.memory_space<hbm>> -> memref<10000x128xf32, #tpu.memory_space<hbm>>
      tpu.enqueue_indirect_dma source(%dma_start3A_203 : memref<10000x128xf32, #tpu.memory_space<hbm>>) target(%arg10 : memref<128x128xf32, #tpu.memory_space<vmem>>) offsets(%dma_start3A_200 : memref<128xi32, #tpu.memory_space<vmem>>) semaphore(%arg12 : memref<!tpu.dma_semaphore, #tpu.memory_space<semaphore_mem>>)
      %dma_wait3A_204 = arith.constant 0 : i32
      %dma_wait3A_205 = arith.constant 0 : i32
      %dma_wait3A_206 = arith.constant 0 : i32
      %dma_wait3A_207 = tpu.memref_slice %arg7[%dma_wait3A_204, %dma_wait3A_205, %dma_wait3A_206] : memref<2x8x128xi32, #tpu.memory_space<vmem>> -> memref<1x1x128xi32, #tpu.memory_space<vmem>>
      %dma_wait3A_208 = tpu.memref_squeeze %dma_wait3A_207 : memref<1x1x128xi32, #tpu.memory_space<vmem>> -> memref<128xi32, #tpu.memory_space<vmem>>
      %dma_wait3A_209 = arith.constant 0 : i32
      %dma_wait3A_210 = arith.constant 0 : i32
      %dma_wait3A_211 = tpu.memref_slice %arg2[%dma_wait3A_209, %dma_wait3A_210] : memref<10000x128xf32, #tpu.memory_space<hbm>> -> memref<10000x128xf32, #tpu.memory_space<hbm>>
      tpu.wait_indirect_dma semaphore(%arg11 : memref<!tpu.dma_semaphore, #tpu.memory_space<semaphore_mem>>) src(%dma_wait3A_211 : memref<10000x128xf32, #tpu.memory_space<hbm>>) dst(%arg9 : memref<128x128xf32, #tpu.memory_space<vmem>>)
      %dma_start3A_212 = arith.constant 4 : i32
      %dma_start3A_213 = arith.constant 0 : i32
      %dma_start3A_214 = tpu.memref_slice %arg8[%select_n3A_60, %dma_start3A_212, %dma_start3A_213] : memref<2x8x128xi32, #tpu.memory_space<vmem>> -> memref<1x1x128xi32, #tpu.memory_space<vmem>>
      %dma_start3A_215 = tpu.memref_squeeze %dma_start3A_214 : memref<1x1x128xi32, #tpu.memory_space<vmem>> -> memref<128xi32, #tpu.memory_space<vmem>>
      %dma_start3A_216 = arith.constant 0 : i32
      %dma_start3A_217 = arith.constant 0 : i32
      %dma_start3A_218 = tpu.memref_slice %arg17[%dma_start3A_216, %dma_start3A_217] : memref<10112x128xf32, #tpu.memory_space<vmem_shared>> -> memref<10112x128xf32, #tpu.memory_space<vmem_shared>>
      tpu.enqueue_indirect_dma source(%arg9 : memref<128x128xf32, #tpu.memory_space<vmem>>) target(%dma_start3A_218 : memref<10112x128xf32, #tpu.memory_space<vmem_shared>>) offsets(%dma_start3A_215 : memref<128xi32, #tpu.memory_space<vmem>>) semaphore(%arg13 : memref<!tpu.dma_semaphore, #tpu.memory_space<semaphore_mem>>) {add = true}
      %dma_wait3A_219 = arith.constant 0 : i32
      %dma_wait3A_220 = arith.constant 0 : i32
      %dma_wait3A_221 = arith.constant 0 : i32
      %dma_wait3A_222 = tpu.memref_slice %arg8[%dma_wait3A_219, %dma_wait3A_220, %dma_wait3A_221] : memref<2x8x128xi32, #tpu.memory_space<vmem>> -> memref<1x1x128xi32, #tpu.memory_space<vmem>>
      %dma_wait3A_223 = tpu.memref_squeeze %dma_wait3A_222 : memref<1x1x128xi32, #tpu.memory_space<vmem>> -> memref<128xi32, #tpu.memory_space<vmem>>
      %dma_wait3A_224 = arith.constant 0 : i32
      %dma_wait3A_225 = arith.constant 0 : i32
      %dma_wait3A_226 = tpu.memref_slice %arg17[%dma_wait3A_224, %dma_wait3A_225] : memref<10112x128xf32, #tpu.memory_space<vmem_shared>> -> memref<10112x128xf32, #tpu.memory_space<vmem_shared>>
      tpu.wait_indirect_dma semaphore(%arg13 : memref<!tpu.dma_semaphore, #tpu.memory_space<semaphore_mem>>) src(%arg9 : memref<128x128xf32, #tpu.memory_space<vmem>>) dst(%dma_wait3A_226 : memref<10112x128xf32, #tpu.memory_space<vmem_shared>>)
      %dma_start3A_227 = arith.constant 6 : i32
      %dma_start3A_228 = arith.constant 0 : i32
      %dma_start3A_229 = tpu.memref_slice %arg7[%select_n3A_60, %dma_start3A_227, %dma_start3A_228] : memref<2x8x128xi32, #tpu.memory_space<vmem>> -> memref<1x1x128xi32, #tpu.memory_space<vmem>>
      %dma_start3A_230 = tpu.memref_squeeze %dma_start3A_229 : memref<1x1x128xi32, #tpu.memory_space<vmem>> -> memref<128xi32, #tpu.memory_space<vmem>>
      %dma_start3A_231 = arith.constant 0 : i32
      %dma_start3A_232 = arith.constant 0 : i32
      %dma_start3A_233 = tpu.memref_slice %arg2[%dma_start3A_231, %dma_start3A_232] : memref<10000x128xf32, #tpu.memory_space<hbm>> -> memref<10000x128xf32, #tpu.memory_space<hbm>>
      tpu.enqueue_indirect_dma source(%dma_start3A_233 : memref<10000x128xf32, #tpu.memory_space<hbm>>) target(%arg9 : memref<128x128xf32, #tpu.memory_space<vmem>>) offsets(%dma_start3A_230 : memref<128xi32, #tpu.memory_space<vmem>>) semaphore(%arg11 : memref<!tpu.dma_semaphore, #tpu.memory_space<semaphore_mem>>)
      %dma_wait3A_234 = arith.constant 0 : i32
      %dma_wait3A_235 = arith.constant 0 : i32
      %dma_wait3A_236 = arith.constant 0 : i32
      %dma_wait3A_237 = tpu.memref_slice %arg7[%dma_wait3A_234, %dma_wait3A_235, %dma_wait3A_236] : memref<2x8x128xi32, #tpu.memory_space<vmem>> -> memref<1x1x128xi32, #tpu.memory_space<vmem>>
      %dma_wait3A_238 = tpu.memref_squeeze %dma_wait3A_237 : memref<1x1x128xi32, #tpu.memory_space<vmem>> -> memref<128xi32, #tpu.memory_space<vmem>>
      %dma_wait3A_239 = arith.constant 0 : i32
      %dma_wait3A_240 = arith.constant 0 : i32
      %dma_wait3A_241 = tpu.memref_slice %arg2[%dma_wait3A_239, %dma_wait3A_240] : memref<10000x128xf32, #tpu.memory_space<hbm>> -> memref<10000x128xf32, #tpu.memory_space<hbm>>
      tpu.wait_indirect_dma semaphore(%arg12 : memref<!tpu.dma_semaphore, #tpu.memory_space<semaphore_mem>>) src(%dma_wait3A_241 : memref<10000x128xf32, #tpu.memory_space<hbm>>) dst(%arg10 : memref<128x128xf32, #tpu.memory_space<vmem>>)
      %dma_start3A_242 = arith.constant 5 : i32
      %dma_start3A_243 = arith.constant 0 : i32
      %dma_start3A_244 = tpu.memref_slice %arg8[%select_n3A_60, %dma_start3A_242, %dma_start3A_243] : memref<2x8x128xi32, #tpu.memory_space<vmem>> -> memref<1x1x128xi32, #tpu.memory_space<vmem>>
      %dma_start3A_245 = tpu.memref_squeeze %dma_start3A_244 : memref<1x1x128xi32, #tpu.memory_space<vmem>> -> memref<128xi32, #tpu.memory_space<vmem>>
      %dma_start3A_246 = arith.constant 0 : i32
      %dma_start3A_247 = arith.constant 0 : i32
      %dma_start3A_248 = tpu.memref_slice %arg17[%dma_start3A_246, %dma_start3A_247] : memref<10112x128xf32, #tpu.memory_space<vmem_shared>> -> memref<10112x128xf32, #tpu.memory_space<vmem_shared>>
      tpu.enqueue_indirect_dma source(%arg10 : memref<128x128xf32, #tpu.memory_space<vmem>>) target(%dma_start3A_248 : memref<10112x128xf32, #tpu.memory_space<vmem_shared>>) offsets(%dma_start3A_245 : memref<128xi32, #tpu.memory_space<vmem>>) semaphore(%arg14 : memref<!tpu.dma_semaphore, #tpu.memory_space<semaphore_mem>>) {add = true}
      %dma_wait3A_249 = arith.constant 0 : i32
      %dma_wait3A_250 = arith.constant 0 : i32
      %dma_wait3A_251 = arith.constant 0 : i32
      %dma_wait3A_252 = tpu.memref_slice %arg8[%dma_wait3A_249, %dma_wait3A_250, %dma_wait3A_251] : memref<2x8x128xi32, #tpu.memory_space<vmem>> -> memref<1x1x128xi32, #tpu.memory_space<vmem>>
      %dma_wait3A_253 = tpu.memref_squeeze %dma_wait3A_252 : memref<1x1x128xi32, #tpu.memory_space<vmem>> -> memref<128xi32, #tpu.memory_space<vmem>>
      %dma_wait3A_254 = arith.constant 0 : i32
      %dma_wait3A_255 = arith.constant 0 : i32
      %dma_wait3A_256 = tpu.memref_slice %arg17[%dma_wait3A_254, %dma_wait3A_255] : memref<10112x128xf32, #tpu.memory_space<vmem_shared>> -> memref<10112x128xf32, #tpu.memory_space<vmem_shared>>
      tpu.wait_indirect_dma semaphore(%arg14 : memref<!tpu.dma_semaphore, #tpu.memory_space<semaphore_mem>>) src(%arg10 : memref<128x128xf32, #tpu.memory_space<vmem>>) dst(%dma_wait3A_256 : memref<10112x128xf32, #tpu.memory_space<vmem_shared>>)
      %dma_start3A_257 = arith.constant 7 : i32
      %dma_start3A_258 = arith.constant 0 : i32
      %dma_start3A_259 = tpu.memref_slice %arg7[%select_n3A_60, %dma_start3A_257, %dma_start3A_258] : memref<2x8x128xi32, #tpu.memory_space<vmem>> -> memref<1x1x128xi32, #tpu.memory_space<vmem>>
      %dma_start3A_260 = tpu.memref_squeeze %dma_start3A_259 : memref<1x1x128xi32, #tpu.memory_space<vmem>> -> memref<128xi32, #tpu.memory_space<vmem>>
      %dma_start3A_261 = arith.constant 0 : i32
      %dma_start3A_262 = arith.constant 0 : i32
      %dma_start3A_263 = tpu.memref_slice %arg2[%dma_start3A_261, %dma_start3A_262] : memref<10000x128xf32, #tpu.memory_space<hbm>> -> memref<10000x128xf32, #tpu.memory_space<hbm>>
      tpu.enqueue_indirect_dma source(%dma_start3A_263 : memref<10000x128xf32, #tpu.memory_space<hbm>>) target(%arg10 : memref<128x128xf32, #tpu.memory_space<vmem>>) offsets(%dma_start3A_260 : memref<128xi32, #tpu.memory_space<vmem>>) semaphore(%arg12 : memref<!tpu.dma_semaphore, #tpu.memory_space<semaphore_mem>>)
      %dma_wait3A_264 = arith.constant 0 : i32
      %dma_wait3A_265 = arith.constant 0 : i32
      %dma_wait3A_266 = arith.constant 0 : i32
      %dma_wait3A_267 = tpu.memref_slice %arg7[%dma_wait3A_264, %dma_wait3A_265, %dma_wait3A_266] : memref<2x8x128xi32, #tpu.memory_space<vmem>> -> memref<1x1x128xi32, #tpu.memory_space<vmem>>
      %dma_wait3A_268 = tpu.memref_squeeze %dma_wait3A_267 : memref<1x1x128xi32, #tpu.memory_space<vmem>> -> memref<128xi32, #tpu.memory_space<vmem>>
      %dma_wait3A_269 = arith.constant 0 : i32
      %dma_wait3A_270 = arith.constant 0 : i32
      %dma_wait3A_271 = tpu.memref_slice %arg2[%dma_wait3A_269, %dma_wait3A_270] : memref<10000x128xf32, #tpu.memory_space<hbm>> -> memref<10000x128xf32, #tpu.memory_space<hbm>>
      tpu.wait_indirect_dma semaphore(%arg11 : memref<!tpu.dma_semaphore, #tpu.memory_space<semaphore_mem>>) src(%dma_wait3A_271 : memref<10000x128xf32, #tpu.memory_space<hbm>>) dst(%arg9 : memref<128x128xf32, #tpu.memory_space<vmem>>)
      %dma_start3A_272 = arith.constant 6 : i32
      %dma_start3A_273 = arith.constant 0 : i32
      %dma_start3A_274 = tpu.memref_slice %arg8[%select_n3A_60, %dma_start3A_272, %dma_start3A_273] : memref<2x8x128xi32, #tpu.memory_space<vmem>> -> memref<1x1x128xi32, #tpu.memory_space<vmem>>
      %dma_start3A_275 = tpu.memref_squeeze %dma_start3A_274 : memref<1x1x128xi32, #tpu.memory_space<vmem>> -> memref<128xi32, #tpu.memory_space<vmem>>
      %dma_start3A_276 = arith.constant 0 : i32
      %dma_start3A_277 = arith.constant 0 : i32
      %dma_start3A_278 = tpu.memref_slice %arg17[%dma_start3A_276, %dma_start3A_277] : memref<10112x128xf32, #tpu.memory_space<vmem_shared>> -> memref<10112x128xf32, #tpu.memory_space<vmem_shared>>
      tpu.enqueue_indirect_dma source(%arg9 : memref<128x128xf32, #tpu.memory_space<vmem>>) target(%dma_start3A_278 : memref<10112x128xf32, #tpu.memory_space<vmem_shared>>) offsets(%dma_start3A_275 : memref<128xi32, #tpu.memory_space<vmem>>) semaphore(%arg13 : memref<!tpu.dma_semaphore, #tpu.memory_space<semaphore_mem>>) {add = true}
      %convert_element_type3A_279 = arith.extui %lt3A_82 : i1 to i32
      %cond3A_280 = arith.constant 0 : i32
      %cond3A_281 = arith.cmpi ne, %convert_element_type3A_279, %cond3A_280 : i32
      scf.if %cond3A_281 {
        %dma_wait3A_300 = arith.constant 0 : i32
        %dma_wait3A_301 = arith.constant 0 : i32
        %dma_wait3A_302 = tpu.memref_slice %arg7[%select_n3A_78, %dma_wait3A_300, %dma_wait3A_301] : memref<2x8x128xi32, #tpu.memory_space<vmem>> -> memref<1x8x128xi32, #tpu.memory_space<vmem>>
        %dma_wait3A_303 = tpu.memref_squeeze %dma_wait3A_302 : memref<1x8x128xi32, #tpu.memory_space<vmem>> -> memref<8x128xi32, #tpu.memory_space<vmem>>
        %dma_wait3A_304 = arith.constant 0 : i32
        %dma_wait3A_305 = tpu.memref_slice %arg3[%mul3A_2, %dma_wait3A_304] : memref<2560x128xi32, #tpu.memory_space<hbm>> -> memref<8x128xi32, #tpu.memory_space<hbm>>
        %dma_wait3A_306 = arith.constant 0 : i32
        %dma_wait3A_307 = arith.constant 0 : i32
        %dma_wait3A_308 = tpu.memref_slice %arg7[%select_n3A_78, %dma_wait3A_306, %dma_wait3A_307] : memref<2x8x128xi32, #tpu.memory_space<vmem>> -> memref<1x8x128xi32, #tpu.memory_space<vmem>>
        %dma_wait3A_309 = tpu.memref_squeeze %dma_wait3A_308 : memref<1x8x128xi32, #tpu.memory_space<vmem>> -> memref<8x128xi32, #tpu.memory_space<vmem>>
        %dma_wait3A_310 = arith.constant 0 : i32
        %dma_wait3A_311 = tpu.memref_slice %arg3[%mul3A_2, %dma_wait3A_310] : memref<2560x128xi32, #tpu.memory_space<hbm>> -> memref<8x128xi32, #tpu.memory_space<hbm>>
        tpu.wait_dma2 semaphore(%arg15 : memref<!tpu.dma_semaphore, #tpu.memory_space<semaphore_mem>>) src(%dma_wait3A_311 : memref<8x128xi32, #tpu.memory_space<hbm>>) dst(%dma_wait3A_309 : memref<8x128xi32, #tpu.memory_space<vmem>>)
        %dma_wait3A_312 = arith.constant 0 : i32
        %dma_wait3A_313 = arith.constant 0 : i32
        %dma_wait3A_314 = tpu.memref_slice %arg8[%select_n3A_78, %dma_wait3A_312, %dma_wait3A_313] : memref<2x8x128xi32, #tpu.memory_space<vmem>> -> memref<1x8x128xi32, #tpu.memory_space<vmem>>
        %dma_wait3A_315 = tpu.memref_squeeze %dma_wait3A_314 : memref<1x8x128xi32, #tpu.memory_space<vmem>> -> memref<8x128xi32, #tpu.memory_space<vmem>>
        %dma_wait3A_316 = arith.constant 0 : i32
        %dma_wait3A_317 = tpu.memref_slice %arg4[%mul3A_2, %dma_wait3A_316] : memref<2560x128xi32, #tpu.memory_space<hbm>> -> memref<8x128xi32, #tpu.memory_space<hbm>>
        %dma_wait3A_318 = arith.constant 0 : i32
        %dma_wait3A_319 = arith.constant 0 : i32
        %dma_wait3A_320 = tpu.memref_slice %arg8[%select_n3A_78, %dma_wait3A_318, %dma_wait3A_319] : memref<2x8x128xi32, #tpu.memory_space<vmem>> -> memref<1x8x128xi32, #tpu.memory_space<vmem>>
        %dma_wait3A_321 = tpu.memref_squeeze %dma_wait3A_320 : memref<1x8x128xi32, #tpu.memory_space<vmem>> -> memref<8x128xi32, #tpu.memory_space<vmem>>
        %dma_wait3A_322 = arith.constant 0 : i32
        %dma_wait3A_323 = tpu.memref_slice %arg4[%mul3A_2, %dma_wait3A_322] : memref<2560x128xi32, #tpu.memory_space<hbm>> -> memref<8x128xi32, #tpu.memory_space<hbm>>
        tpu.wait_dma2 semaphore(%arg16 : memref<!tpu.dma_semaphore, #tpu.memory_space<semaphore_mem>>) src(%dma_wait3A_323 : memref<8x128xi32, #tpu.memory_space<hbm>>) dst(%dma_wait3A_321 : memref<8x128xi32, #tpu.memory_space<vmem>>)
        %dma_wait3A_324 = arith.constant 0 : i32
        %dma_wait3A_325 = arith.constant 0 : i32
        %dma_wait3A_326 = arith.constant 0 : i32
        %dma_wait3A_327 = tpu.memref_slice %arg8[%dma_wait3A_324, %dma_wait3A_325, %dma_wait3A_326] : memref<2x8x128xi32, #tpu.memory_space<vmem>> -> memref<1x1x128xi32, #tpu.memory_space<vmem>>
        %dma_wait3A_328 = tpu.memref_squeeze %dma_wait3A_327 : memref<1x1x128xi32, #tpu.memory_space<vmem>> -> memref<128xi32, #tpu.memory_space<vmem>>
        %dma_wait3A_329 = arith.constant 0 : i32
        %dma_wait3A_330 = arith.constant 0 : i32
        %dma_wait3A_331 = tpu.memref_slice %arg17[%dma_wait3A_329, %dma_wait3A_330] : memref<10112x128xf32, #tpu.memory_space<vmem_shared>> -> memref<10112x128xf32, #tpu.memory_space<vmem_shared>>
        tpu.wait_indirect_dma semaphore(%arg13 : memref<!tpu.dma_semaphore, #tpu.memory_space<semaphore_mem>>) src(%arg9 : memref<128x128xf32, #tpu.memory_space<vmem>>) dst(%dma_wait3A_331 : memref<10112x128xf32, #tpu.memory_space<vmem_shared>>)
        %dma_start3A_332 = arith.constant 0 : i32
        %dma_start3A_333 = arith.constant 0 : i32
        %dma_start3A_334 = tpu.memref_slice %arg7[%select_n3A_78, %dma_start3A_332, %dma_start3A_333] : memref<2x8x128xi32, #tpu.memory_space<vmem>> -> memref<1x1x128xi32, #tpu.memory_space<vmem>>
        %dma_start3A_335 = tpu.memref_squeeze %dma_start3A_334 : memref<1x1x128xi32, #tpu.memory_space<vmem>> -> memref<128xi32, #tpu.memory_space<vmem>>
        %dma_start3A_336 = arith.constant 0 : i32
        %dma_start3A_337 = arith.constant 0 : i32
        %dma_start3A_338 = tpu.memref_slice %arg2[%dma_start3A_336, %dma_start3A_337] : memref<10000x128xf32, #tpu.memory_space<hbm>> -> memref<10000x128xf32, #tpu.memory_space<hbm>>
        tpu.enqueue_indirect_dma source(%dma_start3A_338 : memref<10000x128xf32, #tpu.memory_space<hbm>>) target(%arg9 : memref<128x128xf32, #tpu.memory_space<vmem>>) offsets(%dma_start3A_335 : memref<128xi32, #tpu.memory_space<vmem>>) semaphore(%arg11 : memref<!tpu.dma_semaphore, #tpu.memory_space<semaphore_mem>>)
      } else {
      }
      %dma_wait3A_282 = arith.constant 0 : i32
      %dma_wait3A_283 = arith.constant 0 : i32
      %dma_wait3A_284 = arith.constant 0 : i32
      %dma_wait3A_285 = tpu.memref_slice %arg7[%dma_wait3A_282, %dma_wait3A_283, %dma_wait3A_284] : memref<2x8x128xi32, #tpu.memory_space<vmem>> -> memref<1x1x128xi32, #tpu.memory_space<vmem>>
      %dma_wait3A_286 = tpu.memref_squeeze %dma_wait3A_285 : memref<1x1x128xi32, #tpu.memory_space<vmem>> -> memref<128xi32, #tpu.memory_space<vmem>>
      %dma_wait3A_287 = arith.constant 0 : i32
      %dma_wait3A_288 = arith.constant 0 : i32
      %dma_wait3A_289 = tpu.memref_slice %arg2[%dma_wait3A_287, %dma_wait3A_288] : memref<10000x128xf32, #tpu.memory_space<hbm>> -> memref<10000x128xf32, #tpu.memory_space<hbm>>
      tpu.wait_indirect_dma semaphore(%arg12 : memref<!tpu.dma_semaphore, #tpu.memory_space<semaphore_mem>>) src(%dma_wait3A_289 : memref<10000x128xf32, #tpu.memory_space<hbm>>) dst(%arg10 : memref<128x128xf32, #tpu.memory_space<vmem>>)
      %dma_start3A_290 = arith.constant 7 : i32
      %dma_start3A_291 = arith.constant 0 : i32
      %dma_start3A_292 = tpu.memref_slice %arg8[%select_n3A_60, %dma_start3A_290, %dma_start3A_291] : memref<2x8x128xi32, #tpu.memory_space<vmem>> -> memref<1x1x128xi32, #tpu.memory_space<vmem>>
      %dma_start3A_293 = tpu.memref_squeeze %dma_start3A_292 : memref<1x1x128xi32, #tpu.memory_space<vmem>> -> memref<128xi32, #tpu.memory_space<vmem>>
      %dma_start3A_294 = arith.constant 0 : i32
      %dma_start3A_295 = arith.constant 0 : i32
      %dma_start3A_296 = tpu.memref_slice %arg17[%dma_start3A_294, %dma_start3A_295] : memref<10112x128xf32, #tpu.memory_space<vmem_shared>> -> memref<10112x128xf32, #tpu.memory_space<vmem_shared>>
      tpu.enqueue_indirect_dma source(%arg10 : memref<128x128xf32, #tpu.memory_space<vmem>>) target(%dma_start3A_296 : memref<10112x128xf32, #tpu.memory_space<vmem_shared>>) offsets(%dma_start3A_293 : memref<128xi32, #tpu.memory_space<vmem>>) semaphore(%arg14 : memref<!tpu.dma_semaphore, #tpu.memory_space<semaphore_mem>>) {add = true}
      %convert_element_type3A_297 = arith.extui %lt3A_82 : i1 to i32
      %cond3A_298 = arith.constant 0 : i32
      %cond3A_299 = arith.cmpi ne, %convert_element_type3A_297, %cond3A_298 : i32
      scf.if %cond3A_299 {
        %dma_wait3A_300 = arith.constant 0 : i32
        %dma_wait3A_301 = arith.constant 0 : i32
        %dma_wait3A_302 = arith.constant 0 : i32
        %dma_wait3A_303 = tpu.memref_slice %arg8[%dma_wait3A_300, %dma_wait3A_301, %dma_wait3A_302] : memref<2x8x128xi32, #tpu.memory_space<vmem>> -> memref<1x1x128xi32, #tpu.memory_space<vmem>>
        %dma_wait3A_304 = tpu.memref_squeeze %dma_wait3A_303 : memref<1x1x128xi32, #tpu.memory_space<vmem>> -> memref<128xi32, #tpu.memory_space<vmem>>
        %dma_wait3A_305 = arith.constant 0 : i32
        %dma_wait3A_306 = arith.constant 0 : i32
        %dma_wait3A_307 = tpu.memref_slice %arg17[%dma_wait3A_305, %dma_wait3A_306] : memref<10112x128xf32, #tpu.memory_space<vmem_shared>> -> memref<10112x128xf32, #tpu.memory_space<vmem_shared>>
        tpu.wait_indirect_dma semaphore(%arg14 : memref<!tpu.dma_semaphore, #tpu.memory_space<semaphore_mem>>) src(%arg10 : memref<128x128xf32, #tpu.memory_space<vmem>>) dst(%dma_wait3A_307 : memref<10112x128xf32, #tpu.memory_space<vmem_shared>>)
        %dma_start3A_308 = arith.constant 1 : i32
        %dma_start3A_309 = arith.constant 0 : i32
        %dma_start3A_310 = tpu.memref_slice %arg7[%select_n3A_78, %dma_start3A_308, %dma_start3A_309] : memref<2x8x128xi32, #tpu.memory_space<vmem>> -> memref<1x1x128xi32, #tpu.memory_space<vmem>>
        %dma_start3A_311 = tpu.memref_squeeze %dma_start3A_310 : memref<1x1x128xi32, #tpu.memory_space<vmem>> -> memref<128xi32, #tpu.memory_space<vmem>>
        %dma_start3A_312 = arith.constant 0 : i32
        %dma_start3A_313 = arith.constant 0 : i32
        %dma_start3A_314 = tpu.memref_slice %arg2[%dma_start3A_312, %dma_start3A_313] : memref<10000x128xf32, #tpu.memory_space<hbm>> -> memref<10000x128xf32, #tpu.memory_space<hbm>>
        tpu.enqueue_indirect_dma source(%dma_start3A_314 : memref<10000x128xf32, #tpu.memory_space<hbm>>) target(%arg10 : memref<128x128xf32, #tpu.memory_space<vmem>>) offsets(%dma_start3A_311 : memref<128xi32, #tpu.memory_space<vmem>>) semaphore(%arg12 : memref<!tpu.dma_semaphore, #tpu.memory_space<semaphore_mem>>)
      } else {
      }
    }
    %scan3A_26 = arith.constant 10 : i32
    %dma_wait3A = arith.constant 0 : i32
    %dma_wait3A_27 = arith.constant 0 : i32
    %dma_wait3A_28 = arith.constant 0 : i32
    %dma_wait3A_29 = tpu.memref_slice %arg8[%dma_wait3A, %dma_wait3A_27, %dma_wait3A_28] : memref<2x8x128xi32, #tpu.memory_space<vmem>> -> memref<1x1x128xi32, #tpu.memory_space<vmem>>
    %dma_wait3A_30 = tpu.memref_squeeze %dma_wait3A_29 : memref<1x1x128xi32, #tpu.memory_space<vmem>> -> memref<128xi32, #tpu.memory_space<vmem>>
    %dma_wait3A_31 = arith.constant 0 : i32
    %dma_wait3A_32 = arith.constant 0 : i32
    %dma_wait3A_33 = tpu.memref_slice %arg17[%dma_wait3A_31, %dma_wait3A_32] : memref<10112x128xf32, #tpu.memory_space<vmem_shared>> -> memref<10112x128xf32, #tpu.memory_space<vmem_shared>>
    tpu.wait_indirect_dma semaphore(%arg13 : memref<!tpu.dma_semaphore, #tpu.memory_space<semaphore_mem>>) src(%arg9 : memref<128x128xf32, #tpu.memory_space<vmem>>) dst(%dma_wait3A_33 : memref<10112x128xf32, #tpu.memory_space<vmem_shared>>)
    %dma_wait3A_34 = arith.constant 0 : i32
    %dma_wait3A_35 = arith.constant 0 : i32
    %dma_wait3A_36 = arith.constant 0 : i32
    %dma_wait3A_37 = tpu.memref_slice %arg8[%dma_wait3A_34, %dma_wait3A_35, %dma_wait3A_36] : memref<2x8x128xi32, #tpu.memory_space<vmem>> -> memref<1x1x128xi32, #tpu.memory_space<vmem>>
    %dma_wait3A_38 = tpu.memref_squeeze %dma_wait3A_37 : memref<1x1x128xi32, #tpu.memory_space<vmem>> -> memref<128xi32, #tpu.memory_space<vmem>>
    %dma_wait3A_39 = arith.constant 0 : i32
    %dma_wait3A_40 = arith.constant 0 : i32
    %dma_wait3A_41 = tpu.memref_slice %arg17[%dma_wait3A_39, %dma_wait3A_40] : memref<10112x128xf32, #tpu.memory_space<vmem_shared>> -> memref<10112x128xf32, #tpu.memory_space<vmem_shared>>
    tpu.wait_indirect_dma semaphore(%arg14 : memref<!tpu.dma_semaphore, #tpu.memory_space<semaphore_mem>>) src(%arg10 : memref<128x128xf32, #tpu.memory_space<vmem>>) dst(%dma_wait3A_41 : memref<10112x128xf32, #tpu.memory_space<vmem_shared>>)
    %barrier3A_42 = arith.constant 0 : index
    tpu.barrier barrier_id(%barrier3A_42)
    %mul3A_43 = arith.constant 632 : i32
    %mul3A_44 = arith.muli %arg1, %mul3A_43 : i32
    %mul3A_45 = arith.constant 632 : i32
    %mul3A_46 = arith.muli %arg1, %mul3A_45 : i32
    "tpu.region"() ({
      %run_scoped3A_47 = tpu.sem_alloc : memref<!tpu.dma_semaphore, #tpu.memory_space<semaphore_mem>>
      %dma_start3A_48 = arith.constant 0 : i32
      %dma_start3A_49 = tpu.memref_slice %arg6[%arg0, %mul3A_46, %dma_start3A_48] : memref<2x10112x128xf32, #tpu.memory_space<hbm>> -> memref<1x632x128xf32, #tpu.memory_space<hbm>>
      %dma_start3A_50 = tpu.memref_squeeze %dma_start3A_49 : memref<1x632x128xf32, #tpu.memory_space<hbm>> -> memref<632x128xf32, #tpu.memory_space<hbm>>
      %dma_start3A_51 = arith.constant 0 : i32
      %dma_start3A_52 = tpu.memref_slice %arg17[%mul3A_44, %dma_start3A_51] : memref<10112x128xf32, #tpu.memory_space<vmem_shared>> -> memref<632x128xf32, #tpu.memory_space<vmem_shared>>
      tpu.enqueue_dma source(%dma_start3A_52 : memref<632x128xf32, #tpu.memory_space<vmem_shared>>) target(%dma_start3A_50 : memref<632x128xf32, #tpu.memory_space<hbm>>) target_semaphore(%run_scoped3A_47 : memref<!tpu.dma_semaphore, #tpu.memory_space<semaphore_mem>>)
      %dma_wait3A_53 = arith.constant 0 : i32
      %dma_wait3A_54 = tpu.memref_slice %arg6[%arg0, %mul3A_46, %dma_wait3A_53] : memref<2x10112x128xf32, #tpu.memory_space<hbm>> -> memref<1x632x128xf32, #tpu.memory_space<hbm>>
      %dma_wait3A_55 = tpu.memref_squeeze %dma_wait3A_54 : memref<1x632x128xf32, #tpu.memory_space<hbm>> -> memref<632x128xf32, #tpu.memory_space<hbm>>
      %dma_wait3A_56 = arith.constant 0 : i32
      %dma_wait3A_57 = tpu.memref_slice %arg17[%mul3A_44, %dma_wait3A_56] : memref<10112x128xf32, #tpu.memory_space<vmem_shared>> -> memref<632x128xf32, #tpu.memory_space<vmem_shared>>
      tpu.wait_dma2 semaphore(%run_scoped3A_47 : memref<!tpu.dma_semaphore, #tpu.memory_space<semaphore_mem>>) src(%dma_wait3A_57 : memref<632x128xf32, #tpu.memory_space<vmem_shared>>) dst(%dma_wait3A_55 : memref<632x128xf32, #tpu.memory_space<hbm>>)
      tpu.yield
    }) : () -> ()
    return
  }
}

#map = affine_map<(d0, d1) -> (0, 0)>
#map1 = affine_map<(d0, d1) -> (0, 0, 0, 0)>
module attributes {stable_mosaic.version = 14 : i64} {
  func.func @_sc_deg_body(%arg0: i32, %arg1: i32, %arg2: memref<2560x128xi32, #tpu.memory_space<hbm>>, %arg3: memref<2560x128xi32, #tpu.memory_space<hbm>>, %arg4: memref<128x128xf32, #tpu.memory_space<hbm>>, %arg5: memref<10112x128xf32, #tpu.memory_space<hbm>>, %arg6: memref<2x2x10112x128xf32, #tpu.memory_space<hbm>>, %arg7: memref<80x128xi32, #tpu.memory_space<vmem>>, %arg8: memref<128x128xf32, #tpu.memory_space<vmem>>, %arg9: memref<!tpu.dma_semaphore, #tpu.memory_space<semaphore_mem>>, %arg10: memref<10112x128xf32, #tpu.memory_space<vmem_shared>>) attributes {dimension_semantics = [#tpu.dimension_semantics<core_parallel>, #tpu.dimension_semantics<subcore_parallel>], iteration_bounds = array<i64: 2, 16>, scalar_prefetch = 0 : i64, scratch_operands = 4 : i64, tpu.core_type = #tpu.core_type<sc_vector_subcore>, window_params = [{transform_indices = #map}, {transform_indices = #map}, {transform_indices = #map}, {transform_indices = #map}, {transform_indices = #map1}]} {
    %mul3A = arith.constant 16 : i32
    %mul3A_0 = arith.muli %arg0, %mul3A : i32
    %add3A = arith.addi %mul3A_0, %arg1 : i32
    "tpu.region"() ({
      %run_scoped3A_46 = tpu.sem_alloc : memref<!tpu.dma_semaphore, #tpu.memory_space<semaphore_mem>>
      tpu.enqueue_dma source(%arg4 : memref<128x128xf32, #tpu.memory_space<hbm>>) target(%arg8 : memref<128x128xf32, #tpu.memory_space<vmem>>) target_semaphore(%run_scoped3A_46 : memref<!tpu.dma_semaphore, #tpu.memory_space<semaphore_mem>>)
      tpu.wait_dma2 semaphore(%run_scoped3A_46 : memref<!tpu.dma_semaphore, #tpu.memory_space<semaphore_mem>>) src(%arg4 : memref<128x128xf32, #tpu.memory_space<hbm>>) dst(%arg8 : memref<128x128xf32, #tpu.memory_space<vmem>>)
      tpu.yield
    }) : () -> ()
    %mul3A_1 = arith.constant 80 : i32
    %mul3A_2 = arith.muli %add3A, %mul3A_1 : i32
    "tpu.region"() ({
      %run_scoped3A_46 = tpu.sem_alloc : memref<!tpu.dma_semaphore, #tpu.memory_space<semaphore_mem>>
      %dma_start3A = arith.constant 0 : i32
      %dma_start3A_47 = tpu.memref_slice %arg2[%mul3A_2, %dma_start3A] : memref<2560x128xi32, #tpu.memory_space<hbm>> -> memref<80x128xi32, #tpu.memory_space<hbm>>
      %dma_start3A_48 = arith.constant 0 : i32
      %dma_start3A_49 = tpu.memref_slice %arg2[%mul3A_2, %dma_start3A_48] : memref<2560x128xi32, #tpu.memory_space<hbm>> -> memref<80x128xi32, #tpu.memory_space<hbm>>
      tpu.enqueue_dma source(%dma_start3A_49 : memref<80x128xi32, #tpu.memory_space<hbm>>) target(%arg7 : memref<80x128xi32, #tpu.memory_space<vmem>>) target_semaphore(%run_scoped3A_46 : memref<!tpu.dma_semaphore, #tpu.memory_space<semaphore_mem>>)
      %dma_wait3A = arith.constant 0 : i32
      %dma_wait3A_50 = tpu.memref_slice %arg2[%mul3A_2, %dma_wait3A] : memref<2560x128xi32, #tpu.memory_space<hbm>> -> memref<80x128xi32, #tpu.memory_space<hbm>>
      %dma_wait3A_51 = arith.constant 0 : i32
      %dma_wait3A_52 = tpu.memref_slice %arg2[%mul3A_2, %dma_wait3A_51] : memref<2560x128xi32, #tpu.memory_space<hbm>> -> memref<80x128xi32, #tpu.memory_space<hbm>>
      tpu.wait_dma2 semaphore(%run_scoped3A_46 : memref<!tpu.dma_semaphore, #tpu.memory_space<semaphore_mem>>) src(%dma_wait3A_52 : memref<80x128xi32, #tpu.memory_space<hbm>>) dst(%arg7 : memref<80x128xi32, #tpu.memory_space<vmem>>)
      tpu.yield
    }) : () -> ()
    %mul3A_3 = arith.constant 632 : i32
    %mul3A_4 = arith.muli %arg1, %mul3A_3 : i32
    %mul3A_5 = arith.constant 632 : i32
    %mul3A_6 = arith.muli %arg1, %mul3A_5 : i32
    "tpu.region"() ({
      %run_scoped3A_46 = tpu.sem_alloc : memref<!tpu.dma_semaphore, #tpu.memory_space<semaphore_mem>>
      %dma_start3A = arith.constant 0 : i32
      %dma_start3A_47 = tpu.memref_slice %arg10[%mul3A_6, %dma_start3A] : memref<10112x128xf32, #tpu.memory_space<vmem_shared>> -> memref<632x128xf32, #tpu.memory_space<vmem_shared>>
      %dma_start3A_48 = arith.constant 0 : i32
      %dma_start3A_49 = tpu.memref_slice %arg5[%mul3A_4, %dma_start3A_48] : memref<10112x128xf32, #tpu.memory_space<hbm>> -> memref<632x128xf32, #tpu.memory_space<hbm>>
      tpu.enqueue_dma source(%dma_start3A_49 : memref<632x128xf32, #tpu.memory_space<hbm>>) target(%dma_start3A_47 : memref<632x128xf32, #tpu.memory_space<vmem_shared>>) target_semaphore(%run_scoped3A_46 : memref<!tpu.dma_semaphore, #tpu.memory_space<semaphore_mem>>)
      %dma_wait3A = arith.constant 0 : i32
      %dma_wait3A_50 = tpu.memref_slice %arg10[%mul3A_6, %dma_wait3A] : memref<10112x128xf32, #tpu.memory_space<vmem_shared>> -> memref<632x128xf32, #tpu.memory_space<vmem_shared>>
      %dma_wait3A_51 = arith.constant 0 : i32
      %dma_wait3A_52 = tpu.memref_slice %arg5[%mul3A_4, %dma_wait3A_51] : memref<10112x128xf32, #tpu.memory_space<hbm>> -> memref<632x128xf32, #tpu.memory_space<hbm>>
      tpu.wait_dma2 semaphore(%run_scoped3A_46 : memref<!tpu.dma_semaphore, #tpu.memory_space<semaphore_mem>>) src(%dma_wait3A_52 : memref<632x128xf32, #tpu.memory_space<hbm>>) dst(%dma_wait3A_50 : memref<632x128xf32, #tpu.memory_space<vmem_shared>>)
      tpu.yield
    }) : () -> ()
    %barrier3A = arith.constant 0 : index
    tpu.barrier barrier_id(%barrier3A)
    %scan3A = arith.constant 0 : i32
    %scan3A_7 = arith.constant 80 : i32
    %scan3A_8 = arith.addi %scan3A, %scan3A_7 : i32
    %scan3A_9 = arith.constant 1 : i32
    scf.for %scan3A_46 = %scan3A to %scan3A_8 step %scan3A_9  : i32 {
      %mul3A_47 = arith.constant 1 : i32
      %mul3A_48 = arith.muli %scan3A_46, %mul3A_47 : i32
      %add3A_49 = arith.constant 0 : i32
      %add3A_50 = arith.addi %add3A_49, %mul3A_48 : i32
      %dma_start3A = arith.constant 0 : i32
      %dma_start3A_51 = tpu.memref_slice %arg7[%add3A_50, %dma_start3A] : memref<80x128xi32, #tpu.memory_space<vmem>> -> memref<1x128xi32, #tpu.memory_space<vmem>>
      %dma_start3A_52 = tpu.memref_squeeze %dma_start3A_51 : memref<1x128xi32, #tpu.memory_space<vmem>> -> memref<128xi32, #tpu.memory_space<vmem>>
      %dma_start3A_53 = arith.constant 0 : i32
      %dma_start3A_54 = arith.constant 0 : i32
      %dma_start3A_55 = tpu.memref_slice %arg10[%dma_start3A_53, %dma_start3A_54] : memref<10112x128xf32, #tpu.memory_space<vmem_shared>> -> memref<10112x128xf32, #tpu.memory_space<vmem_shared>>
      tpu.enqueue_indirect_dma source(%arg8 : memref<128x128xf32, #tpu.memory_space<vmem>>) target(%dma_start3A_55 : memref<10112x128xf32, #tpu.memory_space<vmem_shared>>) offsets(%dma_start3A_52 : memref<128xi32, #tpu.memory_space<vmem>>) semaphore(%arg9 : memref<!tpu.dma_semaphore, #tpu.memory_space<semaphore_mem>>) {add = true}
      %ge3A = arith.constant 4 : i32
      %ge3A_56 = arith.cmpi sge, %add3A_50, %ge3A : i32
      %convert_element_type3A = arith.extui %ge3A_56 : i1 to i32
      %cond3A = arith.constant 0 : i32
      %cond3A_57 = arith.cmpi ne, %convert_element_type3A, %cond3A : i32
      scf.if %cond3A_57 {
        %sub3A = arith.constant 4 : i32
        %sub3A_58 = arith.subi %add3A_50, %sub3A : i32
        %dma_wait3A = arith.constant 0 : i32
        %dma_wait3A_59 = tpu.memref_slice %arg7[%sub3A_58, %dma_wait3A] : memref<80x128xi32, #tpu.memory_space<vmem>> -> memref<1x128xi32, #tpu.memory_space<vmem>>
        %dma_wait3A_60 = tpu.memref_squeeze %dma_wait3A_59 : memref<1x128xi32, #tpu.memory_space<vmem>> -> memref<128xi32, #tpu.memory_space<vmem>>
        %dma_wait3A_61 = arith.constant 0 : i32
        %dma_wait3A_62 = arith.constant 0 : i32
        %dma_wait3A_63 = tpu.memref_slice %arg10[%dma_wait3A_61, %dma_wait3A_62] : memref<10112x128xf32, #tpu.memory_space<vmem_shared>> -> memref<10112x128xf32, #tpu.memory_space<vmem_shared>>
        tpu.wait_indirect_dma semaphore(%arg9 : memref<!tpu.dma_semaphore, #tpu.memory_space<semaphore_mem>>) src(%arg8 : memref<128x128xf32, #tpu.memory_space<vmem>>) dst(%dma_wait3A_63 : memref<10112x128xf32, #tpu.memory_space<vmem_shared>>)
      } else {
      }
    }
    %scan3A_10 = arith.constant 80 : i32
    %scan3A_11 = arith.constant 0 : i32
    %scan3A_12 = arith.constant 4 : i32
    %scan3A_13 = arith.addi %scan3A_11, %scan3A_12 : i32
    %scan3A_14 = arith.constant 1 : i32
    scf.for %scan3A_46 = %scan3A_11 to %scan3A_13 step %scan3A_14  : i32 {
      %mul3A_47 = arith.constant 1 : i32
      %mul3A_48 = arith.muli %scan3A_46, %mul3A_47 : i32
      %add3A_49 = arith.constant 76 : i32
      %add3A_50 = arith.addi %add3A_49, %mul3A_48 : i32
      %dma_wait3A = arith.constant 0 : i32
      %dma_wait3A_51 = tpu.memref_slice %arg7[%add3A_50, %dma_wait3A] : memref<80x128xi32, #tpu.memory_space<vmem>> -> memref<1x128xi32, #tpu.memory_space<vmem>>
      %dma_wait3A_52 = tpu.memref_squeeze %dma_wait3A_51 : memref<1x128xi32, #tpu.memory_space<vmem>> -> memref<128xi32, #tpu.memory_space<vmem>>
      %dma_wait3A_53 = arith.constant 0 : i32
      %dma_wait3A_54 = arith.constant 0 : i32
      %dma_wait3A_55 = tpu.memref_slice %arg10[%dma_wait3A_53, %dma_wait3A_54] : memref<10112x128xf32, #tpu.memory_space<vmem_shared>> -> memref<10112x128xf32, #tpu.memory_space<vmem_shared>>
      tpu.wait_indirect_dma semaphore(%arg9 : memref<!tpu.dma_semaphore, #tpu.memory_space<semaphore_mem>>) src(%arg8 : memref<128x128xf32, #tpu.memory_space<vmem>>) dst(%dma_wait3A_55 : memref<10112x128xf32, #tpu.memory_space<vmem_shared>>)
    }
    %scan3A_15 = arith.constant 4 : i32
    %barrier3A_16 = arith.constant 0 : index
    tpu.barrier barrier_id(%barrier3A_16)
    %mul3A_17 = arith.constant 632 : i32
    %mul3A_18 = arith.muli %arg1, %mul3A_17 : i32
    %mul3A_19 = arith.constant 632 : i32
    %mul3A_20 = arith.muli %arg1, %mul3A_19 : i32
    %run_scoped3A = arith.constant 0 : i32
    "tpu.region"() ({
      %run_scoped3A_46 = tpu.sem_alloc : memref<!tpu.dma_semaphore, #tpu.memory_space<semaphore_mem>>
      %dma_start3A = arith.constant 0 : i32
      %dma_start3A_47 = tpu.memref_slice %arg6[%run_scoped3A, %arg0, %mul3A_20, %dma_start3A] : memref<2x2x10112x128xf32, #tpu.memory_space<hbm>> -> memref<1x1x632x128xf32, #tpu.memory_space<hbm>>
      %dma_start3A_48 = tpu.memref_squeeze %dma_start3A_47 : memref<1x1x632x128xf32, #tpu.memory_space<hbm>> -> memref<632x128xf32, #tpu.memory_space<hbm>>
      %dma_start3A_49 = arith.constant 0 : i32
      %dma_start3A_50 = tpu.memref_slice %arg10[%mul3A_18, %dma_start3A_49] : memref<10112x128xf32, #tpu.memory_space<vmem_shared>> -> memref<632x128xf32, #tpu.memory_space<vmem_shared>>
      tpu.enqueue_dma source(%dma_start3A_50 : memref<632x128xf32, #tpu.memory_space<vmem_shared>>) target(%dma_start3A_48 : memref<632x128xf32, #tpu.memory_space<hbm>>) target_semaphore(%run_scoped3A_46 : memref<!tpu.dma_semaphore, #tpu.memory_space<semaphore_mem>>)
      %dma_wait3A = arith.constant 0 : i32
      %dma_wait3A_51 = tpu.memref_slice %arg6[%run_scoped3A, %arg0, %mul3A_20, %dma_wait3A] : memref<2x2x10112x128xf32, #tpu.memory_space<hbm>> -> memref<1x1x632x128xf32, #tpu.memory_space<hbm>>
      %dma_wait3A_52 = tpu.memref_squeeze %dma_wait3A_51 : memref<1x1x632x128xf32, #tpu.memory_space<hbm>> -> memref<632x128xf32, #tpu.memory_space<hbm>>
      %dma_wait3A_53 = arith.constant 0 : i32
      %dma_wait3A_54 = tpu.memref_slice %arg10[%mul3A_18, %dma_wait3A_53] : memref<10112x128xf32, #tpu.memory_space<vmem_shared>> -> memref<632x128xf32, #tpu.memory_space<vmem_shared>>
      tpu.wait_dma2 semaphore(%run_scoped3A_46 : memref<!tpu.dma_semaphore, #tpu.memory_space<semaphore_mem>>) src(%dma_wait3A_54 : memref<632x128xf32, #tpu.memory_space<vmem_shared>>) dst(%dma_wait3A_52 : memref<632x128xf32, #tpu.memory_space<hbm>>)
      tpu.yield
    }) : () -> ()
    %barrier3A_21 = arith.constant 0 : index
    tpu.barrier barrier_id(%barrier3A_21)
    %mul3A_22 = arith.constant 80 : i32
    %mul3A_23 = arith.muli %add3A, %mul3A_22 : i32
    "tpu.region"() ({
      %run_scoped3A_46 = tpu.sem_alloc : memref<!tpu.dma_semaphore, #tpu.memory_space<semaphore_mem>>
      %dma_start3A = arith.constant 0 : i32
      %dma_start3A_47 = tpu.memref_slice %arg3[%mul3A_23, %dma_start3A] : memref<2560x128xi32, #tpu.memory_space<hbm>> -> memref<80x128xi32, #tpu.memory_space<hbm>>
      %dma_start3A_48 = arith.constant 0 : i32
      %dma_start3A_49 = tpu.memref_slice %arg3[%mul3A_23, %dma_start3A_48] : memref<2560x128xi32, #tpu.memory_space<hbm>> -> memref<80x128xi32, #tpu.memory_space<hbm>>
      tpu.enqueue_dma source(%dma_start3A_49 : memref<80x128xi32, #tpu.memory_space<hbm>>) target(%arg7 : memref<80x128xi32, #tpu.memory_space<vmem>>) target_semaphore(%run_scoped3A_46 : memref<!tpu.dma_semaphore, #tpu.memory_space<semaphore_mem>>)
      %dma_wait3A = arith.constant 0 : i32
      %dma_wait3A_50 = tpu.memref_slice %arg3[%mul3A_23, %dma_wait3A] : memref<2560x128xi32, #tpu.memory_space<hbm>> -> memref<80x128xi32, #tpu.memory_space<hbm>>
      %dma_wait3A_51 = arith.constant 0 : i32
      %dma_wait3A_52 = tpu.memref_slice %arg3[%mul3A_23, %dma_wait3A_51] : memref<2560x128xi32, #tpu.memory_space<hbm>> -> memref<80x128xi32, #tpu.memory_space<hbm>>
      tpu.wait_dma2 semaphore(%run_scoped3A_46 : memref<!tpu.dma_semaphore, #tpu.memory_space<semaphore_mem>>) src(%dma_wait3A_52 : memref<80x128xi32, #tpu.memory_space<hbm>>) dst(%arg7 : memref<80x128xi32, #tpu.memory_space<vmem>>)
      tpu.yield
    }) : () -> ()
    %mul3A_24 = arith.constant 632 : i32
    %mul3A_25 = arith.muli %arg1, %mul3A_24 : i32
    %mul3A_26 = arith.constant 632 : i32
    %mul3A_27 = arith.muli %arg1, %mul3A_26 : i32
    "tpu.region"() ({
      %run_scoped3A_46 = tpu.sem_alloc : memref<!tpu.dma_semaphore, #tpu.memory_space<semaphore_mem>>
      %dma_start3A = arith.constant 0 : i32
      %dma_start3A_47 = tpu.memref_slice %arg10[%mul3A_27, %dma_start3A] : memref<10112x128xf32, #tpu.memory_space<vmem_shared>> -> memref<632x128xf32, #tpu.memory_space<vmem_shared>>
      %dma_start3A_48 = arith.constant 0 : i32
      %dma_start3A_49 = tpu.memref_slice %arg5[%mul3A_25, %dma_start3A_48] : memref<10112x128xf32, #tpu.memory_space<hbm>> -> memref<632x128xf32, #tpu.memory_space<hbm>>
      tpu.enqueue_dma source(%dma_start3A_49 : memref<632x128xf32, #tpu.memory_space<hbm>>) target(%dma_start3A_47 : memref<632x128xf32, #tpu.memory_space<vmem_shared>>) target_semaphore(%run_scoped3A_46 : memref<!tpu.dma_semaphore, #tpu.memory_space<semaphore_mem>>)
      %dma_wait3A = arith.constant 0 : i32
      %dma_wait3A_50 = tpu.memref_slice %arg10[%mul3A_27, %dma_wait3A] : memref<10112x128xf32, #tpu.memory_space<vmem_shared>> -> memref<632x128xf32, #tpu.memory_space<vmem_shared>>
      %dma_wait3A_51 = arith.constant 0 : i32
      %dma_wait3A_52 = tpu.memref_slice %arg5[%mul3A_25, %dma_wait3A_51] : memref<10112x128xf32, #tpu.memory_space<hbm>> -> memref<632x128xf32, #tpu.memory_space<hbm>>
      tpu.wait_dma2 semaphore(%run_scoped3A_46 : memref<!tpu.dma_semaphore, #tpu.memory_space<semaphore_mem>>) src(%dma_wait3A_52 : memref<632x128xf32, #tpu.memory_space<hbm>>) dst(%dma_wait3A_50 : memref<632x128xf32, #tpu.memory_space<vmem_shared>>)
      tpu.yield
    }) : () -> ()
    %barrier3A_28 = arith.constant 0 : index
    tpu.barrier barrier_id(%barrier3A_28)
    %scan3A_29 = arith.constant 0 : i32
    %scan3A_30 = arith.constant 80 : i32
    %scan3A_31 = arith.addi %scan3A_29, %scan3A_30 : i32
    %scan3A_32 = arith.constant 1 : i32
    scf.for %scan3A_46 = %scan3A_29 to %scan3A_31 step %scan3A_32  : i32 {
      %mul3A_47 = arith.constant 1 : i32
      %mul3A_48 = arith.muli %scan3A_46, %mul3A_47 : i32
      %add3A_49 = arith.constant 0 : i32
      %add3A_50 = arith.addi %add3A_49, %mul3A_48 : i32
      %dma_start3A = arith.constant 0 : i32
      %dma_start3A_51 = tpu.memref_slice %arg7[%add3A_50, %dma_start3A] : memref<80x128xi32, #tpu.memory_space<vmem>> -> memref<1x128xi32, #tpu.memory_space<vmem>>
      %dma_start3A_52 = tpu.memref_squeeze %dma_start3A_51 : memref<1x128xi32, #tpu.memory_space<vmem>> -> memref<128xi32, #tpu.memory_space<vmem>>
      %dma_start3A_53 = arith.constant 0 : i32
      %dma_start3A_54 = arith.constant 0 : i32
      %dma_start3A_55 = tpu.memref_slice %arg10[%dma_start3A_53, %dma_start3A_54] : memref<10112x128xf32, #tpu.memory_space<vmem_shared>> -> memref<10112x128xf32, #tpu.memory_space<vmem_shared>>
      tpu.enqueue_indirect_dma source(%arg8 : memref<128x128xf32, #tpu.memory_space<vmem>>) target(%dma_start3A_55 : memref<10112x128xf32, #tpu.memory_space<vmem_shared>>) offsets(%dma_start3A_52 : memref<128xi32, #tpu.memory_space<vmem>>) semaphore(%arg9 : memref<!tpu.dma_semaphore, #tpu.memory_space<semaphore_mem>>) {add = true}
      %ge3A = arith.constant 4 : i32
      %ge3A_56 = arith.cmpi sge, %add3A_50, %ge3A : i32
      %convert_element_type3A = arith.extui %ge3A_56 : i1 to i32
      %cond3A = arith.constant 0 : i32
      %cond3A_57 = arith.cmpi ne, %convert_element_type3A, %cond3A : i32
      scf.if %cond3A_57 {
        %sub3A = arith.constant 4 : i32
        %sub3A_58 = arith.subi %add3A_50, %sub3A : i32
        %dma_wait3A = arith.constant 0 : i32
        %dma_wait3A_59 = tpu.memref_slice %arg7[%sub3A_58, %dma_wait3A] : memref<80x128xi32, #tpu.memory_space<vmem>> -> memref<1x128xi32, #tpu.memory_space<vmem>>
        %dma_wait3A_60 = tpu.memref_squeeze %dma_wait3A_59 : memref<1x128xi32, #tpu.memory_space<vmem>> -> memref<128xi32, #tpu.memory_space<vmem>>
        %dma_wait3A_61 = arith.constant 0 : i32
        %dma_wait3A_62 = arith.constant 0 : i32
        %dma_wait3A_63 = tpu.memref_slice %arg10[%dma_wait3A_61, %dma_wait3A_62] : memref<10112x128xf32, #tpu.memory_space<vmem_shared>> -> memref<10112x128xf32, #tpu.memory_space<vmem_shared>>
        tpu.wait_indirect_dma semaphore(%arg9 : memref<!tpu.dma_semaphore, #tpu.memory_space<semaphore_mem>>) src(%arg8 : memref<128x128xf32, #tpu.memory_space<vmem>>) dst(%dma_wait3A_63 : memref<10112x128xf32, #tpu.memory_space<vmem_shared>>)
      } else {
      }
    }
    %scan3A_33 = arith.constant 80 : i32
    %scan3A_34 = arith.constant 0 : i32
    %scan3A_35 = arith.constant 4 : i32
    %scan3A_36 = arith.addi %scan3A_34, %scan3A_35 : i32
    %scan3A_37 = arith.constant 1 : i32
    scf.for %scan3A_46 = %scan3A_34 to %scan3A_36 step %scan3A_37  : i32 {
      %mul3A_47 = arith.constant 1 : i32
      %mul3A_48 = arith.muli %scan3A_46, %mul3A_47 : i32
      %add3A_49 = arith.constant 76 : i32
      %add3A_50 = arith.addi %add3A_49, %mul3A_48 : i32
      %dma_wait3A = arith.constant 0 : i32
      %dma_wait3A_51 = tpu.memref_slice %arg7[%add3A_50, %dma_wait3A] : memref<80x128xi32, #tpu.memory_space<vmem>> -> memref<1x128xi32, #tpu.memory_space<vmem>>
      %dma_wait3A_52 = tpu.memref_squeeze %dma_wait3A_51 : memref<1x128xi32, #tpu.memory_space<vmem>> -> memref<128xi32, #tpu.memory_space<vmem>>
      %dma_wait3A_53 = arith.constant 0 : i32
      %dma_wait3A_54 = arith.constant 0 : i32
      %dma_wait3A_55 = tpu.memref_slice %arg10[%dma_wait3A_53, %dma_wait3A_54] : memref<10112x128xf32, #tpu.memory_space<vmem_shared>> -> memref<10112x128xf32, #tpu.memory_space<vmem_shared>>
      tpu.wait_indirect_dma semaphore(%arg9 : memref<!tpu.dma_semaphore, #tpu.memory_space<semaphore_mem>>) src(%arg8 : memref<128x128xf32, #tpu.memory_space<vmem>>) dst(%dma_wait3A_55 : memref<10112x128xf32, #tpu.memory_space<vmem_shared>>)
    }
    %scan3A_38 = arith.constant 4 : i32
    %barrier3A_39 = arith.constant 0 : index
    tpu.barrier barrier_id(%barrier3A_39)
    %mul3A_40 = arith.constant 632 : i32
    %mul3A_41 = arith.muli %arg1, %mul3A_40 : i32
    %mul3A_42 = arith.constant 632 : i32
    %mul3A_43 = arith.muli %arg1, %mul3A_42 : i32
    %run_scoped3A_44 = arith.constant 1 : i32
    "tpu.region"() ({
      %run_scoped3A_46 = tpu.sem_alloc : memref<!tpu.dma_semaphore, #tpu.memory_space<semaphore_mem>>
      %dma_start3A = arith.constant 0 : i32
      %dma_start3A_47 = tpu.memref_slice %arg6[%run_scoped3A_44, %arg0, %mul3A_43, %dma_start3A] : memref<2x2x10112x128xf32, #tpu.memory_space<hbm>> -> memref<1x1x632x128xf32, #tpu.memory_space<hbm>>
      %dma_start3A_48 = tpu.memref_squeeze %dma_start3A_47 : memref<1x1x632x128xf32, #tpu.memory_space<hbm>> -> memref<632x128xf32, #tpu.memory_space<hbm>>
      %dma_start3A_49 = arith.constant 0 : i32
      %dma_start3A_50 = tpu.memref_slice %arg10[%mul3A_41, %dma_start3A_49] : memref<10112x128xf32, #tpu.memory_space<vmem_shared>> -> memref<632x128xf32, #tpu.memory_space<vmem_shared>>
      tpu.enqueue_dma source(%dma_start3A_50 : memref<632x128xf32, #tpu.memory_space<vmem_shared>>) target(%dma_start3A_48 : memref<632x128xf32, #tpu.memory_space<hbm>>) target_semaphore(%run_scoped3A_46 : memref<!tpu.dma_semaphore, #tpu.memory_space<semaphore_mem>>)
      %dma_wait3A = arith.constant 0 : i32
      %dma_wait3A_51 = tpu.memref_slice %arg6[%run_scoped3A_44, %arg0, %mul3A_43, %dma_wait3A] : memref<2x2x10112x128xf32, #tpu.memory_space<hbm>> -> memref<1x1x632x128xf32, #tpu.memory_space<hbm>>
      %dma_wait3A_52 = tpu.memref_squeeze %dma_wait3A_51 : memref<1x1x632x128xf32, #tpu.memory_space<hbm>> -> memref<632x128xf32, #tpu.memory_space<hbm>>
      %dma_wait3A_53 = arith.constant 0 : i32
      %dma_wait3A_54 = tpu.memref_slice %arg10[%mul3A_41, %dma_wait3A_53] : memref<10112x128xf32, #tpu.memory_space<vmem_shared>> -> memref<632x128xf32, #tpu.memory_space<vmem_shared>>
      tpu.wait_dma2 semaphore(%run_scoped3A_46 : memref<!tpu.dma_semaphore, #tpu.memory_space<semaphore_mem>>) src(%dma_wait3A_54 : memref<632x128xf32, #tpu.memory_space<vmem_shared>>) dst(%dma_wait3A_52 : memref<632x128xf32, #tpu.memory_space<hbm>>)
      tpu.yield
    }) : () -> ()
    %barrier3A_45 = arith.constant 0 : index
    tpu.barrier barrier_id(%barrier3A_45)
    return
  }
}

#map = affine_map<(d0, d1) -> (0, 0)>
#map1 = affine_map<(d0, d1) -> (0, 0, 0)>
module attributes {stable_mosaic.version = 14 : i64} {
  func.func @_sc_gs_body(%arg0: i32, %arg1: i32, %arg2: memref<20000x128xf32, #tpu.memory_space<hbm>>, %arg3: memref<2560x128xi32, #tpu.memory_space<hbm>>, %arg4: memref<2560x128xi32, #tpu.memory_space<hbm>>, %arg5: memref<10112x128xf32, #tpu.memory_space<hbm>>, %arg6: memref<2x10112x128xf32, #tpu.memory_space<hbm>>, %arg7: memref<2x8x128xi32, #tpu.memory_space<vmem>>, %arg8: memref<2x8x128xi32, #tpu.memory_space<vmem>>, %arg9: memref<128x128xf32, #tpu.memory_space<vmem>>, %arg10: memref<128x128xf32, #tpu.memory_space<vmem>>, %arg11: memref<!tpu.dma_semaphore, #tpu.memory_space<semaphore_mem>>, %arg12: memref<!tpu.dma_semaphore, #tpu.memory_space<semaphore_mem>>, %arg13: memref<!tpu.dma_semaphore, #tpu.memory_space<semaphore_mem>>, %arg14: memref<!tpu.dma_semaphore, #tpu.memory_space<semaphore_mem>>, %arg15: memref<!tpu.dma_semaphore, #tpu.memory_space<semaphore_mem>>, %arg16: memref<!tpu.dma_semaphore, #tpu.memory_space<semaphore_mem>>, %arg17: memref<10112x128xf32, #tpu.memory_space<vmem_shared>>) attributes {dimension_semantics = [#tpu.dimension_semantics<core_parallel>, #tpu.dimension_semantics<subcore_parallel>], iteration_bounds = array<i64: 2, 16>, scalar_prefetch = 0 : i64, scratch_operands = 11 : i64, tpu.core_type = #tpu.core_type<sc_vector_subcore>, window_params = [{transform_indices = #map}, {transform_indices = #map}, {transform_indices = #map}, {transform_indices = #map}, {transform_indices = #map1}]} {
    %mul3A = arith.constant 16 : i32
    %mul3A_0 = arith.muli %arg0, %mul3A : i32
    %add3A = arith.addi %mul3A_0, %arg1 : i32
    %mul3A_1 = arith.constant 80 : i32
    %mul3A_2 = arith.muli %add3A, %mul3A_1 : i32
    %run_scoped3A = arith.constant 0 : i32
    "tpu.region"() ({
      %run_scoped3A_47 = tpu.sem_alloc : memref<!tpu.dma_semaphore, #tpu.memory_space<semaphore_mem>>
      %dma_start3A_48 = arith.constant 0 : i32
      %dma_start3A_49 = arith.constant 0 : i32
      %dma_start3A_50 = tpu.memref_slice %arg7[%run_scoped3A, %dma_start3A_48, %dma_start3A_49] : memref<2x8x128xi32, #tpu.memory_space<vmem>> -> memref<1x8x128xi32, #tpu.memory_space<vmem>>
      %dma_start3A_51 = tpu.memref_squeeze %dma_start3A_50 : memref<1x8x128xi32, #tpu.memory_space<vmem>> -> memref<8x128xi32, #tpu.memory_space<vmem>>
      %dma_start3A_52 = arith.constant 0 : i32
      %dma_start3A_53 = tpu.memref_slice %arg3[%mul3A_2, %dma_start3A_52] : memref<2560x128xi32, #tpu.memory_space<hbm>> -> memref<8x128xi32, #tpu.memory_space<hbm>>
      %dma_start3A_54 = arith.constant 0 : i32
      %dma_start3A_55 = arith.constant 0 : i32
      %dma_start3A_56 = tpu.memref_slice %arg7[%run_scoped3A, %dma_start3A_54, %dma_start3A_55] : memref<2x8x128xi32, #tpu.memory_space<vmem>> -> memref<1x8x128xi32, #tpu.memory_space<vmem>>
      %dma_start3A_57 = tpu.memref_squeeze %dma_start3A_56 : memref<1x8x128xi32, #tpu.memory_space<vmem>> -> memref<8x128xi32, #tpu.memory_space<vmem>>
      %dma_start3A_58 = arith.constant 0 : i32
      %dma_start3A_59 = tpu.memref_slice %arg3[%mul3A_2, %dma_start3A_58] : memref<2560x128xi32, #tpu.memory_space<hbm>> -> memref<8x128xi32, #tpu.memory_space<hbm>>
      tpu.enqueue_dma source(%dma_start3A_59 : memref<8x128xi32, #tpu.memory_space<hbm>>) target(%dma_start3A_57 : memref<8x128xi32, #tpu.memory_space<vmem>>) target_semaphore(%run_scoped3A_47 : memref<!tpu.dma_semaphore, #tpu.memory_space<semaphore_mem>>)
      %dma_wait3A_60 = arith.constant 0 : i32
      %dma_wait3A_61 = arith.constant 0 : i32
      %dma_wait3A_62 = tpu.memref_slice %arg7[%run_scoped3A, %dma_wait3A_60, %dma_wait3A_61] : memref<2x8x128xi32, #tpu.memory_space<vmem>> -> memref<1x8x128xi32, #tpu.memory_space<vmem>>
      %dma_wait3A_63 = tpu.memref_squeeze %dma_wait3A_62 : memref<1x8x128xi32, #tpu.memory_space<vmem>> -> memref<8x128xi32, #tpu.memory_space<vmem>>
      %dma_wait3A_64 = arith.constant 0 : i32
      %dma_wait3A_65 = tpu.memref_slice %arg3[%mul3A_2, %dma_wait3A_64] : memref<2560x128xi32, #tpu.memory_space<hbm>> -> memref<8x128xi32, #tpu.memory_space<hbm>>
      %dma_wait3A_66 = arith.constant 0 : i32
      %dma_wait3A_67 = arith.constant 0 : i32
      %dma_wait3A_68 = tpu.memref_slice %arg7[%run_scoped3A, %dma_wait3A_66, %dma_wait3A_67] : memref<2x8x128xi32, #tpu.memory_space<vmem>> -> memref<1x8x128xi32, #tpu.memory_space<vmem>>
      %dma_wait3A_69 = tpu.memref_squeeze %dma_wait3A_68 : memref<1x8x128xi32, #tpu.memory_space<vmem>> -> memref<8x128xi32, #tpu.memory_space<vmem>>
      %dma_wait3A_70 = arith.constant 0 : i32
      %dma_wait3A_71 = tpu.memref_slice %arg3[%mul3A_2, %dma_wait3A_70] : memref<2560x128xi32, #tpu.memory_space<hbm>> -> memref<8x128xi32, #tpu.memory_space<hbm>>
      tpu.wait_dma2 semaphore(%run_scoped3A_47 : memref<!tpu.dma_semaphore, #tpu.memory_space<semaphore_mem>>) src(%dma_wait3A_71 : memref<8x128xi32, #tpu.memory_space<hbm>>) dst(%dma_wait3A_69 : memref<8x128xi32, #tpu.memory_space<vmem>>)
      tpu.yield
    }) : () -> ()
    %run_scoped3A_3 = arith.constant 0 : i32
    "tpu.region"() ({
      %run_scoped3A_47 = tpu.sem_alloc : memref<!tpu.dma_semaphore, #tpu.memory_space<semaphore_mem>>
      %dma_start3A_48 = arith.constant 0 : i32
      %dma_start3A_49 = arith.constant 0 : i32
      %dma_start3A_50 = tpu.memref_slice %arg8[%run_scoped3A_3, %dma_start3A_48, %dma_start3A_49] : memref<2x8x128xi32, #tpu.memory_space<vmem>> -> memref<1x8x128xi32, #tpu.memory_space<vmem>>
      %dma_start3A_51 = tpu.memref_squeeze %dma_start3A_50 : memref<1x8x128xi32, #tpu.memory_space<vmem>> -> memref<8x128xi32, #tpu.memory_space<vmem>>
      %dma_start3A_52 = arith.constant 0 : i32
      %dma_start3A_53 = tpu.memref_slice %arg4[%mul3A_2, %dma_start3A_52] : memref<2560x128xi32, #tpu.memory_space<hbm>> -> memref<8x128xi32, #tpu.memory_space<hbm>>
      %dma_start3A_54 = arith.constant 0 : i32
      %dma_start3A_55 = arith.constant 0 : i32
      %dma_start3A_56 = tpu.memref_slice %arg8[%run_scoped3A_3, %dma_start3A_54, %dma_start3A_55] : memref<2x8x128xi32, #tpu.memory_space<vmem>> -> memref<1x8x128xi32, #tpu.memory_space<vmem>>
      %dma_start3A_57 = tpu.memref_squeeze %dma_start3A_56 : memref<1x8x128xi32, #tpu.memory_space<vmem>> -> memref<8x128xi32, #tpu.memory_space<vmem>>
      %dma_start3A_58 = arith.constant 0 : i32
      %dma_start3A_59 = tpu.memref_slice %arg4[%mul3A_2, %dma_start3A_58] : memref<2560x128xi32, #tpu.memory_space<hbm>> -> memref<8x128xi32, #tpu.memory_space<hbm>>
      tpu.enqueue_dma source(%dma_start3A_59 : memref<8x128xi32, #tpu.memory_space<hbm>>) target(%dma_start3A_57 : memref<8x128xi32, #tpu.memory_space<vmem>>) target_semaphore(%run_scoped3A_47 : memref<!tpu.dma_semaphore, #tpu.memory_space<semaphore_mem>>)
      %dma_wait3A_60 = arith.constant 0 : i32
      %dma_wait3A_61 = arith.constant 0 : i32
      %dma_wait3A_62 = tpu.memref_slice %arg8[%run_scoped3A_3, %dma_wait3A_60, %dma_wait3A_61] : memref<2x8x128xi32, #tpu.memory_space<vmem>> -> memref<1x8x128xi32, #tpu.memory_space<vmem>>
      %dma_wait3A_63 = tpu.memref_squeeze %dma_wait3A_62 : memref<1x8x128xi32, #tpu.memory_space<vmem>> -> memref<8x128xi32, #tpu.memory_space<vmem>>
      %dma_wait3A_64 = arith.constant 0 : i32
      %dma_wait3A_65 = tpu.memref_slice %arg4[%mul3A_2, %dma_wait3A_64] : memref<2560x128xi32, #tpu.memory_space<hbm>> -> memref<8x128xi32, #tpu.memory_space<hbm>>
      %dma_wait3A_66 = arith.constant 0 : i32
      %dma_wait3A_67 = arith.constant 0 : i32
      %dma_wait3A_68 = tpu.memref_slice %arg8[%run_scoped3A_3, %dma_wait3A_66, %dma_wait3A_67] : memref<2x8x128xi32, #tpu.memory_space<vmem>> -> memref<1x8x128xi32, #tpu.memory_space<vmem>>
      %dma_wait3A_69 = tpu.memref_squeeze %dma_wait3A_68 : memref<1x8x128xi32, #tpu.memory_space<vmem>> -> memref<8x128xi32, #tpu.memory_space<vmem>>
      %dma_wait3A_70 = arith.constant 0 : i32
      %dma_wait3A_71 = tpu.memref_slice %arg4[%mul3A_2, %dma_wait3A_70] : memref<2560x128xi32, #tpu.memory_space<hbm>> -> memref<8x128xi32, #tpu.memory_space<hbm>>
      tpu.wait_dma2 semaphore(%run_scoped3A_47 : memref<!tpu.dma_semaphore, #tpu.memory_space<semaphore_mem>>) src(%dma_wait3A_71 : memref<8x128xi32, #tpu.memory_space<hbm>>) dst(%dma_wait3A_69 : memref<8x128xi32, #tpu.memory_space<vmem>>)
      tpu.yield
    }) : () -> ()
    %mul3A_4 = arith.constant 632 : i32
    %mul3A_5 = arith.muli %arg1, %mul3A_4 : i32
    %mul3A_6 = arith.constant 632 : i32
    %mul3A_7 = arith.muli %arg1, %mul3A_6 : i32
    "tpu.region"() ({
      %run_scoped3A_47 = tpu.sem_alloc : memref<!tpu.dma_semaphore, #tpu.memory_space<semaphore_mem>>
      %dma_start3A_48 = arith.constant 0 : i32
      %dma_start3A_49 = tpu.memref_slice %arg17[%mul3A_7, %dma_start3A_48] : memref<10112x128xf32, #tpu.memory_space<vmem_shared>> -> memref<632x128xf32, #tpu.memory_space<vmem_shared>>
      %dma_start3A_50 = arith.constant 0 : i32
      %dma_start3A_51 = tpu.memref_slice %arg5[%mul3A_5, %dma_start3A_50] : memref<10112x128xf32, #tpu.memory_space<hbm>> -> memref<632x128xf32, #tpu.memory_space<hbm>>
      tpu.enqueue_dma source(%dma_start3A_51 : memref<632x128xf32, #tpu.memory_space<hbm>>) target(%dma_start3A_49 : memref<632x128xf32, #tpu.memory_space<vmem_shared>>) target_semaphore(%run_scoped3A_47 : memref<!tpu.dma_semaphore, #tpu.memory_space<semaphore_mem>>)
      %dma_wait3A_52 = arith.constant 0 : i32
      %dma_wait3A_53 = tpu.memref_slice %arg17[%mul3A_7, %dma_wait3A_52] : memref<10112x128xf32, #tpu.memory_space<vmem_shared>> -> memref<632x128xf32, #tpu.memory_space<vmem_shared>>
      %dma_wait3A_54 = arith.constant 0 : i32
      %dma_wait3A_55 = tpu.memref_slice %arg5[%mul3A_5, %dma_wait3A_54] : memref<10112x128xf32, #tpu.memory_space<hbm>> -> memref<632x128xf32, #tpu.memory_space<hbm>>
      tpu.wait_dma2 semaphore(%run_scoped3A_47 : memref<!tpu.dma_semaphore, #tpu.memory_space<semaphore_mem>>) src(%dma_wait3A_55 : memref<632x128xf32, #tpu.memory_space<hbm>>) dst(%dma_wait3A_53 : memref<632x128xf32, #tpu.memory_space<vmem_shared>>)
      tpu.yield
    }) : () -> ()
    %barrier3A = arith.constant 0 : index
    tpu.barrier barrier_id(%barrier3A)
    %dma_start3A = arith.constant 0 : i32
    %dma_start3A_8 = arith.constant 0 : i32
    %dma_start3A_9 = arith.constant 0 : i32
    %dma_start3A_10 = tpu.memref_slice %arg7[%dma_start3A, %dma_start3A_8, %dma_start3A_9] : memref<2x8x128xi32, #tpu.memory_space<vmem>> -> memref<1x1x128xi32, #tpu.memory_space<vmem>>
    %dma_start3A_11 = tpu.memref_squeeze %dma_start3A_10 : memref<1x1x128xi32, #tpu.memory_space<vmem>> -> memref<128xi32, #tpu.memory_space<vmem>>
    %dma_start3A_12 = arith.constant 0 : i32
    %dma_start3A_13 = arith.constant 0 : i32
    %dma_start3A_14 = tpu.memref_slice %arg2[%dma_start3A_12, %dma_start3A_13] : memref<20000x128xf32, #tpu.memory_space<hbm>> -> memref<20000x128xf32, #tpu.memory_space<hbm>>
    tpu.enqueue_indirect_dma source(%dma_start3A_14 : memref<20000x128xf32, #tpu.memory_space<hbm>>) target(%arg9 : memref<128x128xf32, #tpu.memory_space<vmem>>) offsets(%dma_start3A_11 : memref<128xi32, #tpu.memory_space<vmem>>) semaphore(%arg11 : memref<!tpu.dma_semaphore, #tpu.memory_space<semaphore_mem>>)
    %dma_start3A_15 = arith.constant 0 : i32
    %dma_start3A_16 = arith.constant 1 : i32
    %dma_start3A_17 = arith.constant 0 : i32
    %dma_start3A_18 = tpu.memref_slice %arg7[%dma_start3A_15, %dma_start3A_16, %dma_start3A_17] : memref<2x8x128xi32, #tpu.memory_space<vmem>> -> memref<1x1x128xi32, #tpu.memory_space<vmem>>
    %dma_start3A_19 = tpu.memref_squeeze %dma_start3A_18 : memref<1x1x128xi32, #tpu.memory_space<vmem>> -> memref<128xi32, #tpu.memory_space<vmem>>
    %dma_start3A_20 = arith.constant 0 : i32
    %dma_start3A_21 = arith.constant 0 : i32
    %dma_start3A_22 = tpu.memref_slice %arg2[%dma_start3A_20, %dma_start3A_21] : memref<20000x128xf32, #tpu.memory_space<hbm>> -> memref<20000x128xf32, #tpu.memory_space<hbm>>
    tpu.enqueue_indirect_dma source(%dma_start3A_22 : memref<20000x128xf32, #tpu.memory_space<hbm>>) target(%arg10 : memref<128x128xf32, #tpu.memory_space<vmem>>) offsets(%dma_start3A_19 : memref<128xi32, #tpu.memory_space<vmem>>) semaphore(%arg12 : memref<!tpu.dma_semaphore, #tpu.memory_space<semaphore_mem>>)
    %scan3A = arith.constant 0 : i32
    %scan3A_23 = arith.constant 10 : i32
    %scan3A_24 = arith.addi %scan3A, %scan3A_23 : i32
    %scan3A_25 = arith.constant 1 : i32
    scf.for %scan3A_47 = %scan3A to %scan3A_24 step %scan3A_25  : i32 {
      %mul3A_48 = arith.constant 1 : i32
      %mul3A_49 = arith.muli %scan3A_47, %mul3A_48 : i32
      %add3A_50 = arith.constant 0 : i32
      %add3A_51 = arith.addi %add3A_50, %mul3A_49 : i32
      %jit3A = arith.constant 2 : i32
      %eq3A = arith.constant 0 : i32
      %eq3A_52 = arith.cmpi eq, %jit3A, %eq3A : i32
      %jit3A_53 = arith.constant 1 : i32
      %select_n3A = arith.select %eq3A_52, %jit3A_53, %jit3A : i32
      %rem3A = arith.remsi %add3A_51, %select_n3A : i32
      %ne3A = arith.constant 0 : i32
      %ne3A_54 = arith.cmpi ne, %rem3A, %ne3A : i32
      %lt3A = arith.constant 0 : i32
      %lt3A_55 = arith.cmpi slt, %rem3A, %lt3A : i32
      %lt3A_56 = arith.constant 0 : i32
      %lt3A_57 = arith.cmpi slt, %select_n3A, %lt3A_56 : i32
      %ne3A_58 = arith.xori %lt3A_55, %lt3A_57 : i1
      %and3A = arith.andi %ne3A_58, %ne3A_54 : i1
      %add3A_59 = arith.addi %rem3A, %select_n3A : i32
      %select_n3A_60 = arith.select %and3A, %add3A_59, %rem3A : i32
      %add3A_61 = arith.constant 1 : i32
      %add3A_62 = arith.addi %add3A_51, %add3A_61 : i32
      %jit3A_63 = arith.constant 2 : i32
      %eq3A_64 = arith.constant 0 : i32
      %eq3A_65 = arith.cmpi eq, %jit3A_63, %eq3A_64 : i32
      %jit3A_66 = arith.constant 1 : i32
      %select_n3A_67 = arith.select %eq3A_65, %jit3A_66, %jit3A_63 : i32
      %rem3A_68 = arith.remsi %add3A_62, %select_n3A_67 : i32
      %ne3A_69 = arith.constant 0 : i32
      %ne3A_70 = arith.cmpi ne, %rem3A_68, %ne3A_69 : i32
      %lt3A_71 = arith.constant 0 : i32
      %lt3A_72 = arith.cmpi slt, %rem3A_68, %lt3A_71 : i32
      %lt3A_73 = arith.constant 0 : i32
      %lt3A_74 = arith.cmpi slt, %select_n3A_67, %lt3A_73 : i32
      %ne3A_75 = arith.xori %lt3A_72, %lt3A_74 : i1
      %and3A_76 = arith.andi %ne3A_75, %ne3A_70 : i1
      %add3A_77 = arith.addi %rem3A_68, %select_n3A_67 : i32
      %select_n3A_78 = arith.select %and3A_76, %add3A_77, %rem3A_68 : i32
      %add3A_79 = arith.constant 1 : i32
      %add3A_80 = arith.addi %add3A_51, %add3A_79 : i32
      %lt3A_81 = arith.constant 10 : i32
      %lt3A_82 = arith.cmpi slt, %add3A_80, %lt3A_81 : i32
      %convert_element_type3A = arith.extui %lt3A_82 : i1 to i32
      %cond3A = arith.constant 0 : i32
      %cond3A_83 = arith.cmpi ne, %convert_element_type3A, %cond3A : i32
      scf.if %cond3A_83 {
        %add3A_300 = arith.constant 1 : i32
        %add3A_301 = arith.addi %add3A_51, %add3A_300 : i32
        %mul3A_302 = arith.constant 8 : i32
        %mul3A_303 = arith.muli %add3A_301, %mul3A_302 : i32
        %add3A_304 = arith.addi %mul3A_2, %mul3A_303 : i32
        %dma_start3A_305 = arith.constant 0 : i32
        %dma_start3A_306 = arith.constant 0 : i32
        %dma_start3A_307 = tpu.memref_slice %arg7[%select_n3A_78, %dma_start3A_305, %dma_start3A_306] : memref<2x8x128xi32, #tpu.memory_space<vmem>> -> memref<1x8x128xi32, #tpu.memory_space<vmem>>
        %dma_start3A_308 = tpu.memref_squeeze %dma_start3A_307 : memref<1x8x128xi32, #tpu.memory_space<vmem>> -> memref<8x128xi32, #tpu.memory_space<vmem>>
        %dma_start3A_309 = arith.constant 0 : i32
        %dma_start3A_310 = tpu.memref_slice %arg3[%add3A_304, %dma_start3A_309] : memref<2560x128xi32, #tpu.memory_space<hbm>> -> memref<8x128xi32, #tpu.memory_space<hbm>>
        %dma_start3A_311 = arith.constant 0 : i32
        %dma_start3A_312 = arith.constant 0 : i32
        %dma_start3A_313 = tpu.memref_slice %arg7[%select_n3A_78, %dma_start3A_311, %dma_start3A_312] : memref<2x8x128xi32, #tpu.memory_space<vmem>> -> memref<1x8x128xi32, #tpu.memory_space<vmem>>
        %dma_start3A_314 = tpu.memref_squeeze %dma_start3A_313 : memref<1x8x128xi32, #tpu.memory_space<vmem>> -> memref<8x128xi32, #tpu.memory_space<vmem>>
        %dma_start3A_315 = arith.constant 0 : i32
        %dma_start3A_316 = tpu.memref_slice %arg3[%add3A_304, %dma_start3A_315] : memref<2560x128xi32, #tpu.memory_space<hbm>> -> memref<8x128xi32, #tpu.memory_space<hbm>>
        tpu.enqueue_dma source(%dma_start3A_316 : memref<8x128xi32, #tpu.memory_space<hbm>>) target(%dma_start3A_314 : memref<8x128xi32, #tpu.memory_space<vmem>>) target_semaphore(%arg15 : memref<!tpu.dma_semaphore, #tpu.memory_space<semaphore_mem>>)
        %add3A_317 = arith.constant 1 : i32
        %add3A_318 = arith.addi %add3A_51, %add3A_317 : i32
        %mul3A_319 = arith.constant 8 : i32
        %mul3A_320 = arith.muli %add3A_318, %mul3A_319 : i32
        %add3A_321 = arith.addi %mul3A_2, %mul3A_320 : i32
        %dma_start3A_322 = arith.constant 0 : i32
        %dma_start3A_323 = arith.constant 0 : i32
        %dma_start3A_324 = tpu.memref_slice %arg8[%select_n3A_78, %dma_start3A_322, %dma_start3A_323] : memref<2x8x128xi32, #tpu.memory_space<vmem>> -> memref<1x8x128xi32, #tpu.memory_space<vmem>>
        %dma_start3A_325 = tpu.memref_squeeze %dma_start3A_324 : memref<1x8x128xi32, #tpu.memory_space<vmem>> -> memref<8x128xi32, #tpu.memory_space<vmem>>
        %dma_start3A_326 = arith.constant 0 : i32
        %dma_start3A_327 = tpu.memref_slice %arg4[%add3A_321, %dma_start3A_326] : memref<2560x128xi32, #tpu.memory_space<hbm>> -> memref<8x128xi32, #tpu.memory_space<hbm>>
        %dma_start3A_328 = arith.constant 0 : i32
        %dma_start3A_329 = arith.constant 0 : i32
        %dma_start3A_330 = tpu.memref_slice %arg8[%select_n3A_78, %dma_start3A_328, %dma_start3A_329] : memref<2x8x128xi32, #tpu.memory_space<vmem>> -> memref<1x8x128xi32, #tpu.memory_space<vmem>>
        %dma_start3A_331 = tpu.memref_squeeze %dma_start3A_330 : memref<1x8x128xi32, #tpu.memory_space<vmem>> -> memref<8x128xi32, #tpu.memory_space<vmem>>
        %dma_start3A_332 = arith.constant 0 : i32
        %dma_start3A_333 = tpu.memref_slice %arg4[%add3A_321, %dma_start3A_332] : memref<2560x128xi32, #tpu.memory_space<hbm>> -> memref<8x128xi32, #tpu.memory_space<hbm>>
        tpu.enqueue_dma source(%dma_start3A_333 : memref<8x128xi32, #tpu.memory_space<hbm>>) target(%dma_start3A_331 : memref<8x128xi32, #tpu.memory_space<vmem>>) target_semaphore(%arg16 : memref<!tpu.dma_semaphore, #tpu.memory_space<semaphore_mem>>)
      } else {
      }
      %dma_wait3A_84 = arith.constant 0 : i32
      %dma_wait3A_85 = arith.constant 0 : i32
      %dma_wait3A_86 = arith.constant 0 : i32
      %dma_wait3A_87 = tpu.memref_slice %arg7[%dma_wait3A_84, %dma_wait3A_85, %dma_wait3A_86] : memref<2x8x128xi32, #tpu.memory_space<vmem>> -> memref<1x1x128xi32, #tpu.memory_space<vmem>>
      %dma_wait3A_88 = tpu.memref_squeeze %dma_wait3A_87 : memref<1x1x128xi32, #tpu.memory_space<vmem>> -> memref<128xi32, #tpu.memory_space<vmem>>
      %dma_wait3A_89 = arith.constant 0 : i32
      %dma_wait3A_90 = arith.constant 0 : i32
      %dma_wait3A_91 = tpu.memref_slice %arg2[%dma_wait3A_89, %dma_wait3A_90] : memref<20000x128xf32, #tpu.memory_space<hbm>> -> memref<20000x128xf32, #tpu.memory_space<hbm>>
      tpu.wait_indirect_dma semaphore(%arg11 : memref<!tpu.dma_semaphore, #tpu.memory_space<semaphore_mem>>) src(%dma_wait3A_91 : memref<20000x128xf32, #tpu.memory_space<hbm>>) dst(%arg9 : memref<128x128xf32, #tpu.memory_space<vmem>>)
      %dma_start3A_92 = arith.constant 0 : i32
      %dma_start3A_93 = arith.constant 0 : i32
      %dma_start3A_94 = tpu.memref_slice %arg8[%select_n3A_60, %dma_start3A_92, %dma_start3A_93] : memref<2x8x128xi32, #tpu.memory_space<vmem>> -> memref<1x1x128xi32, #tpu.memory_space<vmem>>
      %dma_start3A_95 = tpu.memref_squeeze %dma_start3A_94 : memref<1x1x128xi32, #tpu.memory_space<vmem>> -> memref<128xi32, #tpu.memory_space<vmem>>
      %dma_start3A_96 = arith.constant 0 : i32
      %dma_start3A_97 = arith.constant 0 : i32
      %dma_start3A_98 = tpu.memref_slice %arg17[%dma_start3A_96, %dma_start3A_97] : memref<10112x128xf32, #tpu.memory_space<vmem_shared>> -> memref<10112x128xf32, #tpu.memory_space<vmem_shared>>
      tpu.enqueue_indirect_dma source(%arg9 : memref<128x128xf32, #tpu.memory_space<vmem>>) target(%dma_start3A_98 : memref<10112x128xf32, #tpu.memory_space<vmem_shared>>) offsets(%dma_start3A_95 : memref<128xi32, #tpu.memory_space<vmem>>) semaphore(%arg13 : memref<!tpu.dma_semaphore, #tpu.memory_space<semaphore_mem>>) {add = true}
      %dma_wait3A_99 = arith.constant 0 : i32
      %dma_wait3A_100 = arith.constant 0 : i32
      %dma_wait3A_101 = arith.constant 0 : i32
      %dma_wait3A_102 = tpu.memref_slice %arg8[%dma_wait3A_99, %dma_wait3A_100, %dma_wait3A_101] : memref<2x8x128xi32, #tpu.memory_space<vmem>> -> memref<1x1x128xi32, #tpu.memory_space<vmem>>
      %dma_wait3A_103 = tpu.memref_squeeze %dma_wait3A_102 : memref<1x1x128xi32, #tpu.memory_space<vmem>> -> memref<128xi32, #tpu.memory_space<vmem>>
      %dma_wait3A_104 = arith.constant 0 : i32
      %dma_wait3A_105 = arith.constant 0 : i32
      %dma_wait3A_106 = tpu.memref_slice %arg17[%dma_wait3A_104, %dma_wait3A_105] : memref<10112x128xf32, #tpu.memory_space<vmem_shared>> -> memref<10112x128xf32, #tpu.memory_space<vmem_shared>>
      tpu.wait_indirect_dma semaphore(%arg13 : memref<!tpu.dma_semaphore, #tpu.memory_space<semaphore_mem>>) src(%arg9 : memref<128x128xf32, #tpu.memory_space<vmem>>) dst(%dma_wait3A_106 : memref<10112x128xf32, #tpu.memory_space<vmem_shared>>)
      %dma_start3A_107 = arith.constant 2 : i32
      %dma_start3A_108 = arith.constant 0 : i32
      %dma_start3A_109 = tpu.memref_slice %arg7[%select_n3A_60, %dma_start3A_107, %dma_start3A_108] : memref<2x8x128xi32, #tpu.memory_space<vmem>> -> memref<1x1x128xi32, #tpu.memory_space<vmem>>
      %dma_start3A_110 = tpu.memref_squeeze %dma_start3A_109 : memref<1x1x128xi32, #tpu.memory_space<vmem>> -> memref<128xi32, #tpu.memory_space<vmem>>
      %dma_start3A_111 = arith.constant 0 : i32
      %dma_start3A_112 = arith.constant 0 : i32
      %dma_start3A_113 = tpu.memref_slice %arg2[%dma_start3A_111, %dma_start3A_112] : memref<20000x128xf32, #tpu.memory_space<hbm>> -> memref<20000x128xf32, #tpu.memory_space<hbm>>
      tpu.enqueue_indirect_dma source(%dma_start3A_113 : memref<20000x128xf32, #tpu.memory_space<hbm>>) target(%arg9 : memref<128x128xf32, #tpu.memory_space<vmem>>) offsets(%dma_start3A_110 : memref<128xi32, #tpu.memory_space<vmem>>) semaphore(%arg11 : memref<!tpu.dma_semaphore, #tpu.memory_space<semaphore_mem>>)
      %dma_wait3A_114 = arith.constant 0 : i32
      %dma_wait3A_115 = arith.constant 0 : i32
      %dma_wait3A_116 = arith.constant 0 : i32
      %dma_wait3A_117 = tpu.memref_slice %arg7[%dma_wait3A_114, %dma_wait3A_115, %dma_wait3A_116] : memref<2x8x128xi32, #tpu.memory_space<vmem>> -> memref<1x1x128xi32, #tpu.memory_space<vmem>>
      %dma_wait3A_118 = tpu.memref_squeeze %dma_wait3A_117 : memref<1x1x128xi32, #tpu.memory_space<vmem>> -> memref<128xi32, #tpu.memory_space<vmem>>
      %dma_wait3A_119 = arith.constant 0 : i32
      %dma_wait3A_120 = arith.constant 0 : i32
      %dma_wait3A_121 = tpu.memref_slice %arg2[%dma_wait3A_119, %dma_wait3A_120] : memref<20000x128xf32, #tpu.memory_space<hbm>> -> memref<20000x128xf32, #tpu.memory_space<hbm>>
      tpu.wait_indirect_dma semaphore(%arg12 : memref<!tpu.dma_semaphore, #tpu.memory_space<semaphore_mem>>) src(%dma_wait3A_121 : memref<20000x128xf32, #tpu.memory_space<hbm>>) dst(%arg10 : memref<128x128xf32, #tpu.memory_space<vmem>>)
      %dma_start3A_122 = arith.constant 1 : i32
      %dma_start3A_123 = arith.constant 0 : i32
      %dma_start3A_124 = tpu.memref_slice %arg8[%select_n3A_60, %dma_start3A_122, %dma_start3A_123] : memref<2x8x128xi32, #tpu.memory_space<vmem>> -> memref<1x1x128xi32, #tpu.memory_space<vmem>>
      %dma_start3A_125 = tpu.memref_squeeze %dma_start3A_124 : memref<1x1x128xi32, #tpu.memory_space<vmem>> -> memref<128xi32, #tpu.memory_space<vmem>>
      %dma_start3A_126 = arith.constant 0 : i32
      %dma_start3A_127 = arith.constant 0 : i32
      %dma_start3A_128 = tpu.memref_slice %arg17[%dma_start3A_126, %dma_start3A_127] : memref<10112x128xf32, #tpu.memory_space<vmem_shared>> -> memref<10112x128xf32, #tpu.memory_space<vmem_shared>>
      tpu.enqueue_indirect_dma source(%arg10 : memref<128x128xf32, #tpu.memory_space<vmem>>) target(%dma_start3A_128 : memref<10112x128xf32, #tpu.memory_space<vmem_shared>>) offsets(%dma_start3A_125 : memref<128xi32, #tpu.memory_space<vmem>>) semaphore(%arg14 : memref<!tpu.dma_semaphore, #tpu.memory_space<semaphore_mem>>) {add = true}
      %dma_wait3A_129 = arith.constant 0 : i32
      %dma_wait3A_130 = arith.constant 0 : i32
      %dma_wait3A_131 = arith.constant 0 : i32
      %dma_wait3A_132 = tpu.memref_slice %arg8[%dma_wait3A_129, %dma_wait3A_130, %dma_wait3A_131] : memref<2x8x128xi32, #tpu.memory_space<vmem>> -> memref<1x1x128xi32, #tpu.memory_space<vmem>>
      %dma_wait3A_133 = tpu.memref_squeeze %dma_wait3A_132 : memref<1x1x128xi32, #tpu.memory_space<vmem>> -> memref<128xi32, #tpu.memory_space<vmem>>
      %dma_wait3A_134 = arith.constant 0 : i32
      %dma_wait3A_135 = arith.constant 0 : i32
      %dma_wait3A_136 = tpu.memref_slice %arg17[%dma_wait3A_134, %dma_wait3A_135] : memref<10112x128xf32, #tpu.memory_space<vmem_shared>> -> memref<10112x128xf32, #tpu.memory_space<vmem_shared>>
      tpu.wait_indirect_dma semaphore(%arg14 : memref<!tpu.dma_semaphore, #tpu.memory_space<semaphore_mem>>) src(%arg10 : memref<128x128xf32, #tpu.memory_space<vmem>>) dst(%dma_wait3A_136 : memref<10112x128xf32, #tpu.memory_space<vmem_shared>>)
      %dma_start3A_137 = arith.constant 3 : i32
      %dma_start3A_138 = arith.constant 0 : i32
      %dma_start3A_139 = tpu.memref_slice %arg7[%select_n3A_60, %dma_start3A_137, %dma_start3A_138] : memref<2x8x128xi32, #tpu.memory_space<vmem>> -> memref<1x1x128xi32, #tpu.memory_space<vmem>>
      %dma_start3A_140 = tpu.memref_squeeze %dma_start3A_139 : memref<1x1x128xi32, #tpu.memory_space<vmem>> -> memref<128xi32, #tpu.memory_space<vmem>>
      %dma_start3A_141 = arith.constant 0 : i32
      %dma_start3A_142 = arith.constant 0 : i32
      %dma_start3A_143 = tpu.memref_slice %arg2[%dma_start3A_141, %dma_start3A_142] : memref<20000x128xf32, #tpu.memory_space<hbm>> -> memref<20000x128xf32, #tpu.memory_space<hbm>>
      tpu.enqueue_indirect_dma source(%dma_start3A_143 : memref<20000x128xf32, #tpu.memory_space<hbm>>) target(%arg10 : memref<128x128xf32, #tpu.memory_space<vmem>>) offsets(%dma_start3A_140 : memref<128xi32, #tpu.memory_space<vmem>>) semaphore(%arg12 : memref<!tpu.dma_semaphore, #tpu.memory_space<semaphore_mem>>)
      %dma_wait3A_144 = arith.constant 0 : i32
      %dma_wait3A_145 = arith.constant 0 : i32
      %dma_wait3A_146 = arith.constant 0 : i32
      %dma_wait3A_147 = tpu.memref_slice %arg7[%dma_wait3A_144, %dma_wait3A_145, %dma_wait3A_146] : memref<2x8x128xi32, #tpu.memory_space<vmem>> -> memref<1x1x128xi32, #tpu.memory_space<vmem>>
      %dma_wait3A_148 = tpu.memref_squeeze %dma_wait3A_147 : memref<1x1x128xi32, #tpu.memory_space<vmem>> -> memref<128xi32, #tpu.memory_space<vmem>>
      %dma_wait3A_149 = arith.constant 0 : i32
      %dma_wait3A_150 = arith.constant 0 : i32
      %dma_wait3A_151 = tpu.memref_slice %arg2[%dma_wait3A_149, %dma_wait3A_150] : memref<20000x128xf32, #tpu.memory_space<hbm>> -> memref<20000x128xf32, #tpu.memory_space<hbm>>
      tpu.wait_indirect_dma semaphore(%arg11 : memref<!tpu.dma_semaphore, #tpu.memory_space<semaphore_mem>>) src(%dma_wait3A_151 : memref<20000x128xf32, #tpu.memory_space<hbm>>) dst(%arg9 : memref<128x128xf32, #tpu.memory_space<vmem>>)
      %dma_start3A_152 = arith.constant 2 : i32
      %dma_start3A_153 = arith.constant 0 : i32
      %dma_start3A_154 = tpu.memref_slice %arg8[%select_n3A_60, %dma_start3A_152, %dma_start3A_153] : memref<2x8x128xi32, #tpu.memory_space<vmem>> -> memref<1x1x128xi32, #tpu.memory_space<vmem>>
      %dma_start3A_155 = tpu.memref_squeeze %dma_start3A_154 : memref<1x1x128xi32, #tpu.memory_space<vmem>> -> memref<128xi32, #tpu.memory_space<vmem>>
      %dma_start3A_156 = arith.constant 0 : i32
      %dma_start3A_157 = arith.constant 0 : i32
      %dma_start3A_158 = tpu.memref_slice %arg17[%dma_start3A_156, %dma_start3A_157] : memref<10112x128xf32, #tpu.memory_space<vmem_shared>> -> memref<10112x128xf32, #tpu.memory_space<vmem_shared>>
      tpu.enqueue_indirect_dma source(%arg9 : memref<128x128xf32, #tpu.memory_space<vmem>>) target(%dma_start3A_158 : memref<10112x128xf32, #tpu.memory_space<vmem_shared>>) offsets(%dma_start3A_155 : memref<128xi32, #tpu.memory_space<vmem>>) semaphore(%arg13 : memref<!tpu.dma_semaphore, #tpu.memory_space<semaphore_mem>>) {add = true}
      %dma_wait3A_159 = arith.constant 0 : i32
      %dma_wait3A_160 = arith.constant 0 : i32
      %dma_wait3A_161 = arith.constant 0 : i32
      %dma_wait3A_162 = tpu.memref_slice %arg8[%dma_wait3A_159, %dma_wait3A_160, %dma_wait3A_161] : memref<2x8x128xi32, #tpu.memory_space<vmem>> -> memref<1x1x128xi32, #tpu.memory_space<vmem>>
      %dma_wait3A_163 = tpu.memref_squeeze %dma_wait3A_162 : memref<1x1x128xi32, #tpu.memory_space<vmem>> -> memref<128xi32, #tpu.memory_space<vmem>>
      %dma_wait3A_164 = arith.constant 0 : i32
      %dma_wait3A_165 = arith.constant 0 : i32
      %dma_wait3A_166 = tpu.memref_slice %arg17[%dma_wait3A_164, %dma_wait3A_165] : memref<10112x128xf32, #tpu.memory_space<vmem_shared>> -> memref<10112x128xf32, #tpu.memory_space<vmem_shared>>
      tpu.wait_indirect_dma semaphore(%arg13 : memref<!tpu.dma_semaphore, #tpu.memory_space<semaphore_mem>>) src(%arg9 : memref<128x128xf32, #tpu.memory_space<vmem>>) dst(%dma_wait3A_166 : memref<10112x128xf32, #tpu.memory_space<vmem_shared>>)
      %dma_start3A_167 = arith.constant 4 : i32
      %dma_start3A_168 = arith.constant 0 : i32
      %dma_start3A_169 = tpu.memref_slice %arg7[%select_n3A_60, %dma_start3A_167, %dma_start3A_168] : memref<2x8x128xi32, #tpu.memory_space<vmem>> -> memref<1x1x128xi32, #tpu.memory_space<vmem>>
      %dma_start3A_170 = tpu.memref_squeeze %dma_start3A_169 : memref<1x1x128xi32, #tpu.memory_space<vmem>> -> memref<128xi32, #tpu.memory_space<vmem>>
      %dma_start3A_171 = arith.constant 0 : i32
      %dma_start3A_172 = arith.constant 0 : i32
      %dma_start3A_173 = tpu.memref_slice %arg2[%dma_start3A_171, %dma_start3A_172] : memref<20000x128xf32, #tpu.memory_space<hbm>> -> memref<20000x128xf32, #tpu.memory_space<hbm>>
      tpu.enqueue_indirect_dma source(%dma_start3A_173 : memref<20000x128xf32, #tpu.memory_space<hbm>>) target(%arg9 : memref<128x128xf32, #tpu.memory_space<vmem>>) offsets(%dma_start3A_170 : memref<128xi32, #tpu.memory_space<vmem>>) semaphore(%arg11 : memref<!tpu.dma_semaphore, #tpu.memory_space<semaphore_mem>>)
      %dma_wait3A_174 = arith.constant 0 : i32
      %dma_wait3A_175 = arith.constant 0 : i32
      %dma_wait3A_176 = arith.constant 0 : i32
      %dma_wait3A_177 = tpu.memref_slice %arg7[%dma_wait3A_174, %dma_wait3A_175, %dma_wait3A_176] : memref<2x8x128xi32, #tpu.memory_space<vmem>> -> memref<1x1x128xi32, #tpu.memory_space<vmem>>
      %dma_wait3A_178 = tpu.memref_squeeze %dma_wait3A_177 : memref<1x1x128xi32, #tpu.memory_space<vmem>> -> memref<128xi32, #tpu.memory_space<vmem>>
      %dma_wait3A_179 = arith.constant 0 : i32
      %dma_wait3A_180 = arith.constant 0 : i32
      %dma_wait3A_181 = tpu.memref_slice %arg2[%dma_wait3A_179, %dma_wait3A_180] : memref<20000x128xf32, #tpu.memory_space<hbm>> -> memref<20000x128xf32, #tpu.memory_space<hbm>>
      tpu.wait_indirect_dma semaphore(%arg12 : memref<!tpu.dma_semaphore, #tpu.memory_space<semaphore_mem>>) src(%dma_wait3A_181 : memref<20000x128xf32, #tpu.memory_space<hbm>>) dst(%arg10 : memref<128x128xf32, #tpu.memory_space<vmem>>)
      %dma_start3A_182 = arith.constant 3 : i32
      %dma_start3A_183 = arith.constant 0 : i32
      %dma_start3A_184 = tpu.memref_slice %arg8[%select_n3A_60, %dma_start3A_182, %dma_start3A_183] : memref<2x8x128xi32, #tpu.memory_space<vmem>> -> memref<1x1x128xi32, #tpu.memory_space<vmem>>
      %dma_start3A_185 = tpu.memref_squeeze %dma_start3A_184 : memref<1x1x128xi32, #tpu.memory_space<vmem>> -> memref<128xi32, #tpu.memory_space<vmem>>
      %dma_start3A_186 = arith.constant 0 : i32
      %dma_start3A_187 = arith.constant 0 : i32
      %dma_start3A_188 = tpu.memref_slice %arg17[%dma_start3A_186, %dma_start3A_187] : memref<10112x128xf32, #tpu.memory_space<vmem_shared>> -> memref<10112x128xf32, #tpu.memory_space<vmem_shared>>
      tpu.enqueue_indirect_dma source(%arg10 : memref<128x128xf32, #tpu.memory_space<vmem>>) target(%dma_start3A_188 : memref<10112x128xf32, #tpu.memory_space<vmem_shared>>) offsets(%dma_start3A_185 : memref<128xi32, #tpu.memory_space<vmem>>) semaphore(%arg14 : memref<!tpu.dma_semaphore, #tpu.memory_space<semaphore_mem>>) {add = true}
      %dma_wait3A_189 = arith.constant 0 : i32
      %dma_wait3A_190 = arith.constant 0 : i32
      %dma_wait3A_191 = arith.constant 0 : i32
      %dma_wait3A_192 = tpu.memref_slice %arg8[%dma_wait3A_189, %dma_wait3A_190, %dma_wait3A_191] : memref<2x8x128xi32, #tpu.memory_space<vmem>> -> memref<1x1x128xi32, #tpu.memory_space<vmem>>
      %dma_wait3A_193 = tpu.memref_squeeze %dma_wait3A_192 : memref<1x1x128xi32, #tpu.memory_space<vmem>> -> memref<128xi32, #tpu.memory_space<vmem>>
      %dma_wait3A_194 = arith.constant 0 : i32
      %dma_wait3A_195 = arith.constant 0 : i32
      %dma_wait3A_196 = tpu.memref_slice %arg17[%dma_wait3A_194, %dma_wait3A_195] : memref<10112x128xf32, #tpu.memory_space<vmem_shared>> -> memref<10112x128xf32, #tpu.memory_space<vmem_shared>>
      tpu.wait_indirect_dma semaphore(%arg14 : memref<!tpu.dma_semaphore, #tpu.memory_space<semaphore_mem>>) src(%arg10 : memref<128x128xf32, #tpu.memory_space<vmem>>) dst(%dma_wait3A_196 : memref<10112x128xf32, #tpu.memory_space<vmem_shared>>)
      %dma_start3A_197 = arith.constant 5 : i32
      %dma_start3A_198 = arith.constant 0 : i32
      %dma_start3A_199 = tpu.memref_slice %arg7[%select_n3A_60, %dma_start3A_197, %dma_start3A_198] : memref<2x8x128xi32, #tpu.memory_space<vmem>> -> memref<1x1x128xi32, #tpu.memory_space<vmem>>
      %dma_start3A_200 = tpu.memref_squeeze %dma_start3A_199 : memref<1x1x128xi32, #tpu.memory_space<vmem>> -> memref<128xi32, #tpu.memory_space<vmem>>
      %dma_start3A_201 = arith.constant 0 : i32
      %dma_start3A_202 = arith.constant 0 : i32
      %dma_start3A_203 = tpu.memref_slice %arg2[%dma_start3A_201, %dma_start3A_202] : memref<20000x128xf32, #tpu.memory_space<hbm>> -> memref<20000x128xf32, #tpu.memory_space<hbm>>
      tpu.enqueue_indirect_dma source(%dma_start3A_203 : memref<20000x128xf32, #tpu.memory_space<hbm>>) target(%arg10 : memref<128x128xf32, #tpu.memory_space<vmem>>) offsets(%dma_start3A_200 : memref<128xi32, #tpu.memory_space<vmem>>) semaphore(%arg12 : memref<!tpu.dma_semaphore, #tpu.memory_space<semaphore_mem>>)
      %dma_wait3A_204 = arith.constant 0 : i32
      %dma_wait3A_205 = arith.constant 0 : i32
      %dma_wait3A_206 = arith.constant 0 : i32
      %dma_wait3A_207 = tpu.memref_slice %arg7[%dma_wait3A_204, %dma_wait3A_205, %dma_wait3A_206] : memref<2x8x128xi32, #tpu.memory_space<vmem>> -> memref<1x1x128xi32, #tpu.memory_space<vmem>>
      %dma_wait3A_208 = tpu.memref_squeeze %dma_wait3A_207 : memref<1x1x128xi32, #tpu.memory_space<vmem>> -> memref<128xi32, #tpu.memory_space<vmem>>
      %dma_wait3A_209 = arith.constant 0 : i32
      %dma_wait3A_210 = arith.constant 0 : i32
      %dma_wait3A_211 = tpu.memref_slice %arg2[%dma_wait3A_209, %dma_wait3A_210] : memref<20000x128xf32, #tpu.memory_space<hbm>> -> memref<20000x128xf32, #tpu.memory_space<hbm>>
      tpu.wait_indirect_dma semaphore(%arg11 : memref<!tpu.dma_semaphore, #tpu.memory_space<semaphore_mem>>) src(%dma_wait3A_211 : memref<20000x128xf32, #tpu.memory_space<hbm>>) dst(%arg9 : memref<128x128xf32, #tpu.memory_space<vmem>>)
      %dma_start3A_212 = arith.constant 4 : i32
      %dma_start3A_213 = arith.constant 0 : i32
      %dma_start3A_214 = tpu.memref_slice %arg8[%select_n3A_60, %dma_start3A_212, %dma_start3A_213] : memref<2x8x128xi32, #tpu.memory_space<vmem>> -> memref<1x1x128xi32, #tpu.memory_space<vmem>>
      %dma_start3A_215 = tpu.memref_squeeze %dma_start3A_214 : memref<1x1x128xi32, #tpu.memory_space<vmem>> -> memref<128xi32, #tpu.memory_space<vmem>>
      %dma_start3A_216 = arith.constant 0 : i32
      %dma_start3A_217 = arith.constant 0 : i32
      %dma_start3A_218 = tpu.memref_slice %arg17[%dma_start3A_216, %dma_start3A_217] : memref<10112x128xf32, #tpu.memory_space<vmem_shared>> -> memref<10112x128xf32, #tpu.memory_space<vmem_shared>>
      tpu.enqueue_indirect_dma source(%arg9 : memref<128x128xf32, #tpu.memory_space<vmem>>) target(%dma_start3A_218 : memref<10112x128xf32, #tpu.memory_space<vmem_shared>>) offsets(%dma_start3A_215 : memref<128xi32, #tpu.memory_space<vmem>>) semaphore(%arg13 : memref<!tpu.dma_semaphore, #tpu.memory_space<semaphore_mem>>) {add = true}
      %dma_wait3A_219 = arith.constant 0 : i32
      %dma_wait3A_220 = arith.constant 0 : i32
      %dma_wait3A_221 = arith.constant 0 : i32
      %dma_wait3A_222 = tpu.memref_slice %arg8[%dma_wait3A_219, %dma_wait3A_220, %dma_wait3A_221] : memref<2x8x128xi32, #tpu.memory_space<vmem>> -> memref<1x1x128xi32, #tpu.memory_space<vmem>>
      %dma_wait3A_223 = tpu.memref_squeeze %dma_wait3A_222 : memref<1x1x128xi32, #tpu.memory_space<vmem>> -> memref<128xi32, #tpu.memory_space<vmem>>
      %dma_wait3A_224 = arith.constant 0 : i32
      %dma_wait3A_225 = arith.constant 0 : i32
      %dma_wait3A_226 = tpu.memref_slice %arg17[%dma_wait3A_224, %dma_wait3A_225] : memref<10112x128xf32, #tpu.memory_space<vmem_shared>> -> memref<10112x128xf32, #tpu.memory_space<vmem_shared>>
      tpu.wait_indirect_dma semaphore(%arg13 : memref<!tpu.dma_semaphore, #tpu.memory_space<semaphore_mem>>) src(%arg9 : memref<128x128xf32, #tpu.memory_space<vmem>>) dst(%dma_wait3A_226 : memref<10112x128xf32, #tpu.memory_space<vmem_shared>>)
      %dma_start3A_227 = arith.constant 6 : i32
      %dma_start3A_228 = arith.constant 0 : i32
      %dma_start3A_229 = tpu.memref_slice %arg7[%select_n3A_60, %dma_start3A_227, %dma_start3A_228] : memref<2x8x128xi32, #tpu.memory_space<vmem>> -> memref<1x1x128xi32, #tpu.memory_space<vmem>>
      %dma_start3A_230 = tpu.memref_squeeze %dma_start3A_229 : memref<1x1x128xi32, #tpu.memory_space<vmem>> -> memref<128xi32, #tpu.memory_space<vmem>>
      %dma_start3A_231 = arith.constant 0 : i32
      %dma_start3A_232 = arith.constant 0 : i32
      %dma_start3A_233 = tpu.memref_slice %arg2[%dma_start3A_231, %dma_start3A_232] : memref<20000x128xf32, #tpu.memory_space<hbm>> -> memref<20000x128xf32, #tpu.memory_space<hbm>>
      tpu.enqueue_indirect_dma source(%dma_start3A_233 : memref<20000x128xf32, #tpu.memory_space<hbm>>) target(%arg9 : memref<128x128xf32, #tpu.memory_space<vmem>>) offsets(%dma_start3A_230 : memref<128xi32, #tpu.memory_space<vmem>>) semaphore(%arg11 : memref<!tpu.dma_semaphore, #tpu.memory_space<semaphore_mem>>)
      %dma_wait3A_234 = arith.constant 0 : i32
      %dma_wait3A_235 = arith.constant 0 : i32
      %dma_wait3A_236 = arith.constant 0 : i32
      %dma_wait3A_237 = tpu.memref_slice %arg7[%dma_wait3A_234, %dma_wait3A_235, %dma_wait3A_236] : memref<2x8x128xi32, #tpu.memory_space<vmem>> -> memref<1x1x128xi32, #tpu.memory_space<vmem>>
      %dma_wait3A_238 = tpu.memref_squeeze %dma_wait3A_237 : memref<1x1x128xi32, #tpu.memory_space<vmem>> -> memref<128xi32, #tpu.memory_space<vmem>>
      %dma_wait3A_239 = arith.constant 0 : i32
      %dma_wait3A_240 = arith.constant 0 : i32
      %dma_wait3A_241 = tpu.memref_slice %arg2[%dma_wait3A_239, %dma_wait3A_240] : memref<20000x128xf32, #tpu.memory_space<hbm>> -> memref<20000x128xf32, #tpu.memory_space<hbm>>
      tpu.wait_indirect_dma semaphore(%arg12 : memref<!tpu.dma_semaphore, #tpu.memory_space<semaphore_mem>>) src(%dma_wait3A_241 : memref<20000x128xf32, #tpu.memory_space<hbm>>) dst(%arg10 : memref<128x128xf32, #tpu.memory_space<vmem>>)
      %dma_start3A_242 = arith.constant 5 : i32
      %dma_start3A_243 = arith.constant 0 : i32
      %dma_start3A_244 = tpu.memref_slice %arg8[%select_n3A_60, %dma_start3A_242, %dma_start3A_243] : memref<2x8x128xi32, #tpu.memory_space<vmem>> -> memref<1x1x128xi32, #tpu.memory_space<vmem>>
      %dma_start3A_245 = tpu.memref_squeeze %dma_start3A_244 : memref<1x1x128xi32, #tpu.memory_space<vmem>> -> memref<128xi32, #tpu.memory_space<vmem>>
      %dma_start3A_246 = arith.constant 0 : i32
      %dma_start3A_247 = arith.constant 0 : i32
      %dma_start3A_248 = tpu.memref_slice %arg17[%dma_start3A_246, %dma_start3A_247] : memref<10112x128xf32, #tpu.memory_space<vmem_shared>> -> memref<10112x128xf32, #tpu.memory_space<vmem_shared>>
      tpu.enqueue_indirect_dma source(%arg10 : memref<128x128xf32, #tpu.memory_space<vmem>>) target(%dma_start3A_248 : memref<10112x128xf32, #tpu.memory_space<vmem_shared>>) offsets(%dma_start3A_245 : memref<128xi32, #tpu.memory_space<vmem>>) semaphore(%arg14 : memref<!tpu.dma_semaphore, #tpu.memory_space<semaphore_mem>>) {add = true}
      %dma_wait3A_249 = arith.constant 0 : i32
      %dma_wait3A_250 = arith.constant 0 : i32
      %dma_wait3A_251 = arith.constant 0 : i32
      %dma_wait3A_252 = tpu.memref_slice %arg8[%dma_wait3A_249, %dma_wait3A_250, %dma_wait3A_251] : memref<2x8x128xi32, #tpu.memory_space<vmem>> -> memref<1x1x128xi32, #tpu.memory_space<vmem>>
      %dma_wait3A_253 = tpu.memref_squeeze %dma_wait3A_252 : memref<1x1x128xi32, #tpu.memory_space<vmem>> -> memref<128xi32, #tpu.memory_space<vmem>>
      %dma_wait3A_254 = arith.constant 0 : i32
      %dma_wait3A_255 = arith.constant 0 : i32
      %dma_wait3A_256 = tpu.memref_slice %arg17[%dma_wait3A_254, %dma_wait3A_255] : memref<10112x128xf32, #tpu.memory_space<vmem_shared>> -> memref<10112x128xf32, #tpu.memory_space<vmem_shared>>
      tpu.wait_indirect_dma semaphore(%arg14 : memref<!tpu.dma_semaphore, #tpu.memory_space<semaphore_mem>>) src(%arg10 : memref<128x128xf32, #tpu.memory_space<vmem>>) dst(%dma_wait3A_256 : memref<10112x128xf32, #tpu.memory_space<vmem_shared>>)
      %dma_start3A_257 = arith.constant 7 : i32
      %dma_start3A_258 = arith.constant 0 : i32
      %dma_start3A_259 = tpu.memref_slice %arg7[%select_n3A_60, %dma_start3A_257, %dma_start3A_258] : memref<2x8x128xi32, #tpu.memory_space<vmem>> -> memref<1x1x128xi32, #tpu.memory_space<vmem>>
      %dma_start3A_260 = tpu.memref_squeeze %dma_start3A_259 : memref<1x1x128xi32, #tpu.memory_space<vmem>> -> memref<128xi32, #tpu.memory_space<vmem>>
      %dma_start3A_261 = arith.constant 0 : i32
      %dma_start3A_262 = arith.constant 0 : i32
      %dma_start3A_263 = tpu.memref_slice %arg2[%dma_start3A_261, %dma_start3A_262] : memref<20000x128xf32, #tpu.memory_space<hbm>> -> memref<20000x128xf32, #tpu.memory_space<hbm>>
      tpu.enqueue_indirect_dma source(%dma_start3A_263 : memref<20000x128xf32, #tpu.memory_space<hbm>>) target(%arg10 : memref<128x128xf32, #tpu.memory_space<vmem>>) offsets(%dma_start3A_260 : memref<128xi32, #tpu.memory_space<vmem>>) semaphore(%arg12 : memref<!tpu.dma_semaphore, #tpu.memory_space<semaphore_mem>>)
      %dma_wait3A_264 = arith.constant 0 : i32
      %dma_wait3A_265 = arith.constant 0 : i32
      %dma_wait3A_266 = arith.constant 0 : i32
      %dma_wait3A_267 = tpu.memref_slice %arg7[%dma_wait3A_264, %dma_wait3A_265, %dma_wait3A_266] : memref<2x8x128xi32, #tpu.memory_space<vmem>> -> memref<1x1x128xi32, #tpu.memory_space<vmem>>
      %dma_wait3A_268 = tpu.memref_squeeze %dma_wait3A_267 : memref<1x1x128xi32, #tpu.memory_space<vmem>> -> memref<128xi32, #tpu.memory_space<vmem>>
      %dma_wait3A_269 = arith.constant 0 : i32
      %dma_wait3A_270 = arith.constant 0 : i32
      %dma_wait3A_271 = tpu.memref_slice %arg2[%dma_wait3A_269, %dma_wait3A_270] : memref<20000x128xf32, #tpu.memory_space<hbm>> -> memref<20000x128xf32, #tpu.memory_space<hbm>>
      tpu.wait_indirect_dma semaphore(%arg11 : memref<!tpu.dma_semaphore, #tpu.memory_space<semaphore_mem>>) src(%dma_wait3A_271 : memref<20000x128xf32, #tpu.memory_space<hbm>>) dst(%arg9 : memref<128x128xf32, #tpu.memory_space<vmem>>)
      %dma_start3A_272 = arith.constant 6 : i32
      %dma_start3A_273 = arith.constant 0 : i32
      %dma_start3A_274 = tpu.memref_slice %arg8[%select_n3A_60, %dma_start3A_272, %dma_start3A_273] : memref<2x8x128xi32, #tpu.memory_space<vmem>> -> memref<1x1x128xi32, #tpu.memory_space<vmem>>
      %dma_start3A_275 = tpu.memref_squeeze %dma_start3A_274 : memref<1x1x128xi32, #tpu.memory_space<vmem>> -> memref<128xi32, #tpu.memory_space<vmem>>
      %dma_start3A_276 = arith.constant 0 : i32
      %dma_start3A_277 = arith.constant 0 : i32
      %dma_start3A_278 = tpu.memref_slice %arg17[%dma_start3A_276, %dma_start3A_277] : memref<10112x128xf32, #tpu.memory_space<vmem_shared>> -> memref<10112x128xf32, #tpu.memory_space<vmem_shared>>
      tpu.enqueue_indirect_dma source(%arg9 : memref<128x128xf32, #tpu.memory_space<vmem>>) target(%dma_start3A_278 : memref<10112x128xf32, #tpu.memory_space<vmem_shared>>) offsets(%dma_start3A_275 : memref<128xi32, #tpu.memory_space<vmem>>) semaphore(%arg13 : memref<!tpu.dma_semaphore, #tpu.memory_space<semaphore_mem>>) {add = true}
      %convert_element_type3A_279 = arith.extui %lt3A_82 : i1 to i32
      %cond3A_280 = arith.constant 0 : i32
      %cond3A_281 = arith.cmpi ne, %convert_element_type3A_279, %cond3A_280 : i32
      scf.if %cond3A_281 {
        %dma_wait3A_300 = arith.constant 0 : i32
        %dma_wait3A_301 = arith.constant 0 : i32
        %dma_wait3A_302 = tpu.memref_slice %arg7[%select_n3A_78, %dma_wait3A_300, %dma_wait3A_301] : memref<2x8x128xi32, #tpu.memory_space<vmem>> -> memref<1x8x128xi32, #tpu.memory_space<vmem>>
        %dma_wait3A_303 = tpu.memref_squeeze %dma_wait3A_302 : memref<1x8x128xi32, #tpu.memory_space<vmem>> -> memref<8x128xi32, #tpu.memory_space<vmem>>
        %dma_wait3A_304 = arith.constant 0 : i32
        %dma_wait3A_305 = tpu.memref_slice %arg3[%mul3A_2, %dma_wait3A_304] : memref<2560x128xi32, #tpu.memory_space<hbm>> -> memref<8x128xi32, #tpu.memory_space<hbm>>
        %dma_wait3A_306 = arith.constant 0 : i32
        %dma_wait3A_307 = arith.constant 0 : i32
        %dma_wait3A_308 = tpu.memref_slice %arg7[%select_n3A_78, %dma_wait3A_306, %dma_wait3A_307] : memref<2x8x128xi32, #tpu.memory_space<vmem>> -> memref<1x8x128xi32, #tpu.memory_space<vmem>>
        %dma_wait3A_309 = tpu.memref_squeeze %dma_wait3A_308 : memref<1x8x128xi32, #tpu.memory_space<vmem>> -> memref<8x128xi32, #tpu.memory_space<vmem>>
        %dma_wait3A_310 = arith.constant 0 : i32
        %dma_wait3A_311 = tpu.memref_slice %arg3[%mul3A_2, %dma_wait3A_310] : memref<2560x128xi32, #tpu.memory_space<hbm>> -> memref<8x128xi32, #tpu.memory_space<hbm>>
        tpu.wait_dma2 semaphore(%arg15 : memref<!tpu.dma_semaphore, #tpu.memory_space<semaphore_mem>>) src(%dma_wait3A_311 : memref<8x128xi32, #tpu.memory_space<hbm>>) dst(%dma_wait3A_309 : memref<8x128xi32, #tpu.memory_space<vmem>>)
        %dma_wait3A_312 = arith.constant 0 : i32
        %dma_wait3A_313 = arith.constant 0 : i32
        %dma_wait3A_314 = tpu.memref_slice %arg8[%select_n3A_78, %dma_wait3A_312, %dma_wait3A_313] : memref<2x8x128xi32, #tpu.memory_space<vmem>> -> memref<1x8x128xi32, #tpu.memory_space<vmem>>
        %dma_wait3A_315 = tpu.memref_squeeze %dma_wait3A_314 : memref<1x8x128xi32, #tpu.memory_space<vmem>> -> memref<8x128xi32, #tpu.memory_space<vmem>>
        %dma_wait3A_316 = arith.constant 0 : i32
        %dma_wait3A_317 = tpu.memref_slice %arg4[%mul3A_2, %dma_wait3A_316] : memref<2560x128xi32, #tpu.memory_space<hbm>> -> memref<8x128xi32, #tpu.memory_space<hbm>>
        %dma_wait3A_318 = arith.constant 0 : i32
        %dma_wait3A_319 = arith.constant 0 : i32
        %dma_wait3A_320 = tpu.memref_slice %arg8[%select_n3A_78, %dma_wait3A_318, %dma_wait3A_319] : memref<2x8x128xi32, #tpu.memory_space<vmem>> -> memref<1x8x128xi32, #tpu.memory_space<vmem>>
        %dma_wait3A_321 = tpu.memref_squeeze %dma_wait3A_320 : memref<1x8x128xi32, #tpu.memory_space<vmem>> -> memref<8x128xi32, #tpu.memory_space<vmem>>
        %dma_wait3A_322 = arith.constant 0 : i32
        %dma_wait3A_323 = tpu.memref_slice %arg4[%mul3A_2, %dma_wait3A_322] : memref<2560x128xi32, #tpu.memory_space<hbm>> -> memref<8x128xi32, #tpu.memory_space<hbm>>
        tpu.wait_dma2 semaphore(%arg16 : memref<!tpu.dma_semaphore, #tpu.memory_space<semaphore_mem>>) src(%dma_wait3A_323 : memref<8x128xi32, #tpu.memory_space<hbm>>) dst(%dma_wait3A_321 : memref<8x128xi32, #tpu.memory_space<vmem>>)
        %dma_wait3A_324 = arith.constant 0 : i32
        %dma_wait3A_325 = arith.constant 0 : i32
        %dma_wait3A_326 = arith.constant 0 : i32
        %dma_wait3A_327 = tpu.memref_slice %arg8[%dma_wait3A_324, %dma_wait3A_325, %dma_wait3A_326] : memref<2x8x128xi32, #tpu.memory_space<vmem>> -> memref<1x1x128xi32, #tpu.memory_space<vmem>>
        %dma_wait3A_328 = tpu.memref_squeeze %dma_wait3A_327 : memref<1x1x128xi32, #tpu.memory_space<vmem>> -> memref<128xi32, #tpu.memory_space<vmem>>
        %dma_wait3A_329 = arith.constant 0 : i32
        %dma_wait3A_330 = arith.constant 0 : i32
        %dma_wait3A_331 = tpu.memref_slice %arg17[%dma_wait3A_329, %dma_wait3A_330] : memref<10112x128xf32, #tpu.memory_space<vmem_shared>> -> memref<10112x128xf32, #tpu.memory_space<vmem_shared>>
        tpu.wait_indirect_dma semaphore(%arg13 : memref<!tpu.dma_semaphore, #tpu.memory_space<semaphore_mem>>) src(%arg9 : memref<128x128xf32, #tpu.memory_space<vmem>>) dst(%dma_wait3A_331 : memref<10112x128xf32, #tpu.memory_space<vmem_shared>>)
        %dma_start3A_332 = arith.constant 0 : i32
        %dma_start3A_333 = arith.constant 0 : i32
        %dma_start3A_334 = tpu.memref_slice %arg7[%select_n3A_78, %dma_start3A_332, %dma_start3A_333] : memref<2x8x128xi32, #tpu.memory_space<vmem>> -> memref<1x1x128xi32, #tpu.memory_space<vmem>>
        %dma_start3A_335 = tpu.memref_squeeze %dma_start3A_334 : memref<1x1x128xi32, #tpu.memory_space<vmem>> -> memref<128xi32, #tpu.memory_space<vmem>>
        %dma_start3A_336 = arith.constant 0 : i32
        %dma_start3A_337 = arith.constant 0 : i32
        %dma_start3A_338 = tpu.memref_slice %arg2[%dma_start3A_336, %dma_start3A_337] : memref<20000x128xf32, #tpu.memory_space<hbm>> -> memref<20000x128xf32, #tpu.memory_space<hbm>>
        tpu.enqueue_indirect_dma source(%dma_start3A_338 : memref<20000x128xf32, #tpu.memory_space<hbm>>) target(%arg9 : memref<128x128xf32, #tpu.memory_space<vmem>>) offsets(%dma_start3A_335 : memref<128xi32, #tpu.memory_space<vmem>>) semaphore(%arg11 : memref<!tpu.dma_semaphore, #tpu.memory_space<semaphore_mem>>)
      } else {
      }
      %dma_wait3A_282 = arith.constant 0 : i32
      %dma_wait3A_283 = arith.constant 0 : i32
      %dma_wait3A_284 = arith.constant 0 : i32
      %dma_wait3A_285 = tpu.memref_slice %arg7[%dma_wait3A_282, %dma_wait3A_283, %dma_wait3A_284] : memref<2x8x128xi32, #tpu.memory_space<vmem>> -> memref<1x1x128xi32, #tpu.memory_space<vmem>>
      %dma_wait3A_286 = tpu.memref_squeeze %dma_wait3A_285 : memref<1x1x128xi32, #tpu.memory_space<vmem>> -> memref<128xi32, #tpu.memory_space<vmem>>
      %dma_wait3A_287 = arith.constant 0 : i32
      %dma_wait3A_288 = arith.constant 0 : i32
      %dma_wait3A_289 = tpu.memref_slice %arg2[%dma_wait3A_287, %dma_wait3A_288] : memref<20000x128xf32, #tpu.memory_space<hbm>> -> memref<20000x128xf32, #tpu.memory_space<hbm>>
      tpu.wait_indirect_dma semaphore(%arg12 : memref<!tpu.dma_semaphore, #tpu.memory_space<semaphore_mem>>) src(%dma_wait3A_289 : memref<20000x128xf32, #tpu.memory_space<hbm>>) dst(%arg10 : memref<128x128xf32, #tpu.memory_space<vmem>>)
      %dma_start3A_290 = arith.constant 7 : i32
      %dma_start3A_291 = arith.constant 0 : i32
      %dma_start3A_292 = tpu.memref_slice %arg8[%select_n3A_60, %dma_start3A_290, %dma_start3A_291] : memref<2x8x128xi32, #tpu.memory_space<vmem>> -> memref<1x1x128xi32, #tpu.memory_space<vmem>>
      %dma_start3A_293 = tpu.memref_squeeze %dma_start3A_292 : memref<1x1x128xi32, #tpu.memory_space<vmem>> -> memref<128xi32, #tpu.memory_space<vmem>>
      %dma_start3A_294 = arith.constant 0 : i32
      %dma_start3A_295 = arith.constant 0 : i32
      %dma_start3A_296 = tpu.memref_slice %arg17[%dma_start3A_294, %dma_start3A_295] : memref<10112x128xf32, #tpu.memory_space<vmem_shared>> -> memref<10112x128xf32, #tpu.memory_space<vmem_shared>>
      tpu.enqueue_indirect_dma source(%arg10 : memref<128x128xf32, #tpu.memory_space<vmem>>) target(%dma_start3A_296 : memref<10112x128xf32, #tpu.memory_space<vmem_shared>>) offsets(%dma_start3A_293 : memref<128xi32, #tpu.memory_space<vmem>>) semaphore(%arg14 : memref<!tpu.dma_semaphore, #tpu.memory_space<semaphore_mem>>) {add = true}
      %convert_element_type3A_297 = arith.extui %lt3A_82 : i1 to i32
      %cond3A_298 = arith.constant 0 : i32
      %cond3A_299 = arith.cmpi ne, %convert_element_type3A_297, %cond3A_298 : i32
      scf.if %cond3A_299 {
        %dma_wait3A_300 = arith.constant 0 : i32
        %dma_wait3A_301 = arith.constant 0 : i32
        %dma_wait3A_302 = arith.constant 0 : i32
        %dma_wait3A_303 = tpu.memref_slice %arg8[%dma_wait3A_300, %dma_wait3A_301, %dma_wait3A_302] : memref<2x8x128xi32, #tpu.memory_space<vmem>> -> memref<1x1x128xi32, #tpu.memory_space<vmem>>
        %dma_wait3A_304 = tpu.memref_squeeze %dma_wait3A_303 : memref<1x1x128xi32, #tpu.memory_space<vmem>> -> memref<128xi32, #tpu.memory_space<vmem>>
        %dma_wait3A_305 = arith.constant 0 : i32
        %dma_wait3A_306 = arith.constant 0 : i32
        %dma_wait3A_307 = tpu.memref_slice %arg17[%dma_wait3A_305, %dma_wait3A_306] : memref<10112x128xf32, #tpu.memory_space<vmem_shared>> -> memref<10112x128xf32, #tpu.memory_space<vmem_shared>>
        tpu.wait_indirect_dma semaphore(%arg14 : memref<!tpu.dma_semaphore, #tpu.memory_space<semaphore_mem>>) src(%arg10 : memref<128x128xf32, #tpu.memory_space<vmem>>) dst(%dma_wait3A_307 : memref<10112x128xf32, #tpu.memory_space<vmem_shared>>)
        %dma_start3A_308 = arith.constant 1 : i32
        %dma_start3A_309 = arith.constant 0 : i32
        %dma_start3A_310 = tpu.memref_slice %arg7[%select_n3A_78, %dma_start3A_308, %dma_start3A_309] : memref<2x8x128xi32, #tpu.memory_space<vmem>> -> memref<1x1x128xi32, #tpu.memory_space<vmem>>
        %dma_start3A_311 = tpu.memref_squeeze %dma_start3A_310 : memref<1x1x128xi32, #tpu.memory_space<vmem>> -> memref<128xi32, #tpu.memory_space<vmem>>
        %dma_start3A_312 = arith.constant 0 : i32
        %dma_start3A_313 = arith.constant 0 : i32
        %dma_start3A_314 = tpu.memref_slice %arg2[%dma_start3A_312, %dma_start3A_313] : memref<20000x128xf32, #tpu.memory_space<hbm>> -> memref<20000x128xf32, #tpu.memory_space<hbm>>
        tpu.enqueue_indirect_dma source(%dma_start3A_314 : memref<20000x128xf32, #tpu.memory_space<hbm>>) target(%arg10 : memref<128x128xf32, #tpu.memory_space<vmem>>) offsets(%dma_start3A_311 : memref<128xi32, #tpu.memory_space<vmem>>) semaphore(%arg12 : memref<!tpu.dma_semaphore, #tpu.memory_space<semaphore_mem>>)
      } else {
      }
    }
    %scan3A_26 = arith.constant 10 : i32
    %dma_wait3A = arith.constant 0 : i32
    %dma_wait3A_27 = arith.constant 0 : i32
    %dma_wait3A_28 = arith.constant 0 : i32
    %dma_wait3A_29 = tpu.memref_slice %arg8[%dma_wait3A, %dma_wait3A_27, %dma_wait3A_28] : memref<2x8x128xi32, #tpu.memory_space<vmem>> -> memref<1x1x128xi32, #tpu.memory_space<vmem>>
    %dma_wait3A_30 = tpu.memref_squeeze %dma_wait3A_29 : memref<1x1x128xi32, #tpu.memory_space<vmem>> -> memref<128xi32, #tpu.memory_space<vmem>>
    %dma_wait3A_31 = arith.constant 0 : i32
    %dma_wait3A_32 = arith.constant 0 : i32
    %dma_wait3A_33 = tpu.memref_slice %arg17[%dma_wait3A_31, %dma_wait3A_32] : memref<10112x128xf32, #tpu.memory_space<vmem_shared>> -> memref<10112x128xf32, #tpu.memory_space<vmem_shared>>
    tpu.wait_indirect_dma semaphore(%arg13 : memref<!tpu.dma_semaphore, #tpu.memory_space<semaphore_mem>>) src(%arg9 : memref<128x128xf32, #tpu.memory_space<vmem>>) dst(%dma_wait3A_33 : memref<10112x128xf32, #tpu.memory_space<vmem_shared>>)
    %dma_wait3A_34 = arith.constant 0 : i32
    %dma_wait3A_35 = arith.constant 0 : i32
    %dma_wait3A_36 = arith.constant 0 : i32
    %dma_wait3A_37 = tpu.memref_slice %arg8[%dma_wait3A_34, %dma_wait3A_35, %dma_wait3A_36] : memref<2x8x128xi32, #tpu.memory_space<vmem>> -> memref<1x1x128xi32, #tpu.memory_space<vmem>>
    %dma_wait3A_38 = tpu.memref_squeeze %dma_wait3A_37 : memref<1x1x128xi32, #tpu.memory_space<vmem>> -> memref<128xi32, #tpu.memory_space<vmem>>
    %dma_wait3A_39 = arith.constant 0 : i32
    %dma_wait3A_40 = arith.constant 0 : i32
    %dma_wait3A_41 = tpu.memref_slice %arg17[%dma_wait3A_39, %dma_wait3A_40] : memref<10112x128xf32, #tpu.memory_space<vmem_shared>> -> memref<10112x128xf32, #tpu.memory_space<vmem_shared>>
    tpu.wait_indirect_dma semaphore(%arg14 : memref<!tpu.dma_semaphore, #tpu.memory_space<semaphore_mem>>) src(%arg10 : memref<128x128xf32, #tpu.memory_space<vmem>>) dst(%dma_wait3A_41 : memref<10112x128xf32, #tpu.memory_space<vmem_shared>>)
    %barrier3A_42 = arith.constant 0 : index
    tpu.barrier barrier_id(%barrier3A_42)
    %mul3A_43 = arith.constant 632 : i32
    %mul3A_44 = arith.muli %arg1, %mul3A_43 : i32
    %mul3A_45 = arith.constant 632 : i32
    %mul3A_46 = arith.muli %arg1, %mul3A_45 : i32
    "tpu.region"() ({
      %run_scoped3A_47 = tpu.sem_alloc : memref<!tpu.dma_semaphore, #tpu.memory_space<semaphore_mem>>
      %dma_start3A_48 = arith.constant 0 : i32
      %dma_start3A_49 = tpu.memref_slice %arg6[%arg0, %mul3A_46, %dma_start3A_48] : memref<2x10112x128xf32, #tpu.memory_space<hbm>> -> memref<1x632x128xf32, #tpu.memory_space<hbm>>
      %dma_start3A_50 = tpu.memref_squeeze %dma_start3A_49 : memref<1x632x128xf32, #tpu.memory_space<hbm>> -> memref<632x128xf32, #tpu.memory_space<hbm>>
      %dma_start3A_51 = arith.constant 0 : i32
      %dma_start3A_52 = tpu.memref_slice %arg17[%mul3A_44, %dma_start3A_51] : memref<10112x128xf32, #tpu.memory_space<vmem_shared>> -> memref<632x128xf32, #tpu.memory_space<vmem_shared>>
      tpu.enqueue_dma source(%dma_start3A_52 : memref<632x128xf32, #tpu.memory_space<vmem_shared>>) target(%dma_start3A_50 : memref<632x128xf32, #tpu.memory_space<hbm>>) target_semaphore(%run_scoped3A_47 : memref<!tpu.dma_semaphore, #tpu.memory_space<semaphore_mem>>)
      %dma_wait3A_53 = arith.constant 0 : i32
      %dma_wait3A_54 = tpu.memref_slice %arg6[%arg0, %mul3A_46, %dma_wait3A_53] : memref<2x10112x128xf32, #tpu.memory_space<hbm>> -> memref<1x632x128xf32, #tpu.memory_space<hbm>>
      %dma_wait3A_55 = tpu.memref_squeeze %dma_wait3A_54 : memref<1x632x128xf32, #tpu.memory_space<hbm>> -> memref<632x128xf32, #tpu.memory_space<hbm>>
      %dma_wait3A_56 = arith.constant 0 : i32
      %dma_wait3A_57 = tpu.memref_slice %arg17[%mul3A_44, %dma_wait3A_56] : memref<10112x128xf32, #tpu.memory_space<vmem_shared>> -> memref<632x128xf32, #tpu.memory_space<vmem_shared>>
      tpu.wait_dma2 semaphore(%run_scoped3A_47 : memref<!tpu.dma_semaphore, #tpu.memory_space<semaphore_mem>>) src(%dma_wait3A_57 : memref<632x128xf32, #tpu.memory_space<vmem_shared>>) dst(%dma_wait3A_55 : memref<632x128xf32, #tpu.memory_space<hbm>>)
      tpu.yield
    }) : () -> ()
    return
  }
}

#map = affine_map<(d0, d1) -> (0, 0)>
#map1 = affine_map<(d0, d1) -> (0, 0, 0)>
module attributes {stable_mosaic.version = 14 : i64} {
  func.func @_sc_gs_body(%arg0: i32, %arg1: i32, %arg2: memref<20000x128xf32, #tpu.memory_space<hbm>>, %arg3: memref<2560x128xi32, #tpu.memory_space<hbm>>, %arg4: memref<2560x128xi32, #tpu.memory_space<hbm>>, %arg5: memref<10112x128xf32, #tpu.memory_space<hbm>>, %arg6: memref<2x10112x128xf32, #tpu.memory_space<hbm>>, %arg7: memref<2x8x128xi32, #tpu.memory_space<vmem>>, %arg8: memref<2x8x128xi32, #tpu.memory_space<vmem>>, %arg9: memref<128x128xf32, #tpu.memory_space<vmem>>, %arg10: memref<128x128xf32, #tpu.memory_space<vmem>>, %arg11: memref<!tpu.dma_semaphore, #tpu.memory_space<semaphore_mem>>, %arg12: memref<!tpu.dma_semaphore, #tpu.memory_space<semaphore_mem>>, %arg13: memref<!tpu.dma_semaphore, #tpu.memory_space<semaphore_mem>>, %arg14: memref<!tpu.dma_semaphore, #tpu.memory_space<semaphore_mem>>, %arg15: memref<!tpu.dma_semaphore, #tpu.memory_space<semaphore_mem>>, %arg16: memref<!tpu.dma_semaphore, #tpu.memory_space<semaphore_mem>>, %arg17: memref<10112x128xf32, #tpu.memory_space<vmem_shared>>) attributes {dimension_semantics = [#tpu.dimension_semantics<core_parallel>, #tpu.dimension_semantics<subcore_parallel>], iteration_bounds = array<i64: 2, 16>, scalar_prefetch = 0 : i64, scratch_operands = 11 : i64, tpu.core_type = #tpu.core_type<sc_vector_subcore>, window_params = [{transform_indices = #map}, {transform_indices = #map}, {transform_indices = #map}, {transform_indices = #map}, {transform_indices = #map1}]} {
    %mul3A = arith.constant 16 : i32
    %mul3A_0 = arith.muli %arg0, %mul3A : i32
    %add3A = arith.addi %mul3A_0, %arg1 : i32
    %mul3A_1 = arith.constant 80 : i32
    %mul3A_2 = arith.muli %add3A, %mul3A_1 : i32
    %run_scoped3A = arith.constant 0 : i32
    "tpu.region"() ({
      %run_scoped3A_47 = tpu.sem_alloc : memref<!tpu.dma_semaphore, #tpu.memory_space<semaphore_mem>>
      %dma_start3A_48 = arith.constant 0 : i32
      %dma_start3A_49 = arith.constant 0 : i32
      %dma_start3A_50 = tpu.memref_slice %arg7[%run_scoped3A, %dma_start3A_48, %dma_start3A_49] : memref<2x8x128xi32, #tpu.memory_space<vmem>> -> memref<1x8x128xi32, #tpu.memory_space<vmem>>
      %dma_start3A_51 = tpu.memref_squeeze %dma_start3A_50 : memref<1x8x128xi32, #tpu.memory_space<vmem>> -> memref<8x128xi32, #tpu.memory_space<vmem>>
      %dma_start3A_52 = arith.constant 0 : i32
      %dma_start3A_53 = tpu.memref_slice %arg3[%mul3A_2, %dma_start3A_52] : memref<2560x128xi32, #tpu.memory_space<hbm>> -> memref<8x128xi32, #tpu.memory_space<hbm>>
      %dma_start3A_54 = arith.constant 0 : i32
      %dma_start3A_55 = arith.constant 0 : i32
      %dma_start3A_56 = tpu.memref_slice %arg7[%run_scoped3A, %dma_start3A_54, %dma_start3A_55] : memref<2x8x128xi32, #tpu.memory_space<vmem>> -> memref<1x8x128xi32, #tpu.memory_space<vmem>>
      %dma_start3A_57 = tpu.memref_squeeze %dma_start3A_56 : memref<1x8x128xi32, #tpu.memory_space<vmem>> -> memref<8x128xi32, #tpu.memory_space<vmem>>
      %dma_start3A_58 = arith.constant 0 : i32
      %dma_start3A_59 = tpu.memref_slice %arg3[%mul3A_2, %dma_start3A_58] : memref<2560x128xi32, #tpu.memory_space<hbm>> -> memref<8x128xi32, #tpu.memory_space<hbm>>
      tpu.enqueue_dma source(%dma_start3A_59 : memref<8x128xi32, #tpu.memory_space<hbm>>) target(%dma_start3A_57 : memref<8x128xi32, #tpu.memory_space<vmem>>) target_semaphore(%run_scoped3A_47 : memref<!tpu.dma_semaphore, #tpu.memory_space<semaphore_mem>>)
      %dma_wait3A_60 = arith.constant 0 : i32
      %dma_wait3A_61 = arith.constant 0 : i32
      %dma_wait3A_62 = tpu.memref_slice %arg7[%run_scoped3A, %dma_wait3A_60, %dma_wait3A_61] : memref<2x8x128xi32, #tpu.memory_space<vmem>> -> memref<1x8x128xi32, #tpu.memory_space<vmem>>
      %dma_wait3A_63 = tpu.memref_squeeze %dma_wait3A_62 : memref<1x8x128xi32, #tpu.memory_space<vmem>> -> memref<8x128xi32, #tpu.memory_space<vmem>>
      %dma_wait3A_64 = arith.constant 0 : i32
      %dma_wait3A_65 = tpu.memref_slice %arg3[%mul3A_2, %dma_wait3A_64] : memref<2560x128xi32, #tpu.memory_space<hbm>> -> memref<8x128xi32, #tpu.memory_space<hbm>>
      %dma_wait3A_66 = arith.constant 0 : i32
      %dma_wait3A_67 = arith.constant 0 : i32
      %dma_wait3A_68 = tpu.memref_slice %arg7[%run_scoped3A, %dma_wait3A_66, %dma_wait3A_67] : memref<2x8x128xi32, #tpu.memory_space<vmem>> -> memref<1x8x128xi32, #tpu.memory_space<vmem>>
      %dma_wait3A_69 = tpu.memref_squeeze %dma_wait3A_68 : memref<1x8x128xi32, #tpu.memory_space<vmem>> -> memref<8x128xi32, #tpu.memory_space<vmem>>
      %dma_wait3A_70 = arith.constant 0 : i32
      %dma_wait3A_71 = tpu.memref_slice %arg3[%mul3A_2, %dma_wait3A_70] : memref<2560x128xi32, #tpu.memory_space<hbm>> -> memref<8x128xi32, #tpu.memory_space<hbm>>
      tpu.wait_dma2 semaphore(%run_scoped3A_47 : memref<!tpu.dma_semaphore, #tpu.memory_space<semaphore_mem>>) src(%dma_wait3A_71 : memref<8x128xi32, #tpu.memory_space<hbm>>) dst(%dma_wait3A_69 : memref<8x128xi32, #tpu.memory_space<vmem>>)
      tpu.yield
    }) : () -> ()
    %run_scoped3A_3 = arith.constant 0 : i32
    "tpu.region"() ({
      %run_scoped3A_47 = tpu.sem_alloc : memref<!tpu.dma_semaphore, #tpu.memory_space<semaphore_mem>>
      %dma_start3A_48 = arith.constant 0 : i32
      %dma_start3A_49 = arith.constant 0 : i32
      %dma_start3A_50 = tpu.memref_slice %arg8[%run_scoped3A_3, %dma_start3A_48, %dma_start3A_49] : memref<2x8x128xi32, #tpu.memory_space<vmem>> -> memref<1x8x128xi32, #tpu.memory_space<vmem>>
      %dma_start3A_51 = tpu.memref_squeeze %dma_start3A_50 : memref<1x8x128xi32, #tpu.memory_space<vmem>> -> memref<8x128xi32, #tpu.memory_space<vmem>>
      %dma_start3A_52 = arith.constant 0 : i32
      %dma_start3A_53 = tpu.memref_slice %arg4[%mul3A_2, %dma_start3A_52] : memref<2560x128xi32, #tpu.memory_space<hbm>> -> memref<8x128xi32, #tpu.memory_space<hbm>>
      %dma_start3A_54 = arith.constant 0 : i32
      %dma_start3A_55 = arith.constant 0 : i32
      %dma_start3A_56 = tpu.memref_slice %arg8[%run_scoped3A_3, %dma_start3A_54, %dma_start3A_55] : memref<2x8x128xi32, #tpu.memory_space<vmem>> -> memref<1x8x128xi32, #tpu.memory_space<vmem>>
      %dma_start3A_57 = tpu.memref_squeeze %dma_start3A_56 : memref<1x8x128xi32, #tpu.memory_space<vmem>> -> memref<8x128xi32, #tpu.memory_space<vmem>>
      %dma_start3A_58 = arith.constant 0 : i32
      %dma_start3A_59 = tpu.memref_slice %arg4[%mul3A_2, %dma_start3A_58] : memref<2560x128xi32, #tpu.memory_space<hbm>> -> memref<8x128xi32, #tpu.memory_space<hbm>>
      tpu.enqueue_dma source(%dma_start3A_59 : memref<8x128xi32, #tpu.memory_space<hbm>>) target(%dma_start3A_57 : memref<8x128xi32, #tpu.memory_space<vmem>>) target_semaphore(%run_scoped3A_47 : memref<!tpu.dma_semaphore, #tpu.memory_space<semaphore_mem>>)
      %dma_wait3A_60 = arith.constant 0 : i32
      %dma_wait3A_61 = arith.constant 0 : i32
      %dma_wait3A_62 = tpu.memref_slice %arg8[%run_scoped3A_3, %dma_wait3A_60, %dma_wait3A_61] : memref<2x8x128xi32, #tpu.memory_space<vmem>> -> memref<1x8x128xi32, #tpu.memory_space<vmem>>
      %dma_wait3A_63 = tpu.memref_squeeze %dma_wait3A_62 : memref<1x8x128xi32, #tpu.memory_space<vmem>> -> memref<8x128xi32, #tpu.memory_space<vmem>>
      %dma_wait3A_64 = arith.constant 0 : i32
      %dma_wait3A_65 = tpu.memref_slice %arg4[%mul3A_2, %dma_wait3A_64] : memref<2560x128xi32, #tpu.memory_space<hbm>> -> memref<8x128xi32, #tpu.memory_space<hbm>>
      %dma_wait3A_66 = arith.constant 0 : i32
      %dma_wait3A_67 = arith.constant 0 : i32
      %dma_wait3A_68 = tpu.memref_slice %arg8[%run_scoped3A_3, %dma_wait3A_66, %dma_wait3A_67] : memref<2x8x128xi32, #tpu.memory_space<vmem>> -> memref<1x8x128xi32, #tpu.memory_space<vmem>>
      %dma_wait3A_69 = tpu.memref_squeeze %dma_wait3A_68 : memref<1x8x128xi32, #tpu.memory_space<vmem>> -> memref<8x128xi32, #tpu.memory_space<vmem>>
      %dma_wait3A_70 = arith.constant 0 : i32
      %dma_wait3A_71 = tpu.memref_slice %arg4[%mul3A_2, %dma_wait3A_70] : memref<2560x128xi32, #tpu.memory_space<hbm>> -> memref<8x128xi32, #tpu.memory_space<hbm>>
      tpu.wait_dma2 semaphore(%run_scoped3A_47 : memref<!tpu.dma_semaphore, #tpu.memory_space<semaphore_mem>>) src(%dma_wait3A_71 : memref<8x128xi32, #tpu.memory_space<hbm>>) dst(%dma_wait3A_69 : memref<8x128xi32, #tpu.memory_space<vmem>>)
      tpu.yield
    }) : () -> ()
    %mul3A_4 = arith.constant 632 : i32
    %mul3A_5 = arith.muli %arg1, %mul3A_4 : i32
    %mul3A_6 = arith.constant 632 : i32
    %mul3A_7 = arith.muli %arg1, %mul3A_6 : i32
    "tpu.region"() ({
      %run_scoped3A_47 = tpu.sem_alloc : memref<!tpu.dma_semaphore, #tpu.memory_space<semaphore_mem>>
      %dma_start3A_48 = arith.constant 0 : i32
      %dma_start3A_49 = tpu.memref_slice %arg17[%mul3A_7, %dma_start3A_48] : memref<10112x128xf32, #tpu.memory_space<vmem_shared>> -> memref<632x128xf32, #tpu.memory_space<vmem_shared>>
      %dma_start3A_50 = arith.constant 0 : i32
      %dma_start3A_51 = tpu.memref_slice %arg5[%mul3A_5, %dma_start3A_50] : memref<10112x128xf32, #tpu.memory_space<hbm>> -> memref<632x128xf32, #tpu.memory_space<hbm>>
      tpu.enqueue_dma source(%dma_start3A_51 : memref<632x128xf32, #tpu.memory_space<hbm>>) target(%dma_start3A_49 : memref<632x128xf32, #tpu.memory_space<vmem_shared>>) target_semaphore(%run_scoped3A_47 : memref<!tpu.dma_semaphore, #tpu.memory_space<semaphore_mem>>)
      %dma_wait3A_52 = arith.constant 0 : i32
      %dma_wait3A_53 = tpu.memref_slice %arg17[%mul3A_7, %dma_wait3A_52] : memref<10112x128xf32, #tpu.memory_space<vmem_shared>> -> memref<632x128xf32, #tpu.memory_space<vmem_shared>>
      %dma_wait3A_54 = arith.constant 0 : i32
      %dma_wait3A_55 = tpu.memref_slice %arg5[%mul3A_5, %dma_wait3A_54] : memref<10112x128xf32, #tpu.memory_space<hbm>> -> memref<632x128xf32, #tpu.memory_space<hbm>>
      tpu.wait_dma2 semaphore(%run_scoped3A_47 : memref<!tpu.dma_semaphore, #tpu.memory_space<semaphore_mem>>) src(%dma_wait3A_55 : memref<632x128xf32, #tpu.memory_space<hbm>>) dst(%dma_wait3A_53 : memref<632x128xf32, #tpu.memory_space<vmem_shared>>)
      tpu.yield
    }) : () -> ()
    %barrier3A = arith.constant 0 : index
    tpu.barrier barrier_id(%barrier3A)
    %dma_start3A = arith.constant 0 : i32
    %dma_start3A_8 = arith.constant 0 : i32
    %dma_start3A_9 = arith.constant 0 : i32
    %dma_start3A_10 = tpu.memref_slice %arg7[%dma_start3A, %dma_start3A_8, %dma_start3A_9] : memref<2x8x128xi32, #tpu.memory_space<vmem>> -> memref<1x1x128xi32, #tpu.memory_space<vmem>>
    %dma_start3A_11 = tpu.memref_squeeze %dma_start3A_10 : memref<1x1x128xi32, #tpu.memory_space<vmem>> -> memref<128xi32, #tpu.memory_space<vmem>>
    %dma_start3A_12 = arith.constant 0 : i32
    %dma_start3A_13 = arith.constant 0 : i32
    %dma_start3A_14 = tpu.memref_slice %arg2[%dma_start3A_12, %dma_start3A_13] : memref<20000x128xf32, #tpu.memory_space<hbm>> -> memref<20000x128xf32, #tpu.memory_space<hbm>>
    tpu.enqueue_indirect_dma source(%dma_start3A_14 : memref<20000x128xf32, #tpu.memory_space<hbm>>) target(%arg9 : memref<128x128xf32, #tpu.memory_space<vmem>>) offsets(%dma_start3A_11 : memref<128xi32, #tpu.memory_space<vmem>>) semaphore(%arg11 : memref<!tpu.dma_semaphore, #tpu.memory_space<semaphore_mem>>)
    %dma_start3A_15 = arith.constant 0 : i32
    %dma_start3A_16 = arith.constant 1 : i32
    %dma_start3A_17 = arith.constant 0 : i32
    %dma_start3A_18 = tpu.memref_slice %arg7[%dma_start3A_15, %dma_start3A_16, %dma_start3A_17] : memref<2x8x128xi32, #tpu.memory_space<vmem>> -> memref<1x1x128xi32, #tpu.memory_space<vmem>>
    %dma_start3A_19 = tpu.memref_squeeze %dma_start3A_18 : memref<1x1x128xi32, #tpu.memory_space<vmem>> -> memref<128xi32, #tpu.memory_space<vmem>>
    %dma_start3A_20 = arith.constant 0 : i32
    %dma_start3A_21 = arith.constant 0 : i32
    %dma_start3A_22 = tpu.memref_slice %arg2[%dma_start3A_20, %dma_start3A_21] : memref<20000x128xf32, #tpu.memory_space<hbm>> -> memref<20000x128xf32, #tpu.memory_space<hbm>>
    tpu.enqueue_indirect_dma source(%dma_start3A_22 : memref<20000x128xf32, #tpu.memory_space<hbm>>) target(%arg10 : memref<128x128xf32, #tpu.memory_space<vmem>>) offsets(%dma_start3A_19 : memref<128xi32, #tpu.memory_space<vmem>>) semaphore(%arg12 : memref<!tpu.dma_semaphore, #tpu.memory_space<semaphore_mem>>)
    %scan3A = arith.constant 0 : i32
    %scan3A_23 = arith.constant 10 : i32
    %scan3A_24 = arith.addi %scan3A, %scan3A_23 : i32
    %scan3A_25 = arith.constant 1 : i32
    scf.for %scan3A_47 = %scan3A to %scan3A_24 step %scan3A_25  : i32 {
      %mul3A_48 = arith.constant 1 : i32
      %mul3A_49 = arith.muli %scan3A_47, %mul3A_48 : i32
      %add3A_50 = arith.constant 0 : i32
      %add3A_51 = arith.addi %add3A_50, %mul3A_49 : i32
      %jit3A = arith.constant 2 : i32
      %eq3A = arith.constant 0 : i32
      %eq3A_52 = arith.cmpi eq, %jit3A, %eq3A : i32
      %jit3A_53 = arith.constant 1 : i32
      %select_n3A = arith.select %eq3A_52, %jit3A_53, %jit3A : i32
      %rem3A = arith.remsi %add3A_51, %select_n3A : i32
      %ne3A = arith.constant 0 : i32
      %ne3A_54 = arith.cmpi ne, %rem3A, %ne3A : i32
      %lt3A = arith.constant 0 : i32
      %lt3A_55 = arith.cmpi slt, %rem3A, %lt3A : i32
      %lt3A_56 = arith.constant 0 : i32
      %lt3A_57 = arith.cmpi slt, %select_n3A, %lt3A_56 : i32
      %ne3A_58 = arith.xori %lt3A_55, %lt3A_57 : i1
      %and3A = arith.andi %ne3A_58, %ne3A_54 : i1
      %add3A_59 = arith.addi %rem3A, %select_n3A : i32
      %select_n3A_60 = arith.select %and3A, %add3A_59, %rem3A : i32
      %add3A_61 = arith.constant 1 : i32
      %add3A_62 = arith.addi %add3A_51, %add3A_61 : i32
      %jit3A_63 = arith.constant 2 : i32
      %eq3A_64 = arith.constant 0 : i32
      %eq3A_65 = arith.cmpi eq, %jit3A_63, %eq3A_64 : i32
      %jit3A_66 = arith.constant 1 : i32
      %select_n3A_67 = arith.select %eq3A_65, %jit3A_66, %jit3A_63 : i32
      %rem3A_68 = arith.remsi %add3A_62, %select_n3A_67 : i32
      %ne3A_69 = arith.constant 0 : i32
      %ne3A_70 = arith.cmpi ne, %rem3A_68, %ne3A_69 : i32
      %lt3A_71 = arith.constant 0 : i32
      %lt3A_72 = arith.cmpi slt, %rem3A_68, %lt3A_71 : i32
      %lt3A_73 = arith.constant 0 : i32
      %lt3A_74 = arith.cmpi slt, %select_n3A_67, %lt3A_73 : i32
      %ne3A_75 = arith.xori %lt3A_72, %lt3A_74 : i1
      %and3A_76 = arith.andi %ne3A_75, %ne3A_70 : i1
      %add3A_77 = arith.addi %rem3A_68, %select_n3A_67 : i32
      %select_n3A_78 = arith.select %and3A_76, %add3A_77, %rem3A_68 : i32
      %add3A_79 = arith.constant 1 : i32
      %add3A_80 = arith.addi %add3A_51, %add3A_79 : i32
      %lt3A_81 = arith.constant 10 : i32
      %lt3A_82 = arith.cmpi slt, %add3A_80, %lt3A_81 : i32
      %convert_element_type3A = arith.extui %lt3A_82 : i1 to i32
      %cond3A = arith.constant 0 : i32
      %cond3A_83 = arith.cmpi ne, %convert_element_type3A, %cond3A : i32
      scf.if %cond3A_83 {
        %add3A_300 = arith.constant 1 : i32
        %add3A_301 = arith.addi %add3A_51, %add3A_300 : i32
        %mul3A_302 = arith.constant 8 : i32
        %mul3A_303 = arith.muli %add3A_301, %mul3A_302 : i32
        %add3A_304 = arith.addi %mul3A_2, %mul3A_303 : i32
        %dma_start3A_305 = arith.constant 0 : i32
        %dma_start3A_306 = arith.constant 0 : i32
        %dma_start3A_307 = tpu.memref_slice %arg7[%select_n3A_78, %dma_start3A_305, %dma_start3A_306] : memref<2x8x128xi32, #tpu.memory_space<vmem>> -> memref<1x8x128xi32, #tpu.memory_space<vmem>>
        %dma_start3A_308 = tpu.memref_squeeze %dma_start3A_307 : memref<1x8x128xi32, #tpu.memory_space<vmem>> -> memref<8x128xi32, #tpu.memory_space<vmem>>
        %dma_start3A_309 = arith.constant 0 : i32
        %dma_start3A_310 = tpu.memref_slice %arg3[%add3A_304, %dma_start3A_309] : memref<2560x128xi32, #tpu.memory_space<hbm>> -> memref<8x128xi32, #tpu.memory_space<hbm>>
        %dma_start3A_311 = arith.constant 0 : i32
        %dma_start3A_312 = arith.constant 0 : i32
        %dma_start3A_313 = tpu.memref_slice %arg7[%select_n3A_78, %dma_start3A_311, %dma_start3A_312] : memref<2x8x128xi32, #tpu.memory_space<vmem>> -> memref<1x8x128xi32, #tpu.memory_space<vmem>>
        %dma_start3A_314 = tpu.memref_squeeze %dma_start3A_313 : memref<1x8x128xi32, #tpu.memory_space<vmem>> -> memref<8x128xi32, #tpu.memory_space<vmem>>
        %dma_start3A_315 = arith.constant 0 : i32
        %dma_start3A_316 = tpu.memref_slice %arg3[%add3A_304, %dma_start3A_315] : memref<2560x128xi32, #tpu.memory_space<hbm>> -> memref<8x128xi32, #tpu.memory_space<hbm>>
        tpu.enqueue_dma source(%dma_start3A_316 : memref<8x128xi32, #tpu.memory_space<hbm>>) target(%dma_start3A_314 : memref<8x128xi32, #tpu.memory_space<vmem>>) target_semaphore(%arg15 : memref<!tpu.dma_semaphore, #tpu.memory_space<semaphore_mem>>)
        %add3A_317 = arith.constant 1 : i32
        %add3A_318 = arith.addi %add3A_51, %add3A_317 : i32
        %mul3A_319 = arith.constant 8 : i32
        %mul3A_320 = arith.muli %add3A_318, %mul3A_319 : i32
        %add3A_321 = arith.addi %mul3A_2, %mul3A_320 : i32
        %dma_start3A_322 = arith.constant 0 : i32
        %dma_start3A_323 = arith.constant 0 : i32
        %dma_start3A_324 = tpu.memref_slice %arg8[%select_n3A_78, %dma_start3A_322, %dma_start3A_323] : memref<2x8x128xi32, #tpu.memory_space<vmem>> -> memref<1x8x128xi32, #tpu.memory_space<vmem>>
        %dma_start3A_325 = tpu.memref_squeeze %dma_start3A_324 : memref<1x8x128xi32, #tpu.memory_space<vmem>> -> memref<8x128xi32, #tpu.memory_space<vmem>>
        %dma_start3A_326 = arith.constant 0 : i32
        %dma_start3A_327 = tpu.memref_slice %arg4[%add3A_321, %dma_start3A_326] : memref<2560x128xi32, #tpu.memory_space<hbm>> -> memref<8x128xi32, #tpu.memory_space<hbm>>
        %dma_start3A_328 = arith.constant 0 : i32
        %dma_start3A_329 = arith.constant 0 : i32
        %dma_start3A_330 = tpu.memref_slice %arg8[%select_n3A_78, %dma_start3A_328, %dma_start3A_329] : memref<2x8x128xi32, #tpu.memory_space<vmem>> -> memref<1x8x128xi32, #tpu.memory_space<vmem>>
        %dma_start3A_331 = tpu.memref_squeeze %dma_start3A_330 : memref<1x8x128xi32, #tpu.memory_space<vmem>> -> memref<8x128xi32, #tpu.memory_space<vmem>>
        %dma_start3A_332 = arith.constant 0 : i32
        %dma_start3A_333 = tpu.memref_slice %arg4[%add3A_321, %dma_start3A_332] : memref<2560x128xi32, #tpu.memory_space<hbm>> -> memref<8x128xi32, #tpu.memory_space<hbm>>
        tpu.enqueue_dma source(%dma_start3A_333 : memref<8x128xi32, #tpu.memory_space<hbm>>) target(%dma_start3A_331 : memref<8x128xi32, #tpu.memory_space<vmem>>) target_semaphore(%arg16 : memref<!tpu.dma_semaphore, #tpu.memory_space<semaphore_mem>>)
      } else {
      }
      %dma_wait3A_84 = arith.constant 0 : i32
      %dma_wait3A_85 = arith.constant 0 : i32
      %dma_wait3A_86 = arith.constant 0 : i32
      %dma_wait3A_87 = tpu.memref_slice %arg7[%dma_wait3A_84, %dma_wait3A_85, %dma_wait3A_86] : memref<2x8x128xi32, #tpu.memory_space<vmem>> -> memref<1x1x128xi32, #tpu.memory_space<vmem>>
      %dma_wait3A_88 = tpu.memref_squeeze %dma_wait3A_87 : memref<1x1x128xi32, #tpu.memory_space<vmem>> -> memref<128xi32, #tpu.memory_space<vmem>>
      %dma_wait3A_89 = arith.constant 0 : i32
      %dma_wait3A_90 = arith.constant 0 : i32
      %dma_wait3A_91 = tpu.memref_slice %arg2[%dma_wait3A_89, %dma_wait3A_90] : memref<20000x128xf32, #tpu.memory_space<hbm>> -> memref<20000x128xf32, #tpu.memory_space<hbm>>
      tpu.wait_indirect_dma semaphore(%arg11 : memref<!tpu.dma_semaphore, #tpu.memory_space<semaphore_mem>>) src(%dma_wait3A_91 : memref<20000x128xf32, #tpu.memory_space<hbm>>) dst(%arg9 : memref<128x128xf32, #tpu.memory_space<vmem>>)
      %dma_start3A_92 = arith.constant 0 : i32
      %dma_start3A_93 = arith.constant 0 : i32
      %dma_start3A_94 = tpu.memref_slice %arg8[%select_n3A_60, %dma_start3A_92, %dma_start3A_93] : memref<2x8x128xi32, #tpu.memory_space<vmem>> -> memref<1x1x128xi32, #tpu.memory_space<vmem>>
      %dma_start3A_95 = tpu.memref_squeeze %dma_start3A_94 : memref<1x1x128xi32, #tpu.memory_space<vmem>> -> memref<128xi32, #tpu.memory_space<vmem>>
      %dma_start3A_96 = arith.constant 0 : i32
      %dma_start3A_97 = arith.constant 0 : i32
      %dma_start3A_98 = tpu.memref_slice %arg17[%dma_start3A_96, %dma_start3A_97] : memref<10112x128xf32, #tpu.memory_space<vmem_shared>> -> memref<10112x128xf32, #tpu.memory_space<vmem_shared>>
      tpu.enqueue_indirect_dma source(%arg9 : memref<128x128xf32, #tpu.memory_space<vmem>>) target(%dma_start3A_98 : memref<10112x128xf32, #tpu.memory_space<vmem_shared>>) offsets(%dma_start3A_95 : memref<128xi32, #tpu.memory_space<vmem>>) semaphore(%arg13 : memref<!tpu.dma_semaphore, #tpu.memory_space<semaphore_mem>>) {add = true}
      %dma_wait3A_99 = arith.constant 0 : i32
      %dma_wait3A_100 = arith.constant 0 : i32
      %dma_wait3A_101 = arith.constant 0 : i32
      %dma_wait3A_102 = tpu.memref_slice %arg8[%dma_wait3A_99, %dma_wait3A_100, %dma_wait3A_101] : memref<2x8x128xi32, #tpu.memory_space<vmem>> -> memref<1x1x128xi32, #tpu.memory_space<vmem>>
      %dma_wait3A_103 = tpu.memref_squeeze %dma_wait3A_102 : memref<1x1x128xi32, #tpu.memory_space<vmem>> -> memref<128xi32, #tpu.memory_space<vmem>>
      %dma_wait3A_104 = arith.constant 0 : i32
      %dma_wait3A_105 = arith.constant 0 : i32
      %dma_wait3A_106 = tpu.memref_slice %arg17[%dma_wait3A_104, %dma_wait3A_105] : memref<10112x128xf32, #tpu.memory_space<vmem_shared>> -> memref<10112x128xf32, #tpu.memory_space<vmem_shared>>
      tpu.wait_indirect_dma semaphore(%arg13 : memref<!tpu.dma_semaphore, #tpu.memory_space<semaphore_mem>>) src(%arg9 : memref<128x128xf32, #tpu.memory_space<vmem>>) dst(%dma_wait3A_106 : memref<10112x128xf32, #tpu.memory_space<vmem_shared>>)
      %dma_start3A_107 = arith.constant 2 : i32
      %dma_start3A_108 = arith.constant 0 : i32
      %dma_start3A_109 = tpu.memref_slice %arg7[%select_n3A_60, %dma_start3A_107, %dma_start3A_108] : memref<2x8x128xi32, #tpu.memory_space<vmem>> -> memref<1x1x128xi32, #tpu.memory_space<vmem>>
      %dma_start3A_110 = tpu.memref_squeeze %dma_start3A_109 : memref<1x1x128xi32, #tpu.memory_space<vmem>> -> memref<128xi32, #tpu.memory_space<vmem>>
      %dma_start3A_111 = arith.constant 0 : i32
      %dma_start3A_112 = arith.constant 0 : i32
      %dma_start3A_113 = tpu.memref_slice %arg2[%dma_start3A_111, %dma_start3A_112] : memref<20000x128xf32, #tpu.memory_space<hbm>> -> memref<20000x128xf32, #tpu.memory_space<hbm>>
      tpu.enqueue_indirect_dma source(%dma_start3A_113 : memref<20000x128xf32, #tpu.memory_space<hbm>>) target(%arg9 : memref<128x128xf32, #tpu.memory_space<vmem>>) offsets(%dma_start3A_110 : memref<128xi32, #tpu.memory_space<vmem>>) semaphore(%arg11 : memref<!tpu.dma_semaphore, #tpu.memory_space<semaphore_mem>>)
      %dma_wait3A_114 = arith.constant 0 : i32
      %dma_wait3A_115 = arith.constant 0 : i32
      %dma_wait3A_116 = arith.constant 0 : i32
      %dma_wait3A_117 = tpu.memref_slice %arg7[%dma_wait3A_114, %dma_wait3A_115, %dma_wait3A_116] : memref<2x8x128xi32, #tpu.memory_space<vmem>> -> memref<1x1x128xi32, #tpu.memory_space<vmem>>
      %dma_wait3A_118 = tpu.memref_squeeze %dma_wait3A_117 : memref<1x1x128xi32, #tpu.memory_space<vmem>> -> memref<128xi32, #tpu.memory_space<vmem>>
      %dma_wait3A_119 = arith.constant 0 : i32
      %dma_wait3A_120 = arith.constant 0 : i32
      %dma_wait3A_121 = tpu.memref_slice %arg2[%dma_wait3A_119, %dma_wait3A_120] : memref<20000x128xf32, #tpu.memory_space<hbm>> -> memref<20000x128xf32, #tpu.memory_space<hbm>>
      tpu.wait_indirect_dma semaphore(%arg12 : memref<!tpu.dma_semaphore, #tpu.memory_space<semaphore_mem>>) src(%dma_wait3A_121 : memref<20000x128xf32, #tpu.memory_space<hbm>>) dst(%arg10 : memref<128x128xf32, #tpu.memory_space<vmem>>)
      %dma_start3A_122 = arith.constant 1 : i32
      %dma_start3A_123 = arith.constant 0 : i32
      %dma_start3A_124 = tpu.memref_slice %arg8[%select_n3A_60, %dma_start3A_122, %dma_start3A_123] : memref<2x8x128xi32, #tpu.memory_space<vmem>> -> memref<1x1x128xi32, #tpu.memory_space<vmem>>
      %dma_start3A_125 = tpu.memref_squeeze %dma_start3A_124 : memref<1x1x128xi32, #tpu.memory_space<vmem>> -> memref<128xi32, #tpu.memory_space<vmem>>
      %dma_start3A_126 = arith.constant 0 : i32
      %dma_start3A_127 = arith.constant 0 : i32
      %dma_start3A_128 = tpu.memref_slice %arg17[%dma_start3A_126, %dma_start3A_127] : memref<10112x128xf32, #tpu.memory_space<vmem_shared>> -> memref<10112x128xf32, #tpu.memory_space<vmem_shared>>
      tpu.enqueue_indirect_dma source(%arg10 : memref<128x128xf32, #tpu.memory_space<vmem>>) target(%dma_start3A_128 : memref<10112x128xf32, #tpu.memory_space<vmem_shared>>) offsets(%dma_start3A_125 : memref<128xi32, #tpu.memory_space<vmem>>) semaphore(%arg14 : memref<!tpu.dma_semaphore, #tpu.memory_space<semaphore_mem>>) {add = true}
      %dma_wait3A_129 = arith.constant 0 : i32
      %dma_wait3A_130 = arith.constant 0 : i32
      %dma_wait3A_131 = arith.constant 0 : i32
      %dma_wait3A_132 = tpu.memref_slice %arg8[%dma_wait3A_129, %dma_wait3A_130, %dma_wait3A_131] : memref<2x8x128xi32, #tpu.memory_space<vmem>> -> memref<1x1x128xi32, #tpu.memory_space<vmem>>
      %dma_wait3A_133 = tpu.memref_squeeze %dma_wait3A_132 : memref<1x1x128xi32, #tpu.memory_space<vmem>> -> memref<128xi32, #tpu.memory_space<vmem>>
      %dma_wait3A_134 = arith.constant 0 : i32
      %dma_wait3A_135 = arith.constant 0 : i32
      %dma_wait3A_136 = tpu.memref_slice %arg17[%dma_wait3A_134, %dma_wait3A_135] : memref<10112x128xf32, #tpu.memory_space<vmem_shared>> -> memref<10112x128xf32, #tpu.memory_space<vmem_shared>>
      tpu.wait_indirect_dma semaphore(%arg14 : memref<!tpu.dma_semaphore, #tpu.memory_space<semaphore_mem>>) src(%arg10 : memref<128x128xf32, #tpu.memory_space<vmem>>) dst(%dma_wait3A_136 : memref<10112x128xf32, #tpu.memory_space<vmem_shared>>)
      %dma_start3A_137 = arith.constant 3 : i32
      %dma_start3A_138 = arith.constant 0 : i32
      %dma_start3A_139 = tpu.memref_slice %arg7[%select_n3A_60, %dma_start3A_137, %dma_start3A_138] : memref<2x8x128xi32, #tpu.memory_space<vmem>> -> memref<1x1x128xi32, #tpu.memory_space<vmem>>
      %dma_start3A_140 = tpu.memref_squeeze %dma_start3A_139 : memref<1x1x128xi32, #tpu.memory_space<vmem>> -> memref<128xi32, #tpu.memory_space<vmem>>
      %dma_start3A_141 = arith.constant 0 : i32
      %dma_start3A_142 = arith.constant 0 : i32
      %dma_start3A_143 = tpu.memref_slice %arg2[%dma_start3A_141, %dma_start3A_142] : memref<20000x128xf32, #tpu.memory_space<hbm>> -> memref<20000x128xf32, #tpu.memory_space<hbm>>
      tpu.enqueue_indirect_dma source(%dma_start3A_143 : memref<20000x128xf32, #tpu.memory_space<hbm>>) target(%arg10 : memref<128x128xf32, #tpu.memory_space<vmem>>) offsets(%dma_start3A_140 : memref<128xi32, #tpu.memory_space<vmem>>) semaphore(%arg12 : memref<!tpu.dma_semaphore, #tpu.memory_space<semaphore_mem>>)
      %dma_wait3A_144 = arith.constant 0 : i32
      %dma_wait3A_145 = arith.constant 0 : i32
      %dma_wait3A_146 = arith.constant 0 : i32
      %dma_wait3A_147 = tpu.memref_slice %arg7[%dma_wait3A_144, %dma_wait3A_145, %dma_wait3A_146] : memref<2x8x128xi32, #tpu.memory_space<vmem>> -> memref<1x1x128xi32, #tpu.memory_space<vmem>>
      %dma_wait3A_148 = tpu.memref_squeeze %dma_wait3A_147 : memref<1x1x128xi32, #tpu.memory_space<vmem>> -> memref<128xi32, #tpu.memory_space<vmem>>
      %dma_wait3A_149 = arith.constant 0 : i32
      %dma_wait3A_150 = arith.constant 0 : i32
      %dma_wait3A_151 = tpu.memref_slice %arg2[%dma_wait3A_149, %dma_wait3A_150] : memref<20000x128xf32, #tpu.memory_space<hbm>> -> memref<20000x128xf32, #tpu.memory_space<hbm>>
      tpu.wait_indirect_dma semaphore(%arg11 : memref<!tpu.dma_semaphore, #tpu.memory_space<semaphore_mem>>) src(%dma_wait3A_151 : memref<20000x128xf32, #tpu.memory_space<hbm>>) dst(%arg9 : memref<128x128xf32, #tpu.memory_space<vmem>>)
      %dma_start3A_152 = arith.constant 2 : i32
      %dma_start3A_153 = arith.constant 0 : i32
      %dma_start3A_154 = tpu.memref_slice %arg8[%select_n3A_60, %dma_start3A_152, %dma_start3A_153] : memref<2x8x128xi32, #tpu.memory_space<vmem>> -> memref<1x1x128xi32, #tpu.memory_space<vmem>>
      %dma_start3A_155 = tpu.memref_squeeze %dma_start3A_154 : memref<1x1x128xi32, #tpu.memory_space<vmem>> -> memref<128xi32, #tpu.memory_space<vmem>>
      %dma_start3A_156 = arith.constant 0 : i32
      %dma_start3A_157 = arith.constant 0 : i32
      %dma_start3A_158 = tpu.memref_slice %arg17[%dma_start3A_156, %dma_start3A_157] : memref<10112x128xf32, #tpu.memory_space<vmem_shared>> -> memref<10112x128xf32, #tpu.memory_space<vmem_shared>>
      tpu.enqueue_indirect_dma source(%arg9 : memref<128x128xf32, #tpu.memory_space<vmem>>) target(%dma_start3A_158 : memref<10112x128xf32, #tpu.memory_space<vmem_shared>>) offsets(%dma_start3A_155 : memref<128xi32, #tpu.memory_space<vmem>>) semaphore(%arg13 : memref<!tpu.dma_semaphore, #tpu.memory_space<semaphore_mem>>) {add = true}
      %dma_wait3A_159 = arith.constant 0 : i32
      %dma_wait3A_160 = arith.constant 0 : i32
      %dma_wait3A_161 = arith.constant 0 : i32
      %dma_wait3A_162 = tpu.memref_slice %arg8[%dma_wait3A_159, %dma_wait3A_160, %dma_wait3A_161] : memref<2x8x128xi32, #tpu.memory_space<vmem>> -> memref<1x1x128xi32, #tpu.memory_space<vmem>>
      %dma_wait3A_163 = tpu.memref_squeeze %dma_wait3A_162 : memref<1x1x128xi32, #tpu.memory_space<vmem>> -> memref<128xi32, #tpu.memory_space<vmem>>
      %dma_wait3A_164 = arith.constant 0 : i32
      %dma_wait3A_165 = arith.constant 0 : i32
      %dma_wait3A_166 = tpu.memref_slice %arg17[%dma_wait3A_164, %dma_wait3A_165] : memref<10112x128xf32, #tpu.memory_space<vmem_shared>> -> memref<10112x128xf32, #tpu.memory_space<vmem_shared>>
      tpu.wait_indirect_dma semaphore(%arg13 : memref<!tpu.dma_semaphore, #tpu.memory_space<semaphore_mem>>) src(%arg9 : memref<128x128xf32, #tpu.memory_space<vmem>>) dst(%dma_wait3A_166 : memref<10112x128xf32, #tpu.memory_space<vmem_shared>>)
      %dma_start3A_167 = arith.constant 4 : i32
      %dma_start3A_168 = arith.constant 0 : i32
      %dma_start3A_169 = tpu.memref_slice %arg7[%select_n3A_60, %dma_start3A_167, %dma_start3A_168] : memref<2x8x128xi32, #tpu.memory_space<vmem>> -> memref<1x1x128xi32, #tpu.memory_space<vmem>>
      %dma_start3A_170 = tpu.memref_squeeze %dma_start3A_169 : memref<1x1x128xi32, #tpu.memory_space<vmem>> -> memref<128xi32, #tpu.memory_space<vmem>>
      %dma_start3A_171 = arith.constant 0 : i32
      %dma_start3A_172 = arith.constant 0 : i32
      %dma_start3A_173 = tpu.memref_slice %arg2[%dma_start3A_171, %dma_start3A_172] : memref<20000x128xf32, #tpu.memory_space<hbm>> -> memref<20000x128xf32, #tpu.memory_space<hbm>>
      tpu.enqueue_indirect_dma source(%dma_start3A_173 : memref<20000x128xf32, #tpu.memory_space<hbm>>) target(%arg9 : memref<128x128xf32, #tpu.memory_space<vmem>>) offsets(%dma_start3A_170 : memref<128xi32, #tpu.memory_space<vmem>>) semaphore(%arg11 : memref<!tpu.dma_semaphore, #tpu.memory_space<semaphore_mem>>)
      %dma_wait3A_174 = arith.constant 0 : i32
      %dma_wait3A_175 = arith.constant 0 : i32
      %dma_wait3A_176 = arith.constant 0 : i32
      %dma_wait3A_177 = tpu.memref_slice %arg7[%dma_wait3A_174, %dma_wait3A_175, %dma_wait3A_176] : memref<2x8x128xi32, #tpu.memory_space<vmem>> -> memref<1x1x128xi32, #tpu.memory_space<vmem>>
      %dma_wait3A_178 = tpu.memref_squeeze %dma_wait3A_177 : memref<1x1x128xi32, #tpu.memory_space<vmem>> -> memref<128xi32, #tpu.memory_space<vmem>>
      %dma_wait3A_179 = arith.constant 0 : i32
      %dma_wait3A_180 = arith.constant 0 : i32
      %dma_wait3A_181 = tpu.memref_slice %arg2[%dma_wait3A_179, %dma_wait3A_180] : memref<20000x128xf32, #tpu.memory_space<hbm>> -> memref<20000x128xf32, #tpu.memory_space<hbm>>
      tpu.wait_indirect_dma semaphore(%arg12 : memref<!tpu.dma_semaphore, #tpu.memory_space<semaphore_mem>>) src(%dma_wait3A_181 : memref<20000x128xf32, #tpu.memory_space<hbm>>) dst(%arg10 : memref<128x128xf32, #tpu.memory_space<vmem>>)
      %dma_start3A_182 = arith.constant 3 : i32
      %dma_start3A_183 = arith.constant 0 : i32
      %dma_start3A_184 = tpu.memref_slice %arg8[%select_n3A_60, %dma_start3A_182, %dma_start3A_183] : memref<2x8x128xi32, #tpu.memory_space<vmem>> -> memref<1x1x128xi32, #tpu.memory_space<vmem>>
      %dma_start3A_185 = tpu.memref_squeeze %dma_start3A_184 : memref<1x1x128xi32, #tpu.memory_space<vmem>> -> memref<128xi32, #tpu.memory_space<vmem>>
      %dma_start3A_186 = arith.constant 0 : i32
      %dma_start3A_187 = arith.constant 0 : i32
      %dma_start3A_188 = tpu.memref_slice %arg17[%dma_start3A_186, %dma_start3A_187] : memref<10112x128xf32, #tpu.memory_space<vmem_shared>> -> memref<10112x128xf32, #tpu.memory_space<vmem_shared>>
      tpu.enqueue_indirect_dma source(%arg10 : memref<128x128xf32, #tpu.memory_space<vmem>>) target(%dma_start3A_188 : memref<10112x128xf32, #tpu.memory_space<vmem_shared>>) offsets(%dma_start3A_185 : memref<128xi32, #tpu.memory_space<vmem>>) semaphore(%arg14 : memref<!tpu.dma_semaphore, #tpu.memory_space<semaphore_mem>>) {add = true}
      %dma_wait3A_189 = arith.constant 0 : i32
      %dma_wait3A_190 = arith.constant 0 : i32
      %dma_wait3A_191 = arith.constant 0 : i32
      %dma_wait3A_192 = tpu.memref_slice %arg8[%dma_wait3A_189, %dma_wait3A_190, %dma_wait3A_191] : memref<2x8x128xi32, #tpu.memory_space<vmem>> -> memref<1x1x128xi32, #tpu.memory_space<vmem>>
      %dma_wait3A_193 = tpu.memref_squeeze %dma_wait3A_192 : memref<1x1x128xi32, #tpu.memory_space<vmem>> -> memref<128xi32, #tpu.memory_space<vmem>>
      %dma_wait3A_194 = arith.constant 0 : i32
      %dma_wait3A_195 = arith.constant 0 : i32
      %dma_wait3A_196 = tpu.memref_slice %arg17[%dma_wait3A_194, %dma_wait3A_195] : memref<10112x128xf32, #tpu.memory_space<vmem_shared>> -> memref<10112x128xf32, #tpu.memory_space<vmem_shared>>
      tpu.wait_indirect_dma semaphore(%arg14 : memref<!tpu.dma_semaphore, #tpu.memory_space<semaphore_mem>>) src(%arg10 : memref<128x128xf32, #tpu.memory_space<vmem>>) dst(%dma_wait3A_196 : memref<10112x128xf32, #tpu.memory_space<vmem_shared>>)
      %dma_start3A_197 = arith.constant 5 : i32
      %dma_start3A_198 = arith.constant 0 : i32
      %dma_start3A_199 = tpu.memref_slice %arg7[%select_n3A_60, %dma_start3A_197, %dma_start3A_198] : memref<2x8x128xi32, #tpu.memory_space<vmem>> -> memref<1x1x128xi32, #tpu.memory_space<vmem>>
      %dma_start3A_200 = tpu.memref_squeeze %dma_start3A_199 : memref<1x1x128xi32, #tpu.memory_space<vmem>> -> memref<128xi32, #tpu.memory_space<vmem>>
      %dma_start3A_201 = arith.constant 0 : i32
      %dma_start3A_202 = arith.constant 0 : i32
      %dma_start3A_203 = tpu.memref_slice %arg2[%dma_start3A_201, %dma_start3A_202] : memref<20000x128xf32, #tpu.memory_space<hbm>> -> memref<20000x128xf32, #tpu.memory_space<hbm>>
      tpu.enqueue_indirect_dma source(%dma_start3A_203 : memref<20000x128xf32, #tpu.memory_space<hbm>>) target(%arg10 : memref<128x128xf32, #tpu.memory_space<vmem>>) offsets(%dma_start3A_200 : memref<128xi32, #tpu.memory_space<vmem>>) semaphore(%arg12 : memref<!tpu.dma_semaphore, #tpu.memory_space<semaphore_mem>>)
      %dma_wait3A_204 = arith.constant 0 : i32
      %dma_wait3A_205 = arith.constant 0 : i32
      %dma_wait3A_206 = arith.constant 0 : i32
      %dma_wait3A_207 = tpu.memref_slice %arg7[%dma_wait3A_204, %dma_wait3A_205, %dma_wait3A_206] : memref<2x8x128xi32, #tpu.memory_space<vmem>> -> memref<1x1x128xi32, #tpu.memory_space<vmem>>
      %dma_wait3A_208 = tpu.memref_squeeze %dma_wait3A_207 : memref<1x1x128xi32, #tpu.memory_space<vmem>> -> memref<128xi32, #tpu.memory_space<vmem>>
      %dma_wait3A_209 = arith.constant 0 : i32
      %dma_wait3A_210 = arith.constant 0 : i32
      %dma_wait3A_211 = tpu.memref_slice %arg2[%dma_wait3A_209, %dma_wait3A_210] : memref<20000x128xf32, #tpu.memory_space<hbm>> -> memref<20000x128xf32, #tpu.memory_space<hbm>>
      tpu.wait_indirect_dma semaphore(%arg11 : memref<!tpu.dma_semaphore, #tpu.memory_space<semaphore_mem>>) src(%dma_wait3A_211 : memref<20000x128xf32, #tpu.memory_space<hbm>>) dst(%arg9 : memref<128x128xf32, #tpu.memory_space<vmem>>)
      %dma_start3A_212 = arith.constant 4 : i32
      %dma_start3A_213 = arith.constant 0 : i32
      %dma_start3A_214 = tpu.memref_slice %arg8[%select_n3A_60, %dma_start3A_212, %dma_start3A_213] : memref<2x8x128xi32, #tpu.memory_space<vmem>> -> memref<1x1x128xi32, #tpu.memory_space<vmem>>
      %dma_start3A_215 = tpu.memref_squeeze %dma_start3A_214 : memref<1x1x128xi32, #tpu.memory_space<vmem>> -> memref<128xi32, #tpu.memory_space<vmem>>
      %dma_start3A_216 = arith.constant 0 : i32
      %dma_start3A_217 = arith.constant 0 : i32
      %dma_start3A_218 = tpu.memref_slice %arg17[%dma_start3A_216, %dma_start3A_217] : memref<10112x128xf32, #tpu.memory_space<vmem_shared>> -> memref<10112x128xf32, #tpu.memory_space<vmem_shared>>
      tpu.enqueue_indirect_dma source(%arg9 : memref<128x128xf32, #tpu.memory_space<vmem>>) target(%dma_start3A_218 : memref<10112x128xf32, #tpu.memory_space<vmem_shared>>) offsets(%dma_start3A_215 : memref<128xi32, #tpu.memory_space<vmem>>) semaphore(%arg13 : memref<!tpu.dma_semaphore, #tpu.memory_space<semaphore_mem>>) {add = true}
      %dma_wait3A_219 = arith.constant 0 : i32
      %dma_wait3A_220 = arith.constant 0 : i32
      %dma_wait3A_221 = arith.constant 0 : i32
      %dma_wait3A_222 = tpu.memref_slice %arg8[%dma_wait3A_219, %dma_wait3A_220, %dma_wait3A_221] : memref<2x8x128xi32, #tpu.memory_space<vmem>> -> memref<1x1x128xi32, #tpu.memory_space<vmem>>
      %dma_wait3A_223 = tpu.memref_squeeze %dma_wait3A_222 : memref<1x1x128xi32, #tpu.memory_space<vmem>> -> memref<128xi32, #tpu.memory_space<vmem>>
      %dma_wait3A_224 = arith.constant 0 : i32
      %dma_wait3A_225 = arith.constant 0 : i32
      %dma_wait3A_226 = tpu.memref_slice %arg17[%dma_wait3A_224, %dma_wait3A_225] : memref<10112x128xf32, #tpu.memory_space<vmem_shared>> -> memref<10112x128xf32, #tpu.memory_space<vmem_shared>>
      tpu.wait_indirect_dma semaphore(%arg13 : memref<!tpu.dma_semaphore, #tpu.memory_space<semaphore_mem>>) src(%arg9 : memref<128x128xf32, #tpu.memory_space<vmem>>) dst(%dma_wait3A_226 : memref<10112x128xf32, #tpu.memory_space<vmem_shared>>)
      %dma_start3A_227 = arith.constant 6 : i32
      %dma_start3A_228 = arith.constant 0 : i32
      %dma_start3A_229 = tpu.memref_slice %arg7[%select_n3A_60, %dma_start3A_227, %dma_start3A_228] : memref<2x8x128xi32, #tpu.memory_space<vmem>> -> memref<1x1x128xi32, #tpu.memory_space<vmem>>
      %dma_start3A_230 = tpu.memref_squeeze %dma_start3A_229 : memref<1x1x128xi32, #tpu.memory_space<vmem>> -> memref<128xi32, #tpu.memory_space<vmem>>
      %dma_start3A_231 = arith.constant 0 : i32
      %dma_start3A_232 = arith.constant 0 : i32
      %dma_start3A_233 = tpu.memref_slice %arg2[%dma_start3A_231, %dma_start3A_232] : memref<20000x128xf32, #tpu.memory_space<hbm>> -> memref<20000x128xf32, #tpu.memory_space<hbm>>
      tpu.enqueue_indirect_dma source(%dma_start3A_233 : memref<20000x128xf32, #tpu.memory_space<hbm>>) target(%arg9 : memref<128x128xf32, #tpu.memory_space<vmem>>) offsets(%dma_start3A_230 : memref<128xi32, #tpu.memory_space<vmem>>) semaphore(%arg11 : memref<!tpu.dma_semaphore, #tpu.memory_space<semaphore_mem>>)
      %dma_wait3A_234 = arith.constant 0 : i32
      %dma_wait3A_235 = arith.constant 0 : i32
      %dma_wait3A_236 = arith.constant 0 : i32
      %dma_wait3A_237 = tpu.memref_slice %arg7[%dma_wait3A_234, %dma_wait3A_235, %dma_wait3A_236] : memref<2x8x128xi32, #tpu.memory_space<vmem>> -> memref<1x1x128xi32, #tpu.memory_space<vmem>>
      %dma_wait3A_238 = tpu.memref_squeeze %dma_wait3A_237 : memref<1x1x128xi32, #tpu.memory_space<vmem>> -> memref<128xi32, #tpu.memory_space<vmem>>
      %dma_wait3A_239 = arith.constant 0 : i32
      %dma_wait3A_240 = arith.constant 0 : i32
      %dma_wait3A_241 = tpu.memref_slice %arg2[%dma_wait3A_239, %dma_wait3A_240] : memref<20000x128xf32, #tpu.memory_space<hbm>> -> memref<20000x128xf32, #tpu.memory_space<hbm>>
      tpu.wait_indirect_dma semaphore(%arg12 : memref<!tpu.dma_semaphore, #tpu.memory_space<semaphore_mem>>) src(%dma_wait3A_241 : memref<20000x128xf32, #tpu.memory_space<hbm>>) dst(%arg10 : memref<128x128xf32, #tpu.memory_space<vmem>>)
      %dma_start3A_242 = arith.constant 5 : i32
      %dma_start3A_243 = arith.constant 0 : i32
      %dma_start3A_244 = tpu.memref_slice %arg8[%select_n3A_60, %dma_start3A_242, %dma_start3A_243] : memref<2x8x128xi32, #tpu.memory_space<vmem>> -> memref<1x1x128xi32, #tpu.memory_space<vmem>>
      %dma_start3A_245 = tpu.memref_squeeze %dma_start3A_244 : memref<1x1x128xi32, #tpu.memory_space<vmem>> -> memref<128xi32, #tpu.memory_space<vmem>>
      %dma_start3A_246 = arith.constant 0 : i32
      %dma_start3A_247 = arith.constant 0 : i32
      %dma_start3A_248 = tpu.memref_slice %arg17[%dma_start3A_246, %dma_start3A_247] : memref<10112x128xf32, #tpu.memory_space<vmem_shared>> -> memref<10112x128xf32, #tpu.memory_space<vmem_shared>>
      tpu.enqueue_indirect_dma source(%arg10 : memref<128x128xf32, #tpu.memory_space<vmem>>) target(%dma_start3A_248 : memref<10112x128xf32, #tpu.memory_space<vmem_shared>>) offsets(%dma_start3A_245 : memref<128xi32, #tpu.memory_space<vmem>>) semaphore(%arg14 : memref<!tpu.dma_semaphore, #tpu.memory_space<semaphore_mem>>) {add = true}
      %dma_wait3A_249 = arith.constant 0 : i32
      %dma_wait3A_250 = arith.constant 0 : i32
      %dma_wait3A_251 = arith.constant 0 : i32
      %dma_wait3A_252 = tpu.memref_slice %arg8[%dma_wait3A_249, %dma_wait3A_250, %dma_wait3A_251] : memref<2x8x128xi32, #tpu.memory_space<vmem>> -> memref<1x1x128xi32, #tpu.memory_space<vmem>>
      %dma_wait3A_253 = tpu.memref_squeeze %dma_wait3A_252 : memref<1x1x128xi32, #tpu.memory_space<vmem>> -> memref<128xi32, #tpu.memory_space<vmem>>
      %dma_wait3A_254 = arith.constant 0 : i32
      %dma_wait3A_255 = arith.constant 0 : i32
      %dma_wait3A_256 = tpu.memref_slice %arg17[%dma_wait3A_254, %dma_wait3A_255] : memref<10112x128xf32, #tpu.memory_space<vmem_shared>> -> memref<10112x128xf32, #tpu.memory_space<vmem_shared>>
      tpu.wait_indirect_dma semaphore(%arg14 : memref<!tpu.dma_semaphore, #tpu.memory_space<semaphore_mem>>) src(%arg10 : memref<128x128xf32, #tpu.memory_space<vmem>>) dst(%dma_wait3A_256 : memref<10112x128xf32, #tpu.memory_space<vmem_shared>>)
      %dma_start3A_257 = arith.constant 7 : i32
      %dma_start3A_258 = arith.constant 0 : i32
      %dma_start3A_259 = tpu.memref_slice %arg7[%select_n3A_60, %dma_start3A_257, %dma_start3A_258] : memref<2x8x128xi32, #tpu.memory_space<vmem>> -> memref<1x1x128xi32, #tpu.memory_space<vmem>>
      %dma_start3A_260 = tpu.memref_squeeze %dma_start3A_259 : memref<1x1x128xi32, #tpu.memory_space<vmem>> -> memref<128xi32, #tpu.memory_space<vmem>>
      %dma_start3A_261 = arith.constant 0 : i32
      %dma_start3A_262 = arith.constant 0 : i32
      %dma_start3A_263 = tpu.memref_slice %arg2[%dma_start3A_261, %dma_start3A_262] : memref<20000x128xf32, #tpu.memory_space<hbm>> -> memref<20000x128xf32, #tpu.memory_space<hbm>>
      tpu.enqueue_indirect_dma source(%dma_start3A_263 : memref<20000x128xf32, #tpu.memory_space<hbm>>) target(%arg10 : memref<128x128xf32, #tpu.memory_space<vmem>>) offsets(%dma_start3A_260 : memref<128xi32, #tpu.memory_space<vmem>>) semaphore(%arg12 : memref<!tpu.dma_semaphore, #tpu.memory_space<semaphore_mem>>)
      %dma_wait3A_264 = arith.constant 0 : i32
      %dma_wait3A_265 = arith.constant 0 : i32
      %dma_wait3A_266 = arith.constant 0 : i32
      %dma_wait3A_267 = tpu.memref_slice %arg7[%dma_wait3A_264, %dma_wait3A_265, %dma_wait3A_266] : memref<2x8x128xi32, #tpu.memory_space<vmem>> -> memref<1x1x128xi32, #tpu.memory_space<vmem>>
      %dma_wait3A_268 = tpu.memref_squeeze %dma_wait3A_267 : memref<1x1x128xi32, #tpu.memory_space<vmem>> -> memref<128xi32, #tpu.memory_space<vmem>>
      %dma_wait3A_269 = arith.constant 0 : i32
      %dma_wait3A_270 = arith.constant 0 : i32
      %dma_wait3A_271 = tpu.memref_slice %arg2[%dma_wait3A_269, %dma_wait3A_270] : memref<20000x128xf32, #tpu.memory_space<hbm>> -> memref<20000x128xf32, #tpu.memory_space<hbm>>
      tpu.wait_indirect_dma semaphore(%arg11 : memref<!tpu.dma_semaphore, #tpu.memory_space<semaphore_mem>>) src(%dma_wait3A_271 : memref<20000x128xf32, #tpu.memory_space<hbm>>) dst(%arg9 : memref<128x128xf32, #tpu.memory_space<vmem>>)
      %dma_start3A_272 = arith.constant 6 : i32
      %dma_start3A_273 = arith.constant 0 : i32
      %dma_start3A_274 = tpu.memref_slice %arg8[%select_n3A_60, %dma_start3A_272, %dma_start3A_273] : memref<2x8x128xi32, #tpu.memory_space<vmem>> -> memref<1x1x128xi32, #tpu.memory_space<vmem>>
      %dma_start3A_275 = tpu.memref_squeeze %dma_start3A_274 : memref<1x1x128xi32, #tpu.memory_space<vmem>> -> memref<128xi32, #tpu.memory_space<vmem>>
      %dma_start3A_276 = arith.constant 0 : i32
      %dma_start3A_277 = arith.constant 0 : i32
      %dma_start3A_278 = tpu.memref_slice %arg17[%dma_start3A_276, %dma_start3A_277] : memref<10112x128xf32, #tpu.memory_space<vmem_shared>> -> memref<10112x128xf32, #tpu.memory_space<vmem_shared>>
      tpu.enqueue_indirect_dma source(%arg9 : memref<128x128xf32, #tpu.memory_space<vmem>>) target(%dma_start3A_278 : memref<10112x128xf32, #tpu.memory_space<vmem_shared>>) offsets(%dma_start3A_275 : memref<128xi32, #tpu.memory_space<vmem>>) semaphore(%arg13 : memref<!tpu.dma_semaphore, #tpu.memory_space<semaphore_mem>>) {add = true}
      %convert_element_type3A_279 = arith.extui %lt3A_82 : i1 to i32
      %cond3A_280 = arith.constant 0 : i32
      %cond3A_281 = arith.cmpi ne, %convert_element_type3A_279, %cond3A_280 : i32
      scf.if %cond3A_281 {
        %dma_wait3A_300 = arith.constant 0 : i32
        %dma_wait3A_301 = arith.constant 0 : i32
        %dma_wait3A_302 = tpu.memref_slice %arg7[%select_n3A_78, %dma_wait3A_300, %dma_wait3A_301] : memref<2x8x128xi32, #tpu.memory_space<vmem>> -> memref<1x8x128xi32, #tpu.memory_space<vmem>>
        %dma_wait3A_303 = tpu.memref_squeeze %dma_wait3A_302 : memref<1x8x128xi32, #tpu.memory_space<vmem>> -> memref<8x128xi32, #tpu.memory_space<vmem>>
        %dma_wait3A_304 = arith.constant 0 : i32
        %dma_wait3A_305 = tpu.memref_slice %arg3[%mul3A_2, %dma_wait3A_304] : memref<2560x128xi32, #tpu.memory_space<hbm>> -> memref<8x128xi32, #tpu.memory_space<hbm>>
        %dma_wait3A_306 = arith.constant 0 : i32
        %dma_wait3A_307 = arith.constant 0 : i32
        %dma_wait3A_308 = tpu.memref_slice %arg7[%select_n3A_78, %dma_wait3A_306, %dma_wait3A_307] : memref<2x8x128xi32, #tpu.memory_space<vmem>> -> memref<1x8x128xi32, #tpu.memory_space<vmem>>
        %dma_wait3A_309 = tpu.memref_squeeze %dma_wait3A_308 : memref<1x8x128xi32, #tpu.memory_space<vmem>> -> memref<8x128xi32, #tpu.memory_space<vmem>>
        %dma_wait3A_310 = arith.constant 0 : i32
        %dma_wait3A_311 = tpu.memref_slice %arg3[%mul3A_2, %dma_wait3A_310] : memref<2560x128xi32, #tpu.memory_space<hbm>> -> memref<8x128xi32, #tpu.memory_space<hbm>>
        tpu.wait_dma2 semaphore(%arg15 : memref<!tpu.dma_semaphore, #tpu.memory_space<semaphore_mem>>) src(%dma_wait3A_311 : memref<8x128xi32, #tpu.memory_space<hbm>>) dst(%dma_wait3A_309 : memref<8x128xi32, #tpu.memory_space<vmem>>)
        %dma_wait3A_312 = arith.constant 0 : i32
        %dma_wait3A_313 = arith.constant 0 : i32
        %dma_wait3A_314 = tpu.memref_slice %arg8[%select_n3A_78, %dma_wait3A_312, %dma_wait3A_313] : memref<2x8x128xi32, #tpu.memory_space<vmem>> -> memref<1x8x128xi32, #tpu.memory_space<vmem>>
        %dma_wait3A_315 = tpu.memref_squeeze %dma_wait3A_314 : memref<1x8x128xi32, #tpu.memory_space<vmem>> -> memref<8x128xi32, #tpu.memory_space<vmem>>
        %dma_wait3A_316 = arith.constant 0 : i32
        %dma_wait3A_317 = tpu.memref_slice %arg4[%mul3A_2, %dma_wait3A_316] : memref<2560x128xi32, #tpu.memory_space<hbm>> -> memref<8x128xi32, #tpu.memory_space<hbm>>
        %dma_wait3A_318 = arith.constant 0 : i32
        %dma_wait3A_319 = arith.constant 0 : i32
        %dma_wait3A_320 = tpu.memref_slice %arg8[%select_n3A_78, %dma_wait3A_318, %dma_wait3A_319] : memref<2x8x128xi32, #tpu.memory_space<vmem>> -> memref<1x8x128xi32, #tpu.memory_space<vmem>>
        %dma_wait3A_321 = tpu.memref_squeeze %dma_wait3A_320 : memref<1x8x128xi32, #tpu.memory_space<vmem>> -> memref<8x128xi32, #tpu.memory_space<vmem>>
        %dma_wait3A_322 = arith.constant 0 : i32
        %dma_wait3A_323 = tpu.memref_slice %arg4[%mul3A_2, %dma_wait3A_322] : memref<2560x128xi32, #tpu.memory_space<hbm>> -> memref<8x128xi32, #tpu.memory_space<hbm>>
        tpu.wait_dma2 semaphore(%arg16 : memref<!tpu.dma_semaphore, #tpu.memory_space<semaphore_mem>>) src(%dma_wait3A_323 : memref<8x128xi32, #tpu.memory_space<hbm>>) dst(%dma_wait3A_321 : memref<8x128xi32, #tpu.memory_space<vmem>>)
        %dma_wait3A_324 = arith.constant 0 : i32
        %dma_wait3A_325 = arith.constant 0 : i32
        %dma_wait3A_326 = arith.constant 0 : i32
        %dma_wait3A_327 = tpu.memref_slice %arg8[%dma_wait3A_324, %dma_wait3A_325, %dma_wait3A_326] : memref<2x8x128xi32, #tpu.memory_space<vmem>> -> memref<1x1x128xi32, #tpu.memory_space<vmem>>
        %dma_wait3A_328 = tpu.memref_squeeze %dma_wait3A_327 : memref<1x1x128xi32, #tpu.memory_space<vmem>> -> memref<128xi32, #tpu.memory_space<vmem>>
        %dma_wait3A_329 = arith.constant 0 : i32
        %dma_wait3A_330 = arith.constant 0 : i32
        %dma_wait3A_331 = tpu.memref_slice %arg17[%dma_wait3A_329, %dma_wait3A_330] : memref<10112x128xf32, #tpu.memory_space<vmem_shared>> -> memref<10112x128xf32, #tpu.memory_space<vmem_shared>>
        tpu.wait_indirect_dma semaphore(%arg13 : memref<!tpu.dma_semaphore, #tpu.memory_space<semaphore_mem>>) src(%arg9 : memref<128x128xf32, #tpu.memory_space<vmem>>) dst(%dma_wait3A_331 : memref<10112x128xf32, #tpu.memory_space<vmem_shared>>)
        %dma_start3A_332 = arith.constant 0 : i32
        %dma_start3A_333 = arith.constant 0 : i32
        %dma_start3A_334 = tpu.memref_slice %arg7[%select_n3A_78, %dma_start3A_332, %dma_start3A_333] : memref<2x8x128xi32, #tpu.memory_space<vmem>> -> memref<1x1x128xi32, #tpu.memory_space<vmem>>
        %dma_start3A_335 = tpu.memref_squeeze %dma_start3A_334 : memref<1x1x128xi32, #tpu.memory_space<vmem>> -> memref<128xi32, #tpu.memory_space<vmem>>
        %dma_start3A_336 = arith.constant 0 : i32
        %dma_start3A_337 = arith.constant 0 : i32
        %dma_start3A_338 = tpu.memref_slice %arg2[%dma_start3A_336, %dma_start3A_337] : memref<20000x128xf32, #tpu.memory_space<hbm>> -> memref<20000x128xf32, #tpu.memory_space<hbm>>
        tpu.enqueue_indirect_dma source(%dma_start3A_338 : memref<20000x128xf32, #tpu.memory_space<hbm>>) target(%arg9 : memref<128x128xf32, #tpu.memory_space<vmem>>) offsets(%dma_start3A_335 : memref<128xi32, #tpu.memory_space<vmem>>) semaphore(%arg11 : memref<!tpu.dma_semaphore, #tpu.memory_space<semaphore_mem>>)
      } else {
      }
      %dma_wait3A_282 = arith.constant 0 : i32
      %dma_wait3A_283 = arith.constant 0 : i32
      %dma_wait3A_284 = arith.constant 0 : i32
      %dma_wait3A_285 = tpu.memref_slice %arg7[%dma_wait3A_282, %dma_wait3A_283, %dma_wait3A_284] : memref<2x8x128xi32, #tpu.memory_space<vmem>> -> memref<1x1x128xi32, #tpu.memory_space<vmem>>
      %dma_wait3A_286 = tpu.memref_squeeze %dma_wait3A_285 : memref<1x1x128xi32, #tpu.memory_space<vmem>> -> memref<128xi32, #tpu.memory_space<vmem>>
      %dma_wait3A_287 = arith.constant 0 : i32
      %dma_wait3A_288 = arith.constant 0 : i32
      %dma_wait3A_289 = tpu.memref_slice %arg2[%dma_wait3A_287, %dma_wait3A_288] : memref<20000x128xf32, #tpu.memory_space<hbm>> -> memref<20000x128xf32, #tpu.memory_space<hbm>>
      tpu.wait_indirect_dma semaphore(%arg12 : memref<!tpu.dma_semaphore, #tpu.memory_space<semaphore_mem>>) src(%dma_wait3A_289 : memref<20000x128xf32, #tpu.memory_space<hbm>>) dst(%arg10 : memref<128x128xf32, #tpu.memory_space<vmem>>)
      %dma_start3A_290 = arith.constant 7 : i32
      %dma_start3A_291 = arith.constant 0 : i32
      %dma_start3A_292 = tpu.memref_slice %arg8[%select_n3A_60, %dma_start3A_290, %dma_start3A_291] : memref<2x8x128xi32, #tpu.memory_space<vmem>> -> memref<1x1x128xi32, #tpu.memory_space<vmem>>
      %dma_start3A_293 = tpu.memref_squeeze %dma_start3A_292 : memref<1x1x128xi32, #tpu.memory_space<vmem>> -> memref<128xi32, #tpu.memory_space<vmem>>
      %dma_start3A_294 = arith.constant 0 : i32
      %dma_start3A_295 = arith.constant 0 : i32
      %dma_start3A_296 = tpu.memref_slice %arg17[%dma_start3A_294, %dma_start3A_295] : memref<10112x128xf32, #tpu.memory_space<vmem_shared>> -> memref<10112x128xf32, #tpu.memory_space<vmem_shared>>
      tpu.enqueue_indirect_dma source(%arg10 : memref<128x128xf32, #tpu.memory_space<vmem>>) target(%dma_start3A_296 : memref<10112x128xf32, #tpu.memory_space<vmem_shared>>) offsets(%dma_start3A_293 : memref<128xi32, #tpu.memory_space<vmem>>) semaphore(%arg14 : memref<!tpu.dma_semaphore, #tpu.memory_space<semaphore_mem>>) {add = true}
      %convert_element_type3A_297 = arith.extui %lt3A_82 : i1 to i32
      %cond3A_298 = arith.constant 0 : i32
      %cond3A_299 = arith.cmpi ne, %convert_element_type3A_297, %cond3A_298 : i32
      scf.if %cond3A_299 {
        %dma_wait3A_300 = arith.constant 0 : i32
        %dma_wait3A_301 = arith.constant 0 : i32
        %dma_wait3A_302 = arith.constant 0 : i32
        %dma_wait3A_303 = tpu.memref_slice %arg8[%dma_wait3A_300, %dma_wait3A_301, %dma_wait3A_302] : memref<2x8x128xi32, #tpu.memory_space<vmem>> -> memref<1x1x128xi32, #tpu.memory_space<vmem>>
        %dma_wait3A_304 = tpu.memref_squeeze %dma_wait3A_303 : memref<1x1x128xi32, #tpu.memory_space<vmem>> -> memref<128xi32, #tpu.memory_space<vmem>>
        %dma_wait3A_305 = arith.constant 0 : i32
        %dma_wait3A_306 = arith.constant 0 : i32
        %dma_wait3A_307 = tpu.memref_slice %arg17[%dma_wait3A_305, %dma_wait3A_306] : memref<10112x128xf32, #tpu.memory_space<vmem_shared>> -> memref<10112x128xf32, #tpu.memory_space<vmem_shared>>
        tpu.wait_indirect_dma semaphore(%arg14 : memref<!tpu.dma_semaphore, #tpu.memory_space<semaphore_mem>>) src(%arg10 : memref<128x128xf32, #tpu.memory_space<vmem>>) dst(%dma_wait3A_307 : memref<10112x128xf32, #tpu.memory_space<vmem_shared>>)
        %dma_start3A_308 = arith.constant 1 : i32
        %dma_start3A_309 = arith.constant 0 : i32
        %dma_start3A_310 = tpu.memref_slice %arg7[%select_n3A_78, %dma_start3A_308, %dma_start3A_309] : memref<2x8x128xi32, #tpu.memory_space<vmem>> -> memref<1x1x128xi32, #tpu.memory_space<vmem>>
        %dma_start3A_311 = tpu.memref_squeeze %dma_start3A_310 : memref<1x1x128xi32, #tpu.memory_space<vmem>> -> memref<128xi32, #tpu.memory_space<vmem>>
        %dma_start3A_312 = arith.constant 0 : i32
        %dma_start3A_313 = arith.constant 0 : i32
        %dma_start3A_314 = tpu.memref_slice %arg2[%dma_start3A_312, %dma_start3A_313] : memref<20000x128xf32, #tpu.memory_space<hbm>> -> memref<20000x128xf32, #tpu.memory_space<hbm>>
        tpu.enqueue_indirect_dma source(%dma_start3A_314 : memref<20000x128xf32, #tpu.memory_space<hbm>>) target(%arg10 : memref<128x128xf32, #tpu.memory_space<vmem>>) offsets(%dma_start3A_311 : memref<128xi32, #tpu.memory_space<vmem>>) semaphore(%arg12 : memref<!tpu.dma_semaphore, #tpu.memory_space<semaphore_mem>>)
      } else {
      }
    }
    %scan3A_26 = arith.constant 10 : i32
    %dma_wait3A = arith.constant 0 : i32
    %dma_wait3A_27 = arith.constant 0 : i32
    %dma_wait3A_28 = arith.constant 0 : i32
    %dma_wait3A_29 = tpu.memref_slice %arg8[%dma_wait3A, %dma_wait3A_27, %dma_wait3A_28] : memref<2x8x128xi32, #tpu.memory_space<vmem>> -> memref<1x1x128xi32, #tpu.memory_space<vmem>>
    %dma_wait3A_30 = tpu.memref_squeeze %dma_wait3A_29 : memref<1x1x128xi32, #tpu.memory_space<vmem>> -> memref<128xi32, #tpu.memory_space<vmem>>
    %dma_wait3A_31 = arith.constant 0 : i32
    %dma_wait3A_32 = arith.constant 0 : i32
    %dma_wait3A_33 = tpu.memref_slice %arg17[%dma_wait3A_31, %dma_wait3A_32] : memref<10112x128xf32, #tpu.memory_space<vmem_shared>> -> memref<10112x128xf32, #tpu.memory_space<vmem_shared>>
    tpu.wait_indirect_dma semaphore(%arg13 : memref<!tpu.dma_semaphore, #tpu.memory_space<semaphore_mem>>) src(%arg9 : memref<128x128xf32, #tpu.memory_space<vmem>>) dst(%dma_wait3A_33 : memref<10112x128xf32, #tpu.memory_space<vmem_shared>>)
    %dma_wait3A_34 = arith.constant 0 : i32
    %dma_wait3A_35 = arith.constant 0 : i32
    %dma_wait3A_36 = arith.constant 0 : i32
    %dma_wait3A_37 = tpu.memref_slice %arg8[%dma_wait3A_34, %dma_wait3A_35, %dma_wait3A_36] : memref<2x8x128xi32, #tpu.memory_space<vmem>> -> memref<1x1x128xi32, #tpu.memory_space<vmem>>
    %dma_wait3A_38 = tpu.memref_squeeze %dma_wait3A_37 : memref<1x1x128xi32, #tpu.memory_space<vmem>> -> memref<128xi32, #tpu.memory_space<vmem>>
    %dma_wait3A_39 = arith.constant 0 : i32
    %dma_wait3A_40 = arith.constant 0 : i32
    %dma_wait3A_41 = tpu.memref_slice %arg17[%dma_wait3A_39, %dma_wait3A_40] : memref<10112x128xf32, #tpu.memory_space<vmem_shared>> -> memref<10112x128xf32, #tpu.memory_space<vmem_shared>>
    tpu.wait_indirect_dma semaphore(%arg14 : memref<!tpu.dma_semaphore, #tpu.memory_space<semaphore_mem>>) src(%arg10 : memref<128x128xf32, #tpu.memory_space<vmem>>) dst(%dma_wait3A_41 : memref<10112x128xf32, #tpu.memory_space<vmem_shared>>)
    %barrier3A_42 = arith.constant 0 : index
    tpu.barrier barrier_id(%barrier3A_42)
    %mul3A_43 = arith.constant 632 : i32
    %mul3A_44 = arith.muli %arg1, %mul3A_43 : i32
    %mul3A_45 = arith.constant 632 : i32
    %mul3A_46 = arith.muli %arg1, %mul3A_45 : i32
    "tpu.region"() ({
      %run_scoped3A_47 = tpu.sem_alloc : memref<!tpu.dma_semaphore, #tpu.memory_space<semaphore_mem>>
      %dma_start3A_48 = arith.constant 0 : i32
      %dma_start3A_49 = tpu.memref_slice %arg6[%arg0, %mul3A_46, %dma_start3A_48] : memref<2x10112x128xf32, #tpu.memory_space<hbm>> -> memref<1x632x128xf32, #tpu.memory_space<hbm>>
      %dma_start3A_50 = tpu.memref_squeeze %dma_start3A_49 : memref<1x632x128xf32, #tpu.memory_space<hbm>> -> memref<632x128xf32, #tpu.memory_space<hbm>>
      %dma_start3A_51 = arith.constant 0 : i32
      %dma_start3A_52 = tpu.memref_slice %arg17[%mul3A_44, %dma_start3A_51] : memref<10112x128xf32, #tpu.memory_space<vmem_shared>> -> memref<632x128xf32, #tpu.memory_space<vmem_shared>>
      tpu.enqueue_dma source(%dma_start3A_52 : memref<632x128xf32, #tpu.memory_space<vmem_shared>>) target(%dma_start3A_50 : memref<632x128xf32, #tpu.memory_space<hbm>>) target_semaphore(%run_scoped3A_47 : memref<!tpu.dma_semaphore, #tpu.memory_space<semaphore_mem>>)
      %dma_wait3A_53 = arith.constant 0 : i32
      %dma_wait3A_54 = tpu.memref_slice %arg6[%arg0, %mul3A_46, %dma_wait3A_53] : memref<2x10112x128xf32, #tpu.memory_space<hbm>> -> memref<1x632x128xf32, #tpu.memory_space<hbm>>
      %dma_wait3A_55 = tpu.memref_squeeze %dma_wait3A_54 : memref<1x632x128xf32, #tpu.memory_space<hbm>> -> memref<632x128xf32, #tpu.memory_space<hbm>>
      %dma_wait3A_56 = arith.constant 0 : i32
      %dma_wait3A_57 = tpu.memref_slice %arg17[%mul3A_44, %dma_wait3A_56] : memref<10112x128xf32, #tpu.memory_space<vmem_shared>> -> memref<632x128xf32, #tpu.memory_space<vmem_shared>>
      tpu.wait_dma2 semaphore(%run_scoped3A_47 : memref<!tpu.dma_semaphore, #tpu.memory_space<semaphore_mem>>) src(%dma_wait3A_57 : memref<632x128xf32, #tpu.memory_space<vmem_shared>>) dst(%dma_wait3A_55 : memref<632x128xf32, #tpu.memory_space<hbm>>)
      tpu.yield
    }) : () -> ()
    return
  }
}

module attributes {stable_mosaic.version = 14 : i64} {
  func.func @_tc_prep_body(%arg0: i32, %arg1: memref<2000x128xf32, #tpu.memory_space<vmem>>, %arg2: memref<2000x128xf32, #tpu.memory_space<vmem>>, %arg3: memref<2000x128xf32, #tpu.memory_space<vmem>>, %arg4: memref<2000x128xf32, #tpu.memory_space<vmem>>) attributes {dimension_semantics = [#tpu.dimension_semantics<arbitrary>], iteration_bounds = array<i64: 5>, scalar_prefetch = 0 : i64, scratch_operands = 0 : i64, tpu.core_type = #tpu.core_type<tc>, window_params = [{transform_indices = @transform_0, window_bounds = array<i64: 2000, 128>}, {transform_indices = @transform_1, window_bounds = array<i64: 2000, 128>}, {transform_indices = @transform_2, window_bounds = array<i64: 2000, 128>}, {transform_indices = @transform_3, window_bounds = array<i64: 2000, 128>}]} {
    %get3A = arith.constant 0 : index
    %get3A_0 = arith.constant 0 : index
    %get3A_1 = vector.load %arg2[%get3A, %get3A_0] : memref<2000x128xf32, #tpu.memory_space<vmem>>, vector<2000x128xf32>
    %get3A_2 = arith.constant 0 : index
    %get3A_3 = arith.constant 0 : index
    %get3A_4 = vector.load %arg3[%get3A_2, %get3A_3] : memref<2000x128xf32, #tpu.memory_space<vmem>>, vector<2000x128xf32>
    %add3A = arith.addf %get3A_1, %get3A_4 : vector<2000x128xf32>
    %slice3A = vector.extract_strided_slice %add3A {offsets = [0, 0], sizes = [2000, 1], strides = [1, 1]} : vector<2000x128xf32> to vector<2000x1xf32>
    %max3A = arith.constant 1.000000e+00 : f32
    %max3A_5 = vector.broadcast %max3A : f32 to vector<2000x1xf32>
    %max3A_6 = arith.maximumf %slice3A, %max3A_5 : vector<2000x1xf32>
    %rsqrt3A = math.rsqrt %max3A_6 : vector<2000x1xf32>
    %get3A_7 = arith.constant 0 : index
    %get3A_8 = arith.constant 0 : index
    %get3A_9 = vector.load %arg1[%get3A_7, %get3A_8] : memref<2000x128xf32, #tpu.memory_space<vmem>>, vector<2000x128xf32>
    %mul3A = vector.broadcast %rsqrt3A : vector<2000x1xf32> to vector<2000x128xf32>
    %mul3A_10 = arith.mulf %get3A_9, %mul3A : vector<2000x128xf32>
    %swap3A = arith.constant 0 : index
    %swap3A_11 = arith.constant 0 : index
    %swap3A_12 = vector.load %arg4[%swap3A, %swap3A_11] : memref<2000x128xf32, #tpu.memory_space<vmem>>, vector<2000x128xf32>
    tpu.vector_store %arg4[%swap3A, %swap3A_11], %mul3A_10 {strides = array<i32>} : memref<2000x128xf32, #tpu.memory_space<vmem>>, vector<2000x128xf32>,
    return
  }
  func.func @transform_0(%arg0: i32) -> (i32, i32) {
    %c0_i32 = arith.constant 0 : i32
    %c0_i32_0 = arith.constant 0 : i32
    return %arg0, %c0_i32 : i32, i32
  }
  func.func @transform_1(%arg0: i32) -> (i32, i32) {
    %c0_i32 = arith.constant 0 : i32
    %c0_i32_0 = arith.constant 0 : i32
    return %arg0, %c0_i32 : i32, i32
  }
  func.func @transform_2(%arg0: i32) -> (i32, i32) {
    %c0_i32 = arith.constant 0 : i32
    %c0_i32_0 = arith.constant 0 : i32
    return %arg0, %c0_i32 : i32, i32
  }
  func.func @transform_3(%arg0: i32) -> (i32, i32) {
    %c0_i32 = arith.constant 0 : i32
    %c0_i32_0 = arith.constant 0 : i32
    return %arg0, %c0_i32 : i32, i32
  }
}

module attributes {stable_mosaic.version = 14 : i64} {
  func.func @_tc_gc_body(%arg0: i32, %arg1: memref<2000x128xf32, #tpu.memory_space<vmem>>, %arg2: memref<2000x128xf32, #tpu.memory_space<vmem>>, %arg3: memref<2000x128xf32, #tpu.memory_space<vmem>>, %arg4: memref<2000x128xf32, #tpu.memory_space<vmem>>, %arg5: memref<128x128xf32, #tpu.memory_space<vmem>>, %arg6: memref<2x128x128xf32, #tpu.memory_space<vmem>>, %arg7: memref<2x128xf32, #tpu.memory_space<vmem>>, %arg8: memref<2000x128xf32, #tpu.memory_space<vmem>>, %arg9: memref<2x2000x128xf32, #tpu.memory_space<vmem>>) attributes {dimension_semantics = [#tpu.dimension_semantics<arbitrary>], iteration_bounds = array<i64: 5>, scalar_prefetch = 0 : i64, scratch_operands = 0 : i64, tpu.core_type = #tpu.core_type<tc>, window_params = [{transform_indices = @transform_0, window_bounds = array<i64: 2000, 128>}, {transform_indices = @transform_1, window_bounds = array<i64: 2000, 128>}, {transform_indices = @transform_2, window_bounds = array<i64: 2000, 128>}, {transform_indices = @transform_3, window_bounds = array<i64: 2000, 128>}, {pipeline_mode = #tpu.pipeline_mode<synchronous>, transform_indices = @transform_4, window_bounds = array<i64: 128, 128>}, {pipeline_mode = #tpu.pipeline_mode<synchronous>, transform_indices = @transform_5, window_bounds = array<i64: 2, 128, 128>}, {pipeline_mode = #tpu.pipeline_mode<synchronous>, transform_indices = @transform_6, window_bounds = array<i64: 2, 128>}, {transform_indices = @transform_7, window_bounds = array<i64: 2000, 128>}, {transform_indices = @transform_8, window_bounds = array<i64: 2, 2000, 128>}]} {
    %get3A = arith.constant 0 : index
    %get3A_0 = arith.constant 0 : index
    %get3A_1 = vector.load %arg3[%get3A, %get3A_0] : memref<2000x128xf32, #tpu.memory_space<vmem>>, vector<2000x128xf32>
    %get3A_2 = arith.constant 0 : index
    %get3A_3 = arith.constant 0 : index
    %get3A_4 = vector.load %arg4[%get3A_2, %get3A_3] : memref<2000x128xf32, #tpu.memory_space<vmem>>, vector<2000x128xf32>
    %add3A = arith.addf %get3A_1, %get3A_4 : vector<2000x128xf32>
    %slice3A = vector.extract_strided_slice %add3A {offsets = [0, 0], sizes = [2000, 1], strides = [1, 1]} : vector<2000x128xf32> to vector<2000x1xf32>
    %max3A = arith.constant 1.000000e+00 : f32
    %max3A_5 = vector.broadcast %max3A : f32 to vector<2000x1xf32>
    %max3A_6 = arith.maximumf %slice3A, %max3A_5 : vector<2000x1xf32>
    %rsqrt3A = math.rsqrt %max3A_6 : vector<2000x1xf32>
    %get3A_7 = arith.constant 0 : index
    %get3A_8 = arith.constant 0 : index
    %get3A_9 = vector.load %arg1[%get3A_7, %get3A_8] : memref<2000x128xf32, #tpu.memory_space<vmem>>, vector<2000x128xf32>
    %get3A_10 = arith.constant 0 : index
    %get3A_11 = arith.constant 0 : index
    %get3A_12 = vector.load %arg2[%get3A_10, %get3A_11] : memref<2000x128xf32, #tpu.memory_space<vmem>>, vector<2000x128xf32>
    %add3A_13 = arith.addf %get3A_9, %get3A_12 : vector<2000x128xf32>
    %mul3A = vector.broadcast %rsqrt3A : vector<2000x1xf32> to vector<2000x128xf32>
    %mul3A_14 = arith.mulf %add3A_13, %mul3A : vector<2000x128xf32>
    %get3A_15 = arith.constant 0 : index
    %get3A_16 = arith.constant 0 : index
    %get3A_17 = vector.load %arg5[%get3A_15, %get3A_16] : memref<128x128xf32, #tpu.memory_space<vmem>>, vector<128x128xf32>
    %dot_general3A = arith.constant dense<0.000000e+00> : vector<2000x128xf32>
    %dot_general3A_18 = tpu.matmul %mul3A_14, %get3A_17, %dot_general3A {dimension_numbers = #tpu.dot_dimension_numbers<[1], [0], [0], [1], [0, 0, 1, 1], [], []>, transpose_lhs_hint = false} : vector<2000x128xf32>, vector<128x128xf32>, vector<2000x128xf32> -> vector<2000x128xf32>
    %gt3A = arith.constant 0.000000e+00 : f32
    %gt3A_19 = vector.broadcast %gt3A : f32 to vector<2000x128xf32>
    %gt3A_20 = arith.cmpf ogt, %dot_general3A_18, %gt3A_19 : vector<2000x128xf32>
    %min3A = arith.constant 0.000000e+00 : f32
    %min3A_21 = vector.broadcast %min3A : f32 to vector<2000x128xf32>
    %min3A_22 = arith.minimumf %dot_general3A_18, %min3A_21 : vector<2000x128xf32>
    %exp3A = math.exp %min3A_22 : vector<2000x128xf32>
    %sub3A = arith.constant 1.000000e+00 : f32
    %sub3A_23 = vector.broadcast %sub3A : f32 to vector<2000x128xf32>
    %sub3A_24 = arith.subf %exp3A, %sub3A_23 : vector<2000x128xf32>
    %select_n3A = arith.select %gt3A_20, %dot_general3A_18, %sub3A_24 : vector<2000x128xi1>, vector<2000x128xf32>
    %swap3A = arith.constant 0 : index
    %swap3A_25 = arith.constant 0 : index
    %swap3A_26 = vector.load %arg8[%swap3A, %swap3A_25] : memref<2000x128xf32, #tpu.memory_space<vmem>>, vector<2000x128xf32>
    tpu.vector_store %arg8[%swap3A, %swap3A_25], %select_n3A {strides = array<i32>} : memref<2000x128xf32, #tpu.memory_space<vmem>>, vector<2000x128xf32>,
    %get3A_27 = arith.constant 0 : index
    %get3A_28 = arith.constant 0 : index
    %get3A_29 = arith.constant 0 : index
    %get3A_30 = vector.load %arg6[%get3A_27, %get3A_28, %get3A_29] : memref<2x128x128xf32, #tpu.memory_space<vmem>>, vector<2x128x128xf32>
    %get3A_31 = arith.constant 0 : index
    %get3A_32 = arith.constant 0 : index
    %get3A_33 = vector.load %arg7[%get3A_31, %get3A_32] : memref<2x128xf32, #tpu.memory_space<vmem>>, vector<2x128xf32>
    %slice3A_34 = vector.extract_strided_slice %get3A_30 {offsets = [0, 0, 0], sizes = [1, 128, 128], strides = [1, 1, 1]} : vector<2x128x128xf32> to vector<1x128x128xf32>
    %squeeze3A = vector.shape_cast %slice3A_34 : vector<1x128x128xf32> to vector<128x128xf32>
    %dot_general3A_35 = arith.constant dense<0.000000e+00> : vector<2000x128xf32>
    %dot_general3A_36 = tpu.matmul %select_n3A, %squeeze3A, %dot_general3A_35 {dimension_numbers = #tpu.dot_dimension_numbers<[1], [0], [0], [1], [0, 0, 1, 1], [], []>, transpose_lhs_hint = false} : vector<2000x128xf32>, vector<128x128xf32>, vector<2000x128xf32> -> vector<2000x128xf32>
    %slice3A_37 = vector.extract_strided_slice %get3A_33 {offsets = [0, 0], sizes = [1, 128], strides = [1, 1]} : vector<2x128xf32> to vector<1x128xf32>
    %squeeze3A_38 = vector.shape_cast %slice3A_37 : vector<1x128xf32> to vector<128xf32>
    %broadcast_in_dim3A = vector.shape_cast %squeeze3A_38 : vector<128xf32> to vector<1x128xf32>
    %add3A_39 = vector.broadcast %broadcast_in_dim3A : vector<1x128xf32> to vector<2000x128xf32>
    %add3A_40 = arith.addf %dot_general3A_36, %add3A_39 : vector<2000x128xf32>
    %swap3A_41 = arith.constant 0 : index
    %swap3A_42 = arith.constant 0 : index
    %swap3A_43 = arith.constant 0 : index
    %swap3A_44 = vector.load %arg9[%swap3A_41, %swap3A_42, %swap3A_43] : memref<2x2000x128xf32, #tpu.memory_space<vmem>>, vector<1x2000x128xf32>
    %swap3A_45 = vector.shape_cast %swap3A_44 : vector<1x2000x128xf32> to vector<2000x128xf32>
    %swap3A_46 = vector.shape_cast %add3A_40 : vector<2000x128xf32> to vector<1x2000x128xf32>
    tpu.vector_store %arg9[%swap3A_41, %swap3A_42, %swap3A_43], %swap3A_46 {strides = array<i32>} : memref<2x2000x128xf32, #tpu.memory_space<vmem>>, vector<1x2000x128xf32>,
    %slice3A_47 = vector.extract_strided_slice %get3A_30 {offsets = [1, 0, 0], sizes = [1, 128, 128], strides = [1, 1, 1]} : vector<2x128x128xf32> to vector<1x128x128xf32>
    %squeeze3A_48 = vector.shape_cast %slice3A_47 : vector<1x128x128xf32> to vector<128x128xf32>
    %dot_general3A_49 = arith.constant dense<0.000000e+00> : vector<2000x128xf32>
    %dot_general3A_50 = tpu.matmul %select_n3A, %squeeze3A_48, %dot_general3A_49 {dimension_numbers = #tpu.dot_dimension_numbers<[1], [0], [0], [1], [0, 0, 1, 1], [], []>, transpose_lhs_hint = false} : vector<2000x128xf32>, vector<128x128xf32>, vector<2000x128xf32> -> vector<2000x128xf32>
    %slice3A_51 = vector.extract_strided_slice %get3A_33 {offsets = [1, 0], sizes = [1, 128], strides = [1, 1]} : vector<2x128xf32> to vector<1x128xf32>
    %squeeze3A_52 = vector.shape_cast %slice3A_51 : vector<1x128xf32> to vector<128xf32>
    %broadcast_in_dim3A_53 = vector.shape_cast %squeeze3A_52 : vector<128xf32> to vector<1x128xf32>
    %add3A_54 = vector.broadcast %broadcast_in_dim3A_53 : vector<1x128xf32> to vector<2000x128xf32>
    %add3A_55 = arith.addf %dot_general3A_50, %add3A_54 : vector<2000x128xf32>
    %swap3A_56 = arith.constant 1 : index
    %swap3A_57 = arith.constant 0 : index
    %swap3A_58 = arith.constant 0 : index
    %swap3A_59 = vector.load %arg9[%swap3A_56, %swap3A_57, %swap3A_58] : memref<2x2000x128xf32, #tpu.memory_space<vmem>>, vector<1x2000x128xf32>
    %swap3A_60 = vector.shape_cast %swap3A_59 : vector<1x2000x128xf32> to vector<2000x128xf32>
    %swap3A_61 = vector.shape_cast %add3A_55 : vector<2000x128xf32> to vector<1x2000x128xf32>
    tpu.vector_store %arg9[%swap3A_56, %swap3A_57, %swap3A_58], %swap3A_61 {strides = array<i32>} : memref<2x2000x128xf32, #tpu.memory_space<vmem>>, vector<1x2000x128xf32>,
    return
  }
  func.func @transform_0(%arg0: i32) -> (i32, i32) {
    %c0_i32 = arith.constant 0 : i32
    %c0_i32_0 = arith.constant 0 : i32
    return %arg0, %c0_i32 : i32, i32
  }
  func.func @transform_1(%arg0: i32) -> (i32, i32) {
    %c0_i32 = arith.constant 0 : i32
    %c0_i32_0 = arith.constant 0 : i32
    return %arg0, %c0_i32 : i32, i32
  }
  func.func @transform_2(%arg0: i32) -> (i32, i32) {
    %c0_i32 = arith.constant 0 : i32
    %c0_i32_0 = arith.constant 0 : i32
    return %arg0, %c0_i32 : i32, i32
  }
  func.func @transform_3(%arg0: i32) -> (i32, i32) {
    %c0_i32 = arith.constant 0 : i32
    %c0_i32_0 = arith.constant 0 : i32
    return %arg0, %c0_i32 : i32, i32
  }
  func.func @transform_4(%arg0: i32) -> (i32, i32) {
    %c0_i32 = arith.constant 0 : i32
    %c0_i32_0 = arith.constant 0 : i32
    %c0_i32_1 = arith.constant 0 : i32
    return %c0_i32, %c0_i32_0 : i32, i32
  }
  func.func @transform_5(%arg0: i32) -> (i32, i32, i32) {
    %c0_i32 = arith.constant 0 : i32
    %c0_i32_0 = arith.constant 0 : i32
    %c0_i32_1 = arith.constant 0 : i32
    %c0_i32_2 = arith.constant 0 : i32
    return %c0_i32, %c0_i32_0, %c0_i32_1 : i32, i32, i32
  }
  func.func @transform_6(%arg0: i32) -> (i32, i32) {
    %c0_i32 = arith.constant 0 : i32
    %c0_i32_0 = arith.constant 0 : i32
    %c0_i32_1 = arith.constant 0 : i32
    return %c0_i32, %c0_i32_0 : i32, i32
  }
  func.func @transform_7(%arg0: i32) -> (i32, i32) {
    %c0_i32 = arith.constant 0 : i32
    %c0_i32_0 = arith.constant 0 : i32
    return %arg0, %c0_i32 : i32, i32
  }
  func.func @transform_8(%arg0: i32) -> (i32, i32, i32) {
    %c0_i32 = arith.constant 0 : i32
    %c0_i32_0 = arith.constant 0 : i32
    %c0_i32_1 = arith.constant 0 : i32
    return %c0_i32, %arg0, %c0_i32_0 : i32, i32, i32
  }
}

module attributes {stable_mosaic.version = 14 : i64} {
  func.func @_tc_gru_mid_body(%arg0: i32, %arg1: memref<2000x128xf32, #tpu.memory_space<vmem>>, %arg2: memref<2000x128xf32, #tpu.memory_space<vmem>>, %arg3: memref<2000x128xf32, #tpu.memory_space<vmem>>, %arg4: memref<128x384xf32, #tpu.memory_space<vmem>>, %arg5: memref<128x384xf32, #tpu.memory_space<vmem>>, %arg6: memref<1x384xf32, #tpu.memory_space<vmem>>, %arg7: memref<1x384xf32, #tpu.memory_space<vmem>>, %arg8: memref<2x128x128xf32, #tpu.memory_space<vmem>>, %arg9: memref<2x128xf32, #tpu.memory_space<vmem>>, %arg10: memref<2000x128xf32, #tpu.memory_space<vmem>>, %arg11: memref<2x2000x128xf32, #tpu.memory_space<vmem>>) attributes {dimension_semantics = [#tpu.dimension_semantics<arbitrary>], iteration_bounds = array<i64: 5>, scalar_prefetch = 0 : i64, scratch_operands = 0 : i64, tpu.core_type = #tpu.core_type<tc>, window_params = [{transform_indices = @transform_0, window_bounds = array<i64: 2000, 128>}, {transform_indices = @transform_1, window_bounds = array<i64: 2000, 128>}, {transform_indices = @transform_2, window_bounds = array<i64: 2000, 128>}, {pipeline_mode = #tpu.pipeline_mode<synchronous>, transform_indices = @transform_3, window_bounds = array<i64: 128, 384>}, {pipeline_mode = #tpu.pipeline_mode<synchronous>, transform_indices = @transform_4, window_bounds = array<i64: 128, 384>}, {pipeline_mode = #tpu.pipeline_mode<synchronous>, transform_indices = @transform_5, window_bounds = array<i64: 1, 384>}, {pipeline_mode = #tpu.pipeline_mode<synchronous>, transform_indices = @transform_6, window_bounds = array<i64: 1, 384>}, {pipeline_mode = #tpu.pipeline_mode<synchronous>, transform_indices = @transform_7, window_bounds = array<i64: 2, 128, 128>}, {pipeline_mode = #tpu.pipeline_mode<synchronous>, transform_indices = @transform_8, window_bounds = array<i64: 2, 128>}, {transform_indices = @transform_9, window_bounds = array<i64: 2000, 128>}, {transform_indices = @transform_10, window_bounds = array<i64: 2, 2000, 128>}]} {
    %get3A = arith.constant 0 : index
    %get3A_0 = arith.constant 0 : index
    %get3A_1 = vector.load %arg1[%get3A, %get3A_0] : memref<2000x128xf32, #tpu.memory_space<vmem>>, vector<2000x128xf32>
    %get3A_2 = arith.constant 0 : index
    %get3A_3 = arith.constant 0 : index
    %get3A_4 = vector.load %arg2[%get3A_2, %get3A_3] : memref<2000x128xf32, #tpu.memory_space<vmem>>, vector<2000x128xf32>
    %add3A = arith.addf %get3A_1, %get3A_4 : vector<2000x128xf32>
    %get3A_5 = arith.constant 0 : index
    %get3A_6 = arith.constant 0 : index
    %get3A_7 = vector.load %arg3[%get3A_5, %get3A_6] : memref<2000x128xf32, #tpu.memory_space<vmem>>, vector<2000x128xf32>
    %get3A_8 = arith.constant 0 : index
    %get3A_9 = arith.constant 0 : index
    %get3A_10 = vector.load %arg4[%get3A_8, %get3A_9] : memref<128x384xf32, #tpu.memory_space<vmem>>, vector<128x384xf32>
    %dot_general3A = arith.constant dense<0.000000e+00> : vector<2000x384xf32>
    %dot_general3A_11 = tpu.matmul %add3A, %get3A_10, %dot_general3A {dimension_numbers = #tpu.dot_dimension_numbers<[1], [0], [0], [1], [0, 0, 1, 1], [], []>, transpose_lhs_hint = false} : vector<2000x128xf32>, vector<128x384xf32>, vector<2000x384xf32> -> vector<2000x384xf32>
    %get3A_12 = arith.constant 0 : index
    %get3A_13 = arith.constant 0 : index
    %get3A_14 = vector.load %arg6[%get3A_12, %get3A_13] : memref<1x384xf32, #tpu.memory_space<vmem>>, vector<1x384xf32>
    %add3A_15 = vector.broadcast %get3A_14 : vector<1x384xf32> to vector<2000x384xf32>
    %add3A_16 = arith.addf %dot_general3A_11, %add3A_15 : vector<2000x384xf32>
    %get3A_17 = arith.constant 0 : index
    %get3A_18 = arith.constant 0 : index
    %get3A_19 = vector.load %arg5[%get3A_17, %get3A_18] : memref<128x384xf32, #tpu.memory_space<vmem>>, vector<128x384xf32>
    %dot_general3A_20 = arith.constant dense<0.000000e+00> : vector<2000x384xf32>
    %dot_general3A_21 = tpu.matmul %get3A_7, %get3A_19, %dot_general3A_20 {dimension_numbers = #tpu.dot_dimension_numbers<[1], [0], [0], [1], [0, 0, 1, 1], [], []>, transpose_lhs_hint = false} : vector<2000x128xf32>, vector<128x384xf32>, vector<2000x384xf32> -> vector<2000x384xf32>
    %get3A_22 = arith.constant 0 : index
    %get3A_23 = arith.constant 0 : index
    %get3A_24 = vector.load %arg7[%get3A_22, %get3A_23] : memref<1x384xf32, #tpu.memory_space<vmem>>, vector<1x384xf32>
    %add3A_25 = vector.broadcast %get3A_24 : vector<1x384xf32> to vector<2000x384xf32>
    %add3A_26 = arith.addf %dot_general3A_21, %add3A_25 : vector<2000x384xf32>
    %slice3A = vector.extract_strided_slice %add3A_16 {offsets = [0, 0], sizes = [2000, 128], strides = [1, 1]} : vector<2000x384xf32> to vector<2000x128xf32>
    %slice3A_27 = vector.extract_strided_slice %add3A_26 {offsets = [0, 0], sizes = [2000, 128], strides = [1, 1]} : vector<2000x384xf32> to vector<2000x128xf32>
    %add3A_28 = arith.addf %slice3A, %slice3A_27 : vector<2000x128xf32>
    %logistic3A = arith.negf %add3A_28 : vector<2000x128xf32>
    %logistic3A_29 = math.exp %logistic3A : vector<2000x128xf32>
    %logistic3A_30 = arith.constant 1.000000e+00 : f32
    %logistic3A_31 = vector.broadcast %logistic3A_30 : f32 to vector<2000x128xf32>
    %logistic3A_32 = arith.addf %logistic3A_31, %logistic3A_29 : vector<2000x128xf32>
    %logistic3A_33 = arith.divf %logistic3A_31, %logistic3A_32 : vector<2000x128xf32>
    %slice3A_34 = vector.extract_strided_slice %add3A_16 {offsets = [0, 128], sizes = [2000, 128], strides = [1, 1]} : vector<2000x384xf32> to vector<2000x128xf32>
    %slice3A_35 = vector.extract_strided_slice %add3A_26 {offsets = [0, 128], sizes = [2000, 128], strides = [1, 1]} : vector<2000x384xf32> to vector<2000x128xf32>
    %add3A_36 = arith.addf %slice3A_34, %slice3A_35 : vector<2000x128xf32>
    %logistic3A_37 = arith.negf %add3A_36 : vector<2000x128xf32>
    %logistic3A_38 = math.exp %logistic3A_37 : vector<2000x128xf32>
    %logistic3A_39 = arith.constant 1.000000e+00 : f32
    %logistic3A_40 = vector.broadcast %logistic3A_39 : f32 to vector<2000x128xf32>
    %logistic3A_41 = arith.addf %logistic3A_40, %logistic3A_38 : vector<2000x128xf32>
    %logistic3A_42 = arith.divf %logistic3A_40, %logistic3A_41 : vector<2000x128xf32>
    %slice3A_43 = vector.extract_strided_slice %add3A_16 {offsets = [0, 256], sizes = [2000, 128], strides = [1, 1]} : vector<2000x384xf32> to vector<2000x128xf32>
    %slice3A_44 = vector.extract_strided_slice %add3A_26 {offsets = [0, 256], sizes = [2000, 128], strides = [1, 1]} : vector<2000x384xf32> to vector<2000x128xf32>
    %mul3A = arith.mulf %logistic3A_33, %slice3A_44 : vector<2000x128xf32>
    %add3A_45 = arith.addf %slice3A_43, %mul3A : vector<2000x128xf32>
    %tanh3A = math.tanh %add3A_45 : vector<2000x128xf32>
    %sub3A = arith.constant 1.000000e+00 : f32
    %sub3A_46 = vector.broadcast %sub3A : f32 to vector<2000x128xf32>
    %sub3A_47 = arith.subf %sub3A_46, %logistic3A_42 : vector<2000x128xf32>
    %mul3A_48 = arith.mulf %sub3A_47, %tanh3A : vector<2000x128xf32>
    %mul3A_49 = arith.mulf %logistic3A_42, %get3A_7 : vector<2000x128xf32>
    %add3A_50 = arith.addf %mul3A_48, %mul3A_49 : vector<2000x128xf32>
    %swap3A = arith.constant 0 : index
    %swap3A_51 = arith.constant 0 : index
    %swap3A_52 = vector.load %arg10[%swap3A, %swap3A_51] : memref<2000x128xf32, #tpu.memory_space<vmem>>, vector<2000x128xf32>
    tpu.vector_store %arg10[%swap3A, %swap3A_51], %add3A_50 {strides = array<i32>} : memref<2000x128xf32, #tpu.memory_space<vmem>>, vector<2000x128xf32>,
    %get3A_53 = arith.constant 0 : index
    %get3A_54 = arith.constant 0 : index
    %get3A_55 = arith.constant 0 : index
    %get3A_56 = vector.load %arg8[%get3A_53, %get3A_54, %get3A_55] : memref<2x128x128xf32, #tpu.memory_space<vmem>>, vector<2x128x128xf32>
    %get3A_57 = arith.constant 0 : index
    %get3A_58 = arith.constant 0 : index
    %get3A_59 = vector.load %arg9[%get3A_57, %get3A_58] : memref<2x128xf32, #tpu.memory_space<vmem>>, vector<2x128xf32>
    %slice3A_60 = vector.extract_strided_slice %get3A_56 {offsets = [0, 0, 0], sizes = [1, 128, 128], strides = [1, 1, 1]} : vector<2x128x128xf32> to vector<1x128x128xf32>
    %squeeze3A = vector.shape_cast %slice3A_60 : vector<1x128x128xf32> to vector<128x128xf32>
    %dot_general3A_61 = arith.constant dense<0.000000e+00> : vector<2000x128xf32>
    %dot_general3A_62 = tpu.matmul %add3A_50, %squeeze3A, %dot_general3A_61 {dimension_numbers = #tpu.dot_dimension_numbers<[1], [0], [0], [1], [0, 0, 1, 1], [], []>, transpose_lhs_hint = false} : vector<2000x128xf32>, vector<128x128xf32>, vector<2000x128xf32> -> vector<2000x128xf32>
    %slice3A_63 = vector.extract_strided_slice %get3A_59 {offsets = [0, 0], sizes = [1, 128], strides = [1, 1]} : vector<2x128xf32> to vector<1x128xf32>
    %squeeze3A_64 = vector.shape_cast %slice3A_63 : vector<1x128xf32> to vector<128xf32>
    %broadcast_in_dim3A = vector.shape_cast %squeeze3A_64 : vector<128xf32> to vector<1x128xf32>
    %add3A_65 = vector.broadcast %broadcast_in_dim3A : vector<1x128xf32> to vector<2000x128xf32>
    %add3A_66 = arith.addf %dot_general3A_62, %add3A_65 : vector<2000x128xf32>
    %swap3A_67 = arith.constant 0 : index
    %swap3A_68 = arith.constant 0 : index
    %swap3A_69 = arith.constant 0 : index
    %swap3A_70 = vector.load %arg11[%swap3A_67, %swap3A_68, %swap3A_69] : memref<2x2000x128xf32, #tpu.memory_space<vmem>>, vector<1x2000x128xf32>
    %swap3A_71 = vector.shape_cast %swap3A_70 : vector<1x2000x128xf32> to vector<2000x128xf32>
    %swap3A_72 = vector.shape_cast %add3A_66 : vector<2000x128xf32> to vector<1x2000x128xf32>
    tpu.vector_store %arg11[%swap3A_67, %swap3A_68, %swap3A_69], %swap3A_72 {strides = array<i32>} : memref<2x2000x128xf32, #tpu.memory_space<vmem>>, vector<1x2000x128xf32>,
    %slice3A_73 = vector.extract_strided_slice %get3A_56 {offsets = [1, 0, 0], sizes = [1, 128, 128], strides = [1, 1, 1]} : vector<2x128x128xf32> to vector<1x128x128xf32>
    %squeeze3A_74 = vector.shape_cast %slice3A_73 : vector<1x128x128xf32> to vector<128x128xf32>
    %dot_general3A_75 = arith.constant dense<0.000000e+00> : vector<2000x128xf32>
    %dot_general3A_76 = tpu.matmul %add3A_50, %squeeze3A_74, %dot_general3A_75 {dimension_numbers = #tpu.dot_dimension_numbers<[1], [0], [0], [1], [0, 0, 1, 1], [], []>, transpose_lhs_hint = false} : vector<2000x128xf32>, vector<128x128xf32>, vector<2000x128xf32> -> vector<2000x128xf32>
    %slice3A_77 = vector.extract_strided_slice %get3A_59 {offsets = [1, 0], sizes = [1, 128], strides = [1, 1]} : vector<2x128xf32> to vector<1x128xf32>
    %squeeze3A_78 = vector.shape_cast %slice3A_77 : vector<1x128xf32> to vector<128xf32>
    %broadcast_in_dim3A_79 = vector.shape_cast %squeeze3A_78 : vector<128xf32> to vector<1x128xf32>
    %add3A_80 = vector.broadcast %broadcast_in_dim3A_79 : vector<1x128xf32> to vector<2000x128xf32>
    %add3A_81 = arith.addf %dot_general3A_76, %add3A_80 : vector<2000x128xf32>
    %swap3A_82 = arith.constant 1 : index
    %swap3A_83 = arith.constant 0 : index
    %swap3A_84 = arith.constant 0 : index
    %swap3A_85 = vector.load %arg11[%swap3A_82, %swap3A_83, %swap3A_84] : memref<2x2000x128xf32, #tpu.memory_space<vmem>>, vector<1x2000x128xf32>
    %swap3A_86 = vector.shape_cast %swap3A_85 : vector<1x2000x128xf32> to vector<2000x128xf32>
    %swap3A_87 = vector.shape_cast %add3A_81 : vector<2000x128xf32> to vector<1x2000x128xf32>
    tpu.vector_store %arg11[%swap3A_82, %swap3A_83, %swap3A_84], %swap3A_87 {strides = array<i32>} : memref<2x2000x128xf32, #tpu.memory_space<vmem>>, vector<1x2000x128xf32>,
    return
  }
  func.func @transform_0(%arg0: i32) -> (i32, i32) {
    %c0_i32 = arith.constant 0 : i32
    %c0_i32_0 = arith.constant 0 : i32
    return %arg0, %c0_i32 : i32, i32
  }
  func.func @transform_1(%arg0: i32) -> (i32, i32) {
    %c0_i32 = arith.constant 0 : i32
    %c0_i32_0 = arith.constant 0 : i32
    return %arg0, %c0_i32 : i32, i32
  }
  func.func @transform_2(%arg0: i32) -> (i32, i32) {
    %c0_i32 = arith.constant 0 : i32
    %c0_i32_0 = arith.constant 0 : i32
    return %arg0, %c0_i32 : i32, i32
  }
  func.func @transform_3(%arg0: i32) -> (i32, i32) {
    %c0_i32 = arith.constant 0 : i32
    %c0_i32_0 = arith.constant 0 : i32
    %c0_i32_1 = arith.constant 0 : i32
    return %c0_i32, %c0_i32_0 : i32, i32
  }
  func.func @transform_4(%arg0: i32) -> (i32, i32) {
    %c0_i32 = arith.constant 0 : i32
    %c0_i32_0 = arith.constant 0 : i32
    %c0_i32_1 = arith.constant 0 : i32
    return %c0_i32, %c0_i32_0 : i32, i32
  }
  func.func @transform_5(%arg0: i32) -> (i32, i32) {
    %c0_i32 = arith.constant 0 : i32
    %c0_i32_0 = arith.constant 0 : i32
    %c0_i32_1 = arith.constant 0 : i32
    return %c0_i32, %c0_i32_0 : i32, i32
  }
  func.func @transform_6(%arg0: i32) -> (i32, i32) {
    %c0_i32 = arith.constant 0 : i32
    %c0_i32_0 = arith.constant 0 : i32
    %c0_i32_1 = arith.constant 0 : i32
    return %c0_i32, %c0_i32_0 : i32, i32
  }
  func.func @transform_7(%arg0: i32) -> (i32, i32, i32) {
    %c0_i32 = arith.constant 0 : i32
    %c0_i32_0 = arith.constant 0 : i32
    %c0_i32_1 = arith.constant 0 : i32
    %c0_i32_2 = arith.constant 0 : i32
    return %c0_i32, %c0_i32_0, %c0_i32_1 : i32, i32, i32
  }
  func.func @transform_8(%arg0: i32) -> (i32, i32) {
    %c0_i32 = arith.constant 0 : i32
    %c0_i32_0 = arith.constant 0 : i32
    %c0_i32_1 = arith.constant 0 : i32
    return %c0_i32, %c0_i32_0 : i32, i32
  }
  func.func @transform_9(%arg0: i32) -> (i32, i32) {
    %c0_i32 = arith.constant 0 : i32
    %c0_i32_0 = arith.constant 0 : i32
    return %arg0, %c0_i32 : i32, i32
  }
  func.func @transform_10(%arg0: i32) -> (i32, i32, i32) {
    %c0_i32 = arith.constant 0 : i32
    %c0_i32_0 = arith.constant 0 : i32
    %c0_i32_1 = arith.constant 0 : i32
    return %c0_i32, %arg0, %c0_i32_0 : i32, i32, i32
  }
}

module attributes {stable_mosaic.version = 14 : i64} {
  func.func @_tc_gru_last_body(%arg0: i32, %arg1: memref<2000x128xf32, #tpu.memory_space<vmem>>, %arg2: memref<2000x128xf32, #tpu.memory_space<vmem>>, %arg3: memref<2000x128xf32, #tpu.memory_space<vmem>>, %arg4: memref<128x384xf32, #tpu.memory_space<vmem>>, %arg5: memref<128x384xf32, #tpu.memory_space<vmem>>, %arg6: memref<1x384xf32, #tpu.memory_space<vmem>>, %arg7: memref<1x384xf32, #tpu.memory_space<vmem>>, %arg8: memref<2000x128xf32, #tpu.memory_space<vmem>>) attributes {dimension_semantics = [#tpu.dimension_semantics<arbitrary>], iteration_bounds = array<i64: 5>, scalar_prefetch = 0 : i64, scratch_operands = 0 : i64, tpu.core_type = #tpu.core_type<tc>, window_params = [{transform_indices = @transform_0, window_bounds = array<i64: 2000, 128>}, {transform_indices = @transform_1, window_bounds = array<i64: 2000, 128>}, {transform_indices = @transform_2, window_bounds = array<i64: 2000, 128>}, {pipeline_mode = #tpu.pipeline_mode<synchronous>, transform_indices = @transform_3, window_bounds = array<i64: 128, 384>}, {pipeline_mode = #tpu.pipeline_mode<synchronous>, transform_indices = @transform_4, window_bounds = array<i64: 128, 384>}, {pipeline_mode = #tpu.pipeline_mode<synchronous>, transform_indices = @transform_5, window_bounds = array<i64: 1, 384>}, {pipeline_mode = #tpu.pipeline_mode<synchronous>, transform_indices = @transform_6, window_bounds = array<i64: 1, 384>}, {transform_indices = @transform_7, window_bounds = array<i64: 2000, 128>}]} {
    %get3A = arith.constant 0 : index
    %get3A_0 = arith.constant 0 : index
    %get3A_1 = vector.load %arg1[%get3A, %get3A_0] : memref<2000x128xf32, #tpu.memory_space<vmem>>, vector<2000x128xf32>
    %get3A_2 = arith.constant 0 : index
    %get3A_3 = arith.constant 0 : index
    %get3A_4 = vector.load %arg2[%get3A_2, %get3A_3] : memref<2000x128xf32, #tpu.memory_space<vmem>>, vector<2000x128xf32>
    %add3A = arith.addf %get3A_1, %get3A_4 : vector<2000x128xf32>
    %get3A_5 = arith.constant 0 : index
    %get3A_6 = arith.constant 0 : index
    %get3A_7 = vector.load %arg3[%get3A_5, %get3A_6] : memref<2000x128xf32, #tpu.memory_space<vmem>>, vector<2000x128xf32>
    %get3A_8 = arith.constant 0 : index
    %get3A_9 = arith.constant 0 : index
    %get3A_10 = vector.load %arg4[%get3A_8, %get3A_9] : memref<128x384xf32, #tpu.memory_space<vmem>>, vector<128x384xf32>
    %dot_general3A = arith.constant dense<0.000000e+00> : vector<2000x384xf32>
    %dot_general3A_11 = tpu.matmul %add3A, %get3A_10, %dot_general3A {dimension_numbers = #tpu.dot_dimension_numbers<[1], [0], [0], [1], [0, 0, 1, 1], [], []>, transpose_lhs_hint = false} : vector<2000x128xf32>, vector<128x384xf32>, vector<2000x384xf32> -> vector<2000x384xf32>
    %get3A_12 = arith.constant 0 : index
    %get3A_13 = arith.constant 0 : index
    %get3A_14 = vector.load %arg6[%get3A_12, %get3A_13] : memref<1x384xf32, #tpu.memory_space<vmem>>, vector<1x384xf32>
    %add3A_15 = vector.broadcast %get3A_14 : vector<1x384xf32> to vector<2000x384xf32>
    %add3A_16 = arith.addf %dot_general3A_11, %add3A_15 : vector<2000x384xf32>
    %get3A_17 = arith.constant 0 : index
    %get3A_18 = arith.constant 0 : index
    %get3A_19 = vector.load %arg5[%get3A_17, %get3A_18] : memref<128x384xf32, #tpu.memory_space<vmem>>, vector<128x384xf32>
    %dot_general3A_20 = arith.constant dense<0.000000e+00> : vector<2000x384xf32>
    %dot_general3A_21 = tpu.matmul %get3A_7, %get3A_19, %dot_general3A_20 {dimension_numbers = #tpu.dot_dimension_numbers<[1], [0], [0], [1], [0, 0, 1, 1], [], []>, transpose_lhs_hint = false} : vector<2000x128xf32>, vector<128x384xf32>, vector<2000x384xf32> -> vector<2000x384xf32>
    %get3A_22 = arith.constant 0 : index
    %get3A_23 = arith.constant 0 : index
    %get3A_24 = vector.load %arg7[%get3A_22, %get3A_23] : memref<1x384xf32, #tpu.memory_space<vmem>>, vector<1x384xf32>
    %add3A_25 = vector.broadcast %get3A_24 : vector<1x384xf32> to vector<2000x384xf32>
    %add3A_26 = arith.addf %dot_general3A_21, %add3A_25 : vector<2000x384xf32>
    %slice3A = vector.extract_strided_slice %add3A_16 {offsets = [0, 0], sizes = [2000, 128], strides = [1, 1]} : vector<2000x384xf32> to vector<2000x128xf32>
    %slice3A_27 = vector.extract_strided_slice %add3A_26 {offsets = [0, 0], sizes = [2000, 128], strides = [1, 1]} : vector<2000x384xf32> to vector<2000x128xf32>
    %add3A_28 = arith.addf %slice3A, %slice3A_27 : vector<2000x128xf32>
    %logistic3A = arith.negf %add3A_28 : vector<2000x128xf32>
    %logistic3A_29 = math.exp %logistic3A : vector<2000x128xf32>
    %logistic3A_30 = arith.constant 1.000000e+00 : f32
    %logistic3A_31 = vector.broadcast %logistic3A_30 : f32 to vector<2000x128xf32>
    %logistic3A_32 = arith.addf %logistic3A_31, %logistic3A_29 : vector<2000x128xf32>
    %logistic3A_33 = arith.divf %logistic3A_31, %logistic3A_32 : vector<2000x128xf32>
    %slice3A_34 = vector.extract_strided_slice %add3A_16 {offsets = [0, 128], sizes = [2000, 128], strides = [1, 1]} : vector<2000x384xf32> to vector<2000x128xf32>
    %slice3A_35 = vector.extract_strided_slice %add3A_26 {offsets = [0, 128], sizes = [2000, 128], strides = [1, 1]} : vector<2000x384xf32> to vector<2000x128xf32>
    %add3A_36 = arith.addf %slice3A_34, %slice3A_35 : vector<2000x128xf32>
    %logistic3A_37 = arith.negf %add3A_36 : vector<2000x128xf32>
    %logistic3A_38 = math.exp %logistic3A_37 : vector<2000x128xf32>
    %logistic3A_39 = arith.constant 1.000000e+00 : f32
    %logistic3A_40 = vector.broadcast %logistic3A_39 : f32 to vector<2000x128xf32>
    %logistic3A_41 = arith.addf %logistic3A_40, %logistic3A_38 : vector<2000x128xf32>
    %logistic3A_42 = arith.divf %logistic3A_40, %logistic3A_41 : vector<2000x128xf32>
    %slice3A_43 = vector.extract_strided_slice %add3A_16 {offsets = [0, 256], sizes = [2000, 128], strides = [1, 1]} : vector<2000x384xf32> to vector<2000x128xf32>
    %slice3A_44 = vector.extract_strided_slice %add3A_26 {offsets = [0, 256], sizes = [2000, 128], strides = [1, 1]} : vector<2000x384xf32> to vector<2000x128xf32>
    %mul3A = arith.mulf %logistic3A_33, %slice3A_44 : vector<2000x128xf32>
    %add3A_45 = arith.addf %slice3A_43, %mul3A : vector<2000x128xf32>
    %tanh3A = math.tanh %add3A_45 : vector<2000x128xf32>
    %sub3A = arith.constant 1.000000e+00 : f32
    %sub3A_46 = vector.broadcast %sub3A : f32 to vector<2000x128xf32>
    %sub3A_47 = arith.subf %sub3A_46, %logistic3A_42 : vector<2000x128xf32>
    %mul3A_48 = arith.mulf %sub3A_47, %tanh3A : vector<2000x128xf32>
    %mul3A_49 = arith.mulf %logistic3A_42, %get3A_7 : vector<2000x128xf32>
    %add3A_50 = arith.addf %mul3A_48, %mul3A_49 : vector<2000x128xf32>
    %swap3A = arith.constant 0 : index
    %swap3A_51 = arith.constant 0 : index
    %swap3A_52 = vector.load %arg8[%swap3A, %swap3A_51] : memref<2000x128xf32, #tpu.memory_space<vmem>>, vector<2000x128xf32>
    tpu.vector_store %arg8[%swap3A, %swap3A_51], %add3A_50 {strides = array<i32>} : memref<2000x128xf32, #tpu.memory_space<vmem>>, vector<2000x128xf32>,
    return
  }
  func.func @transform_0(%arg0: i32) -> (i32, i32) {
    %c0_i32 = arith.constant 0 : i32
    %c0_i32_0 = arith.constant 0 : i32
    return %arg0, %c0_i32 : i32, i32
  }
  func.func @transform_1(%arg0: i32) -> (i32, i32) {
    %c0_i32 = arith.constant 0 : i32
    %c0_i32_0 = arith.constant 0 : i32
    return %arg0, %c0_i32 : i32, i32
  }
  func.func @transform_2(%arg0: i32) -> (i32, i32) {
    %c0_i32 = arith.constant 0 : i32
    %c0_i32_0 = arith.constant 0 : i32
    return %arg0, %c0_i32 : i32, i32
  }
  func.func @transform_3(%arg0: i32) -> (i32, i32) {
    %c0_i32 = arith.constant 0 : i32
    %c0_i32_0 = arith.constant 0 : i32
    %c0_i32_1 = arith.constant 0 : i32
    return %c0_i32, %c0_i32_0 : i32, i32
  }
  func.func @transform_4(%arg0: i32) -> (i32, i32) {
    %c0_i32 = arith.constant 0 : i32
    %c0_i32_0 = arith.constant 0 : i32
    %c0_i32_1 = arith.constant 0 : i32
    return %c0_i32, %c0_i32_0 : i32, i32
  }
  func.func @transform_5(%arg0: i32) -> (i32, i32) {
    %c0_i32 = arith.constant 0 : i32
    %c0_i32_0 = arith.constant 0 : i32
    %c0_i32_1 = arith.constant 0 : i32
    return %c0_i32, %c0_i32_0 : i32, i32
  }
  func.func @transform_6(%arg0: i32) -> (i32, i32) {
    %c0_i32 = arith.constant 0 : i32
    %c0_i32_0 = arith.constant 0 : i32
    %c0_i32_1 = arith.constant 0 : i32
    return %c0_i32, %c0_i32_0 : i32, i32
  }
  func.func @transform_7(%arg0: i32) -> (i32, i32) {
    %c0_i32 = arith.constant 0 : i32
    %c0_i32_0 = arith.constant 0 : i32
    return %arg0, %c0_i32 : i32, i32
  }
}

</mosaic_0001>

<sc_bundles>
// kernel: kernel.10.cloned.1.call-start
scs
__scs_entry_jumppad:
0x0: {  	(pc) =	sbr.rel $0x88, $3  }
0x1: {  	(tag) =	ssettag $0x0;
	lr =	simm.s32 $0x1  }
0x2: {  	[smem:$0x3F97] =	sst lr;
	_ =	strace $0xD0000000  }
0x3: {  	_ = 	snop  }
0x4: {  	_ = 	snop  }
0x5: {  	_ = 	snop  }
0x6: {  	_ = 	snop  }
0x7: {  	_ = 	snop  }
__scs_overlays_trampoline_lowered:
0x8: {  	[smem:$0x3FA6] =	sst s0  }
0x9: {  	[smem:$0x3FA7] =	sst s1  }
0xa: {  	[smem:$0x3FA8] =	sst s2  }
0xb: {  	[smem:$0x3FA9] =	sst s3  }
0xc: {  	[smem:$0x3FAA] =	sst s4  }
0xd: {  	[smem:$0x3FAB] =	sst s5  }
0xe: {  	[smem:$0x3FAC] =	sst s6  }
0xf: {  	[smem:$0x3FAD] =	sst s7  }
0x10: {  	[smem:$0x3FAE] =	sst s8  }
0x11: {  	[smem:$0x3FAF] =	sst s9;
	s0 =	simm.s32 @!p0 $0x0  }
0x12: {  	s1 =	sld [smem:$0x3F95];
	s0 =	simm.s32 @p0 $0x1  }
0x13: {  	[smem:$0x3FB0] =	sst s0;
	s0 =	simm.s32 @!p1 $0x0  }
0x14: {  	s2 =	sld [smem:$0x3F94];
	s0 =	simm.s32 @p1 $0x1  }
0x15: {  	[smem:$0x3FB1] =	sst s0;
	s0 =	simm.s32 @!p2 $0x0  }
0x16: {  	s3 =	sld [smem:$0x3FDB];
	s0 =	simm.s32 @p2 $0x1  }
0x17: {  	s4 =	simm.s32 $0x1BF5;
	[smem:$0x3FB3] =	sst s0  }
0x18: {  	s0 =	sld [smem:$0x3F96];
	_ =	swait.ge [sflag:s4], $0x0  }
0x19: {  	s7 =	sld [smem:$0x3F97]  }
0x1a: {  	s8 =	sadd.s32 $0xFFFFE003, lr  }
0x1b: {  	s9 =	sadd.s32 $0xFFFFFEF7, lr;
	s5 =	simm.s32 $0xFFFFFFFF;
	p2 =	slt.u32 s8, $0xFFFFF086  }
0x1c: {  	p1 =	slt.u32 s9, $0xF7A;
	s5 =	simm.s32 @!p2 $0x0  }
0x1d: {  	s5 =	simm.s32 @p1 $0x1;
	p0 =	seq.s32 s7, s2  }
0x1e: {  	s7 =	smul.u32 @!p0 $0xF7A, s2;
	p2 =	seq.s32 @!p0 s5, $0x0  }
0x1f: {  	s9 =	smul.u32 $0xF7A, s1;
	s8 =	simm.s32 @!p0 $0x1BF5;
	p2 =	por !p2, p0  }
0x20: {  	[sflag:s8] =	ssyncset.s32 @!p0 $0xFFFFF086;
	s6 =	sadd.s32 @!p0 s3, s7;
	s7 =	simm.s32 @!p0 $0x108  }
0x21: {  	s3 =	sadd.s32 s3, s9;
	s6 =	sadd.s32 @!p0 $0x88, s6;
	s7 =	simm.s32 @p2 $0x1082  }
0x22: {  	[simem:s7], [sflag:s8] =	dma.local @!p0 [hbm:s6], $0xF7A  }
0x23: {  	s9 =	sor.u32 $0xD0000000, s2;
	s6 =	simm.s32 $0x108;
	_ =	swait.ge @!p0 [sflag:s8], $0x0  }
0x24: {  	s3 =	sadd.s32 $0x88, s3;
	s6 =	simm.s32 @!p1 $0x1082;
	[sflag:s4] =	ssyncset.s32 $0xFFFFF086  }
0x25: {  	[simem:s6], [sflag:s4] =	dma.local [hbm:s3], $0xF7A  }
0x26: {  	[smem:$0x3F97] =	sst s1;
	(tag) =	ssettag s2;
	_ =	strace s9  }
0x27: {  	s1 =	sld [smem:$0x3FA7]  }
0x28: {  	s2 =	sld [smem:$0x3FA8]  }
0x29: {  	s4 =	sld [smem:$0x3FAA]  }
0x2a: {  	p0 =	seq.s32 s5, $0x0;
	s5 =	sld [smem:$0x3FAB]  }
0x2b: {  	s6 =	sld [smem:$0x3FAC]  }
0x2c: {  	s7 =	sld [smem:$0x3FAD]  }
0x2d: {  	s3 =	simm.s32 $0x108;
	s8 =	sld [smem:$0x3FAE]  }
0x2e: {  	s3 =	simm.s32 @!p0 $0x1082;
	s9 =	sld [smem:$0x3FAF]  }
0x2f: {  	lr =	sadd.s32 s0, s3;
	s0 =	sld [smem:$0x3FA6]  }
0x30: {  	s3 =	sld [smem:$0x3FA9]  }
0x31: {  	[smem:$0x3FB2] =	sst s10  }
0x32: {  	s10 =	sld [smem:$0x3FB0];
	_ =	sdelay $0x3  }
0x33: {  	p0 =	seq.s32 s10, $0x1;
	s10 =	sld [smem:$0x3FB2];
	_ =	sdelay $0x3  }
0x34: {  	[smem:$0x3FB2] =	sst s10  }
0x35: {  	s10 =	sld [smem:$0x3FB1];
	_ =	sdelay $0x3  }
0x36: {  	p1 =	seq.s32 s10, $0x1;
	s10 =	sld [smem:$0x3FB2];
	_ =	sdelay $0x3  }
0x37: {  	[smem:$0x3FB2] =	sst s10  }
0x38: {  	s10 =	sld [smem:$0x3FB3]  }
0x39: {  	_ = 	snop;
	(pc) =	sbr.ind lr, $3  }
0x3a: {  	_ = 	snop  }
0x3b: {  	_ = 	snop  }
0x3c: {  	p2 =	seq.s32 s10, $0x1;
	s10 =	sld [smem:$0x3FB2]  }
0x3d: {  	_ =	shalt  }
0x3e: {  	_ =	shalt  }
0x3f: {  	_ =	shalt  }
0x40: {  	_ =	shalt  }
0x41: {  	_ =	shalt  }
0x42: {  	_ =	shalt  }
0x43: {  	_ =	shalt  }
0x44: {  	_ =	shalt  }
0x45: {  	_ =	shalt  }
0x46: {  	_ =	shalt  }
0x47: {  	_ =	shalt  }
0x48: {  	_ =	shalt  }
0x49: {  	_ =	shalt  }
0x4a: {  	_ =	shalt  }
0x4b: {  	_ =	shalt  }
0x4c: {  	_ =	shalt  }
0x4d: {  	_ =	shalt  }
0x4e: {  	_ =	shalt  }
0x4f: {  	_ =	shalt  }
0x50: {  	_ =	shalt  }
0x51: {  	_ =	shalt  }
0x52: {  	_ =	shalt  }
0x53: {  	_ =	shalt  }
0x54: {  	_ =	shalt  }
0x55: {  	_ =	shalt  }
0x56: {  	_ =	shalt  }
0x57: {  	_ =	shalt  }
0x58: {  	_ =	shalt  }
0x59: {  	_ =	shalt  }
0x5a: {  	_ =	shalt  }
0x5b: {  	_ =	shalt  }
0x5c: {  	_ =	shalt  }
0x5d: {  	_ =	shalt  }
0x5e: {  	_ =	shalt  }
0x5f: {  	_ =	shalt  }
0x60: {  	_ =	shalt  }
0x61: {  	_ =	shalt  }
0x62: {  	_ =	shalt  }
0x63: {  	_ =	shalt  }
0x64: {  	_ =	shalt  }
0x65: {  	_ =	shalt  }
0x66: {  	_ =	shalt  }
0x67: {  	_ =	shalt  }
0x68: {  	_ =	shalt  }
0x69: {  	_ =	shalt  }
0x6a: {  	_ =	shalt  }
0x6b: {  	_ =	shalt  }
0x6c: {  	_ =	shalt  }
0x6d: {  	_ =	shalt  }
0x6e: {  	_ =	shalt  }
0x6f: {  	_ =	shalt  }
0x70: {  	_ =	shalt  }
0x71: {  	_ =	shalt  }
0x72: {  	_ =	shalt  }
0x73: {  	_ =	shalt  }
0x74: {  	_ =	shalt  }
0x75: {  	_ =	shalt  }
0x76: {  	_ =	shalt  }
0x77: {  	_ =	shalt  }
0x78: {  	_ =	shalt  }
0x79: {  	_ =	shalt  }
0x7a: {  	_ =	shalt  }
0x7b: {  	_ =	shalt  }
0x7c: {  	_ =	shalt  }
0x7d: {  	_ =	shalt  }
0x7e: {  	_ =	shalt  }
0x7f: {  	_ =	shalt  }
0x80: {  	_ =	shalt  }
0x81: {  	_ =	shalt  }
0x82: {  	_ =	shalt  }
0x83: {  	_ =	shalt  }
0x84: {  	_ =	shalt  }
0x85: {  	_ =	shalt  }
0x86: {  	_ =	shalt  }
0x87: {  	_ =	shalt  }
.Lfunc_end0:
.L_simem_size_0:
called_computation_lowered:
.L_overlay_start_0:
0x88: {  	s2 =	sld [smem:$0x3FD9]  }
0x89: {  	s3 =	sld [smem:$0x3FFE];
	_ =	sdelay $0x1  }
0x8a: {  	s1 =	srdreg.scid  }
0x8b: {  	s0 =	sand.u32 $0x1, s1  }
0x8c: {  	s14 =	sshll.u32 s0, $0xA;
	s2 =	sadd.s32 s3, s2  }
0x8d: {  	s2 =	sadd.s32 s2, s14  }
0x8e: {  	[smem:$0x3FBE] =	sst s2  }
0x8f: {  	_ = 	snop  }
0x90: {  	s2 =	sld [smem:$0x3FD0];
	_ =	sdelay $0x2  }
0x91: {  	s15 =	simm.s32 $0xA;
	s4 =	simm.s32 $0x10  }
0x92: {  	[smem:s4], [sflag:s15] =	dma.local [hbm:s2], $0x1  }
0x93: {  	_ =	swait.eq [sflag:s15], $0x1  }
0x94: {  	[sflag:s15] =	ssyncset.done $0x0  }
0x95: {  	[sflag:s15] =	ssyncadd.s32 $0xFFFFFFFF  }
0x96: {  	s16 =	sld [smem:$0x11];
	(tm) =	ssettm $0x1  }
0x97: {  	s17 =	sld [smem:$0x3FFB];
	_ =	sdelay $0x3  }
0x98: {  	_ =	strace s17  }
0x99: {  	s3 =	sld [smem:$0x3FFC];
	_ =	sdelay $0x3  }
0x9a: {  	_ =	strace s3  }
0x9b: {  	s3 =	sld [smem:$0x3FFD];
	_ =	sdelay $0x3  }
0x9c: {  	_ =	strace s3  }
0x9d: {  	_ =	strace $0x8FFFFFFF  }
0x9e: {  	s18 =	sld [smem:$0x3FDB];
	_ =	sdelay $0x1  }
0x9f: {  	s19 =	simm.s32 $_scs_section_size  }
0xa0: {  	s5 =	simm.s32 $_size__tile_overlayer_lowered;
	s6 =	simm.s32 $_tile_overlayer_lowered  }
0xa1: {  	s22 =	simm.s32 $0x1BFF;
	s21 =	sshll.u32 s6, $0x1;
	s3 =	sadd.s32 s19, s18  }
0xa2: {  	s7 =	simm.s32 $0x0;
	s20 =	sshll.u32 s5, $0x1;
	s5 =	sadd.s32 s21, s3  }
0xa3: {  	[timem:s7], [sflag:s22] =	dma.local [hbm:s5], s20  }
0xa4: {  	_ =	swait.ge [sflag:s22], s20  }
0xa5: {  	s4 =	ssub.s32 $0x0, s20;
	[sflag:s22] =	ssyncset.done $0x0  }
0xa6: {  	[sflag:s22] =	ssyncadd.s32 s4;
	_ =	sdelay $0x1  }
0xa7: {  	s23 =	simm.s32 $0x1B8B  }
0xa8: {  	_ =	swait.ge [sflag:s23], $0x1  }
0xa9: {  	[sflag:s23] =	ssyncset.done $0x0  }
0xaa: {  	s25 =	simm.s32 $0x1B8E;
	s24 =	sld [smem:$0x3FFE];
	[sflag:s23] =	ssyncadd.s32 $0xFFFFFFFF  }
0xab: {  	s26 =	simm.s32 $execute0_lowered;
	[smem:$0x3FD2] =	sst s25  }
0xac: {  	s5 =	sshll.u32 s26, $0x1;
	_ =	strace $0x80000046;
	[dreg:$0x1] =	wrdreg $0xFFFFFFFF  }
0xad: {  	s28 =	simm.s32 $_size_execute0_lowered;
	s3 =	sadd.s32 s3, s5;
	[dreg:$0x0] =	wrdreg $0x0  }
0xae: {  	s5 =	sshll.u32 s28, $0x1;
	[dreg:$0x2] =	wrdreg s3  }
0xaf: {  	[dreg:$0x3] =	wrdreg s5  }
0xb0: {  	[dreg:$0x4] =	wrdreg $0xC0  }
0xb1: {  	_ =	task [dreg:s7], $0x5FFFF  }
0xb2: {  	[dreg:$0x1] =	wrdreg $0xFFFFFFFF  }
0xb3: {  	[dreg:$0x0] =	wrdreg $0x60  }
0xb4: {  	[dreg:$0x2] =	wrdreg s16  }
0xb5: {  	[dreg:$0x3] =	wrdreg s24  }
0xb6: {  	[dreg:$0x4] =	wrdreg $0x68000  }
0xb7: {  	[dreg:$0x5] =	wrdreg $0x9  }
0xb8: {  	_ =	task.clear_ibuf [dreg:s7], $0x6FFFF;
	_ =	strace $0x90000046  }
0xb9: {  	s29 =	simm.s32 $0x9;
	_ =	strace $0x80000048  }
0xba: {  	_ =	swait.ge [sflag:s29], $0x1  }
0xbb: {  	[sflag:s29] =	ssyncadd.s32 $0xFFFFFFFF  }
0xbc: {  	_ =	strace $0x90000048  }
0xbd: {  	_ =	sfence  }
0xbe: {  	s30 =	sld [smem:$0x0];
	_ =	sdelay $0x2  }
0xbf: {  	s31 =	sshll.u32 s1, $0xD;
	s1 =	sshrl.u32 s1, $0x2  }
0xc0: {  	s3 =	sand.u32 $0x4000, s31;
	s1 =	sadd.s32 s1, s30  }
0xc1: {  	s0 =	sor.u32 s3, s0;
	s1 =	sshll.u32 s1, $0x11  }
0xc2: {  	s0 =	sor.u32 s1, s0  }
0xc3: {  	s0 =	sadd.s32 $0x8F2B, s0  }
0xc4: {  	[sflag:s0] =	ssyncadd.remote.s32 $0x1  }
0xc5: {  	_ =	sfence.sel $0xFFFF  }
0xc6: {  	[dreg:$0x0] =	wrdreg $0xFFFFFFFF;
	(pc) =	sbr.abs _section_cstart, $3  }
0xc7: {  	[dreg:$0x1] =	wrdreg $0xFFFFFFFF  }
0xc8: {  	_ =	task.clear_ibuf [dreg:s7], $0x2FFFF;
	_ =	strace $0x9FFFFFFF  }
0xc9: {  	(tm) =	ssettm $0x7FFFFFFF  }
tec
execute0_lowered:
.L_overlay_start_1:
0x0: {  	(tag) =	ssettag $0x1  }
0x1: {  	s6 =	rddreg [dreg:$0x0]  }
0x2: {  	s7 =	rddreg [dreg:$0x1]  }
0x3: {  	s0 =	srdreg.scid;
	s2 =	rddreg [dreg:$0x2];
	s3 =	simm.s32 $0x0  }
0x4: {  	s15 =	simm.s32 $0x80;
	s16 =	simm.s32 $0x100;
	s17 =	simm.s32 $0x180  }
0x5: {  	s18 =	simm.s32 $0x1;
	s5 =	sand.u32 $0x1, s0;
	s0 =	stileid.u32  }
0x6: {  	s19 =	simm.s32 $0x0;
	[smem:$0x7FF] =	sst s3;
	s9 =	smul.u32 $0x13C00, s0  }
0x7: {  	s4 =	sadd.s32 $0x35000, s7;
	s1 =	sshll.u32 s5, $0x4;
	s10 =	smul.u32 $0x13C000, s5  }
0x8: {  	s29 =	smul.u32 $0x4F000, s0;
	s5 =	ssub.s32 $0x2, s5;
	s1 =	sor.u32 s0, s1  }
0x9: {  	s31 =	sshll.u32 s0, $0x6;
	s30 =	sshrl.u32 s5, $0x1;
	s8 =	smul.u32 $0x500, s1  }
0xa: {  	s1 =	rddreg [dreg:$0x3];
	_ =	strace $0x80000047;
	s12 =	sshrl.u32 s9, $0x3  }
0xb: {  	s9 =	sadd.s32 s9, s10;
	s10 =	sshrl.u32 s29, $0x2;
	s13 =	ssub.s32 s5, s30  }
0xc: {  	s12 =	sadd.s32 s12, s7;
	s9 =	sshrl.u32 s9, $0x3;
	s14 =	sadd.s32 s10, s2  }
0xd: {  	s10 =	smax.u32 s13, $0x1;
	s13 =	sor.u32 $0x1C02, s31;
	s11 =	sadd.s32 s8, s7  }
0xe: {  	s9 =	sadd.s32 s9, s7;
	s5 =	sadd.s32 s6, s8;
	s6 =	sadd.s32 $0xD800, s12  }
0xf: {  	s12 =	simm.s32 $0x2;
	s14 =	sshrl.u32 s14, $0x3;
	s7 =	sadd.s32 $0x35800, s9  }
0x10: {  	s8 =	sadd.s32 $0x3800, s11;
	s9 =	sadd.s32 $0x84800, s9;
	s11 =	simm.s32 $0x2800  }
.LBB2_1:
0x11: {  	[tilespmem:s11], [sflag:$0x2] =	stream.linear.gather [hbm4b:s4+s3], $0x4000, $0x38;
	[tilespmem:$0x1A400] =	vst v63  }
0x12: {  	_ =	swait.ge [sflag:s12], $0x4000  }
0x13: {  	[sflag:s12] =	ssyncset.done $0x0  }
0x14: {  	[sflag:s12] =	ssyncadd.s32 $0xFFFFC000  }
0x15: {  	[tilespmem:s3], [sflag:$0x2] =	stream.linear.gather [hbm4b:s5+s3], $0x2800, $0x38;
	[tilespmem:$0x1A400] =	vst v63  }
0x16: {  	_ =	swait.ge [sflag:s12], $0x2800  }
0x17: {  	[sflag:s12] =	ssyncset.done $0x0  }
0x18: {  	[sflag:s12] =	ssyncadd.s32 $0xFFFFD800  }
0x19: {  	[spmem:s14], [sflag:s13] =	dma.local [hbm:s6], $0x2780  }
0x1a: {  	_ =	swait.ge [sflag:s12], $0x2780  }
0x1b: {  	[sflag:s12] =	ssyncset.done $0x0  }
0x1c: {  	[sflag:s12] =	ssyncadd.s32 $0xFFFFD880  }
0x1d: {  	[bflag:$0x0] =	sbarrier.arrive $0xFFFF  }
0x1e: {  	[spmem:s2] =	stream.indirect.scatter.add.f32 [tilespmem:s11], [sflag:$0x1], $0x80, s3, s15, $0xb8;
	[tilespmem:$0x1A400] =	vst v63  }
0x1f: {  	_ = 	snop  }
0x20: {  	[spmem:s2] =	stream.indirect.scatter.add.f32 [tilespmem:s11], [sflag:$0x1], $0x80, s15, s15, $0xb8;
	[tilespmem:$0x1A400] =	vst v63  }
0x21: {  	_ = 	snop  }
0x22: {  	[spmem:s2] =	stream.indirect.scatter.add.f32 [tilespmem:s11], [sflag:$0x1], $0x80, s16, s15, $0xb8;
	[tilespmem:$0x1A400] =	vst v63  }
0x23: {  	_ = 	snop  }
0x24: {  	[spmem:s2] =	stream.indirect.scatter.add.f32 [tilespmem:s11], [sflag:$0x1], $0x80, s17, s15, $0xb8;
	[tilespmem:$0x1A400] =	vst v63  }
0x25: {  	s20 =	simm.s32 $0x200  }
0x26: {  	[spmem:s2] =	stream.indirect.scatter.add.f32 [tilespmem:s11], [sflag:$0x1], $0x80, s20, s15, $0xb8;
	[tilespmem:$0x1A400] =	vst v63  }
0x27: {  	_ =	swait.ge [sflag:s18], $0x4000  }
0x28: {  	s20 =	simm.s32 $0xA00;
	[sflag:s18] =	ssyncset.done $0x0  }
.LBB2_2:
0x29: {  	s21 =	sshra.s32 s20, $0x2;
	[sflag:s18] =	ssyncadd.s32 $0xFFFFC000;
	p0 =	sne.s32 s20, $0x9E00  }
0x2a: {  	[spmem:s2] =	stream.indirect.scatter.add.f32 [tilespmem:s11], [sflag:$0x1], $0x80, s21, s15, $0xb8;
	[tilespmem:$0x1A400] =	vst v63  }
.Ltmp0:
0x2b: {  	_ = 	snop;
	(pc) =	sbr.rel @p0 .LBB2_2-.Ltmp0, $4  }
0x2c: {  	_ = 	snop  }
0x2d: {  	s20 =	sadd.s32 $0x200, s20  }
0x2e: {  	_ =	swait.ge [sflag:s18], $0x4000  }
0x2f: {  	[sflag:s18] =	ssyncset.done $0x0  }
0x30: {  	[sflag:s18] =	ssyncadd.s32 $0xFFFFC000  }
0x31: {  	_ =	swait.ge [sflag:s18], $0x4000  }
0x32: {  	[sflag:s18] =	ssyncset.done $0x0  }
0x33: {  	[sflag:s18] =	ssyncadd.s32 $0xFFFFC000  }
0x34: {  	_ =	swait.ge [sflag:s18], $0x4000  }
0x35: {  	[sflag:s18] =	ssyncset.done $0x0  }
0x36: {  	[sflag:s18] =	ssyncadd.s32 $0xFFFFC000  }
0x37: {  	_ =	swait.ge [sflag:s18], $0x4000  }
0x38: {  	[sflag:s18] =	ssyncset.done $0x0  }
0x39: {  	[sflag:s18] =	ssyncadd.s32 $0xFFFFC000  }
0x3a: {  	_ =	swait.ge [sflag:s18], $0x4000  }
0x3b: {  	[sflag:s18] =	ssyncset.done $0x0  }
0x3c: {  	[sflag:s18] =	ssyncadd.s32 $0xFFFFC000  }
0x3d: {  	[bflag:$0x0] =	sbarrier.arrive $0xFFFF  }
0x3e: {  	[hbm:s7], [sflag:s13] =	dma.local [spmem:s14], $0x2780  }
0x3f: {  	_ =	swait.ge [sflag:s12], $0x2780  }
0x40: {  	[sflag:s12] =	ssyncset.done $0x0  }
0x41: {  	[sflag:s12] =	ssyncadd.s32 $0xFFFFD880  }
0x42: {  	[bflag:$0x0] =	sbarrier.arrive $0xFFFF  }
0x43: {  	[tilespmem:s3], [sflag:$0x2] =	stream.linear.gather [hbm4b:s8+s3], $0x2800, $0x38;
	[tilespmem:$0x1A400] =	vst v63  }
0x44: {  	_ =	swait.ge [sflag:s12], $0x2800  }
0x45: {  	[sflag:s12] =	ssyncset.done $0x0  }
0x46: {  	[sflag:s12] =	ssyncadd.s32 $0xFFFFD800  }
0x47: {  	[spmem:s14], [sflag:s13] =	dma.local [hbm:s6], $0x2780  }
0x48: {  	_ =	swait.ge [sflag:s12], $0x2780  }
0x49: {  	[sflag:s12] =	ssyncset.done $0x0  }
0x4a: {  	[sflag:s12] =	ssyncadd.s32 $0xFFFFD880  }
0x4b: {  	[bflag:$0x0] =	sbarrier.arrive $0xFFFF  }
0x4c: {  	[spmem:s2] =	stream.indirect.scatter.add.f32 [tilespmem:s11], [sflag:$0x1], $0x80, s3, s15, $0xb8;
	[tilespmem:$0x1A400] =	vst v63  }
0x4d: {  	_ = 	snop  }
0x4e: {  	[spmem:s2] =	stream.indirect.scatter.add.f32 [tilespmem:s11], [sflag:$0x1], $0x80, s15, s15, $0xb8;
	[tilespmem:$0x1A400] =	vst v63  }
0x4f: {  	_ = 	snop  }
0x50: {  	[spmem:s2] =	stream.indirect.scatter.add.f32 [tilespmem:s11], [sflag:$0x1], $0x80, s16, s15, $0xb8;
	[tilespmem:$0x1A400] =	vst v63  }
0x51: {  	_ = 	snop  }
0x52: {  	[spmem:s2] =	stream.indirect.scatter.add.f32 [tilespmem:s11], [sflag:$0x1], $0x80, s17, s15, $0xb8;
	[tilespmem:$0x1A400] =	vst v63  }
0x53: {  	s20 =	simm.s32 $0x200  }
0x54: {  	[spmem:s2] =	stream.indirect.scatter.add.f32 [tilespmem:s11], [sflag:$0x1], $0x80, s20, s15, $0xb8;
	[tilespmem:$0x1A400] =	vst v63  }
0x55: {  	_ =	swait.ge [sflag:s18], $0x4000  }
0x56: {  	s20 =	simm.s32 $0xA00;
	[sflag:s18] =	ssyncset.done $0x0  }
.LBB2_4:
0x57: {  	s21 =	sshra.s32 s20, $0x2;
	[sflag:s18] =	ssyncadd.s32 $0xFFFFC000;
	p0 =	sne.s32 s20, $0x9E00  }
0x58: {  	[spmem:s2] =	stream.indirect.scatter.add.f32 [tilespmem:s11], [sflag:$0x1], $0x80, s21, s15, $0xb8;
	[tilespmem:$0x1A400] =	vst v63  }
.Ltmp1:
0x59: {  	_ = 	snop;
	(pc) =	sbr.rel @p0 .LBB2_4-.Ltmp1, $4  }
0x5a: {  	_ = 	snop  }
0x5b: {  	s20 =	sadd.s32 $0x200, s20  }
0x5c: {  	_ =	swait.ge [sflag:s18], $0x4000  }
0x5d: {  	[sflag:s18] =	ssyncset.done $0x0  }
0x5e: {  	[sflag:s18] =	ssyncadd.s32 $0xFFFFC000  }
0x5f: {  	_ =	swait.ge [sflag:s18], $0x4000  }
0x60: {  	[sflag:s18] =	ssyncset.done $0x0  }
0x61: {  	[sflag:s18] =	ssyncadd.s32 $0xFFFFC000  }
0x62: {  	_ =	swait.ge [sflag:s18], $0x4000  }
0x63: {  	[sflag:s18] =	ssyncset.done $0x0  }
0x64: {  	[sflag:s18] =	ssyncadd.s32 $0xFFFFC000  }
0x65: {  	_ =	swait.ge [sflag:s18], $0x4000  }
0x66: {  	[sflag:s18] =	ssyncset.done $0x0  }
0x67: {  	[sflag:s18] =	ssyncadd.s32 $0xFFFFC000  }
0x68: {  	_ =	swait.ge [sflag:s18], $0x4000  }
0x69: {  	[sflag:s18] =	ssyncset.done $0x0  }
0x6a: {  	s19 =	sadd.s32 $0x1, s19;
	[sflag:s18] =	ssyncadd.s32 $0xFFFFC000  }
0x6b: {  	p0 =	sne.s32 s19, s10;
	[bflag:$0x0] =	sbarrier.arrive $0xFFFF  }
0x6c: {  	[hbm:s9], [sflag:s13] =	dma.local [spmem:s14], $0x2780  }
.Ltmp2:
0x6d: {  	_ =	swait.ge [sflag:s12], $0x2780;
	(pc) =	sbr.rel @p0 .LBB2_1-.Ltmp2, $3  }
0x6e: {  	[sflag:s12] =	ssyncset.done $0x0  }
0x6f: {  	[sflag:s12] =	ssyncadd.s32 $0xFFFFD880  }
0x70: {  	[bflag:$0x0] =	sbarrier.arrive $0xFFFF;
	_ =	sdelay $0x1  }
0x71: {  	_ =	sfence.sel $0x180000  }
0x72: {  	[bflag:$0x0] =	sbarrier.arrive $0xFFFF  }
0x73: {  	p0 =	sne.s32 s0, $0x0;
	_ =	strace $0x90000047  }
0x74: {  	s0 =	sadd.s32 @!p0 $0x100000, s1;
	[bflag:$0x2] =	sbarrier.arrive $0xFFFF  }
0x75: {  	[sflag:s0] =	ssyncadd.tile.s32 @!p0 $0x1;
	_ =	shalt  }
.Lfunc_end2:
_tile_overlayer_lowered:
.L_overlay_start_2:
0x76: {  	(tag) =	ssettag $0x2  }
0x77: {  	s0 =	rddreg [dreg:$0x0];
	s2 =	stileid.u32  }
0x78: {  	s1 =	rddreg [dreg:$0x1];
	p0 =	sne.s32 s2, $0x0  }
0x79: {  	s3 =	rddreg [dreg:$0x2];
	[bflag:$0x3] =	sbarrier.arrive $0xFFFF;
	s2 =	simm.s32 @!p0 $0x1C02  }
0x7a: {  	[timem:s3], [sflag:s2] =	dma.local @!p0 [hbm:s0], s1  }
0x7b: {  	s0 =	simm.s32 @!p0 $0x2  }
0x7c: {  	_ =	swait.ge @!p0 [sflag:s0], s1  }
0x7d: {  	s1 =	ssub.s32 @!p0 $0x0, s1;
	[sflag:s0] =	ssyncset.done @!p0 $0x0  }
0x7e: {  	[sflag:s0] =	ssyncadd.s32 @!p0 s1  }
0x7f: {  	[bflag:$0x3] =	sbarrier.arrive $0xFFFF  }
0x80: {  	_ =	shalt  }

// kernel: kernel.13.cloned.1.call-start
scs
__scs_entry_jumppad:
0x0: {  	(pc) =	sbr.rel $0x88, $3  }
0x1: {  	(tag) =	ssettag $0x0;
	lr =	simm.s32 $0x1  }
0x2: {  	[smem:$0x3F97] =	sst lr;
	_ =	strace $0xD0000000  }
0x3: {  	_ = 	snop  }
0x4: {  	_ = 	snop  }
0x5: {  	_ = 	snop  }
0x6: {  	_ = 	snop  }
0x7: {  	_ = 	snop  }
__scs_overlays_trampoline_lowered:
0x8: {  	[smem:$0x3FA6] =	sst s0  }
0x9: {  	[smem:$0x3FA7] =	sst s1  }
0xa: {  	[smem:$0x3FA8] =	sst s2  }
0xb: {  	[smem:$0x3FA9] =	sst s3  }
0xc: {  	[smem:$0x3FAA] =	sst s4  }
0xd: {  	[smem:$0x3FAB] =	sst s5  }
0xe: {  	[smem:$0x3FAC] =	sst s6  }
0xf: {  	[smem:$0x3FAD] =	sst s7  }
0x10: {  	[smem:$0x3FAE] =	sst s8  }
0x11: {  	[smem:$0x3FAF] =	sst s9;
	s0 =	simm.s32 @!p0 $0x0  }
0x12: {  	s1 =	sld [smem:$0x3F95];
	s0 =	simm.s32 @p0 $0x1  }
0x13: {  	[smem:$0x3FB0] =	sst s0;
	s0 =	simm.s32 @!p1 $0x0  }
0x14: {  	s2 =	sld [smem:$0x3F94];
	s0 =	simm.s32 @p1 $0x1  }
0x15: {  	[smem:$0x3FB1] =	sst s0;
	s0 =	simm.s32 @!p2 $0x0  }
0x16: {  	s3 =	sld [smem:$0x3FDB];
	s0 =	simm.s32 @p2 $0x1  }
0x17: {  	s4 =	simm.s32 $0x1BF5;
	[smem:$0x3FB3] =	sst s0  }
0x18: {  	s0 =	sld [smem:$0x3F96];
	_ =	swait.ge [sflag:s4], $0x0  }
0x19: {  	s7 =	sld [smem:$0x3F97]  }
0x1a: {  	s8 =	sadd.s32 $0xFFFFE003, lr  }
0x1b: {  	s9 =	sadd.s32 $0xFFFFFEF7, lr;
	s5 =	simm.s32 $0xFFFFFFFF;
	p2 =	slt.u32 s8, $0xFFFFF086  }
0x1c: {  	p1 =	slt.u32 s9, $0xF7A;
	s5 =	simm.s32 @!p2 $0x0  }
0x1d: {  	s5 =	simm.s32 @p1 $0x1;
	p0 =	seq.s32 s7, s2  }
0x1e: {  	s7 =	smul.u32 @!p0 $0xF7A, s2;
	p2 =	seq.s32 @!p0 s5, $0x0  }
0x1f: {  	s9 =	smul.u32 $0xF7A, s1;
	s8 =	simm.s32 @!p0 $0x1BF5;
	p2 =	por !p2, p0  }
0x20: {  	[sflag:s8] =	ssyncset.s32 @!p0 $0xFFFFF086;
	s6 =	sadd.s32 @!p0 s3, s7;
	s7 =	simm.s32 @!p0 $0x108  }
0x21: {  	s3 =	sadd.s32 s3, s9;
	s6 =	sadd.s32 @!p0 $0x88, s6;
	s7 =	simm.s32 @p2 $0x1082  }
0x22: {  	[simem:s7], [sflag:s8] =	dma.local @!p0 [hbm:s6], $0xF7A  }
0x23: {  	s9 =	sor.u32 $0xD0000000, s2;
	s6 =	simm.s32 $0x108;
	_ =	swait.ge @!p0 [sflag:s8], $0x0  }
0x24: {  	s3 =	sadd.s32 $0x88, s3;
	s6 =	simm.s32 @!p1 $0x1082;
	[sflag:s4] =	ssyncset.s32 $0xFFFFF086  }
0x25: {  	[simem:s6], [sflag:s4] =	dma.local [hbm:s3], $0xF7A  }
0x26: {  	[smem:$0x3F97] =	sst s1;
	(tag) =	ssettag s2;
	_ =	strace s9  }
0x27: {  	s1 =	sld [smem:$0x3FA7]  }
0x28: {  	s2 =	sld [smem:$0x3FA8]  }
0x29: {  	s4 =	sld [smem:$0x3FAA]  }
0x2a: {  	p0 =	seq.s32 s5, $0x0;
	s5 =	sld [smem:$0x3FAB]  }
0x2b: {  	s6 =	sld [smem:$0x3FAC]  }
0x2c: {  	s7 =	sld [smem:$0x3FAD]  }
0x2d: {  	s3 =	simm.s32 $0x108;
	s8 =	sld [smem:$0x3FAE]  }
0x2e: {  	s3 =	simm.s32 @!p0 $0x1082;
	s9 =	sld [smem:$0x3FAF]  }
0x2f: {  	lr =	sadd.s32 s0, s3;
	s0 =	sld [smem:$0x3FA6]  }
0x30: {  	s3 =	sld [smem:$0x3FA9]  }
0x31: {  	[smem:$0x3FB2] =	sst s10  }
0x32: {  	s10 =	sld [smem:$0x3FB0];
	_ =	sdelay $0x3  }
0x33: {  	p0 =	seq.s32 s10, $0x1;
	s10 =	sld [smem:$0x3FB2];
	_ =	sdelay $0x3  }
0x34: {  	[smem:$0x3FB2] =	sst s10  }
0x35: {  	s10 =	sld [smem:$0x3FB1];
	_ =	sdelay $0x3  }
0x36: {  	p1 =	seq.s32 s10, $0x1;
	s10 =	sld [smem:$0x3FB2];
	_ =	sdelay $0x3  }
0x37: {  	[smem:$0x3FB2] =	sst s10  }
0x38: {  	s10 =	sld [smem:$0x3FB3]  }
0x39: {  	_ = 	snop;
	(pc) =	sbr.ind lr, $3  }
0x3a: {  	_ = 	snop  }
0x3b: {  	_ = 	snop  }
0x3c: {  	p2 =	seq.s32 s10, $0x1;
	s10 =	sld [smem:$0x3FB2]  }
0x3d: {  	_ =	shalt  }
0x3e: {  	_ =	shalt  }
0x3f: {  	_ =	shalt  }
0x40: {  	_ =	shalt  }
0x41: {  	_ =	shalt  }
0x42: {  	_ =	shalt  }
0x43: {  	_ =	shalt  }
0x44: {  	_ =	shalt  }
0x45: {  	_ =	shalt  }
0x46: {  	_ =	shalt  }
0x47: {  	_ =	shalt  }
0x48: {  	_ =	shalt  }
0x49: {  	_ =	shalt  }
0x4a: {  	_ =	shalt  }
0x4b: {  	_ =	shalt  }
0x4c: {  	_ =	shalt  }
0x4d: {  	_ =	shalt  }
0x4e: {  	_ =	shalt  }
0x4f: {  	_ =	shalt  }
0x50: {  	_ =	shalt  }
0x51: {  	_ =	shalt  }
0x52: {  	_ =	shalt  }
0x53: {  	_ =	shalt  }
0x54: {  	_ =	shalt  }
0x55: {  	_ =	shalt  }
0x56: {  	_ =	shalt  }
0x57: {  	_ =	shalt  }
0x58: {  	_ =	shalt  }
0x59: {  	_ =	shalt  }
0x5a: {  	_ =	shalt  }
0x5b: {  	_ =	shalt  }
0x5c: {  	_ =	shalt  }
0x5d: {  	_ =	shalt  }
0x5e: {  	_ =	shalt  }
0x5f: {  	_ =	shalt  }
0x60: {  	_ =	shalt  }
0x61: {  	_ =	shalt  }
0x62: {  	_ =	shalt  }
0x63: {  	_ =	shalt  }
0x64: {  	_ =	shalt  }
0x65: {  	_ =	shalt  }
0x66: {  	_ =	shalt  }
0x67: {  	_ =	shalt  }
0x68: {  	_ =	shalt  }
0x69: {  	_ =	shalt  }
0x6a: {  	_ =	shalt  }
0x6b: {  	_ =	shalt  }
0x6c: {  	_ =	shalt  }
0x6d: {  	_ =	shalt  }
0x6e: {  	_ =	shalt  }
0x6f: {  	_ =	shalt  }
0x70: {  	_ =	shalt  }
0x71: {  	_ =	shalt  }
0x72: {  	_ =	shalt  }
0x73: {  	_ =	shalt  }
0x74: {  	_ =	shalt  }
0x75: {  	_ =	shalt  }
0x76: {  	_ =	shalt  }
0x77: {  	_ =	shalt  }
0x78: {  	_ =	shalt  }
0x79: {  	_ =	shalt  }
0x7a: {  	_ =	shalt  }
0x7b: {  	_ =	shalt  }
0x7c: {  	_ =	shalt  }
0x7d: {  	_ =	shalt  }
0x7e: {  	_ =	shalt  }
0x7f: {  	_ =	shalt  }
0x80: {  	_ =	shalt  }
0x81: {  	_ =	shalt  }
0x82: {  	_ =	shalt  }
0x83: {  	_ =	shalt  }
0x84: {  	_ =	shalt  }
0x85: {  	_ =	shalt  }
0x86: {  	_ =	shalt  }
0x87: {  	_ =	shalt  }
.Lfunc_end0:
.L_simem_size_0:
called_computation.1_lowered:
.L_overlay_start_0:
0x88: {  	s2 =	sld [smem:$0x3FD9]  }
0x89: {  	s3 =	sld [smem:$0x3FFE];
	_ =	sdelay $0x1  }
0x8a: {  	s1 =	srdreg.scid  }
0x8b: {  	s0 =	sand.u32 $0x1, s1  }
0x8c: {  	s14 =	sshll.u32 s0, $0xA;
	s2 =	sadd.s32 s3, s2  }
0x8d: {  	s2 =	sadd.s32 s2, s14  }
0x8e: {  	[smem:$0x3FBE] =	sst s2  }
0x8f: {  	_ = 	snop  }
0x90: {  	s2 =	sld [smem:$0x3FD0];
	_ =	sdelay $0x2  }
0x91: {  	s15 =	simm.s32 $0xA;
	s4 =	simm.s32 $0x10  }
0x92: {  	[smem:s4], [sflag:s15] =	dma.local [hbm:s2], $0x1  }
0x93: {  	_ =	swait.eq [sflag:s15], $0x1  }
0x94: {  	[sflag:s15] =	ssyncset.done $0x0  }
0x95: {  	s16 =	sld [smem:$0x10];
	[sflag:s15] =	ssyncadd.s32 $0xFFFFFFFF  }
0x96: {  	s17 =	sld [smem:$0x11];
	(tm) =	ssettm $0x1  }
0x97: {  	s18 =	sld [smem:$0x3FFB];
	_ =	sdelay $0x3  }
0x98: {  	_ =	strace s18  }
0x99: {  	s4 =	sld [smem:$0x3FFC];
	_ =	sdelay $0x3  }
0x9a: {  	_ =	strace s4  }
0x9b: {  	s4 =	sld [smem:$0x3FFD];
	_ =	sdelay $0x3  }
0x9c: {  	_ =	strace s4  }
0x9d: {  	_ =	strace $0x8FFFFFFF  }
0x9e: {  	s19 =	sld [smem:$0x3FDB];
	_ =	sdelay $0x1  }
0x9f: {  	s5 =	simm.s32 $_scs_section_size  }
0xa0: {  	s6 =	simm.s32 $_size__tile_overlayer_lowered;
	s7 =	simm.s32 $_tile_overlayer_lowered  }
0xa1: {  	s22 =	simm.s32 $0x1BFF;
	s21 =	sshll.u32 s7, $0x1;
	s4 =	sadd.s32 s5, s19  }
0xa2: {  	s8 =	simm.s32 $0x0;
	s20 =	sshll.u32 s6, $0x1;
	s6 =	sadd.s32 s21, s4  }
0xa3: {  	[timem:s8], [sflag:s22] =	dma.local [hbm:s6], s20  }
0xa4: {  	_ =	swait.ge [sflag:s22], s20  }
0xa5: {  	s5 =	ssub.s32 $0x0, s20;
	[sflag:s22] =	ssyncset.done $0x0  }
0xa6: {  	[sflag:s22] =	ssyncadd.s32 s5;
	_ =	sdelay $0x1  }
0xa7: {  	s23 =	simm.s32 $0x1B8B  }
0xa8: {  	_ =	swait.ge [sflag:s23], $0x1  }
0xa9: {  	[sflag:s23] =	ssyncset.done $0x0  }
0xaa: {  	s25 =	simm.s32 $0x1B8E;
	s24 =	sld [smem:$0x3FFE];
	[sflag:s23] =	ssyncadd.s32 $0xFFFFFFFF  }
0xab: {  	s26 =	simm.s32 $execute0_lowered;
	[smem:$0x3FD2] =	sst s25  }
0xac: {  	s6 =	sshll.u32 s26, $0x1;
	_ =	strace $0x80000049;
	[dreg:$0x1] =	wrdreg $0xFFFFFFFF  }
0xad: {  	s28 =	simm.s32 $_size_execute0_lowered;
	s4 =	sadd.s32 s4, s6;
	[dreg:$0x0] =	wrdreg $0x0  }
0xae: {  	s6 =	sshll.u32 s28, $0x1;
	[dreg:$0x2] =	wrdreg s4  }
0xaf: {  	[dreg:$0x3] =	wrdreg s6  }
0xb0: {  	[dreg:$0x4] =	wrdreg $0xC0  }
0xb1: {  	_ =	task [dreg:s8], $0x5FFFF  }
0xb2: {  	[dreg:$0x1] =	wrdreg $0xFFFFFFFF  }
0xb3: {  	[dreg:$0x0] =	wrdreg $0x60  }
0xb4: {  	[dreg:$0x2] =	wrdreg s17  }
0xb5: {  	[dreg:$0x3] =	wrdreg s16  }
0xb6: {  	[dreg:$0x4] =	wrdreg s24  }
0xb7: {  	[dreg:$0x5] =	wrdreg $0x90000  }
0xb8: {  	[dreg:$0x6] =	wrdreg $0x9  }
0xb9: {  	_ =	task.clear_ibuf [dreg:s8], $0x7FFFF;
	_ =	strace $0x90000049  }
0xba: {  	s29 =	simm.s32 $0x9;
	_ =	strace $0x8000004B  }
0xbb: {  	_ =	swait.ge [sflag:s29], $0x1  }
0xbc: {  	[sflag:s29] =	ssyncadd.s32 $0xFFFFFFFF  }
0xbd: {  	_ =	strace $0x9000004B  }
0xbe: {  	_ =	sfence  }
0xbf: {  	s30 =	sld [smem:$0x0];
	_ =	sdelay $0x2  }
0xc0: {  	s31 =	sshll.u32 s1, $0xD;
	s1 =	sshrl.u32 s1, $0x2  }
0xc1: {  	s3 =	sand.u32 $0x4000, s31;
	s1 =	sadd.s32 s1, s30  }
0xc2: {  	s0 =	sor.u32 s3, s0;
	s1 =	sshll.u32 s1, $0x11  }
0xc3: {  	s0 =	sor.u32 s1, s0  }
0xc4: {  	s0 =	sadd.s32 $0x8F2B, s0  }
0xc5: {  	[sflag:s0] =	ssyncadd.remote.s32 $0x1  }
0xc6: {  	_ =	sfence.sel $0xFFFF  }
0xc7: {  	[dreg:$0x0] =	wrdreg $0xFFFFFFFF;
	(pc) =	sbr.abs _section_cstart, $3  }
0xc8: {  	[dreg:$0x1] =	wrdreg $0xFFFFFFFF  }
0xc9: {  	_ =	task.clear_ibuf [dreg:s8], $0x2FFFF;
	_ =	strace $0x9FFFFFFF  }
0xca: {  	(tm) =	ssettm $0x7FFFFFFF  }
0xcb: {  	_ =	shalt  }
tec
execute0_lowered:
.L_overlay_start_1:
0x0: {  	(tag) =	ssettag $0x1  }
0x1: {  	s1 =	rddreg [dreg:$0x0]  }
0x2: {  	s9 =	rddreg [dreg:$0x1]  }
0x3: {  	s5 =	rddreg [dreg:$0x2]  }
0x4: {  	s3 =	rddreg [dreg:$0x3];
	s4 =	srdreg.scid  }
0x5: {  	s0 =	stileid.u32;
	s17 =	simm.s32 $0x1000;
	s18 =	simm.s32 $0x5000  }
0x6: {  	s19 =	simm.s32 $0x1;
	s20 =	simm.s32 $0x3;
	s7 =	smul.u32 $0x13C00, s0  }
0x7: {  	s21 =	simm.s32 $0x2;
	s6 =	sand.u32 $0x1, s4;
	s13 =	smul.u32 $0x4F000, s0  }
0x8: {  	s4 =	simm.s32 $0x0;
	s12 =	sadd.s32 $0x3800, s5;
	s15 =	smul.u32 $0xA, s0  }
0x9: {  	s31 =	sshll.u32 s0, $0x6;
	s8 =	sshll.u32 s6, $0x4;
	s10 =	smul.u32 $0x13C000, s6  }
0xa: {  	[smem:$0x7FF] =	sst s4;
	s22 =	ssub.s32 $0x2, s6;
	s14 =	smul.u32 $0xA0, s6  }
0xb: {  	s8 =	sor.u32 s0, s8;
	_ =	strace $0x8000004A;
	s11 =	sshrl.u32 s7, $0x3  }
0xc: {  	s24 =	sshrl.u32 s22, $0x1;
	s25 =	sshrl.u32 s13, $0x2;
	s13 =	simm.s32 $0x800  }
0xd: {  	s8 =	smul.u32 $0x500, s8;
	s11 =	sadd.s32 s11, s5;
	s7 =	sadd.s32 s7, s10  }
0xe: {  	s10 =	ssub.s32 s22, s24;
	s26 =	sadd.s32 s15, s14;
	s28 =	sadd.s32 s25, s3  }
0xf: {  	s14 =	sor.u32 $0x1C07, s31;
	s22 =	simm.s32 $0x4;
	s24 =	simm.s32 $0x6  }
0x10: {  	s25 =	simm.s32 $0x0;
	s23 =	sshrl.u32 s7, $0x3;
	s7 =	sadd.s32 $0xD800, s11  }
.Ltmp0:
0x11: {  	s29 =	sshll.u32 s26, $0x7;
	s15 =	sshrl.u32 s28, $0x3;
	(pc) =	sbr.rel .LBB2_1-.Ltmp0, $4  }
0x12: {  	s16 =	sadd.s32 s23, s5;
	s5 =	sadd.s32 s9, s8;
	s6 =	sadd.s32 s12, s8  }
0x13: {  	s30 =	sadd.s32 s29, s9;
	s11 =	sadd.s32 s29, s12;
	s9 =	smax.u32 s10, $0x1  }
0x14: {  	s12 =	simm.s32 $0x7;
	s23 =	simm.s32 $0x5;
	s8 =	sadd.s32 $0x35000, s16  }
0x15: {  	s10 =	sadd.s32 $0x80, s30;
	s11 =	sadd.s32 $0x80, s11;
	s16 =	simm.s32 $0x80  }
.LBB2_3:
0x16: {  	_ =	swait.ge [sflag:s21], $0x4000  }
0x17: {  	[sflag:s21] =	ssyncset.done $0x0  }
0x18: {  	s0 =	sor.u32 $0x800, s31;
	[sflag:s21] =	ssyncadd.s32 $0xFFFFC000  }
0x19: {  	[spmem:s3] =	stream.indirect.scatter.add.f32 [tilespmem:s18], [sflag:$0x4], $0x80, s0, s16, $0xb8;
	[tilespmem:$0x1CC00] =	vst v63  }
.LBB2_5:
0x1a: {  	_ =	swait.ge [sflag:s20], $0x4000  }
0x1b: {  	[sflag:s20] =	ssyncset.done $0x0  }
0x1c: {  	[sflag:s20] =	ssyncadd.s32 $0xFFFFC000  }
0x1d: {  	_ =	swait.ge [sflag:s22], $0x4000  }
0x1e: {  	s25 =	sadd.s32 $0x1, s25;
	[sflag:s22] =	ssyncset.done $0x0  }
0x1f: {  	p0 =	sne.s32 s25, s9;
	[sflag:s22] =	ssyncadd.s32 $0xFFFFC000  }
.Ltmp1:
0x20: {  	[bflag:$0x0] =	sbarrier.arrive $0xFFFF;
	(pc) =	sbr.rel @!p0 .LBB2_6-.Ltmp1, $4  }
0x21: {  	[hbm:s8], [sflag:s14] =	dma.local [spmem:s15], $0x2780  }
0x22: {  	_ =	swait.ge [sflag:s12], $0x2780  }
0x23: {  	[sflag:s12] =	ssyncset.done $0x0  }
0x24: {  	[sflag:s12] =	ssyncadd.s32 $0xFFFFD880  }
.LBB2_1:
0x25: {  	[tilespmem:s4], [sflag:$0x7] =	stream.linear.gather [hbm4b:s5+s4], $0x400, $0x38;
	[tilespmem:$0x1CC00] =	vst v63  }
0x26: {  	_ =	swait.ge [sflag:s12], $0x400  }
0x27: {  	[sflag:s12] =	ssyncset.done $0x0  }
0x28: {  	[sflag:s12] =	ssyncadd.s32 $0xFFFFFC00  }
0x29: {  	[tilespmem:s13], [sflag:$0x7] =	stream.linear.gather [hbm4b:s6+s4], $0x400, $0x38;
	[tilespmem:$0x1CC00] =	vst v63  }
0x2a: {  	_ =	swait.ge [sflag:s12], $0x400  }
0x2b: {  	[sflag:s12] =	ssyncset.done $0x0  }
0x2c: {  	[sflag:s12] =	ssyncadd.s32 $0xFFFFFC00  }
0x2d: {  	[spmem:s15], [sflag:s14] =	dma.local [hbm:s7], $0x2780  }
0x2e: {  	_ =	swait.ge [sflag:s12], $0x2780  }
0x2f: {  	[sflag:s12] =	ssyncset.done $0x0  }
0x30: {  	[sflag:s12] =	ssyncadd.s32 $0xFFFFD880  }
0x31: {  	[bflag:$0x0] =	sbarrier.arrive $0xFFFF  }
0x32: {  	[tilespmem:s17], [sflag:$0x1] =	stream.indirect.gather [hbm4b:s1+s16], $0x80, s4, s16, $0xb8;
	[tilespmem:$0x1CC00] =	vst v63  }
0x33: {  	s26 =	simm.s32 $0x1;
	s28 =	simm.s32 $0x0;
	s29 =	simm.s32 $0x0  }
0x34: {  	[tilespmem:s18], [sflag:$0x2] =	stream.indirect.gather [hbm4b:s1+s16], $0x80, s16, s16, $0xb8;
	[tilespmem:$0x1CC00] =	vst v63  }
.LBB2_2:
0x35: {  	s30 =	sand.u32 $0x1, s26;
	p0 =	seq.s32 s28, $0x480  }
0x36: {  	s31 =	sshll.u32 @!p0 s30, $0xA;
	s0 =	sadd.s32 @!p0 s28, s10;
	s2 =	simm.s32 @!p0 $0x0  }
0x37: {  	[tilespmem:s31], [sflag:$0x5] =	stream.linear.gather @!p0 [hbm4b:s0+s2], $0x400, $0x38;
	[tilespmem:$0x1CC00] =	vst v63  }
0x38: {  	s0 =	sor.u32 @!p0 $0x800, s31;
	s31 =	sadd.s32 @!p0 s28, s11  }
0x39: {  	[tilespmem:s0], [sflag:$0x6] =	stream.linear.gather @!p0 [hbm4b:s31+s2], $0x400, $0x38;
	[tilespmem:$0x1CC00] =	vst v63  }
0x3a: {  	_ =	swait.ge [sflag:s19], $0x4000  }
0x3b: {  	s0 =	sand.u32 $0x400, s29;
	[sflag:s19] =	ssyncset.done $0x0  }
0x3c: {  	s2 =	sor.u32 $0x800, s0;
	[sflag:s19] =	ssyncadd.s32 $0xFFFFC000  }
0x3d: {  	[spmem:s3] =	stream.indirect.scatter.add.f32 [tilespmem:s17], [sflag:$0x3], $0x80, s2, s16, $0xb8;
	[tilespmem:$0x1CC00] =	vst v63  }
0x3e: {  	_ =	swait.ge [sflag:s20], $0x4000  }
0x3f: {  	[sflag:s20] =	ssyncset.done $0x0  }
0x40: {  	s2 =	sor.u32 $0x100, s0;
	[sflag:s20] =	ssyncadd.s32 $0xFFFFC000  }
0x41: {  	[tilespmem:s17], [sflag:$0x1] =	stream.indirect.gather [hbm4b:s1+s16], $0x80, s2, s16, $0xb8;
	[tilespmem:$0x1CC00] =	vst v63  }
0x42: {  	_ =	swait.ge [sflag:s21], $0x4000  }
0x43: {  	[sflag:s21] =	ssyncset.done $0x0  }
0x44: {  	s2 =	sor.u32 $0x880, s0;
	[sflag:s21] =	ssyncadd.s32 $0xFFFFC000  }
0x45: {  	[spmem:s3] =	stream.indirect.scatter.add.f32 [tilespmem:s18], [sflag:$0x4], $0x80, s2, s16, $0xb8;
	[tilespmem:$0x1CC00] =	vst v63  }
0x46: {  	_ =	swait.ge [sflag:s22], $0x4000  }
0x47: {  	[sflag:s22] =	ssyncset.done $0x0  }
0x48: {  	s2 =	sor.u32 $0x180, s0;
	[sflag:s22] =	ssyncadd.s32 $0xFFFFC000  }
0x49: {  	[tilespmem:s18], [sflag:$0x2] =	stream.indirect.gather [hbm4b:s1+s16], $0x80, s2, s16, $0xb8;
	[tilespmem:$0x1CC00] =	vst v63  }
0x4a: {  	_ =	swait.ge [sflag:s19], $0x4000  }
0x4b: {  	[sflag:s19] =	ssyncset.done $0x0  }
0x4c: {  	s2 =	sor.u32 $0x900, s0;
	[sflag:s19] =	ssyncadd.s32 $0xFFFFC000  }
0x4d: {  	[spmem:s3] =	stream.indirect.scatter.add.f32 [tilespmem:s17], [sflag:$0x3], $0x80, s2, s16, $0xb8;
	[tilespmem:$0x1CC00] =	vst v63  }
0x4e: {  	_ =	swait.ge [sflag:s20], $0x4000  }
0x4f: {  	[sflag:s20] =	ssyncset.done $0x0  }
0x50: {  	s2 =	sor.u32 $0x200, s0;
	[sflag:s20] =	ssyncadd.s32 $0xFFFFC000  }
0x51: {  	[tilespmem:s17], [sflag:$0x1] =	stream.indirect.gather [hbm4b:s1+s16], $0x80, s2, s16, $0xb8;
	[tilespmem:$0x1CC00] =	vst v63  }
0x52: {  	_ =	swait.ge [sflag:s21], $0x4000  }
0x53: {  	[sflag:s21] =	ssyncset.done $0x0  }
0x54: {  	s2 =	sor.u32 $0x980, s0;
	[sflag:s21] =	ssyncadd.s32 $0xFFFFC000  }
0x55: {  	[spmem:s3] =	stream.indirect.scatter.add.f32 [tilespmem:s18], [sflag:$0x4], $0x80, s2, s16, $0xb8;
	[tilespmem:$0x1CC00] =	vst v63  }
0x56: {  	_ =	swait.ge [sflag:s22], $0x4000  }
0x57: {  	[sflag:s22] =	ssyncset.done $0x0  }
0x58: {  	s2 =	sor.u32 $0x280, s0;
	[sflag:s22] =	ssyncadd.s32 $0xFFFFC000  }
0x59: {  	[tilespmem:s18], [sflag:$0x2] =	stream.indirect.gather [hbm4b:s1+s16], $0x80, s2, s16, $0xb8;
	[tilespmem:$0x1CC00] =	vst v63  }
0x5a: {  	_ =	swait.ge [sflag:s19], $0x4000  }
0x5b: {  	[sflag:s19] =	ssyncset.done $0x0  }
0x5c: {  	s2 =	sor.u32 $0xA00, s0;
	[sflag:s19] =	ssyncadd.s32 $0xFFFFC000  }
0x5d: {  	[spmem:s3] =	stream.indirect.scatter.add.f32 [tilespmem:s17], [sflag:$0x3], $0x80, s2, s16, $0xb8;
	[tilespmem:$0x1CC00] =	vst v63  }
0x5e: {  	_ =	swait.ge [sflag:s20], $0x4000  }
0x5f: {  	[sflag:s20] =	ssyncset.done $0x0  }
0x60: {  	s2 =	sor.u32 $0x300, s0;
	[sflag:s20] =	ssyncadd.s32 $0xFFFFC000  }
0x61: {  	[tilespmem:s17], [sflag:$0x1] =	stream.indirect.gather [hbm4b:s1+s16], $0x80, s2, s16, $0xb8;
	[tilespmem:$0x1CC00] =	vst v63  }
0x62: {  	_ =	swait.ge [sflag:s21], $0x4000  }
0x63: {  	[sflag:s21] =	ssyncset.done $0x0  }
0x64: {  	s2 =	sor.u32 $0xA80, s0;
	[sflag:s21] =	ssyncadd.s32 $0xFFFFC000  }
0x65: {  	[spmem:s3] =	stream.indirect.scatter.add.f32 [tilespmem:s18], [sflag:$0x4], $0x80, s2, s16, $0xb8;
	[tilespmem:$0x1CC00] =	vst v63  }
0x66: {  	_ =	swait.ge [sflag:s22], $0x4000  }
0x67: {  	[sflag:s22] =	ssyncset.done $0x0  }
0x68: {  	p0 =	sne.s32 s28, $0x480;
	s31 =	sor.u32 $0x380, s0;
	[sflag:s22] =	ssyncadd.s32 $0xFFFFC000  }
0x69: {  	[tilespmem:s18], [sflag:$0x2] =	stream.indirect.gather [hbm4b:s1+s16], $0x80, s31, s16, $0xb8;
	[tilespmem:$0x1CC00] =	vst v63  }
.Ltmp2:
0x6a: {  	_ = 	snop;
	(pc) =	sbr.rel @!p0 .LBB2_3-.Ltmp2, $4  }
0x6b: {  	_ =	swait.ge [sflag:s19], $0x4000  }
0x6c: {  	[sflag:s19] =	ssyncset.done $0x0  }
0x6d: {  	s0 =	sor.u32 $0xB00, s0;
	[sflag:s19] =	ssyncadd.s32 $0xFFFFC000  }
0x6e: {  	[spmem:s3] =	stream.indirect.scatter.add.f32 [tilespmem:s17], [sflag:$0x3], $0x80, s0, s16, $0xb8;
	[tilespmem:$0x1CC00] =	vst v63  }
0x6f: {  	_ =	swait.ge [sflag:s23], $0x400  }
0x70: {  	[sflag:s23] =	ssyncset.done $0x0  }
0x71: {  	[sflag:s23] =	ssyncadd.s32 $0xFFFFFC00  }
0x72: {  	_ =	swait.ge [sflag:s24], $0x400  }
0x73: {  	[sflag:s24] =	ssyncset.done $0x0  }
0x74: {  	[sflag:s24] =	ssyncadd.s32 $0xFFFFFC00  }
0x75: {  	_ =	swait.ge [sflag:s20], $0x4000  }
0x76: {  	[sflag:s20] =	ssyncset.done $0x0  }
0x77: {  	s0 =	sshll.u32 s30, $0xA;
	[sflag:s20] =	ssyncadd.s32 $0xFFFFC000  }
0x78: {  	[tilespmem:s17], [sflag:$0x1] =	stream.indirect.gather [hbm4b:s1+s16], $0x80, s0, s16, $0xb8;
	[tilespmem:$0x1CC00] =	vst v63  }
0x79: {  	_ =	swait.ge [sflag:s21], $0x4000  }
0x7a: {  	s28 =	sadd.s32 $0x80, s28;
	[sflag:s21] =	ssyncset.done $0x0  }
0x7b: {  	s2 =	sor.u32 $0x800, s31;
	p0 =	sne.s32 s28, $0x500;
	[sflag:s21] =	ssyncadd.s32 $0xFFFFC000  }
0x7c: {  	[spmem:s3] =	stream.indirect.scatter.add.f32 [tilespmem:s18], [sflag:$0x4], $0x80, s2, s16, $0xb8;
	[tilespmem:$0x1CC00] =	vst v63  }
.Ltmp3:
0x7d: {  	_ = 	snop;
	(pc) =	sbr.rel @p0 .LBB2_2-.Ltmp3, $4  }
.Ltmp4:
0x7e: {  	_ =	swait.ge [sflag:s22], $0x4000;
	(pc) =	sbr.rel @!p0 .LBB2_5-.Ltmp4, $4  }
0x7f: {  	s29 =	sadd.s32 $0x400, s29;
	[sflag:s22] =	ssyncset.done $0x0  }
0x80: {  	s26 =	sadd.s32 $0x1, s26;
	s0 =	sor.u32 $0x80, s0;
	[sflag:s22] =	ssyncadd.s32 $0xFFFFC000  }
0x81: {  	[tilespmem:s18], [sflag:$0x2] =	stream.indirect.gather [hbm4b:s1+s16], $0x80, s0, s16, $0xb8;
	[tilespmem:$0x1CC00] =	vst v63  }
0x82: {  	_ = 	snop  }
.LBB2_6:
0x83: {  	_ =	sfence.sel $0x180000  }
0x84: {  	[bflag:$0x0] =	sbarrier.arrive $0xFFFF  }
0x85: {  	_ =	strace $0x9000004A  }
0x86: {  	s0 =	stileid.u32;
	[bflag:$0x2] =	sbarrier.arrive $0xFFFF  }
0x87: {  	p0 =	sne.s32 s0, $0x0;
	s0 =	rddreg [dreg:$0x4]  }
0x88: {  	s0 =	sadd.s32 @!p0 $0x100000, s0  }
0x89: {  	[sflag:s0] =	ssyncadd.tile.s32 @!p0 $0x1;
	_ =	shalt  }
.Lfunc_end2:
_tile_overlayer_lowered:
.L_overlay_start_2:
0x8a: {  	(tag) =	ssettag $0x2  }
0x8b: {  	s0 =	rddreg [dreg:$0x0];
	s2 =	stileid.u32  }
0x8c: {  	s1 =	rddreg [dreg:$0x1];
	p0 =	sne.s32 s2, $0x0  }
0x8d: {  	s3 =	rddreg [dreg:$0x2];
	[bflag:$0x3] =	sbarrier.arrive $0xFFFF;
	s2 =	simm.s32 @!p0 $0x1C07  }
0x8e: {  	[timem:s3], [sflag:s2] =	dma.local @!p0 [hbm:s0], s1  }
0x8f: {  	s0 =	simm.s32 @!p0 $0x7  }
0x90: {  	_ =	swait.ge @!p0 [sflag:s0], s1  }
0x91: {  	s1 =	ssub.s32 @!p0 $0x0, s1;
	[sflag:s0] =	ssyncset.done @!p0 $0x0  }
0x92: {  	[sflag:s0] =	ssyncadd.s32 @!p0 s1  }
0x93: {  	[bflag:$0x3] =	sbarrier.arrive $0xFFFF  }
0x94: {  	_ =	shalt  }

// kernel: kernel.16.cloned.1.call-start
scs
__scs_entry_jumppad:
0x0: {  	(pc) =	sbr.rel $0x88, $3  }
0x1: {  	(tag) =	ssettag $0x0;
	lr =	simm.s32 $0x1  }
0x2: {  	[smem:$0x3F97] =	sst lr;
	_ =	strace $0xD0000000  }
0x3: {  	_ = 	snop  }
0x4: {  	_ = 	snop  }
0x5: {  	_ = 	snop  }
0x6: {  	_ = 	snop  }
0x7: {  	_ = 	snop  }
__scs_overlays_trampoline_lowered:
0x8: {  	[smem:$0x3FA6] =	sst s0  }
0x9: {  	[smem:$0x3FA7] =	sst s1  }
0xa: {  	[smem:$0x3FA8] =	sst s2  }
0xb: {  	[smem:$0x3FA9] =	sst s3  }
0xc: {  	[smem:$0x3FAA] =	sst s4  }
0xd: {  	[smem:$0x3FAB] =	sst s5  }
0xe: {  	[smem:$0x3FAC] =	sst s6  }
0xf: {  	[smem:$0x3FAD] =	sst s7  }
0x10: {  	[smem:$0x3FAE] =	sst s8  }
0x11: {  	[smem:$0x3FAF] =	sst s9;
	s0 =	simm.s32 @!p0 $0x0  }
0x12: {  	s1 =	sld [smem:$0x3F95];
	s0 =	simm.s32 @p0 $0x1  }
0x13: {  	[smem:$0x3FB0] =	sst s0;
	s0 =	simm.s32 @!p1 $0x0  }
0x14: {  	s2 =	sld [smem:$0x3F94];
	s0 =	simm.s32 @p1 $0x1  }
0x15: {  	[smem:$0x3FB1] =	sst s0;
	s0 =	simm.s32 @!p2 $0x0  }
0x16: {  	s3 =	sld [smem:$0x3FDB];
	s0 =	simm.s32 @p2 $0x1  }
0x17: {  	s4 =	simm.s32 $0x1BF5;
	[smem:$0x3FB3] =	sst s0  }
0x18: {  	s0 =	sld [smem:$0x3F96];
	_ =	swait.ge [sflag:s4], $0x0  }
0x19: {  	s7 =	sld [smem:$0x3F97]  }
0x1a: {  	s8 =	sadd.s32 $0xFFFFE003, lr  }
0x1b: {  	s9 =	sadd.s32 $0xFFFFFEF7, lr;
	s5 =	simm.s32 $0xFFFFFFFF;
	p2 =	slt.u32 s8, $0xFFFFF086  }
0x1c: {  	p1 =	slt.u32 s9, $0xF7A;
	s5 =	simm.s32 @!p2 $0x0  }
0x1d: {  	s5 =	simm.s32 @p1 $0x1;
	p0 =	seq.s32 s7, s2  }
0x1e: {  	s7 =	smul.u32 @!p0 $0xF7A, s2;
	p2 =	seq.s32 @!p0 s5, $0x0  }
0x1f: {  	s9 =	smul.u32 $0xF7A, s1;
	s8 =	simm.s32 @!p0 $0x1BF5;
	p2 =	por !p2, p0  }
0x20: {  	[sflag:s8] =	ssyncset.s32 @!p0 $0xFFFFF086;
	s6 =	sadd.s32 @!p0 s3, s7;
	s7 =	simm.s32 @!p0 $0x108  }
0x21: {  	s3 =	sadd.s32 s3, s9;
	s6 =	sadd.s32 @!p0 $0x88, s6;
	s7 =	simm.s32 @p2 $0x1082  }
0x22: {  	[simem:s7], [sflag:s8] =	dma.local @!p0 [hbm:s6], $0xF7A  }
0x23: {  	s9 =	sor.u32 $0xD0000000, s2;
	s6 =	simm.s32 $0x108;
	_ =	swait.ge @!p0 [sflag:s8], $0x0  }
0x24: {  	s3 =	sadd.s32 $0x88, s3;
	s6 =	simm.s32 @!p1 $0x1082;
	[sflag:s4] =	ssyncset.s32 $0xFFFFF086  }
0x25: {  	[simem:s6], [sflag:s4] =	dma.local [hbm:s3], $0xF7A  }
0x26: {  	[smem:$0x3F97] =	sst s1;
	(tag) =	ssettag s2;
	_ =	strace s9  }
0x27: {  	s1 =	sld [smem:$0x3FA7]  }
0x28: {  	s2 =	sld [smem:$0x3FA8]  }
0x29: {  	s4 =	sld [smem:$0x3FAA]  }
0x2a: {  	p0 =	seq.s32 s5, $0x0;
	s5 =	sld [smem:$0x3FAB]  }
0x2b: {  	s6 =	sld [smem:$0x3FAC]  }
0x2c: {  	s7 =	sld [smem:$0x3FAD]  }
0x2d: {  	s3 =	simm.s32 $0x108;
	s8 =	sld [smem:$0x3FAE]  }
0x2e: {  	s3 =	simm.s32 @!p0 $0x1082;
	s9 =	sld [smem:$0x3FAF]  }
0x2f: {  	lr =	sadd.s32 s0, s3;
	s0 =	sld [smem:$0x3FA6]  }
0x30: {  	s3 =	sld [smem:$0x3FA9]  }
0x31: {  	[smem:$0x3FB2] =	sst s10  }
0x32: {  	s10 =	sld [smem:$0x3FB0];
	_ =	sdelay $0x3  }
0x33: {  	p0 =	seq.s32 s10, $0x1;
	s10 =	sld [smem:$0x3FB2];
	_ =	sdelay $0x3  }
0x34: {  	[smem:$0x3FB2] =	sst s10  }
0x35: {  	s10 =	sld [smem:$0x3FB1];
	_ =	sdelay $0x3  }
0x36: {  	p1 =	seq.s32 s10, $0x1;
	s10 =	sld [smem:$0x3FB2];
	_ =	sdelay $0x3  }
0x37: {  	[smem:$0x3FB2] =	sst s10  }
0x38: {  	s10 =	sld [smem:$0x3FB3]  }
0x39: {  	_ = 	snop;
	(pc) =	sbr.ind lr, $3  }
0x3a: {  	_ = 	snop  }
0x3b: {  	_ = 	snop  }
0x3c: {  	p2 =	seq.s32 s10, $0x1;
	s10 =	sld [smem:$0x3FB2]  }
0x3d: {  	_ =	shalt  }
0x3e: {  	_ =	shalt  }
0x3f: {  	_ =	shalt  }
0x40: {  	_ =	shalt  }
0x41: {  	_ =	shalt  }
0x42: {  	_ =	shalt  }
0x43: {  	_ =	shalt  }
0x44: {  	_ =	shalt  }
0x45: {  	_ =	shalt  }
0x46: {  	_ =	shalt  }
0x47: {  	_ =	shalt  }
0x48: {  	_ =	shalt  }
0x49: {  	_ =	shalt  }
0x4a: {  	_ =	shalt  }
0x4b: {  	_ =	shalt  }
0x4c: {  	_ =	shalt  }
0x4d: {  	_ =	shalt  }
0x4e: {  	_ =	shalt  }
0x4f: {  	_ =	shalt  }
0x50: {  	_ =	shalt  }
0x51: {  	_ =	shalt  }
0x52: {  	_ =	shalt  }
0x53: {  	_ =	shalt  }
0x54: {  	_ =	shalt  }
0x55: {  	_ =	shalt  }
0x56: {  	_ =	shalt  }
0x57: {  	_ =	shalt  }
0x58: {  	_ =	shalt  }
0x59: {  	_ =	shalt  }
0x5a: {  	_ =	shalt  }
0x5b: {  	_ =	shalt  }
0x5c: {  	_ =	shalt  }
0x5d: {  	_ =	shalt  }
0x5e: {  	_ =	shalt  }
0x5f: {  	_ =	shalt  }
0x60: {  	_ =	shalt  }
0x61: {  	_ =	shalt  }
0x62: {  	_ =	shalt  }
0x63: {  	_ =	shalt  }
0x64: {  	_ =	shalt  }
0x65: {  	_ =	shalt  }
0x66: {  	_ =	shalt  }
0x67: {  	_ =	shalt  }
0x68: {  	_ =	shalt  }
0x69: {  	_ =	shalt  }
0x6a: {  	_ =	shalt  }
0x6b: {  	_ =	shalt  }
0x6c: {  	_ =	shalt  }
0x6d: {  	_ =	shalt  }
0x6e: {  	_ =	shalt  }
0x6f: {  	_ =	shalt  }
0x70: {  	_ =	shalt  }
0x71: {  	_ =	shalt  }
0x72: {  	_ =	shalt  }
0x73: {  	_ =	shalt  }
0x74: {  	_ =	shalt  }
0x75: {  	_ =	shalt  }
0x76: {  	_ =	shalt  }
0x77: {  	_ =	shalt  }
0x78: {  	_ =	shalt  }
0x79: {  	_ =	shalt  }
0x7a: {  	_ =	shalt  }
0x7b: {  	_ =	shalt  }
0x7c: {  	_ =	shalt  }
0x7d: {  	_ =	shalt  }
0x7e: {  	_ =	shalt  }
0x7f: {  	_ =	shalt  }
0x80: {  	_ =	shalt  }
0x81: {  	_ =	shalt  }
0x82: {  	_ =	shalt  }
0x83: {  	_ =	shalt  }
0x84: {  	_ =	shalt  }
0x85: {  	_ =	shalt  }
0x86: {  	_ =	shalt  }
0x87: {  	_ =	shalt  }
.Lfunc_end0:
.L_simem_size_0:
called_computation.2_lowered:
.L_overlay_start_0:
0x88: {  	s2 =	sld [smem:$0x3FD9]  }
0x89: {  	s3 =	sld [smem:$0x3FFE];
	_ =	sdelay $0x1  }
0x8a: {  	s1 =	srdreg.scid  }
0x8b: {  	s0 =	sand.u32 $0x1, s1  }
0x8c: {  	s16 =	sshll.u32 s0, $0xA;
	s2 =	sadd.s32 s3, s2  }
0x8d: {  	s2 =	sadd.s32 s2, s16  }
0x8e: {  	[smem:$0x3FBE] =	sst s2  }
0x8f: {  	_ = 	snop  }
0x90: {  	(tm) =	ssettm $0x1  }
0x91: {  	s17 =	sld [smem:$0x3FFB];
	_ =	sdelay $0x3  }
0x92: {  	_ =	strace s17  }
0x93: {  	s2 =	sld [smem:$0x3FFC];
	_ =	sdelay $0x3  }
0x94: {  	_ =	strace s2  }
0x95: {  	s2 =	sld [smem:$0x3FFD];
	_ =	sdelay $0x3  }
0x96: {  	_ =	strace s2  }
0x97: {  	_ =	strace $0x8FFFFFFF  }
0x98: {  	s18 =	sld [smem:$0x3FDB];
	_ =	sdelay $0x1  }
0x99: {  	s19 =	simm.s32 $_scs_section_size  }
0x9a: {  	s4 =	simm.s32 $_size__tile_overlayer_lowered;
	s5 =	simm.s32 $_tile_overlayer_lowered  }
0x9b: {  	s22 =	simm.s32 $0x1BFF;
	s21 =	sshll.u32 s5, $0x1;
	s2 =	sadd.s32 s19, s18  }
0x9c: {  	s6 =	simm.s32 $0x0;
	s20 =	sshll.u32 s4, $0x1;
	s4 =	sadd.s32 s21, s2  }
0x9d: {  	[timem:s6], [sflag:s22] =	dma.local [hbm:s4], s20  }
0x9e: {  	_ =	swait.ge [sflag:s22], s20  }
0x9f: {  	s3 =	ssub.s32 $0x0, s20;
	[sflag:s22] =	ssyncset.done $0x0  }
0xa0: {  	[sflag:s22] =	ssyncadd.s32 s3;
	_ =	sdelay $0x1  }
0xa1: {  	s23 =	simm.s32 $0x1B8B  }
0xa2: {  	_ =	swait.ge [sflag:s23], $0x1  }
0xa3: {  	[sflag:s23] =	ssyncset.done $0x0  }
0xa4: {  	s25 =	simm.s32 $0x1B8E;
	s24 =	sld [smem:$0x3FFE];
	[sflag:s23] =	ssyncadd.s32 $0xFFFFFFFF  }
0xa5: {  	s26 =	simm.s32 $execute0_lowered;
	[smem:$0x3FD2] =	sst s25  }
0xa6: {  	s4 =	sshll.u32 s26, $0x1;
	_ =	strace $0x8000004C;
	[dreg:$0x1] =	wrdreg $0xFFFFFFFF  }
0xa7: {  	s28 =	simm.s32 $_size_execute0_lowered;
	s2 =	sadd.s32 s2, s4;
	[dreg:$0x0] =	wrdreg $0x0  }
0xa8: {  	s4 =	sshll.u32 s28, $0x1;
	[dreg:$0x2] =	wrdreg s2  }
0xa9: {  	[dreg:$0x3] =	wrdreg s4  }
0xaa: {  	[dreg:$0x4] =	wrdreg $0xC0  }
0xab: {  	_ =	task [dreg:s6], $0x5FFFF  }
0xac: {  	[dreg:$0x1] =	wrdreg $0xFFFFFFFF  }
0xad: {  	[dreg:$0x0] =	wrdreg $0x60  }
0xae: {  	[dreg:$0x2] =	wrdreg s24  }
0xaf: {  	[dreg:$0x3] =	wrdreg $0x90000  }
0xb0: {  	[dreg:$0x4] =	wrdreg $0x9  }
0xb1: {  	_ =	task.clear_ibuf [dreg:s6], $0x5FFFF;
	_ =	strace $0x9000004C  }
0xb2: {  	s29 =	simm.s32 $0x9;
	_ =	strace $0x8000004E  }
0xb3: {  	_ =	swait.ge [sflag:s29], $0x1  }
0xb4: {  	[sflag:s29] =	ssyncadd.s32 $0xFFFFFFFF  }
0xb5: {  	_ =	strace $0x9000004E  }
0xb6: {  	_ =	sfence  }
0xb7: {  	s30 =	sld [smem:$0x0];
	_ =	sdelay $0x2  }
0xb8: {  	s31 =	sshll.u32 s1, $0xD;
	s1 =	sshrl.u32 s1, $0x2  }
0xb9: {  	s3 =	sand.u32 $0x4000, s31;
	s1 =	sadd.s32 s1, s30  }
0xba: {  	s0 =	sor.u32 s3, s0;
	s1 =	sshll.u32 s1, $0x11  }
0xbb: {  	s0 =	sor.u32 s1, s0  }
0xbc: {  	s0 =	sadd.s32 $0x8F2B, s0  }
0xbd: {  	[sflag:s0] =	ssyncadd.remote.s32 $0x1  }
0xbe: {  	_ =	sfence.sel $0xFFFF  }
0xbf: {  	[dreg:$0x0] =	wrdreg $0xFFFFFFFF;
	(pc) =	sbr.abs _section_cstart, $3  }
0xc0: {  	[dreg:$0x1] =	wrdreg $0xFFFFFFFF  }
0xc1: {  	_ =	task.clear_ibuf [dreg:s6], $0x2FFFF;
	_ =	strace $0x9FFFFFFF  }
0xc2: {  	(tm) =	ssettm $0x7FFFFFFF  }
0xc3: {  	_ =	shalt  }
tec
execute0_lowered:
.L_overlay_start_1:
0x0: {  	(tag) =	ssettag $0x1  }
0x1: {  	s5 =	rddreg [dreg:$0x0]  }
0x2: {  	s1 =	rddreg [dreg:$0x1]  }
0x3: {  	s3 =	simm.s32 $0x0;
	s4 =	srdreg.scid;
	s0 =	stileid.u32  }
0x4: {  	s17 =	simm.s32 $0x1000;
	s18 =	simm.s32 $0x5000;
	s19 =	simm.s32 $0x1  }
0x5: {  	s20 =	simm.s32 $0x3;
	s21 =	simm.s32 $0x2;
	s22 =	simm.s32 $0x4  }
0x6: {  	[smem:$0x7FF] =	sst s3;
	s6 =	sand.u32 $0x1, s4;
	s7 =	smul.u32 $0x13C00, s0  }
0x7: {  	s4 =	sadd.s32 $0x35000, s5;
	s10 =	sadd.s32 $0x84000, s5;
	s13 =	smul.u32 $0x4F000, s0  }
0x8: {  	s12 =	sadd.s32 $0x3800, s5;
	s15 =	smul.u32 $0xA, s0;
	s31 =	sshll.u32 s0, $0x6  }
0x9: {  	_ =	strace $0x8000004D;
	s8 =	sshll.u32 s6, $0x4;
	s9 =	smul.u32 $0x13C000, s6  }
0xa: {  	s23 =	ssub.s32 $0x2, s6;
	s14 =	smul.u32 $0xA0, s6;
	s8 =	sor.u32 s0, s8  }
0xb: {  	s11 =	sshrl.u32 s7, $0x3;
	s25 =	sshrl.u32 s23, $0x1;
	s26 =	sshrl.u32 s13, $0x2  }
0xc: {  	s13 =	simm.s32 $0x800;
	s8 =	smul.u32 $0x500, s8;
	s11 =	sadd.s32 s11, s5  }
0xd: {  	s7 =	sadd.s32 s7, s9;
	s9 =	ssub.s32 s23, s25;
	s28 =	sadd.s32 s15, s14  }
0xe: {  	s29 =	sadd.s32 s26, s1;
	s14 =	sor.u32 $0x1C07, s31;
	s23 =	simm.s32 $0x5  }
0xf: {  	s25 =	simm.s32 $0x0;
	s24 =	sshrl.u32 s7, $0x3;
	s7 =	sadd.s32 $0xD800, s11  }
.Ltmp0:
0x10: {  	s30 =	sshll.u32 s28, $0x7;
	s9 =	smax.u32 s9, $0x1;
	(pc) =	sbr.rel .LBB2_1-.Ltmp0, $4  }
0x11: {  	s15 =	sshrl.u32 s29, $0x3;
	s16 =	sadd.s32 s24, s5;
	s5 =	sadd.s32 s10, s8  }
0x12: {  	s6 =	sadd.s32 s12, s8;
	s10 =	sadd.s32 s30, s10;
	s11 =	sadd.s32 s30, s12  }
0x13: {  	s12 =	simm.s32 $0x7;
	s24 =	simm.s32 $0x6;
	s8 =	sadd.s32 $0x8E000, s16  }
0x14: {  	s10 =	sadd.s32 $0x80, s10;
	s11 =	sadd.s32 $0x80, s11;
	s16 =	simm.s32 $0x80  }
.LBB2_3:
0x15: {  	_ =	swait.ge [sflag:s21], $0x4000  }
0x16: {  	[sflag:s21] =	ssyncset.done $0x0  }
0x17: {  	s0 =	sor.u32 $0x800, s31;
	[sflag:s21] =	ssyncadd.s32 $0xFFFFC000  }
0x18: {  	[spmem:s1] =	stream.indirect.scatter.add.f32 [tilespmem:s18], [sflag:$0x4], $0x80, s0, s16, $0xb8;
	[tilespmem:$0x1CC00] =	vst v63  }
.LBB2_5:
0x19: {  	_ =	swait.ge [sflag:s20], $0x4000  }
0x1a: {  	[sflag:s20] =	ssyncset.done $0x0  }
0x1b: {  	[sflag:s20] =	ssyncadd.s32 $0xFFFFC000  }
0x1c: {  	_ =	swait.ge [sflag:s22], $0x4000  }
0x1d: {  	s25 =	sadd.s32 $0x1, s25;
	[sflag:s22] =	ssyncset.done $0x0  }
0x1e: {  	p0 =	sne.s32 s25, s9;
	[sflag:s22] =	ssyncadd.s32 $0xFFFFC000  }
.Ltmp1:
0x1f: {  	[bflag:$0x0] =	sbarrier.arrive $0xFFFF;
	(pc) =	sbr.rel @!p0 .LBB2_6-.Ltmp1, $4  }
0x20: {  	[hbm:s8], [sflag:s14] =	dma.local [spmem:s15], $0x2780  }
0x21: {  	_ =	swait.ge [sflag:s12], $0x2780  }
0x22: {  	[sflag:s12] =	ssyncset.done $0x0  }
0x23: {  	[sflag:s12] =	ssyncadd.s32 $0xFFFFD880  }
.LBB2_1:
0x24: {  	[tilespmem:s3], [sflag:$0x7] =	stream.linear.gather [hbm4b:s5+s3], $0x400, $0x38;
	[tilespmem:$0x1CC00] =	vst v63  }
0x25: {  	_ =	swait.ge [sflag:s12], $0x400  }
0x26: {  	[sflag:s12] =	ssyncset.done $0x0  }
0x27: {  	[sflag:s12] =	ssyncadd.s32 $0xFFFFFC00  }
0x28: {  	[tilespmem:s13], [sflag:$0x7] =	stream.linear.gather [hbm4b:s6+s3], $0x400, $0x38;
	[tilespmem:$0x1CC00] =	vst v63  }
0x29: {  	_ =	swait.ge [sflag:s12], $0x400  }
0x2a: {  	[sflag:s12] =	ssyncset.done $0x0  }
0x2b: {  	[sflag:s12] =	ssyncadd.s32 $0xFFFFFC00  }
0x2c: {  	[spmem:s15], [sflag:s14] =	dma.local [hbm:s7], $0x2780  }
0x2d: {  	_ =	swait.ge [sflag:s12], $0x2780  }
0x2e: {  	[sflag:s12] =	ssyncset.done $0x0  }
0x2f: {  	[sflag:s12] =	ssyncadd.s32 $0xFFFFD880  }
0x30: {  	[bflag:$0x0] =	sbarrier.arrive $0xFFFF  }
0x31: {  	[tilespmem:s17], [sflag:$0x1] =	stream.indirect.gather [hbm4b:s4+s16], $0x80, s3, s16, $0xb8;
	[tilespmem:$0x1CC00] =	vst v63  }
0x32: {  	s26 =	simm.s32 $0x1;
	s28 =	simm.s32 $0x0;
	s29 =	simm.s32 $0x0  }
0x33: {  	[tilespmem:s18], [sflag:$0x2] =	stream.indirect.gather [hbm4b:s4+s16], $0x80, s16, s16, $0xb8;
	[tilespmem:$0x1CC00] =	vst v63  }
.LBB2_2:
0x34: {  	s30 =	sand.u32 $0x1, s26;
	p0 =	seq.s32 s28, $0x480  }
0x35: {  	s31 =	sshll.u32 @!p0 s30, $0xA;
	s0 =	sadd.s32 @!p0 s28, s10;
	s2 =	simm.s32 @!p0 $0x0  }
0x36: {  	[tilespmem:s31], [sflag:$0x5] =	stream.linear.gather @!p0 [hbm4b:s0+s2], $0x400, $0x38;
	[tilespmem:$0x1CC00] =	vst v63  }
0x37: {  	s0 =	sor.u32 @!p0 $0x800, s31;
	s31 =	sadd.s32 @!p0 s28, s11  }
0x38: {  	[tilespmem:s0], [sflag:$0x6] =	stream.linear.gather @!p0 [hbm4b:s31+s2], $0x400, $0x38;
	[tilespmem:$0x1CC00] =	vst v63  }
0x39: {  	_ =	swait.ge [sflag:s19], $0x4000  }
0x3a: {  	s0 =	sand.u32 $0x400, s29;
	[sflag:s19] =	ssyncset.done $0x0  }
0x3b: {  	s2 =	sor.u32 $0x800, s0;
	[sflag:s19] =	ssyncadd.s32 $0xFFFFC000  }
0x3c: {  	[spmem:s1] =	stream.indirect.scatter.add.f32 [tilespmem:s17], [sflag:$0x3], $0x80, s2, s16, $0xb8;
	[tilespmem:$0x1CC00] =	vst v63  }
0x3d: {  	_ =	swait.ge [sflag:s20], $0x4000  }
0x3e: {  	[sflag:s20] =	ssyncset.done $0x0  }
0x3f: {  	s2 =	sor.u32 $0x100, s0;
	[sflag:s20] =	ssyncadd.s32 $0xFFFFC000  }
0x40: {  	[tilespmem:s17], [sflag:$0x1] =	stream.indirect.gather [hbm4b:s4+s16], $0x80, s2, s16, $0xb8;
	[tilespmem:$0x1CC00] =	vst v63  }
0x41: {  	_ =	swait.ge [sflag:s21], $0x4000  }
0x42: {  	[sflag:s21] =	ssyncset.done $0x0  }
0x43: {  	s2 =	sor.u32 $0x880, s0;
	[sflag:s21] =	ssyncadd.s32 $0xFFFFC000  }
0x44: {  	[spmem:s1] =	stream.indirect.scatter.add.f32 [tilespmem:s18], [sflag:$0x4], $0x80, s2, s16, $0xb8;
	[tilespmem:$0x1CC00] =	vst v63  }
0x45: {  	_ =	swait.ge [sflag:s22], $0x4000  }
0x46: {  	[sflag:s22] =	ssyncset.done $0x0  }
0x47: {  	s2 =	sor.u32 $0x180, s0;
	[sflag:s22] =	ssyncadd.s32 $0xFFFFC000  }
0x48: {  	[tilespmem:s18], [sflag:$0x2] =	stream.indirect.gather [hbm4b:s4+s16], $0x80, s2, s16, $0xb8;
	[tilespmem:$0x1CC00] =	vst v63  }
0x49: {  	_ =	swait.ge [sflag:s19], $0x4000  }
0x4a: {  	[sflag:s19] =	ssyncset.done $0x0  }
0x4b: {  	s2 =	sor.u32 $0x900, s0;
	[sflag:s19] =	ssyncadd.s32 $0xFFFFC000  }
0x4c: {  	[spmem:s1] =	stream.indirect.scatter.add.f32 [tilespmem:s17], [sflag:$0x3], $0x80, s2, s16, $0xb8;
	[tilespmem:$0x1CC00] =	vst v63  }
0x4d: {  	_ =	swait.ge [sflag:s20], $0x4000  }
0x4e: {  	[sflag:s20] =	ssyncset.done $0x0  }
0x4f: {  	s2 =	sor.u32 $0x200, s0;
	[sflag:s20] =	ssyncadd.s32 $0xFFFFC000  }
0x50: {  	[tilespmem:s17], [sflag:$0x1] =	stream.indirect.gather [hbm4b:s4+s16], $0x80, s2, s16, $0xb8;
	[tilespmem:$0x1CC00] =	vst v63  }
0x51: {  	_ =	swait.ge [sflag:s21], $0x4000  }
0x52: {  	[sflag:s21] =	ssyncset.done $0x0  }
0x53: {  	s2 =	sor.u32 $0x980, s0;
	[sflag:s21] =	ssyncadd.s32 $0xFFFFC000  }
0x54: {  	[spmem:s1] =	stream.indirect.scatter.add.f32 [tilespmem:s18], [sflag:$0x4], $0x80, s2, s16, $0xb8;
	[tilespmem:$0x1CC00] =	vst v63  }
0x55: {  	_ =	swait.ge [sflag:s22], $0x4000  }
0x56: {  	[sflag:s22] =	ssyncset.done $0x0  }
0x57: {  	s2 =	sor.u32 $0x280, s0;
	[sflag:s22] =	ssyncadd.s32 $0xFFFFC000  }
0x58: {  	[tilespmem:s18], [sflag:$0x2] =	stream.indirect.gather [hbm4b:s4+s16], $0x80, s2, s16, $0xb8;
	[tilespmem:$0x1CC00] =	vst v63  }
0x59: {  	_ =	swait.ge [sflag:s19], $0x4000  }
0x5a: {  	[sflag:s19] =	ssyncset.done $0x0  }
0x5b: {  	s2 =	sor.u32 $0xA00, s0;
	[sflag:s19] =	ssyncadd.s32 $0xFFFFC000  }
0x5c: {  	[spmem:s1] =	stream.indirect.scatter.add.f32 [tilespmem:s17], [sflag:$0x3], $0x80, s2, s16, $0xb8;
	[tilespmem:$0x1CC00] =	vst v63  }
0x5d: {  	_ =	swait.ge [sflag:s20], $0x4000  }
0x5e: {  	[sflag:s20] =	ssyncset.done $0x0  }
0x5f: {  	s2 =	sor.u32 $0x300, s0;
	[sflag:s20] =	ssyncadd.s32 $0xFFFFC000  }
0x60: {  	[tilespmem:s17], [sflag:$0x1] =	stream.indirect.gather [hbm4b:s4+s16], $0x80, s2, s16, $0xb8;
	[tilespmem:$0x1CC00] =	vst v63  }
0x61: {  	_ =	swait.ge [sflag:s21], $0x4000  }
0x62: {  	[sflag:s21] =	ssyncset.done $0x0  }
0x63: {  	s2 =	sor.u32 $0xA80, s0;
	[sflag:s21] =	ssyncadd.s32 $0xFFFFC000  }
0x64: {  	[spmem:s1] =	stream.indirect.scatter.add.f32 [tilespmem:s18], [sflag:$0x4], $0x80, s2, s16, $0xb8;
	[tilespmem:$0x1CC00] =	vst v63  }
0x65: {  	_ =	swait.ge [sflag:s22], $0x4000  }
0x66: {  	[sflag:s22] =	ssyncset.done $0x0  }
0x67: {  	p0 =	sne.s32 s28, $0x480;
	s31 =	sor.u32 $0x380, s0;
	[sflag:s22] =	ssyncadd.s32 $0xFFFFC000  }
0x68: {  	[tilespmem:s18], [sflag:$0x2] =	stream.indirect.gather [hbm4b:s4+s16], $0x80, s31, s16, $0xb8;
	[tilespmem:$0x1CC00] =	vst v63  }
.Ltmp2:
0x69: {  	_ = 	snop;
	(pc) =	sbr.rel @!p0 .LBB2_3-.Ltmp2, $4  }
0x6a: {  	_ =	swait.ge [sflag:s19], $0x4000  }
0x6b: {  	[sflag:s19] =	ssyncset.done $0x0  }
0x6c: {  	s0 =	sor.u32 $0xB00, s0;
	[sflag:s19] =	ssyncadd.s32 $0xFFFFC000  }
0x6d: {  	[spmem:s1] =	stream.indirect.scatter.add.f32 [tilespmem:s17], [sflag:$0x3], $0x80, s0, s16, $0xb8;
	[tilespmem:$0x1CC00] =	vst v63  }
0x6e: {  	_ =	swait.ge [sflag:s23], $0x400  }
0x6f: {  	[sflag:s23] =	ssyncset.done $0x0  }
0x70: {  	[sflag:s23] =	ssyncadd.s32 $0xFFFFFC00  }
0x71: {  	_ =	swait.ge [sflag:s24], $0x400  }
0x72: {  	[sflag:s24] =	ssyncset.done $0x0  }
0x73: {  	[sflag:s24] =	ssyncadd.s32 $0xFFFFFC00  }
0x74: {  	_ =	swait.ge [sflag:s20], $0x4000  }
0x75: {  	[sflag:s20] =	ssyncset.done $0x0  }
0x76: {  	s0 =	sshll.u32 s30, $0xA;
	[sflag:s20] =	ssyncadd.s32 $0xFFFFC000  }
0x77: {  	[tilespmem:s17], [sflag:$0x1] =	stream.indirect.gather [hbm4b:s4+s16], $0x80, s0, s16, $0xb8;
	[tilespmem:$0x1CC00] =	vst v63  }
0x78: {  	_ =	swait.ge [sflag:s21], $0x4000  }
0x79: {  	s28 =	sadd.s32 $0x80, s28;
	[sflag:s21] =	ssyncset.done $0x0  }
0x7a: {  	s2 =	sor.u32 $0x800, s31;
	p0 =	sne.s32 s28, $0x500;
	[sflag:s21] =	ssyncadd.s32 $0xFFFFC000  }
0x7b: {  	[spmem:s1] =	stream.indirect.scatter.add.f32 [tilespmem:s18], [sflag:$0x4], $0x80, s2, s16, $0xb8;
	[tilespmem:$0x1CC00] =	vst v63  }
.Ltmp3:
0x7c: {  	_ = 	snop;
	(pc) =	sbr.rel @p0 .LBB2_2-.Ltmp3, $4  }
.Ltmp4:
0x7d: {  	_ =	swait.ge [sflag:s22], $0x4000;
	(pc) =	sbr.rel @!p0 .LBB2_5-.Ltmp4, $4  }
0x7e: {  	s29 =	sadd.s32 $0x400, s29;
	[sflag:s22] =	ssyncset.done $0x0  }
0x7f: {  	s26 =	sadd.s32 $0x1, s26;
	s0 =	sor.u32 $0x80, s0;
	[sflag:s22] =	ssyncadd.s32 $0xFFFFC000  }
0x80: {  	[tilespmem:s18], [sflag:$0x2] =	stream.indirect.gather [hbm4b:s4+s16], $0x80, s0, s16, $0xb8;
	[tilespmem:$0x1CC00] =	vst v63  }
0x81: {  	_ = 	snop  }
.LBB2_6:
0x82: {  	_ =	sfence.sel $0x180000  }
0x83: {  	[bflag:$0x0] =	sbarrier.arrive $0xFFFF  }
0x84: {  	_ =	strace $0x9000004D  }
0x85: {  	s0 =	stileid.u32;
	[bflag:$0x2] =	sbarrier.arrive $0xFFFF  }
0x86: {  	p0 =	sne.s32 s0, $0x0;
	s0 =	rddreg [dreg:$0x2]  }
0x87: {  	s0 =	sadd.s32 @!p0 $0x100000, s0  }
0x88: {  	[sflag:s0] =	ssyncadd.tile.s32 @!p0 $0x1;
	_ =	shalt  }
.Lfunc_end2:
_tile_overlayer_lowered:
.L_overlay_start_2:
0x89: {  	(tag) =	ssettag $0x2  }
0x8a: {  	s0 =	rddreg [dreg:$0x0];
	s2 =	stileid.u32  }
0x8b: {  	s1 =	rddreg [dreg:$0x1];
	p0 =	sne.s32 s2, $0x0  }
0x8c: {  	s3 =	rddreg [dreg:$0x2];
	[bflag:$0x3] =	sbarrier.arrive $0xFFFF;
	s2 =	simm.s32 @!p0 $0x1C07  }
0x8d: {  	[timem:s3], [sflag:s2] =	dma.local @!p0 [hbm:s0], s1  }
0x8e: {  	s0 =	simm.s32 @!p0 $0x7  }
0x8f: {  	_ =	swait.ge @!p0 [sflag:s0], s1  }
0x90: {  	s1 =	ssub.s32 @!p0 $0x0, s1;
	[sflag:s0] =	ssyncset.done @!p0 $0x0  }
0x91: {  	[sflag:s0] =	ssyncadd.s32 @!p0 s1  }
0x92: {  	[bflag:$0x3] =	sbarrier.arrive $0xFFFF  }
0x93: {  	_ =	shalt  }

// kernel: kernel.19.cloned.1.call-start
scs
__scs_entry_jumppad:
0x0: {  	(pc) =	sbr.rel $0x88, $3  }
0x1: {  	(tag) =	ssettag $0x0;
	lr =	simm.s32 $0x1  }
0x2: {  	[smem:$0x3F97] =	sst lr;
	_ =	strace $0xD0000000  }
0x3: {  	_ = 	snop  }
0x4: {  	_ = 	snop  }
0x5: {  	_ = 	snop  }
0x6: {  	_ = 	snop  }
0x7: {  	_ = 	snop  }
__scs_overlays_trampoline_lowered:
0x8: {  	[smem:$0x3FA6] =	sst s0  }
0x9: {  	[smem:$0x3FA7] =	sst s1  }
0xa: {  	[smem:$0x3FA8] =	sst s2  }
0xb: {  	[smem:$0x3FA9] =	sst s3  }
0xc: {  	[smem:$0x3FAA] =	sst s4  }
0xd: {  	[smem:$0x3FAB] =	sst s5  }
0xe: {  	[smem:$0x3FAC] =	sst s6  }
0xf: {  	[smem:$0x3FAD] =	sst s7  }
0x10: {  	[smem:$0x3FAE] =	sst s8  }
0x11: {  	[smem:$0x3FAF] =	sst s9;
	s0 =	simm.s32 @!p0 $0x0  }
0x12: {  	s1 =	sld [smem:$0x3F95];
	s0 =	simm.s32 @p0 $0x1  }
0x13: {  	[smem:$0x3FB0] =	sst s0;
	s0 =	simm.s32 @!p1 $0x0  }
0x14: {  	s2 =	sld [smem:$0x3F94];
	s0 =	simm.s32 @p1 $0x1  }
0x15: {  	[smem:$0x3FB1] =	sst s0;
	s0 =	simm.s32 @!p2 $0x0  }
0x16: {  	s3 =	sld [smem:$0x3FDB];
	s0 =	simm.s32 @p2 $0x1  }
0x17: {  	s4 =	simm.s32 $0x1BF5;
	[smem:$0x3FB3] =	sst s0  }
0x18: {  	s0 =	sld [smem:$0x3F96];
	_ =	swait.ge [sflag:s4], $0x0  }
0x19: {  	s7 =	sld [smem:$0x3F97]  }
0x1a: {  	s8 =	sadd.s32 $0xFFFFE003, lr  }
0x1b: {  	s9 =	sadd.s32 $0xFFFFFEF7, lr;
	s5 =	simm.s32 $0xFFFFFFFF;
	p2 =	slt.u32 s8, $0xFFFFF086  }
0x1c: {  	p1 =	slt.u32 s9, $0xF7A;
	s5 =	simm.s32 @!p2 $0x0  }
0x1d: {  	s5 =	simm.s32 @p1 $0x1;
	p0 =	seq.s32 s7, s2  }
0x1e: {  	s7 =	smul.u32 @!p0 $0xF7A, s2;
	p2 =	seq.s32 @!p0 s5, $0x0  }
0x1f: {  	s9 =	smul.u32 $0xF7A, s1;
	s8 =	simm.s32 @!p0 $0x1BF5;
	p2 =	por !p2, p0  }
0x20: {  	[sflag:s8] =	ssyncset.s32 @!p0 $0xFFFFF086;
	s6 =	sadd.s32 @!p0 s3, s7;
	s7 =	simm.s32 @!p0 $0x108  }
0x21: {  	s3 =	sadd.s32 s3, s9;
	s6 =	sadd.s32 @!p0 $0x88, s6;
	s7 =	simm.s32 @p2 $0x1082  }
0x22: {  	[simem:s7], [sflag:s8] =	dma.local @!p0 [hbm:s6], $0xF7A  }
0x23: {  	s9 =	sor.u32 $0xD0000000, s2;
	s6 =	simm.s32 $0x108;
	_ =	swait.ge @!p0 [sflag:s8], $0x0  }
0x24: {  	s3 =	sadd.s32 $0x88, s3;
	s6 =	simm.s32 @!p1 $0x1082;
	[sflag:s4] =	ssyncset.s32 $0xFFFFF086  }
0x25: {  	[simem:s6], [sflag:s4] =	dma.local [hbm:s3], $0xF7A  }
0x26: {  	[smem:$0x3F97] =	sst s1;
	(tag) =	ssettag s2;
	_ =	strace s9  }
0x27: {  	s1 =	sld [smem:$0x3FA7]  }
0x28: {  	s2 =	sld [smem:$0x3FA8]  }
0x29: {  	s4 =	sld [smem:$0x3FAA]  }
0x2a: {  	p0 =	seq.s32 s5, $0x0;
	s5 =	sld [smem:$0x3FAB]  }
0x2b: {  	s6 =	sld [smem:$0x3FAC]  }
0x2c: {  	s7 =	sld [smem:$0x3FAD]  }
0x2d: {  	s3 =	simm.s32 $0x108;
	s8 =	sld [smem:$0x3FAE]  }
0x2e: {  	s3 =	simm.s32 @!p0 $0x1082;
	s9 =	sld [smem:$0x3FAF]  }
0x2f: {  	lr =	sadd.s32 s0, s3;
	s0 =	sld [smem:$0x3FA6]  }
0x30: {  	s3 =	sld [smem:$0x3FA9]  }
0x31: {  	[smem:$0x3FB2] =	sst s10  }
0x32: {  	s10 =	sld [smem:$0x3FB0];
	_ =	sdelay $0x3  }
0x33: {  	p0 =	seq.s32 s10, $0x1;
	s10 =	sld [smem:$0x3FB2];
	_ =	sdelay $0x3  }
0x34: {  	[smem:$0x3FB2] =	sst s10  }
0x35: {  	s10 =	sld [smem:$0x3FB1];
	_ =	sdelay $0x3  }
0x36: {  	p1 =	seq.s32 s10, $0x1;
	s10 =	sld [smem:$0x3FB2];
	_ =	sdelay $0x3  }
0x37: {  	[smem:$0x3FB2] =	sst s10  }
0x38: {  	s10 =	sld [smem:$0x3FB3]  }
0x39: {  	_ = 	snop;
	(pc) =	sbr.ind lr, $3  }
0x3a: {  	_ = 	snop  }
0x3b: {  	_ = 	snop  }
0x3c: {  	p2 =	seq.s32 s10, $0x1;
	s10 =	sld [smem:$0x3FB2]  }
0x3d: {  	_ =	shalt  }
0x3e: {  	_ =	shalt  }
0x3f: {  	_ =	shalt  }
0x40: {  	_ =	shalt  }
0x41: {  	_ =	shalt  }
0x42: {  	_ =	shalt  }
0x43: {  	_ =	shalt  }
0x44: {  	_ =	shalt  }
0x45: {  	_ =	shalt  }
0x46: {  	_ =	shalt  }
0x47: {  	_ =	shalt  }
0x48: {  	_ =	shalt  }
0x49: {  	_ =	shalt  }
0x4a: {  	_ =	shalt  }
0x4b: {  	_ =	shalt  }
0x4c: {  	_ =	shalt  }
0x4d: {  	_ =	shalt  }
0x4e: {  	_ =	shalt  }
0x4f: {  	_ =	shalt  }
0x50: {  	_ =	shalt  }
0x51: {  	_ =	shalt  }
0x52: {  	_ =	shalt  }
0x53: {  	_ =	shalt  }
0x54: {  	_ =	shalt  }
0x55: {  	_ =	shalt  }
0x56: {  	_ =	shalt  }
0x57: {  	_ =	shalt  }
0x58: {  	_ =	shalt  }
0x59: {  	_ =	shalt  }
0x5a: {  	_ =	shalt  }
0x5b: {  	_ =	shalt  }
0x5c: {  	_ =	shalt  }
0x5d: {  	_ =	shalt  }
0x5e: {  	_ =	shalt  }
0x5f: {  	_ =	shalt  }
0x60: {  	_ =	shalt  }
0x61: {  	_ =	shalt  }
0x62: {  	_ =	shalt  }
0x63: {  	_ =	shalt  }
0x64: {  	_ =	shalt  }
0x65: {  	_ =	shalt  }
0x66: {  	_ =	shalt  }
0x67: {  	_ =	shalt  }
0x68: {  	_ =	shalt  }
0x69: {  	_ =	shalt  }
0x6a: {  	_ =	shalt  }
0x6b: {  	_ =	shalt  }
0x6c: {  	_ =	shalt  }
0x6d: {  	_ =	shalt  }
0x6e: {  	_ =	shalt  }
0x6f: {  	_ =	shalt  }
0x70: {  	_ =	shalt  }
0x71: {  	_ =	shalt  }
0x72: {  	_ =	shalt  }
0x73: {  	_ =	shalt  }
0x74: {  	_ =	shalt  }
0x75: {  	_ =	shalt  }
0x76: {  	_ =	shalt  }
0x77: {  	_ =	shalt  }
0x78: {  	_ =	shalt  }
0x79: {  	_ =	shalt  }
0x7a: {  	_ =	shalt  }
0x7b: {  	_ =	shalt  }
0x7c: {  	_ =	shalt  }
0x7d: {  	_ =	shalt  }
0x7e: {  	_ =	shalt  }
0x7f: {  	_ =	shalt  }
0x80: {  	_ =	shalt  }
0x81: {  	_ =	shalt  }
0x82: {  	_ =	shalt  }
0x83: {  	_ =	shalt  }
0x84: {  	_ =	shalt  }
0x85: {  	_ =	shalt  }
0x86: {  	_ =	shalt  }
0x87: {  	_ =	shalt  }
.Lfunc_end0:
.L_simem_size_0:
called_computation.3_lowered:
.L_overlay_start_0:
0x88: {  	s2 =	sld [smem:$0x3FD9]  }
0x89: {  	s3 =	sld [smem:$0x3FFE];
	_ =	sdelay $0x1  }
0x8a: {  	s1 =	srdreg.scid  }
0x8b: {  	s0 =	sand.u32 $0x1, s1  }
0x8c: {  	s16 =	sshll.u32 s0, $0xA;
	s2 =	sadd.s32 s3, s2  }
0x8d: {  	s2 =	sadd.s32 s2, s16  }
0x8e: {  	[smem:$0x3FBE] =	sst s2  }
0x8f: {  	_ = 	snop  }
0x90: {  	(tm) =	ssettm $0x1  }
0x91: {  	s17 =	sld [smem:$0x3FFB];
	_ =	sdelay $0x3  }
0x92: {  	_ =	strace s17  }
0x93: {  	s2 =	sld [smem:$0x3FFC];
	_ =	sdelay $0x3  }
0x94: {  	_ =	strace s2  }
0x95: {  	s2 =	sld [smem:$0x3FFD];
	_ =	sdelay $0x3  }
0x96: {  	_ =	strace s2  }
0x97: {  	_ =	strace $0x8FFFFFFF  }
0x98: {  	s18 =	sld [smem:$0x3FDB];
	_ =	sdelay $0x1  }
0x99: {  	s19 =	simm.s32 $_scs_section_size  }
0x9a: {  	s4 =	simm.s32 $_size__tile_overlayer_lowered;
	s5 =	simm.s32 $_tile_overlayer_lowered  }
0x9b: {  	s22 =	simm.s32 $0x1BFF;
	s21 =	sshll.u32 s5, $0x1;
	s2 =	sadd.s32 s19, s18  }
0x9c: {  	s6 =	simm.s32 $0x0;
	s20 =	sshll.u32 s4, $0x1;
	s4 =	sadd.s32 s21, s2  }
0x9d: {  	[timem:s6], [sflag:s22] =	dma.local [hbm:s4], s20  }
0x9e: {  	_ =	swait.ge [sflag:s22], s20  }
0x9f: {  	s3 =	ssub.s32 $0x0, s20;
	[sflag:s22] =	ssyncset.done $0x0  }
0xa0: {  	[sflag:s22] =	ssyncadd.s32 s3;
	_ =	sdelay $0x1  }
0xa1: {  	s23 =	simm.s32 $0x1B8B  }
0xa2: {  	_ =	swait.ge [sflag:s23], $0x1  }
0xa3: {  	[sflag:s23] =	ssyncset.done $0x0  }
0xa4: {  	s25 =	simm.s32 $0x1B8E;
	s24 =	sld [smem:$0x3FFE];
	[sflag:s23] =	ssyncadd.s32 $0xFFFFFFFF  }
0xa5: {  	s26 =	simm.s32 $execute0_lowered;
	[smem:$0x3FD2] =	sst s25  }
0xa6: {  	s4 =	sshll.u32 s26, $0x1;
	_ =	strace $0x8000004F;
	[dreg:$0x1] =	wrdreg $0xFFFFFFFF  }
0xa7: {  	s28 =	simm.s32 $_size_execute0_lowered;
	s2 =	sadd.s32 s2, s4;
	[dreg:$0x0] =	wrdreg $0x0  }
0xa8: {  	s4 =	sshll.u32 s28, $0x1;
	[dreg:$0x2] =	wrdreg s2  }
0xa9: {  	[dreg:$0x3] =	wrdreg s4  }
0xaa: {  	[dreg:$0x4] =	wrdreg $0xC0  }
0xab: {  	_ =	task [dreg:s6], $0x5FFFF  }
0xac: {  	[dreg:$0x1] =	wrdreg $0xFFFFFFFF  }
0xad: {  	[dreg:$0x0] =	wrdreg $0x60  }
0xae: {  	[dreg:$0x2] =	wrdreg s24  }
0xaf: {  	[dreg:$0x3] =	wrdreg $0x90000  }
0xb0: {  	[dreg:$0x4] =	wrdreg $0x9  }
0xb1: {  	_ =	task.clear_ibuf [dreg:s6], $0x5FFFF;
	_ =	strace $0x9000004F  }
0xb2: {  	s29 =	simm.s32 $0x9;
	_ =	strace $0x80000051  }
0xb3: {  	_ =	swait.ge [sflag:s29], $0x1  }
0xb4: {  	[sflag:s29] =	ssyncadd.s32 $0xFFFFFFFF  }
0xb5: {  	_ =	strace $0x90000051  }
0xb6: {  	_ =	sfence  }
0xb7: {  	s30 =	sld [smem:$0x0];
	_ =	sdelay $0x2  }
0xb8: {  	s31 =	sshll.u32 s1, $0xD;
	s1 =	sshrl.u32 s1, $0x2  }
0xb9: {  	s3 =	sand.u32 $0x4000, s31;
	s1 =	sadd.s32 s1, s30  }
0xba: {  	s0 =	sor.u32 s3, s0;
	s1 =	sshll.u32 s1, $0x11  }
0xbb: {  	s0 =	sor.u32 s1, s0  }
0xbc: {  	s0 =	sadd.s32 $0x8F2B, s0  }
0xbd: {  	[sflag:s0] =	ssyncadd.remote.s32 $0x1  }
0xbe: {  	_ =	sfence.sel $0xFFFF  }
0xbf: {  	[dreg:$0x0] =	wrdreg $0xFFFFFFFF;
	(pc) =	sbr.abs _section_cstart, $3  }
0xc0: {  	[dreg:$0x1] =	wrdreg $0xFFFFFFFF  }
0xc1: {  	_ =	task.clear_ibuf [dreg:s6], $0x2FFFF;
	_ =	strace $0x9FFFFFFF  }
0xc2: {  	(tm) =	ssettm $0x7FFFFFFF  }
0xc3: {  	_ =	shalt  }
tec
execute0_lowered:
.L_overlay_start_1:
0x0: {  	(tag) =	ssettag $0x1  }
0x1: {  	s5 =	rddreg [dreg:$0x0]  }
0x2: {  	s1 =	rddreg [dreg:$0x1]  }
0x3: {  	s3 =	simm.s32 $0x0;
	s4 =	srdreg.scid;
	s0 =	stileid.u32  }
0x4: {  	s17 =	simm.s32 $0x1000;
	s18 =	simm.s32 $0x5000;
	s19 =	simm.s32 $0x1  }
0x5: {  	s20 =	simm.s32 $0x3;
	s21 =	simm.s32 $0x2;
	s22 =	simm.s32 $0x4  }
0x6: {  	[smem:$0x7FF] =	sst s3;
	s6 =	sand.u32 $0x1, s4;
	s7 =	smul.u32 $0x13C00, s0  }
0x7: {  	s4 =	sadd.s32 $0x35000, s5;
	s10 =	sadd.s32 $0x84000, s5;
	s13 =	smul.u32 $0x4F000, s0  }
0x8: {  	s12 =	sadd.s32 $0x3800, s5;
	s15 =	smul.u32 $0xA, s0;
	s31 =	sshll.u32 s0, $0x6  }
0x9: {  	_ =	strace $0x80000050;
	s8 =	sshll.u32 s6, $0x4;
	s9 =	smul.u32 $0x13C000, s6  }
0xa: {  	s23 =	ssub.s32 $0x2, s6;
	s14 =	smul.u32 $0xA0, s6;
	s8 =	sor.u32 s0, s8  }
0xb: {  	s11 =	sshrl.u32 s7, $0x3;
	s25 =	sshrl.u32 s23, $0x1;
	s26 =	sshrl.u32 s13, $0x2  }
0xc: {  	s13 =	simm.s32 $0x800;
	s8 =	smul.u32 $0x500, s8;
	s11 =	sadd.s32 s11, s5  }
0xd: {  	s7 =	sadd.s32 s7, s9;
	s9 =	ssub.s32 s23, s25;
	s28 =	sadd.s32 s15, s14  }
0xe: {  	s29 =	sadd.s32 s26, s1;
	s14 =	sor.u32 $0x1C07, s31;
	s23 =	simm.s32 $0x5  }
0xf: {  	s25 =	simm.s32 $0x0;
	s24 =	sshrl.u32 s7, $0x3;
	s7 =	sadd.s32 $0xD800, s11  }
.Ltmp0:
0x10: {  	s30 =	sshll.u32 s28, $0x7;
	s9 =	smax.u32 s9, $0x1;
	(pc) =	sbr.rel .LBB2_1-.Ltmp0, $4  }
0x11: {  	s15 =	sshrl.u32 s29, $0x3;
	s16 =	sadd.s32 s24, s5;
	s5 =	sadd.s32 s10, s8  }
0x12: {  	s6 =	sadd.s32 s12, s8;
	s10 =	sadd.s32 s30, s10;
	s11 =	sadd.s32 s30, s12  }
0x13: {  	s12 =	simm.s32 $0x7;
	s24 =	simm.s32 $0x6;
	s8 =	sadd.s32 $0x8E000, s16  }
0x14: {  	s10 =	sadd.s32 $0x80, s10;
	s11 =	sadd.s32 $0x80, s11;
	s16 =	simm.s32 $0x80  }
.LBB2_3:
0x15: {  	_ =	swait.ge [sflag:s21], $0x4000  }
0x16: {  	[sflag:s21] =	ssyncset.done $0x0  }
0x17: {  	s0 =	sor.u32 $0x800, s31;
	[sflag:s21] =	ssyncadd.s32 $0xFFFFC000  }
0x18: {  	[spmem:s1] =	stream.indirect.scatter.add.f32 [tilespmem:s18], [sflag:$0x4], $0x80, s0, s16, $0xb8;
	[tilespmem:$0x1CC00] =	vst v63  }
.LBB2_5:
0x19: {  	_ =	swait.ge [sflag:s20], $0x4000  }
0x1a: {  	[sflag:s20] =	ssyncset.done $0x0  }
0x1b: {  	[sflag:s20] =	ssyncadd.s32 $0xFFFFC000  }
0x1c: {  	_ =	swait.ge [sflag:s22], $0x4000  }
0x1d: {  	s25 =	sadd.s32 $0x1, s25;
	[sflag:s22] =	ssyncset.done $0x0  }
0x1e: {  	p0 =	sne.s32 s25, s9;
	[sflag:s22] =	ssyncadd.s32 $0xFFFFC000  }
.Ltmp1:
0x1f: {  	[bflag:$0x0] =	sbarrier.arrive $0xFFFF;
	(pc) =	sbr.rel @!p0 .LBB2_6-.Ltmp1, $4  }
0x20: {  	[hbm:s8], [sflag:s14] =	dma.local [spmem:s15], $0x2780  }
0x21: {  	_ =	swait.ge [sflag:s12], $0x2780  }
0x22: {  	[sflag:s12] =	ssyncset.done $0x0  }
0x23: {  	[sflag:s12] =	ssyncadd.s32 $0xFFFFD880  }
.LBB2_1:
0x24: {  	[tilespmem:s3], [sflag:$0x7] =	stream.linear.gather [hbm4b:s5+s3], $0x400, $0x38;
	[tilespmem:$0x1CC00] =	vst v63  }
0x25: {  	_ =	swait.ge [sflag:s12], $0x400  }
0x26: {  	[sflag:s12] =	ssyncset.done $0x0  }
0x27: {  	[sflag:s12] =	ssyncadd.s32 $0xFFFFFC00  }
0x28: {  	[tilespmem:s13], [sflag:$0x7] =	stream.linear.gather [hbm4b:s6+s3], $0x400, $0x38;
	[tilespmem:$0x1CC00] =	vst v63  }
0x29: {  	_ =	swait.ge [sflag:s12], $0x400  }
0x2a: {  	[sflag:s12] =	ssyncset.done $0x0  }
0x2b: {  	[sflag:s12] =	ssyncadd.s32 $0xFFFFFC00  }
0x2c: {  	[spmem:s15], [sflag:s14] =	dma.local [hbm:s7], $0x2780  }
0x2d: {  	_ =	swait.ge [sflag:s12], $0x2780  }
0x2e: {  	[sflag:s12] =	ssyncset.done $0x0  }
0x2f: {  	[sflag:s12] =	ssyncadd.s32 $0xFFFFD880  }
0x30: {  	[bflag:$0x0] =	sbarrier.arrive $0xFFFF  }
0x31: {  	[tilespmem:s17], [sflag:$0x1] =	stream.indirect.gather [hbm4b:s4+s16], $0x80, s3, s16, $0xb8;
	[tilespmem:$0x1CC00] =	vst v63  }
0x32: {  	s26 =	simm.s32 $0x1;
	s28 =	simm.s32 $0x0;
	s29 =	simm.s32 $0x0  }
0x33: {  	[tilespmem:s18], [sflag:$0x2] =	stream.indirect.gather [hbm4b:s4+s16], $0x80, s16, s16, $0xb8;
	[tilespmem:$0x1CC00] =	vst v63  }
.LBB2_2:
0x34: {  	s30 =	sand.u32 $0x1, s26;
	p0 =	seq.s32 s28, $0x480  }
0x35: {  	s31 =	sshll.u32 @!p0 s30, $0xA;
	s0 =	sadd.s32 @!p0 s28, s10;
	s2 =	simm.s32 @!p0 $0x0  }
0x36: {  	[tilespmem:s31], [sflag:$0x5] =	stream.linear.gather @!p0 [hbm4b:s0+s2], $0x400, $0x38;
	[tilespmem:$0x1CC00] =	vst v63  }
0x37: {  	s0 =	sor.u32 @!p0 $0x800, s31;
	s31 =	sadd.s32 @!p0 s28, s11  }
0x38: {  	[tilespmem:s0], [sflag:$0x6] =	stream.linear.gather @!p0 [hbm4b:s31+s2], $0x400, $0x38;
	[tilespmem:$0x1CC00] =	vst v63  }
0x39: {  	_ =	swait.ge [sflag:s19], $0x4000  }
0x3a: {  	s0 =	sand.u32 $0x400, s29;
	[sflag:s19] =	ssyncset.done $0x0  }
0x3b: {  	s2 =	sor.u32 $0x800, s0;
	[sflag:s19] =	ssyncadd.s32 $0xFFFFC000  }
0x3c: {  	[spmem:s1] =	stream.indirect.scatter.add.f32 [tilespmem:s17], [sflag:$0x3], $0x80, s2, s16, $0xb8;
	[tilespmem:$0x1CC00] =	vst v63  }
0x3d: {  	_ =	swait.ge [sflag:s20], $0x4000  }
0x3e: {  	[sflag:s20] =	ssyncset.done $0x0  }
0x3f: {  	s2 =	sor.u32 $0x100, s0;
	[sflag:s20] =	ssyncadd.s32 $0xFFFFC000  }
0x40: {  	[tilespmem:s17], [sflag:$0x1] =	stream.indirect.gather [hbm4b:s4+s16], $0x80, s2, s16, $0xb8;
	[tilespmem:$0x1CC00] =	vst v63  }
0x41: {  	_ =	swait.ge [sflag:s21], $0x4000  }
0x42: {  	[sflag:s21] =	ssyncset.done $0x0  }
0x43: {  	s2 =	sor.u32 $0x880, s0;
	[sflag:s21] =	ssyncadd.s32 $0xFFFFC000  }
0x44: {  	[spmem:s1] =	stream.indirect.scatter.add.f32 [tilespmem:s18], [sflag:$0x4], $0x80, s2, s16, $0xb8;
	[tilespmem:$0x1CC00] =	vst v63  }
0x45: {  	_ =	swait.ge [sflag:s22], $0x4000  }
0x46: {  	[sflag:s22] =	ssyncset.done $0x0  }
0x47: {  	s2 =	sor.u32 $0x180, s0;
	[sflag:s22] =	ssyncadd.s32 $0xFFFFC000  }
0x48: {  	[tilespmem:s18], [sflag:$0x2] =	stream.indirect.gather [hbm4b:s4+s16], $0x80, s2, s16, $0xb8;
	[tilespmem:$0x1CC00] =	vst v63  }
0x49: {  	_ =	swait.ge [sflag:s19], $0x4000  }
0x4a: {  	[sflag:s19] =	ssyncset.done $0x0  }
0x4b: {  	s2 =	sor.u32 $0x900, s0;
	[sflag:s19] =	ssyncadd.s32 $0xFFFFC000  }
0x4c: {  	[spmem:s1] =	stream.indirect.scatter.add.f32 [tilespmem:s17], [sflag:$0x3], $0x80, s2, s16, $0xb8;
	[tilespmem:$0x1CC00] =	vst v63  }
0x4d: {  	_ =	swait.ge [sflag:s20], $0x4000  }
0x4e: {  	[sflag:s20] =	ssyncset.done $0x0  }
0x4f: {  	s2 =	sor.u32 $0x200, s0;
	[sflag:s20] =	ssyncadd.s32 $0xFFFFC000  }
0x50: {  	[tilespmem:s17], [sflag:$0x1] =	stream.indirect.gather [hbm4b:s4+s16], $0x80, s2, s16, $0xb8;
	[tilespmem:$0x1CC00] =	vst v63  }
0x51: {  	_ =	swait.ge [sflag:s21], $0x4000  }
0x52: {  	[sflag:s21] =	ssyncset.done $0x0  }
0x53: {  	s2 =	sor.u32 $0x980, s0;
	[sflag:s21] =	ssyncadd.s32 $0xFFFFC000  }
0x54: {  	[spmem:s1] =	stream.indirect.scatter.add.f32 [tilespmem:s18], [sflag:$0x4], $0x80, s2, s16, $0xb8;
	[tilespmem:$0x1CC00] =	vst v63  }
0x55: {  	_ =	swait.ge [sflag:s22], $0x4000  }
0x56: {  	[sflag:s22] =	ssyncset.done $0x0  }
0x57: {  	s2 =	sor.u32 $0x280, s0;
	[sflag:s22] =	ssyncadd.s32 $0xFFFFC000  }
0x58: {  	[tilespmem:s18], [sflag:$0x2] =	stream.indirect.gather [hbm4b:s4+s16], $0x80, s2, s16, $0xb8;
	[tilespmem:$0x1CC00] =	vst v63  }
0x59: {  	_ =	swait.ge [sflag:s19], $0x4000  }
0x5a: {  	[sflag:s19] =	ssyncset.done $0x0  }
0x5b: {  	s2 =	sor.u32 $0xA00, s0;
	[sflag:s19] =	ssyncadd.s32 $0xFFFFC000  }
0x5c: {  	[spmem:s1] =	stream.indirect.scatter.add.f32 [tilespmem:s17], [sflag:$0x3], $0x80, s2, s16, $0xb8;
	[tilespmem:$0x1CC00] =	vst v63  }
0x5d: {  	_ =	swait.ge [sflag:s20], $0x4000  }
0x5e: {  	[sflag:s20] =	ssyncset.done $0x0  }
0x5f: {  	s2 =	sor.u32 $0x300, s0;
	[sflag:s20] =	ssyncadd.s32 $0xFFFFC000  }
0x60: {  	[tilespmem:s17], [sflag:$0x1] =	stream.indirect.gather [hbm4b:s4+s16], $0x80, s2, s16, $0xb8;
	[tilespmem:$0x1CC00] =	vst v63  }
0x61: {  	_ =	swait.ge [sflag:s21], $0x4000  }
0x62: {  	[sflag:s21] =	ssyncset.done $0x0  }
0x63: {  	s2 =	sor.u32 $0xA80, s0;
	[sflag:s21] =	ssyncadd.s32 $0xFFFFC000  }
0x64: {  	[spmem:s1] =	stream.indirect.scatter.add.f32 [tilespmem:s18], [sflag:$0x4], $0x80, s2, s16, $0xb8;
	[tilespmem:$0x1CC00] =	vst v63  }
0x65: {  	_ =	swait.ge [sflag:s22], $0x4000  }
0x66: {  	[sflag:s22] =	ssyncset.done $0x0  }
0x67: {  	p0 =	sne.s32 s28, $0x480;
	s31 =	sor.u32 $0x380, s0;
	[sflag:s22] =	ssyncadd.s32 $0xFFFFC000  }
0x68: {  	[tilespmem:s18], [sflag:$0x2] =	stream.indirect.gather [hbm4b:s4+s16], $0x80, s31, s16, $0xb8;
	[tilespmem:$0x1CC00] =	vst v63  }
.Ltmp2:
0x69: {  	_ = 	snop;
	(pc) =	sbr.rel @!p0 .LBB2_3-.Ltmp2, $4  }
0x6a: {  	_ =	swait.ge [sflag:s19], $0x4000  }
0x6b: {  	[sflag:s19] =	ssyncset.done $0x0  }
0x6c: {  	s0 =	sor.u32 $0xB00, s0;
	[sflag:s19] =	ssyncadd.s32 $0xFFFFC000  }
0x6d: {  	[spmem:s1] =	stream.indirect.scatter.add.f32 [tilespmem:s17], [sflag:$0x3], $0x80, s0, s16, $0xb8;
	[tilespmem:$0x1CC00] =	vst v63  }
0x6e: {  	_ =	swait.ge [sflag:s23], $0x400  }
0x6f: {  	[sflag:s23] =	ssyncset.done $0x0  }
0x70: {  	[sflag:s23] =	ssyncadd.s32 $0xFFFFFC00  }
0x71: {  	_ =	swait.ge [sflag:s24], $0x400  }
0x72: {  	[sflag:s24] =	ssyncset.done $0x0  }
0x73: {  	[sflag:s24] =	ssyncadd.s32 $0xFFFFFC00  }
0x74: {  	_ =	swait.ge [sflag:s20], $0x4000  }
0x75: {  	[sflag:s20] =	ssyncset.done $0x0  }
0x76: {  	s0 =	sshll.u32 s30, $0xA;
	[sflag:s20] =	ssyncadd.s32 $0xFFFFC000  }
0x77: {  	[tilespmem:s17], [sflag:$0x1] =	stream.indirect.gather [hbm4b:s4+s16], $0x80, s0, s16, $0xb8;
	[tilespmem:$0x1CC00] =	vst v63  }
0x78: {  	_ =	swait.ge [sflag:s21], $0x4000  }
0x79: {  	s28 =	sadd.s32 $0x80, s28;
	[sflag:s21] =	ssyncset.done $0x0  }
0x7a: {  	s2 =	sor.u32 $0x800, s31;
	p0 =	sne.s32 s28, $0x500;
	[sflag:s21] =	ssyncadd.s32 $0xFFFFC000  }
0x7b: {  	[spmem:s1] =	stream.indirect.scatter.add.f32 [tilespmem:s18], [sflag:$0x4], $0x80, s2, s16, $0xb8;
	[tilespmem:$0x1CC00] =	vst v63  }
.Ltmp3:
0x7c: {  	_ = 	snop;
	(pc) =	sbr.rel @p0 .LBB2_2-.Ltmp3, $4  }
.Ltmp4:
0x7d: {  	_ =	swait.ge [sflag:s22], $0x4000;
	(pc) =	sbr.rel @!p0 .LBB2_5-.Ltmp4, $4  }
0x7e: {  	s29 =	sadd.s32 $0x400, s29;
	[sflag:s22] =	ssyncset.done $0x0  }
0x7f: {  	s26 =	sadd.s32 $0x1, s26;
	s0 =	sor.u32 $0x80, s0;
	[sflag:s22] =	ssyncadd.s32 $0xFFFFC000  }
0x80: {  	[tilespmem:s18], [sflag:$0x2] =	stream.indirect.gather [hbm4b:s4+s16], $0x80, s0, s16, $0xb8;
	[tilespmem:$0x1CC00] =	vst v63  }
0x81: {  	_ = 	snop  }
.LBB2_6:
0x82: {  	_ =	sfence.sel $0x180000  }
0x83: {  	[bflag:$0x0] =	sbarrier.arrive $0xFFFF  }
0x84: {  	_ =	strace $0x90000050  }
0x85: {  	s0 =	stileid.u32;
	[bflag:$0x2] =	sbarrier.arrive $0xFFFF  }
0x86: {  	p0 =	sne.s32 s0, $0x0;
	s0 =	rddreg [dreg:$0x2]  }
0x87: {  	s0 =	sadd.s32 @!p0 $0x100000, s0  }
0x88: {  	[sflag:s0] =	ssyncadd.tile.s32 @!p0 $0x1;
	_ =	shalt  }
.Lfunc_end2:
_tile_overlayer_lowered:
.L_overlay_start_2:
0x89: {  	(tag) =	ssettag $0x2  }
0x8a: {  	s0 =	rddreg [dreg:$0x0];
	s2 =	stileid.u32  }
0x8b: {  	s1 =	rddreg [dreg:$0x1];
	p0 =	sne.s32 s2, $0x0  }
0x8c: {  	s3 =	rddreg [dreg:$0x2];
	[bflag:$0x3] =	sbarrier.arrive $0xFFFF;
	s2 =	simm.s32 @!p0 $0x1C07  }
0x8d: {  	[timem:s3], [sflag:s2] =	dma.local @!p0 [hbm:s0], s1  }
0x8e: {  	s0 =	simm.s32 @!p0 $0x7  }
0x8f: {  	_ =	swait.ge @!p0 [sflag:s0], s1  }
0x90: {  	s1 =	ssub.s32 @!p0 $0x0, s1;
	[sflag:s0] =	ssyncset.done @!p0 $0x0  }
0x91: {  	[sflag:s0] =	ssyncadd.s32 @!p0 s1  }
0x92: {  	[bflag:$0x3] =	sbarrier.arrive $0xFFFF  }
0x93: {  	_ =	shalt  }

</sc_bundles>
